<compile_context>
chip_gen: v7x
topology: tpu7x:2x2x1
jax: 0.10.2.dev20260603
libtpu: 0.0.44.dev20260713+nightly
codegen_flags: <defaults>
</compile_context>

<pallas_src>
import functools

import jax
import jax.numpy as jnp
from jax import lax
from jax.experimental import pallas as pl
from jax.experimental.pallas import tpu as pltpu
from jax.experimental.pallas import tpu_sc as plsc

N = 4096
E = 131072
HID = 128
NH = 8
HD = 16

NC = 2
NS = 16
LANES = 16
NW = NC * NS
EPW = E // NW
CHUNK = 128
NCHUNK = EPW // CHUNK
RPT = N // NS
VPR = HID // LANES

F32 = jnp.float32


def _sc_mesh():
    return plsc.VectorSubcoreMesh(core_axis_name="c", subcore_axis_name="s")



def _prep_body(nf, wne, bne, wm1, wm2, h_out, hs_out, hd_out):
    h = jnp.dot(nf[...], wne[...], preferred_element_type=F32) + bne[...]
    h_out[...] = h
    hs_out[...] = jnp.dot(h, wm1[...], preferred_element_type=F32)
    hd_out[...] = jnp.dot(h, wm2[...], preferred_element_type=F32)


def _prep_call(nf, wne, bne, wm1, wm2):
    out = [jax.ShapeDtypeStruct((N, HID), F32)] * 3
    return pl.pallas_call(_prep_body, out_shape=out)(nf, wne, bne, wm1, wm2)


_EM_TILE = 4096


def _em_body(ef, wee, bee, wm3c, bmc, em0, em1, em2):
    wem = jnp.dot(wee[...], wm3c[...], preferred_element_type=F32)
    bem = jnp.dot(bee[...], wm3c[...], preferred_element_type=F32) + bmc[...]
    z = jnp.dot(ef[...], wem, preferred_element_type=F32) + bem
    em0[...] = z[:, :HID]
    em1[...] = z[:, HID:2 * HID]
    em2[...] = z[:, 2 * HID:]


def _em_call(ef, wee, bee, wm3c, bmc):
    grid = (E // _EM_TILE,)
    out = [jax.ShapeDtypeStruct((E, HID), F32)] * 3
    return pl.pallas_call(
        _em_body,
        grid=grid,
        in_specs=[
            pl.BlockSpec((_EM_TILE, 16), lambda i: (i, 0)),
            pl.BlockSpec((16, HID), lambda i: (0, 0)),
            pl.BlockSpec((1, HID), lambda i: (0, 0)),
            pl.BlockSpec((HID, 3 * HID), lambda i: (0, 0)),
            pl.BlockSpec((1, 3 * HID), lambda i: (0, 0)),
        ],
        out_specs=[pl.BlockSpec((_EM_TILE, HID), lambda i: (i, 0))] * 3,
        out_shape=out,
    )(ef, wee, bee, wm3c, bmc)


def _upd_first_body(h, accp, cntp, wu1, wu2, bu, wn1, wn2,
                    hn_out, hsn_out, hdn_out, rinv_out):
    cw = cntp[...]
    cnt = cw[0, :, 0:1] + cw[1, :, 0:1]
    rinv = 1.0 / (cnt + 1e-6)
    rinv_out[...] = rinv
    agg = (accp[0] + accp[1]) * rinv
    hn = jnp.maximum(
        jnp.dot(h[...], wu1[...], preferred_element_type=F32)
        + jnp.dot(agg, wu2[...], preferred_element_type=F32) + bu[...], 0.0)
    hn_out[...] = hn
    hsn_out[...] = jnp.dot(hn, wn1[...], preferred_element_type=F32)
    hdn_out[...] = jnp.dot(hn, wn2[...], preferred_element_type=F32)


def _upd_mid_body(h, accp, rinv, wu1, wu2, bu, wn1, wn2,
                  hn_out, hsn_out, hdn_out):
    agg = (accp[0] + accp[1]) * rinv[...]
    hn = jnp.maximum(
        jnp.dot(h[...], wu1[...], preferred_element_type=F32)
        + jnp.dot(agg, wu2[...], preferred_element_type=F32) + bu[...], 0.0)
    hn_out[...] = hn
    hsn_out[...] = jnp.dot(hn, wn1[...], preferred_element_type=F32)
    hdn_out[...] = jnp.dot(hn, wn2[...], preferred_element_type=F32)


def _upd_last_body(h, accp, rinv, wu1, wu2, bu, wqkv, bqkv, qkv_out):
    agg = (accp[0] + accp[1]) * rinv[...]
    hn = jnp.maximum(
        jnp.dot(h[...], wu1[...], preferred_element_type=F32)
        + jnp.dot(agg, wu2[...], preferred_element_type=F32) + bu[...], 0.0)
    qkv_out[...] = jnp.dot(hn, wqkv[...], preferred_element_type=F32) + bqkv[...]


_TQ = 256


def _attn_body(qkv_q, qkv_all, wo, bo, wh4, bh4, att_out, attw_out, heads_out):
    q = qkv_q[...]
    kv = qkv_all[...]
    accw = jnp.zeros((_TQ, N), F32)
    ctxs = []
    log2e = 1.4426950408889634
    for hh in range(NH):
        qh = (q[:, hh * HD:(hh + 1) * HD] * (0.25 * log2e)).astype(jnp.bfloat16)
        kh = kv[:, HID + hh * HD: HID + (hh + 1) * HD].astype(jnp.bfloat16)
        vh = kv[:, 2 * HID + hh * HD: 2 * HID + (hh + 1) * HD].astype(jnp.bfloat16)
        s = lax.dot_general(qh, kh, (((1,), (1,)), ((), ())),
                            preferred_element_type=F32)
        s = s - jnp.max(s, axis=1, keepdims=True)
        pexp = jnp.exp2(s)
        attn = pexp * (1.0 / jnp.sum(pexp, axis=1, keepdims=True))
        accw = accw + attn
        ctxs.append(jnp.dot(attn.astype(jnp.bfloat16), vh,
                            preferred_element_type=F32))
    ctx = jnp.concatenate(ctxs, axis=1)
    att = jnp.dot(ctx, wo[...], preferred_element_type=F32) + bo[...]
    att_out[...] = att
    attw_out[...] = accw * (1.0 / NH)
    z = jnp.dot(att, wh4[...], preferred_element_type=F32) + bh4[...]
    sig = 1.0 / (1.0 + jnp.exp(-z))
    heads_out[...] = jnp.concatenate([sig[:, :2], z[:, 2:]], axis=1)


def _attn_call(qkv, wo, bo, wh4, bh4):
    grid = (N // _TQ,)
    out = [
        jax.ShapeDtypeStruct((N, HID), F32),
        jax.ShapeDtypeStruct((N, N), F32),
        jax.ShapeDtypeStruct((N, 4), F32),
    ]
    return pl.pallas_call(
        _attn_body,
        grid=grid,
        in_specs=[
            pl.BlockSpec((_TQ, 3 * HID), lambda i: (i, 0)),
            pl.BlockSpec((N, 3 * HID), lambda i: (0, 0)),
            pl.BlockSpec((HID, HID), lambda i: (0, 0)),
            pl.BlockSpec((1, HID), lambda i: (0, 0)),
            pl.BlockSpec((HID, 4), lambda i: (0, 0)),
            pl.BlockSpec((1, 4), lambda i: (0, 0)),
        ],
        out_specs=[
            pl.BlockSpec((_TQ, HID), lambda i: (i, 0)),
            pl.BlockSpec((_TQ, N), lambda i: (i, 0)),
            pl.BlockSpec((_TQ, 4), lambda i: (i, 0)),
        ],
        out_shape=out,
    )(qkv, qkv, wo, bo, wh4, bh4)



_LCHUNK = 64
_LNCHUNK = EPW // _LCHUNK


def _make_sc_layer():
    out_type = jax.ShapeDtypeStruct((NC, N, HID), F32)
    scratch = (
        [pltpu.VMEM((_LNCHUNK, _LCHUNK), jnp.int32)] * 2 +
        [pltpu.VMEM((_LCHUNK, HID), F32)] * 8 +
        [pltpu.VMEM_SHARED((N, HID), F32)] +
        [pltpu.SemaphoreType.DMA] * 8
    )

    def body(rowm_h, colm_h, hs_h, hd_h, em_h, acc_out,
             riv, civ, srcv0, srcv1, dstv0, dstv1, emv0, emv1,
             mbuf0, mbuf1, accS,
             s10, s11, s20, s21, s30, s31, s40, s41):
        srcv = [srcv0, srcv1]
        dstv = [dstv0, dstv1]
        emv = [emv0, emv1]
        mbuf = [mbuf0, mbuf1]
        s1 = [s10, s11]
        s2 = [s20, s21]
        s3 = [s30, s31]
        s4 = [s40, s41]
        cid = lax.axis_index("c")
        sid = lax.axis_index("s")
        wid = cid * NS + sid
        base_r = sid * RPT

        zero = jnp.zeros((LANES,), F32)

        def zb(i, _):
            e = i // VPR
            j = lax.rem(i, VPR) * LANES
            srcv0[e, pl.ds(j, LANES)] = zero
            return 0
        lax.fori_loop(0, _LCHUNK * VPR, zb, 0)
        for q in range(RPT // _LCHUNK):
            pltpu.sync_copy(srcv0, accS.at[pl.ds(base_r + q * _LCHUNK, _LCHUNK)])

        pltpu.sync_copy(rowm_h.at[pl.ds(wid * _LNCHUNK, _LNCHUNK)], riv)
        pltpu.sync_copy(colm_h.at[pl.ds(wid * _LNCHUNK, _LNCHUNK)], civ)
        plsc.subcore_barrier()

        def issue(c, b):
            base = wid * EPW + c * _LCHUNK
            pltpu.async_copy(hs_h.at[riv.at[c]], srcv[b], s1[b])
            pltpu.async_copy(hd_h.at[civ.at[c]], dstv[b], s2[b])
            pltpu.async_copy(em_h.at[pl.ds(base, _LCHUNK)], emv[b], s3[b])

        def wait_gather(b):
            pltpu.make_async_copy(hs_h.at[riv.at[0]], srcv[b], s1[b]).wait()
            pltpu.make_async_copy(hd_h.at[civ.at[0]], dstv[b], s2[b]).wait()
            pltpu.make_async_copy(em_h.at[pl.ds(0, _LCHUNK)], emv[b], s3[b]).wait()

        def wait_scatter(b):
            pltpu.make_async_copy(mbuf[b], accS.at[civ.at[0]], s4[b]).wait()

        issue(0, 0)

        def outer(u, _):
            for b in range(2):
                c = 2 * u + b
                wait_gather(b)
                issue(lax.rem(c + 1, _LNCHUNK), 1 - b)

                @pl.when(u >= 1)
                def _():
                    wait_scatter(b)

                def eb(e, _):
                    for j in range(VPR):
                        sl = pl.ds(j * LANES, LANES)
                        x = srcv[b][e, sl] + dstv[b][e, sl] + emv[b][e, sl]
                        mbuf[b][e, sl] = jnp.maximum(x, 0.0)
                    return 0
                lax.fori_loop(0, _LCHUNK, eb, 0)
                pltpu.async_copy(mbuf[b], accS.at[civ.at[c]], s4[b], add=True)
            return 0
        lax.fori_loop(0, _LNCHUNK // 2, outer, 0)
        wait_gather(0)
        wait_scatter(0)
        wait_scatter(1)
        plsc.subcore_barrier()
        pltpu.sync_copy(accS.at[pl.ds(base_r, RPT)],
                        acc_out.at[cid, pl.ds(base_r, RPT)])

    return pl.kernel(body, out_type=out_type,
                     mesh=_sc_mesh(), scratch_types=scratch)


def _make_sc_cnt():
    out_type = jax.ShapeDtypeStruct((NC, N, HID), F32)
    scratch = [
        pltpu.VMEM((CHUNK,), jnp.int32),
        pltpu.VMEM((CHUNK, HID), F32),
        pltpu.VMEM((CHUNK, HID), F32),
        pltpu.VMEM_SHARED((N, HID), F32),
    ]

    def body(col_h, cnt_out, civ, zv, onesv, cntS):
        cid = lax.axis_index("c")
        sid = lax.axis_index("s")
        wid = cid * NS + sid
        base_r = sid * RPT

        zero = jnp.zeros((LANES,), F32)
        one = jnp.ones((LANES,), F32)

        def zb(i, _):
            e = i // VPR
            j = lax.rem(i, VPR) * LANES
            zv[e, pl.ds(j, LANES)] = zero
            onesv[e, pl.ds(j, LANES)] = one
            return 0
        lax.fori_loop(0, CHUNK * VPR, zb, 0)
        pltpu.sync_copy(zv, cntS.at[pl.ds(base_r, CHUNK)])
        pltpu.sync_copy(zv, cntS.at[pl.ds(base_r + CHUNK, CHUNK)])
        plsc.subcore_barrier()

        def chunk_body(t, _):
            base = wid * EPW + t * CHUNK
            pltpu.sync_copy(col_h.at[pl.ds(base, CHUNK)], civ)
            pltpu.sync_copy(onesv, cntS.at[civ], add=True)
            return 0
        lax.fori_loop(0, NCHUNK, chunk_body, 0)
        plsc.subcore_barrier()
        pltpu.sync_copy(cntS.at[pl.ds(base_r, RPT)],
                        cnt_out.at[cid, pl.ds(base_r, RPT)])

    return pl.kernel(body, out_type=out_type,
                     mesh=_sc_mesh(), scratch_types=scratch)


def _make_sc_atk():
    scratch = [
        pltpu.VMEM((N,), F32),
        pltpu.VMEM((N,), F32),
        pltpu.VMEM((EPW,), jnp.int32),
        pltpu.VMEM((EPW,), jnp.int32),
        pltpu.VMEM((EPW,), F32),
    ]

    def body(asrc_h, adst_h, row_h, col_h, out_h, av, bv, riv, civ, ov):
        cid = lax.axis_index("c")
        sid = lax.axis_index("s")
        wid = cid * NS + sid
        base = wid * EPW
        pltpu.sync_copy(asrc_h, av)
        pltpu.sync_copy(adst_h, bv)
        pltpu.sync_copy(row_h.at[pl.ds(base, EPW)], riv)
        pltpu.sync_copy(col_h.at[pl.ds(base, EPW)], civ)

        def eb(i, _):
            sl = pl.ds(i * LANES, LANES)
            a = plsc.load_gather(av, [riv[sl]])
            b = plsc.load_gather(bv, [civ[sl]])
            x = a + b
            ov[sl] = 1.0 / (1.0 + jnp.exp(-x))
            return 0
        lax.fori_loop(0, EPW // LANES, eb, 0)
        pltpu.sync_copy(ov, out_h.at[pl.ds(base, EPW)])

    return pl.kernel(body, out_type=jax.ShapeDtypeStruct((E,), F32),
                     mesh=_sc_mesh(), scratch_types=scratch,
                     compiler_params=pltpu.CompilerParams(
                         use_tc_tiling_on_sc=False,
                         needs_layout_passes=False))



def kernel(node_features, edge_features, edge_index, params):
    p = params
    layers = p['layers']
    row = edge_index[0]
    col = edge_index[1]

    wm1 = [lp['Wm'][:HID] for lp in layers]
    wm2 = [lp['Wm'][HID:2 * HID] for lp in layers]
    wm3c = jnp.concatenate([lp['Wm'][2 * HID:] for lp in layers], axis=1)
    bmc = jnp.concatenate([lp['bm'] for lp in layers])[None, :]
    wu1 = [lp['Wu'][:HID] for lp in layers]
    wu2 = [lp['Wu'][HID:] for lp in layers]
    bu = [lp['bu'][None, :] for lp in layers]
    wqkv = jnp.concatenate([p['Wq'], p['Wk'], p['Wv']], axis=1)
    bqkv = jnp.concatenate([p['bq'], p['bk'], p['bv']])[None, :]
    wh4 = jnp.concatenate(
        [p['Wvul'], p['Wdef'], p['Watk'][:HID], p['Watk'][HID:]], axis=1)
    bh4 = jnp.concatenate(
        [p['bvul'], p['bdef'], p['batk'], jnp.zeros((1,), F32)])[None, :]

    h, hs, hd = _prep_call(node_features, p['W_ne'], p['b_ne'][None, :],
                           wm1[0], wm2[0])
    ems = _em_call(edge_features, p['W_ee'], p['b_ee'][None, :], wm3c, bmc)

    sc_layer = _make_sc_layer()
    sc_cnt = _make_sc_cnt()

    upd_first = pl.pallas_call(_upd_first_body, out_shape=[
        jax.ShapeDtypeStruct((N, HID), F32),
        jax.ShapeDtypeStruct((N, HID), F32),
        jax.ShapeDtypeStruct((N, HID), F32),
        jax.ShapeDtypeStruct((N, 1), F32),
    ])
    upd_mid = pl.pallas_call(_upd_mid_body, out_shape=[
        jax.ShapeDtypeStruct((N, HID), F32),
        jax.ShapeDtypeStruct((N, HID), F32),
        jax.ShapeDtypeStruct((N, HID), F32),
    ])
    upd_last = pl.pallas_call(_upd_last_body, out_shape=[
        jax.ShapeDtypeStruct((N, 3 * HID), F32),
    ])

    rowm = row.reshape(E // _LCHUNK, _LCHUNK)
    colm = col.reshape(E // _LCHUNK, _LCHUNK)

    cntp = sc_cnt(col)
    accp = sc_layer(rowm, colm, hs, hd, ems[0])
    h, hs, hd, rinv = upd_first(h, accp, cntp, wu1[0], wu2[0], bu[0],
                                wm1[1], wm2[1])

    accp = sc_layer(rowm, colm, hs, hd, ems[1])
    h, hs, hd = upd_mid(h, accp, rinv, wu1[1], wu2[1], bu[1],
                        wm1[2], wm2[2])

    accp = sc_layer(rowm, colm, hs, hd, ems[2])
    qkv = upd_last(h, accp, rinv, wu1[2], wu2[2], bu[2], wqkv, bqkv)[0]

    attended, attn_w, heads = _attn_call(qkv, p['Wo'], p['bo'][None, :],
                                         wh4, bh4)
    vuln = heads[:, 0:1]
    defp = heads[:, 1:2]
    asrc = heads[:, 2]
    adst = heads[:, 3]

    atk = _make_sc_atk()(asrc, adst, row, col)[:, None]
    return (attended, vuln, defp, atk, attn_w)

# --- scband reference (transcript-rebuilt; emitter-appended) ---
"""Pipeline reference for scband-graph-neural-network-15564961481202 (READ-ONLY COPY).

The authoritative reference and input builder live on the scoring server;
editing this copy changes nothing except your own understanding.
"""

import jax, jax.numpy as jnp
import numpy as np

N = 4096
E_EDGES = 131072
D_NODE = 128
D_EDGE = 16
HID = 128
NHEADS = 8
HD = HID // NHEADS
NLAYERS = 3


def _lin(k, din, dout):
    return jax.random.normal(k, (din, dout), dtype=jnp.float32) * (1.0 / np.sqrt(din))


def setup_inputs(seed: int = 0) -> dict:
    key = jax.random.key(seed)
    ks = jax.random.split(key, 64)
    node_features = jax.random.normal(ks[0], (N, D_NODE), dtype=jnp.float32)
    edge_features = jax.random.normal(ks[1], (E_EDGES, D_EDGE), dtype=jnp.float32)
    edge_index = jax.random.randint(ks[2], (2, E_EDGES), 0, N, dtype=jnp.int32)
    layers = []
    for i in range(NLAYERS):
        layers.append({
            'Wm': _lin(ks[10 + 4 * i], HID * 2 + HID, HID),
            'bm': jnp.zeros((HID,), jnp.float32),
            'Wu': _lin(ks[11 + 4 * i], HID * 2, HID),
            'bu': jnp.zeros((HID,), jnp.float32),
        })
    params = {
        'W_ne': _lin(ks[3], D_NODE, HID), 'b_ne': jnp.zeros((HID,), jnp.float32),
        'W_ee': _lin(ks[4], D_EDGE, HID), 'b_ee': jnp.zeros((HID,), jnp.float32),
        'layers': layers,
        'Wq': _lin(ks[30], HID, HID), 'bq': jnp.zeros((HID,), jnp.float32),
        'Wk': _lin(ks[31], HID, HID), 'bk': jnp.zeros((HID,), jnp.float32),
        'Wv': _lin(ks[32], HID, HID), 'bv': jnp.zeros((HID,), jnp.float32),
        'Wo': _lin(ks[33], HID, HID), 'bo': jnp.zeros((HID,), jnp.float32),
        'Wvul': _lin(ks[40], HID, 1), 'bvul': jnp.zeros((1,), jnp.float32),
        'Watk': _lin(ks[41], HID * 2, 1), 'batk': jnp.zeros((1,), jnp.float32),
        'Wdef': _lin(ks[42], HID, 1), 'bdef': jnp.zeros((1,), jnp.float32),
    }
    return {'node_features': node_features, 'edge_features': edge_features,
            'edge_index': edge_index, 'params': params}


def reference(node_features, edge_features, edge_index, params):
    row = edge_index[0]
    col = edge_index[1]
    Nn = node_features.shape[0]
    h = node_features @ params['W_ne'] + params['b_ne']
    e = edge_features @ params['W_ee'] + params['b_ee']
    for lp in params['layers']:
        src = h[row]
        dst = h[col]
        m = jnp.concatenate([src, dst, e], axis=-1)
        m = jax.nn.relu(m @ lp['Wm'] + lp['bm'])
        agg = jnp.zeros_like(h).at[col].add(m)
        cnt = jnp.zeros((Nn, 1), dtype=h.dtype).at[col].add(jnp.ones((m.shape[0], 1), dtype=h.dtype))
        agg = agg / (cnt + 1e-06)
        h = jax.nn.relu(jnp.concatenate([h, agg], axis=-1) @ lp['Wu'] + lp['bu'])
    q = (h @ params['Wq'] + params['bq']).reshape(Nn, NHEADS, HD).transpose(1, 0, 2)
    k = (h @ params['Wk'] + params['bk']).reshape(Nn, NHEADS, HD).transpose(1, 0, 2)
    v = (h @ params['Wv'] + params['bv']).reshape(Nn, NHEADS, HD).transpose(1, 0, 2)
    scores = jnp.einsum('hqd,hkd->hqk', q, k) / jnp.sqrt(jnp.float32(HD))
    attn = jax.nn.softmax(scores, axis=-1)
    ctx = jnp.einsum('hqk,hkd->hqd', attn, v).transpose(1, 0, 2).reshape(Nn, HID)
    attended = ctx @ params['Wo'] + params['bo']
    attn_weights = jnp.mean(attn, axis=0)
    vuln = jax.nn.sigmoid(attended @ params['Wvul'] + params['bvul'])
    defp = jax.nn.sigmoid(attended @ params['Wdef'] + params['bdef'])
    srcA = attended[row]
    dstA = attended[col]
    atk = jax.nn.sigmoid(jnp.concatenate([srcA, dstA], axis=-1) @ params['Watk'] + params['batk'])
    return (attended, vuln, defp, atk, attn_weights)

if __name__ == "__main__":
    import jax
    _d = setup_inputs()
    print(jax.jit(kernel)(*tuple(_d.values())))

</pallas_src>

<mosaic_0001>
#map = affine_map<(d0, d1) -> (0)>
#map1 = affine_map<(d0, d1) -> (0, 0, 0)>
module attributes {stable_mosaic.version = 14 : i64} {
  func.func @body(%arg0: i32, %arg1: i32, %arg2: memref<131072xi32, #tpu.memory_space<hbm>>, %arg3: memref<2x4096x128xf32, #tpu.memory_space<hbm>>, %arg4: memref<128xi32, #tpu.memory_space<vmem>>, %arg5: memref<128x128xf32, #tpu.memory_space<vmem>>, %arg6: memref<128x128xf32, #tpu.memory_space<vmem>>, %arg7: memref<4096x128xf32, #tpu.memory_space<vmem_shared>>) attributes {dimension_semantics = [#tpu.dimension_semantics<core_parallel>, #tpu.dimension_semantics<subcore_parallel>], iteration_bounds = array<i64: 2, 16>, scalar_prefetch = 0 : i64, scratch_operands = 4 : i64, tpu.core_type = #tpu.core_type<sc_vector_subcore>, window_params = [{transform_indices = #map}, {transform_indices = #map1}]} {
    %mul3A = arith.constant 16 : i32
    %mul3A_0 = arith.muli %arg0, %mul3A : i32
    %add3A = arith.addi %mul3A_0, %arg1 : i32
    %mul3A_1 = arith.constant 256 : i32
    %mul3A_2 = arith.muli %arg1, %mul3A_1 : i32
    %broadcast_in_dim3A = arith.constant 0.000000e+00 : f32
    %broadcast_in_dim3A_3 = vector.broadcast %broadcast_in_dim3A : f32 to vector<16xf32>
    %broadcast_in_dim3A_4 = arith.constant 1.000000e+00 : f32
    %broadcast_in_dim3A_5 = vector.broadcast %broadcast_in_dim3A_4 : f32 to vector<16xf32>
    %scan3A = arith.constant 0 : i32
    %scan3A_6 = arith.constant 0 : i32
    %scan3A_7 = arith.constant 1024 : i32
    %scan3A_8 = arith.addi %scan3A_6, %scan3A_7 : i32
    %scan3A_9 = arith.constant 1 : i32
    %scan3A_10 = scf.for %scan3A_22 = %scan3A_6 to %scan3A_8 step %scan3A_9 iter_args(%scan3A_23 = %scan3A) -> (i32)  : i32 {
      %jit3A = arith.constant 8 : i32
      %div3A = arith.divsi %scan3A_22, %jit3A : i32
      %sign3A = arith.constant 0 : i32
      %sign3A_24 = arith.cmpi sgt, %scan3A_22, %sign3A : i32
      %sign3A_25 = arith.extui %sign3A_24 : i1 to i32
      %sign3A_26 = arith.constant 0 : i32
      %sign3A_27 = arith.cmpi slt, %scan3A_22, %sign3A_26 : i32
      %sign3A_28 = arith.extui %sign3A_27 : i1 to i32
      %sign3A_29 = arith.subi %sign3A_25, %sign3A_28 : i32
      %sign3A_30 = arith.constant 0 : i32
      %sign3A_31 = arith.cmpi sgt, %jit3A, %sign3A_30 : i32
      %sign3A_32 = arith.extui %sign3A_31 : i1 to i32
      %sign3A_33 = arith.constant 0 : i32
      %sign3A_34 = arith.cmpi slt, %jit3A, %sign3A_33 : i32
      %sign3A_35 = arith.extui %sign3A_34 : i1 to i32
      %sign3A_36 = arith.subi %sign3A_32, %sign3A_35 : i32
      %ne3A = arith.cmpi ne, %sign3A_29, %sign3A_36 : i32
      %rem3A = arith.remsi %scan3A_22, %jit3A : i32
      %ne3A_37 = arith.constant 0 : i32
      %ne3A_38 = arith.cmpi ne, %rem3A, %ne3A_37 : i32
      %and3A = arith.andi %ne3A, %ne3A_38 : i1
      %sub3A = arith.constant 1 : i32
      %sub3A_39 = arith.subi %div3A, %sub3A : i32
      %select_n3A = arith.select %and3A, %sub3A_39, %div3A : i32
      %rem3A_40 = arith.constant 8 : i32
      %rem3A_41 = arith.remsi %scan3A_22, %rem3A_40 : i32
      %mul3A_42 = arith.constant 16 : i32
      %mul3A_43 = arith.muli %rem3A_41, %mul3A_42 : i32
      %swap3A = arith.index_cast %select_n3A : i32 to index
      %swap3A_44 = arith.index_cast %mul3A_43 : i32 to index
      %swap3A_45 = tpu.vector_load %arg5[%swap3A, %swap3A_44] {strides = array<i32>} : memref<128x128xf32, #tpu.memory_space<vmem>>, vector<1x16xf32>,
      %swap3A_46 = vector.shape_cast %swap3A_45 : vector<1x16xf32> to vector<16xf32>
      %swap3A_47 = vector.shape_cast %broadcast_in_dim3A_3 : vector<16xf32> to vector<1x16xf32>
      tpu.vector_store %arg5[%swap3A, %swap3A_44], %swap3A_47 {strides = array<i32>} : memref<128x128xf32, #tpu.memory_space<vmem>>, vector<1x16xf32>,
      %swap3A_48 = arith.index_cast %select_n3A : i32 to index
      %swap3A_49 = arith.index_cast %mul3A_43 : i32 to index
      %swap3A_50 = tpu.vector_load %arg6[%swap3A_48, %swap3A_49] {strides = array<i32>} : memref<128x128xf32, #tpu.memory_space<vmem>>, vector<1x16xf32>,
      %swap3A_51 = vector.shape_cast %swap3A_50 : vector<1x16xf32> to vector<16xf32>
      %swap3A_52 = vector.shape_cast %broadcast_in_dim3A_5 : vector<16xf32> to vector<1x16xf32>
      tpu.vector_store %arg6[%swap3A_48, %swap3A_49], %swap3A_52 {strides = array<i32>} : memref<128x128xf32, #tpu.memory_space<vmem>>, vector<1x16xf32>,
      %scan3A_53 = arith.constant 0 : i32
      scf.yield %scan3A_53 : i32
    }
    %scan3A_11 = arith.constant 1024 : i32
    "tpu.region"() ({
      %run_scoped3A = tpu.sem_alloc : memref<!tpu.dma_semaphore, #tpu.memory_space<semaphore_mem>>
      %dma_start3A = arith.constant 0 : i32
      %dma_start3A_22 = tpu.memref_slice %arg7[%mul3A_2, %dma_start3A] : memref<4096x128xf32, #tpu.memory_space<vmem_shared>> -> memref<128x128xf32, #tpu.memory_space<vmem_shared>>
      %dma_start3A_23 = arith.constant 0 : i32
      %dma_start3A_24 = tpu.memref_slice %arg7[%mul3A_2, %dma_start3A_23] : memref<4096x128xf32, #tpu.memory_space<vmem_shared>> -> memref<128x128xf32, #tpu.memory_space<vmem_shared>>
      tpu.enqueue_dma source(%arg5 : memref<128x128xf32, #tpu.memory_space<vmem>>) target(%dma_start3A_24 : memref<128x128xf32, #tpu.memory_space<vmem_shared>>) target_semaphore(%run_scoped3A : memref<!tpu.dma_semaphore, #tpu.memory_space<semaphore_mem>>)
      %dma_wait3A = arith.constant 0 : i32
      %dma_wait3A_25 = tpu.memref_slice %arg7[%mul3A_2, %dma_wait3A] : memref<4096x128xf32, #tpu.memory_space<vmem_shared>> -> memref<128x128xf32, #tpu.memory_space<vmem_shared>>
      %dma_wait3A_26 = arith.constant 0 : i32
      %dma_wait3A_27 = tpu.memref_slice %arg7[%mul3A_2, %dma_wait3A_26] : memref<4096x128xf32, #tpu.memory_space<vmem_shared>> -> memref<128x128xf32, #tpu.memory_space<vmem_shared>>
      tpu.wait_dma2 semaphore(%run_scoped3A : memref<!tpu.dma_semaphore, #tpu.memory_space<semaphore_mem>>) src(%arg5 : memref<128x128xf32, #tpu.memory_space<vmem>>) dst(%dma_wait3A_27 : memref<128x128xf32, #tpu.memory_space<vmem_shared>>)
      tpu.yield
    }) : () -> ()
    %add3A_12 = arith.constant 128 : i32
    %add3A_13 = arith.addi %mul3A_2, %add3A_12 : i32
    "tpu.region"() ({
      %run_scoped3A = tpu.sem_alloc : memref<!tpu.dma_semaphore, #tpu.memory_space<semaphore_mem>>
      %dma_start3A = arith.constant 0 : i32
      %dma_start3A_22 = tpu.memref_slice %arg7[%add3A_13, %dma_start3A] : memref<4096x128xf32, #tpu.memory_space<vmem_shared>> -> memref<128x128xf32, #tpu.memory_space<vmem_shared>>
      %dma_start3A_23 = arith.constant 0 : i32
      %dma_start3A_24 = tpu.memref_slice %arg7[%add3A_13, %dma_start3A_23] : memref<4096x128xf32, #tpu.memory_space<vmem_shared>> -> memref<128x128xf32, #tpu.memory_space<vmem_shared>>
      tpu.enqueue_dma source(%arg5 : memref<128x128xf32, #tpu.memory_space<vmem>>) target(%dma_start3A_24 : memref<128x128xf32, #tpu.memory_space<vmem_shared>>) target_semaphore(%run_scoped3A : memref<!tpu.dma_semaphore, #tpu.memory_space<semaphore_mem>>)
      %dma_wait3A = arith.constant 0 : i32
      %dma_wait3A_25 = tpu.memref_slice %arg7[%add3A_13, %dma_wait3A] : memref<4096x128xf32, #tpu.memory_space<vmem_shared>> -> memref<128x128xf32, #tpu.memory_space<vmem_shared>>
      %dma_wait3A_26 = arith.constant 0 : i32
      %dma_wait3A_27 = tpu.memref_slice %arg7[%add3A_13, %dma_wait3A_26] : memref<4096x128xf32, #tpu.memory_space<vmem_shared>> -> memref<128x128xf32, #tpu.memory_space<vmem_shared>>
      tpu.wait_dma2 semaphore(%run_scoped3A : memref<!tpu.dma_semaphore, #tpu.memory_space<semaphore_mem>>) src(%arg5 : memref<128x128xf32, #tpu.memory_space<vmem>>) dst(%dma_wait3A_27 : memref<128x128xf32, #tpu.memory_space<vmem_shared>>)
      tpu.yield
    }) : () -> ()
    %barrier3A = arith.constant 0 : index
    tpu.barrier barrier_id(%barrier3A)
    %scan3A_14 = arith.constant 0 : i32
    %scan3A_15 = arith.constant 0 : i32
    %scan3A_16 = arith.constant 32 : i32
    %scan3A_17 = arith.addi %scan3A_15, %scan3A_16 : i32
    %scan3A_18 = arith.constant 1 : i32
    %scan3A_19 = scf.for %scan3A_22 = %scan3A_15 to %scan3A_17 step %scan3A_18 iter_args(%scan3A_23 = %scan3A_14) -> (i32)  : i32 {
      %mul3A_24 = arith.constant 4096 : i32
      %mul3A_25 = arith.muli %add3A, %mul3A_24 : i32
      %mul3A_26 = arith.constant 128 : i32
      %mul3A_27 = arith.muli %scan3A_22, %mul3A_26 : i32
      %add3A_28 = arith.addi %mul3A_25, %mul3A_27 : i32
      "tpu.region"() ({
        %run_scoped3A = tpu.sem_alloc : memref<!tpu.dma_semaphore, #tpu.memory_space<semaphore_mem>>
        %dma_start3A = tpu.memref_slice %arg2[%add3A_28] : memref<131072xi32, #tpu.memory_space<hbm>> -> memref<128xi32, #tpu.memory_space<hbm>>
        %dma_start3A_30 = tpu.memref_slice %arg2[%add3A_28] : memref<131072xi32, #tpu.memory_space<hbm>> -> memref<128xi32, #tpu.memory_space<hbm>>
        tpu.enqueue_dma source(%dma_start3A_30 : memref<128xi32, #tpu.memory_space<hbm>>) target(%arg4 : memref<128xi32, #tpu.memory_space<vmem>>) target_semaphore(%run_scoped3A : memref<!tpu.dma_semaphore, #tpu.memory_space<semaphore_mem>>)
        %dma_wait3A = tpu.memref_slice %arg2[%add3A_28] : memref<131072xi32, #tpu.memory_space<hbm>> -> memref<128xi32, #tpu.memory_space<hbm>>
        %dma_wait3A_31 = tpu.memref_slice %arg2[%add3A_28] : memref<131072xi32, #tpu.memory_space<hbm>> -> memref<128xi32, #tpu.memory_space<hbm>>
        tpu.wait_dma2 semaphore(%run_scoped3A : memref<!tpu.dma_semaphore, #tpu.memory_space<semaphore_mem>>) src(%dma_wait3A_31 : memref<128xi32, #tpu.memory_space<hbm>>) dst(%arg4 : memref<128xi32, #tpu.memory_space<vmem>>)
        tpu.yield
      }) : () -> ()
      "tpu.region"() ({
        %run_scoped3A = tpu.sem_alloc : memref<!tpu.dma_semaphore, #tpu.memory_space<semaphore_mem>>
        %dma_start3A = arith.constant 0 : i32
        %dma_start3A_30 = arith.constant 0 : i32
        %dma_start3A_31 = tpu.memref_slice %arg7[%dma_start3A, %dma_start3A_30] : memref<4096x128xf32, #tpu.memory_space<vmem_shared>> -> memref<4096x128xf32, #tpu.memory_space<vmem_shared>>
        tpu.enqueue_indirect_dma source(%arg6 : memref<128x128xf32, #tpu.memory_space<vmem>>) target(%dma_start3A_31 : memref<4096x128xf32, #tpu.memory_space<vmem_shared>>) offsets(%arg4 : memref<128xi32, #tpu.memory_space<vmem>>) semaphore(%run_scoped3A : memref<!tpu.dma_semaphore, #tpu.memory_space<semaphore_mem>>) {add = true}
        %dma_wait3A = arith.constant 0 : i32
        %dma_wait3A_32 = arith.constant 0 : i32
        %dma_wait3A_33 = tpu.memref_slice %arg7[%dma_wait3A, %dma_wait3A_32] : memref<4096x128xf32, #tpu.memory_space<vmem_shared>> -> memref<4096x128xf32, #tpu.memory_space<vmem_shared>>
        tpu.wait_indirect_dma semaphore(%run_scoped3A : memref<!tpu.dma_semaphore, #tpu.memory_space<semaphore_mem>>) src(%arg6 : memref<128x128xf32, #tpu.memory_space<vmem>>) dst(%dma_wait3A_33 : memref<4096x128xf32, #tpu.memory_space<vmem_shared>>)
        tpu.yield
      }) : () -> ()
      %scan3A_29 = arith.constant 0 : i32
      scf.yield %scan3A_29 : i32
    }
    %scan3A_20 = arith.constant 32 : i32
    %barrier3A_21 = arith.constant 0 : index
    tpu.barrier barrier_id(%barrier3A_21)
    "tpu.region"() ({
      %run_scoped3A = tpu.sem_alloc : memref<!tpu.dma_semaphore, #tpu.memory_space<semaphore_mem>>
      %dma_start3A = arith.constant 0 : i32
      %dma_start3A_22 = tpu.memref_slice %arg3[%arg0, %mul3A_2, %dma_start3A] : memref<2x4096x128xf32, #tpu.memory_space<hbm>> -> memref<1x256x128xf32, #tpu.memory_space<hbm>>
      %dma_start3A_23 = tpu.memref_squeeze %dma_start3A_22 : memref<1x256x128xf32, #tpu.memory_space<hbm>> -> memref<256x128xf32, #tpu.memory_space<hbm>>
      %dma_start3A_24 = arith.constant 0 : i32
      %dma_start3A_25 = tpu.memref_slice %arg7[%mul3A_2, %dma_start3A_24] : memref<4096x128xf32, #tpu.memory_space<vmem_shared>> -> memref<256x128xf32, #tpu.memory_space<vmem_shared>>
      tpu.enqueue_dma source(%dma_start3A_25 : memref<256x128xf32, #tpu.memory_space<vmem_shared>>) target(%dma_start3A_23 : memref<256x128xf32, #tpu.memory_space<hbm>>) target_semaphore(%run_scoped3A : memref<!tpu.dma_semaphore, #tpu.memory_space<semaphore_mem>>)
      %dma_wait3A = arith.constant 0 : i32
      %dma_wait3A_26 = tpu.memref_slice %arg3[%arg0, %mul3A_2, %dma_wait3A] : memref<2x4096x128xf32, #tpu.memory_space<hbm>> -> memref<1x256x128xf32, #tpu.memory_space<hbm>>
      %dma_wait3A_27 = tpu.memref_squeeze %dma_wait3A_26 : memref<1x256x128xf32, #tpu.memory_space<hbm>> -> memref<256x128xf32, #tpu.memory_space<hbm>>
      %dma_wait3A_28 = arith.constant 0 : i32
      %dma_wait3A_29 = tpu.memref_slice %arg7[%mul3A_2, %dma_wait3A_28] : memref<4096x128xf32, #tpu.memory_space<vmem_shared>> -> memref<256x128xf32, #tpu.memory_space<vmem_shared>>
      tpu.wait_dma2 semaphore(%run_scoped3A : memref<!tpu.dma_semaphore, #tpu.memory_space<semaphore_mem>>) src(%dma_wait3A_29 : memref<256x128xf32, #tpu.memory_space<vmem_shared>>) dst(%dma_wait3A_27 : memref<256x128xf32, #tpu.memory_space<hbm>>)
      tpu.yield
    }) : () -> ()
    return
  }
}

#map = affine_map<(d0, d1) -> (0, 0)>
#map1 = affine_map<(d0, d1) -> (0, 0, 0)>
module attributes {stable_mosaic.version = 14 : i64} {
  func.func @body(%arg0: i32, %arg1: i32, %arg2: memref<2048x64xi32, #tpu.memory_space<hbm>>, %arg3: memref<2048x64xi32, #tpu.memory_space<hbm>>, %arg4: memref<4096x128xf32, #tpu.memory_space<hbm>>, %arg5: memref<4096x128xf32, #tpu.memory_space<hbm>>, %arg6: memref<131072x128xf32, #tpu.memory_space<hbm>>, %arg7: memref<2x4096x128xf32, #tpu.memory_space<hbm>>, %arg8: memref<64x64xi32, #tpu.memory_space<vmem>>, %arg9: memref<64x64xi32, #tpu.memory_space<vmem>>, %arg10: memref<64x128xf32, #tpu.memory_space<vmem>>, %arg11: memref<64x128xf32, #tpu.memory_space<vmem>>, %arg12: memref<64x128xf32, #tpu.memory_space<vmem>>, %arg13: memref<64x128xf32, #tpu.memory_space<vmem>>, %arg14: memref<64x128xf32, #tpu.memory_space<vmem>>, %arg15: memref<64x128xf32, #tpu.memory_space<vmem>>, %arg16: memref<64x128xf32, #tpu.memory_space<vmem>>, %arg17: memref<64x128xf32, #tpu.memory_space<vmem>>, %arg18: memref<4096x128xf32, #tpu.memory_space<vmem_shared>>, %arg19: memref<!tpu.dma_semaphore, #tpu.memory_space<semaphore_mem>>, %arg20: memref<!tpu.dma_semaphore, #tpu.memory_space<semaphore_mem>>, %arg21: memref<!tpu.dma_semaphore, #tpu.memory_space<semaphore_mem>>, %arg22: memref<!tpu.dma_semaphore, #tpu.memory_space<semaphore_mem>>, %arg23: memref<!tpu.dma_semaphore, #tpu.memory_space<semaphore_mem>>, %arg24: memref<!tpu.dma_semaphore, #tpu.memory_space<semaphore_mem>>, %arg25: memref<!tpu.dma_semaphore, #tpu.memory_space<semaphore_mem>>, %arg26: memref<!tpu.dma_semaphore, #tpu.memory_space<semaphore_mem>>) attributes {dimension_semantics = [#tpu.dimension_semantics<core_parallel>, #tpu.dimension_semantics<subcore_parallel>], iteration_bounds = array<i64: 2, 16>, scalar_prefetch = 0 : i64, scratch_operands = 19 : i64, tpu.core_type = #tpu.core_type<sc_vector_subcore>, window_params = [{transform_indices = #map}, {transform_indices = #map}, {transform_indices = #map}, {transform_indices = #map}, {transform_indices = #map}, {transform_indices = #map1}]} {
    %mul3A = arith.constant 16 : i32
    %mul3A_0 = arith.muli %arg0, %mul3A : i32
    %add3A = arith.addi %mul3A_0, %arg1 : i32
    %mul3A_1 = arith.constant 256 : i32
    %mul3A_2 = arith.muli %arg1, %mul3A_1 : i32
    %broadcast_in_dim3A = arith.constant 0.000000e+00 : f32
    %broadcast_in_dim3A_3 = vector.broadcast %broadcast_in_dim3A : f32 to vector<16xf32>
    %scan3A = arith.constant 0 : i32
    %scan3A_4 = arith.constant 0 : i32
    %scan3A_5 = arith.constant 512 : i32
    %scan3A_6 = arith.addi %scan3A_4, %scan3A_5 : i32
    %scan3A_7 = arith.constant 1 : i32
    %scan3A_8 = scf.for %scan3A_84 = %scan3A_4 to %scan3A_6 step %scan3A_7 iter_args(%scan3A_85 = %scan3A) -> (i32)  : i32 {
      %jit3A = arith.constant 8 : i32
      %div3A = arith.divsi %scan3A_84, %jit3A : i32
      %sign3A = arith.constant 0 : i32
      %sign3A_86 = arith.cmpi sgt, %scan3A_84, %sign3A : i32
      %sign3A_87 = arith.extui %sign3A_86 : i1 to i32
      %sign3A_88 = arith.constant 0 : i32
      %sign3A_89 = arith.cmpi slt, %scan3A_84, %sign3A_88 : i32
      %sign3A_90 = arith.extui %sign3A_89 : i1 to i32
      %sign3A_91 = arith.subi %sign3A_87, %sign3A_90 : i32
      %sign3A_92 = arith.constant 0 : i32
      %sign3A_93 = arith.cmpi sgt, %jit3A, %sign3A_92 : i32
      %sign3A_94 = arith.extui %sign3A_93 : i1 to i32
      %sign3A_95 = arith.constant 0 : i32
      %sign3A_96 = arith.cmpi slt, %jit3A, %sign3A_95 : i32
      %sign3A_97 = arith.extui %sign3A_96 : i1 to i32
      %sign3A_98 = arith.subi %sign3A_94, %sign3A_97 : i32
      %ne3A = arith.cmpi ne, %sign3A_91, %sign3A_98 : i32
      %rem3A = arith.remsi %scan3A_84, %jit3A : i32
      %ne3A_99 = arith.constant 0 : i32
      %ne3A_100 = arith.cmpi ne, %rem3A, %ne3A_99 : i32
      %and3A = arith.andi %ne3A, %ne3A_100 : i1
      %sub3A = arith.constant 1 : i32
      %sub3A_101 = arith.subi %div3A, %sub3A : i32
      %select_n3A = arith.select %and3A, %sub3A_101, %div3A : i32
      %rem3A_102 = arith.constant 8 : i32
      %rem3A_103 = arith.remsi %scan3A_84, %rem3A_102 : i32
      %mul3A_104 = arith.constant 16 : i32
      %mul3A_105 = arith.muli %rem3A_103, %mul3A_104 : i32
      %swap3A = arith.index_cast %select_n3A : i32 to index
      %swap3A_106 = arith.index_cast %mul3A_105 : i32 to index
      %swap3A_107 = tpu.vector_load %arg10[%swap3A, %swap3A_106] {strides = array<i32>} : memref<64x128xf32, #tpu.memory_space<vmem>>, vector<1x16xf32>,
      %swap3A_108 = vector.shape_cast %swap3A_107 : vector<1x16xf32> to vector<16xf32>
      %swap3A_109 = vector.shape_cast %broadcast_in_dim3A_3 : vector<16xf32> to vector<1x16xf32>
      tpu.vector_store %arg10[%swap3A, %swap3A_106], %swap3A_109 {strides = array<i32>} : memref<64x128xf32, #tpu.memory_space<vmem>>, vector<1x16xf32>,
      %scan3A_110 = arith.constant 0 : i32
      scf.yield %scan3A_110 : i32
    }
    %scan3A_9 = arith.constant 512 : i32
    %add3A_10 = arith.constant 0 : i32
    %add3A_11 = arith.addi %mul3A_2, %add3A_10 : i32
    "tpu.region"() ({
      %run_scoped3A = tpu.sem_alloc : memref<!tpu.dma_semaphore, #tpu.memory_space<semaphore_mem>>
      %dma_start3A_84 = arith.constant 0 : i32
      %dma_start3A_85 = tpu.memref_slice %arg18[%add3A_11, %dma_start3A_84] : memref<4096x128xf32, #tpu.memory_space<vmem_shared>> -> memref<64x128xf32, #tpu.memory_space<vmem_shared>>
      %dma_start3A_86 = arith.constant 0 : i32
      %dma_start3A_87 = tpu.memref_slice %arg18[%add3A_11, %dma_start3A_86] : memref<4096x128xf32, #tpu.memory_space<vmem_shared>> -> memref<64x128xf32, #tpu.memory_space<vmem_shared>>
      tpu.enqueue_dma source(%arg10 : memref<64x128xf32, #tpu.memory_space<vmem>>) target(%dma_start3A_87 : memref<64x128xf32, #tpu.memory_space<vmem_shared>>) target_semaphore(%run_scoped3A : memref<!tpu.dma_semaphore, #tpu.memory_space<semaphore_mem>>)
      %dma_wait3A_88 = arith.constant 0 : i32
      %dma_wait3A_89 = tpu.memref_slice %arg18[%add3A_11, %dma_wait3A_88] : memref<4096x128xf32, #tpu.memory_space<vmem_shared>> -> memref<64x128xf32, #tpu.memory_space<vmem_shared>>
      %dma_wait3A_90 = arith.constant 0 : i32
      %dma_wait3A_91 = tpu.memref_slice %arg18[%add3A_11, %dma_wait3A_90] : memref<4096x128xf32, #tpu.memory_space<vmem_shared>> -> memref<64x128xf32, #tpu.memory_space<vmem_shared>>
      tpu.wait_dma2 semaphore(%run_scoped3A : memref<!tpu.dma_semaphore, #tpu.memory_space<semaphore_mem>>) src(%arg10 : memref<64x128xf32, #tpu.memory_space<vmem>>) dst(%dma_wait3A_91 : memref<64x128xf32, #tpu.memory_space<vmem_shared>>)
      tpu.yield
    }) : () -> ()
    %add3A_12 = arith.constant 64 : i32
    %add3A_13 = arith.addi %mul3A_2, %add3A_12 : i32
    "tpu.region"() ({
      %run_scoped3A = tpu.sem_alloc : memref<!tpu.dma_semaphore, #tpu.memory_space<semaphore_mem>>
      %dma_start3A_84 = arith.constant 0 : i32
      %dma_start3A_85 = tpu.memref_slice %arg18[%add3A_13, %dma_start3A_84] : memref<4096x128xf32, #tpu.memory_space<vmem_shared>> -> memref<64x128xf32, #tpu.memory_space<vmem_shared>>
      %dma_start3A_86 = arith.constant 0 : i32
      %dma_start3A_87 = tpu.memref_slice %arg18[%add3A_13, %dma_start3A_86] : memref<4096x128xf32, #tpu.memory_space<vmem_shared>> -> memref<64x128xf32, #tpu.memory_space<vmem_shared>>
      tpu.enqueue_dma source(%arg10 : memref<64x128xf32, #tpu.memory_space<vmem>>) target(%dma_start3A_87 : memref<64x128xf32, #tpu.memory_space<vmem_shared>>) target_semaphore(%run_scoped3A : memref<!tpu.dma_semaphore, #tpu.memory_space<semaphore_mem>>)
      %dma_wait3A_88 = arith.constant 0 : i32
      %dma_wait3A_89 = tpu.memref_slice %arg18[%add3A_13, %dma_wait3A_88] : memref<4096x128xf32, #tpu.memory_space<vmem_shared>> -> memref<64x128xf32, #tpu.memory_space<vmem_shared>>
      %dma_wait3A_90 = arith.constant 0 : i32
      %dma_wait3A_91 = tpu.memref_slice %arg18[%add3A_13, %dma_wait3A_90] : memref<4096x128xf32, #tpu.memory_space<vmem_shared>> -> memref<64x128xf32, #tpu.memory_space<vmem_shared>>
      tpu.wait_dma2 semaphore(%run_scoped3A : memref<!tpu.dma_semaphore, #tpu.memory_space<semaphore_mem>>) src(%arg10 : memref<64x128xf32, #tpu.memory_space<vmem>>) dst(%dma_wait3A_91 : memref<64x128xf32, #tpu.memory_space<vmem_shared>>)
      tpu.yield
    }) : () -> ()
    %add3A_14 = arith.constant 128 : i32
    %add3A_15 = arith.addi %mul3A_2, %add3A_14 : i32
    "tpu.region"() ({
      %run_scoped3A = tpu.sem_alloc : memref<!tpu.dma_semaphore, #tpu.memory_space<semaphore_mem>>
      %dma_start3A_84 = arith.constant 0 : i32
      %dma_start3A_85 = tpu.memref_slice %arg18[%add3A_15, %dma_start3A_84] : memref<4096x128xf32, #tpu.memory_space<vmem_shared>> -> memref<64x128xf32, #tpu.memory_space<vmem_shared>>
      %dma_start3A_86 = arith.constant 0 : i32
      %dma_start3A_87 = tpu.memref_slice %arg18[%add3A_15, %dma_start3A_86] : memref<4096x128xf32, #tpu.memory_space<vmem_shared>> -> memref<64x128xf32, #tpu.memory_space<vmem_shared>>
      tpu.enqueue_dma source(%arg10 : memref<64x128xf32, #tpu.memory_space<vmem>>) target(%dma_start3A_87 : memref<64x128xf32, #tpu.memory_space<vmem_shared>>) target_semaphore(%run_scoped3A : memref<!tpu.dma_semaphore, #tpu.memory_space<semaphore_mem>>)
      %dma_wait3A_88 = arith.constant 0 : i32
      %dma_wait3A_89 = tpu.memref_slice %arg18[%add3A_15, %dma_wait3A_88] : memref<4096x128xf32, #tpu.memory_space<vmem_shared>> -> memref<64x128xf32, #tpu.memory_space<vmem_shared>>
      %dma_wait3A_90 = arith.constant 0 : i32
      %dma_wait3A_91 = tpu.memref_slice %arg18[%add3A_15, %dma_wait3A_90] : memref<4096x128xf32, #tpu.memory_space<vmem_shared>> -> memref<64x128xf32, #tpu.memory_space<vmem_shared>>
      tpu.wait_dma2 semaphore(%run_scoped3A : memref<!tpu.dma_semaphore, #tpu.memory_space<semaphore_mem>>) src(%arg10 : memref<64x128xf32, #tpu.memory_space<vmem>>) dst(%dma_wait3A_91 : memref<64x128xf32, #tpu.memory_space<vmem_shared>>)
      tpu.yield
    }) : () -> ()
    %add3A_16 = arith.constant 192 : i32
    %add3A_17 = arith.addi %mul3A_2, %add3A_16 : i32
    "tpu.region"() ({
      %run_scoped3A = tpu.sem_alloc : memref<!tpu.dma_semaphore, #tpu.memory_space<semaphore_mem>>
      %dma_start3A_84 = arith.constant 0 : i32
      %dma_start3A_85 = tpu.memref_slice %arg18[%add3A_17, %dma_start3A_84] : memref<4096x128xf32, #tpu.memory_space<vmem_shared>> -> memref<64x128xf32, #tpu.memory_space<vmem_shared>>
      %dma_start3A_86 = arith.constant 0 : i32
      %dma_start3A_87 = tpu.memref_slice %arg18[%add3A_17, %dma_start3A_86] : memref<4096x128xf32, #tpu.memory_space<vmem_shared>> -> memref<64x128xf32, #tpu.memory_space<vmem_shared>>
      tpu.enqueue_dma source(%arg10 : memref<64x128xf32, #tpu.memory_space<vmem>>) target(%dma_start3A_87 : memref<64x128xf32, #tpu.memory_space<vmem_shared>>) target_semaphore(%run_scoped3A : memref<!tpu.dma_semaphore, #tpu.memory_space<semaphore_mem>>)
      %dma_wait3A_88 = arith.constant 0 : i32
      %dma_wait3A_89 = tpu.memref_slice %arg18[%add3A_17, %dma_wait3A_88] : memref<4096x128xf32, #tpu.memory_space<vmem_shared>> -> memref<64x128xf32, #tpu.memory_space<vmem_shared>>
      %dma_wait3A_90 = arith.constant 0 : i32
      %dma_wait3A_91 = tpu.memref_slice %arg18[%add3A_17, %dma_wait3A_90] : memref<4096x128xf32, #tpu.memory_space<vmem_shared>> -> memref<64x128xf32, #tpu.memory_space<vmem_shared>>
      tpu.wait_dma2 semaphore(%run_scoped3A : memref<!tpu.dma_semaphore, #tpu.memory_space<semaphore_mem>>) src(%arg10 : memref<64x128xf32, #tpu.memory_space<vmem>>) dst(%dma_wait3A_91 : memref<64x128xf32, #tpu.memory_space<vmem_shared>>)
      tpu.yield
    }) : () -> ()
    %mul3A_18 = arith.constant 64 : i32
    %mul3A_19 = arith.muli %add3A, %mul3A_18 : i32
    "tpu.region"() ({
      %run_scoped3A = tpu.sem_alloc : memref<!tpu.dma_semaphore, #tpu.memory_space<semaphore_mem>>
      %dma_start3A_84 = arith.constant 0 : i32
      %dma_start3A_85 = tpu.memref_slice %arg2[%mul3A_19, %dma_start3A_84] : memref<2048x64xi32, #tpu.memory_space<hbm>> -> memref<64x64xi32, #tpu.memory_space<hbm>>
      %dma_start3A_86 = arith.constant 0 : i32
      %dma_start3A_87 = tpu.memref_slice %arg2[%mul3A_19, %dma_start3A_86] : memref<2048x64xi32, #tpu.memory_space<hbm>> -> memref<64x64xi32, #tpu.memory_space<hbm>>
      tpu.enqueue_dma source(%dma_start3A_87 : memref<64x64xi32, #tpu.memory_space<hbm>>) target(%arg8 : memref<64x64xi32, #tpu.memory_space<vmem>>) target_semaphore(%run_scoped3A : memref<!tpu.dma_semaphore, #tpu.memory_space<semaphore_mem>>)
      %dma_wait3A_88 = arith.constant 0 : i32
      %dma_wait3A_89 = tpu.memref_slice %arg2[%mul3A_19, %dma_wait3A_88] : memref<2048x64xi32, #tpu.memory_space<hbm>> -> memref<64x64xi32, #tpu.memory_space<hbm>>
      %dma_wait3A_90 = arith.constant 0 : i32
      %dma_wait3A_91 = tpu.memref_slice %arg2[%mul3A_19, %dma_wait3A_90] : memref<2048x64xi32, #tpu.memory_space<hbm>> -> memref<64x64xi32, #tpu.memory_space<hbm>>
      tpu.wait_dma2 semaphore(%run_scoped3A : memref<!tpu.dma_semaphore, #tpu.memory_space<semaphore_mem>>) src(%dma_wait3A_91 : memref<64x64xi32, #tpu.memory_space<hbm>>) dst(%arg8 : memref<64x64xi32, #tpu.memory_space<vmem>>)
      tpu.yield
    }) : () -> ()
    %mul3A_20 = arith.constant 64 : i32
    %mul3A_21 = arith.muli %add3A, %mul3A_20 : i32
    "tpu.region"() ({
      %run_scoped3A = tpu.sem_alloc : memref<!tpu.dma_semaphore, #tpu.memory_space<semaphore_mem>>
      %dma_start3A_84 = arith.constant 0 : i32
      %dma_start3A_85 = tpu.memref_slice %arg3[%mul3A_21, %dma_start3A_84] : memref<2048x64xi32, #tpu.memory_space<hbm>> -> memref<64x64xi32, #tpu.memory_space<hbm>>
      %dma_start3A_86 = arith.constant 0 : i32
      %dma_start3A_87 = tpu.memref_slice %arg3[%mul3A_21, %dma_start3A_86] : memref<2048x64xi32, #tpu.memory_space<hbm>> -> memref<64x64xi32, #tpu.memory_space<hbm>>
      tpu.enqueue_dma source(%dma_start3A_87 : memref<64x64xi32, #tpu.memory_space<hbm>>) target(%arg9 : memref<64x64xi32, #tpu.memory_space<vmem>>) target_semaphore(%run_scoped3A : memref<!tpu.dma_semaphore, #tpu.memory_space<semaphore_mem>>)
      %dma_wait3A_88 = arith.constant 0 : i32
      %dma_wait3A_89 = tpu.memref_slice %arg3[%mul3A_21, %dma_wait3A_88] : memref<2048x64xi32, #tpu.memory_space<hbm>> -> memref<64x64xi32, #tpu.memory_space<hbm>>
      %dma_wait3A_90 = arith.constant 0 : i32
      %dma_wait3A_91 = tpu.memref_slice %arg3[%mul3A_21, %dma_wait3A_90] : memref<2048x64xi32, #tpu.memory_space<hbm>> -> memref<64x64xi32, #tpu.memory_space<hbm>>
      tpu.wait_dma2 semaphore(%run_scoped3A : memref<!tpu.dma_semaphore, #tpu.memory_space<semaphore_mem>>) src(%dma_wait3A_91 : memref<64x64xi32, #tpu.memory_space<hbm>>) dst(%arg9 : memref<64x64xi32, #tpu.memory_space<vmem>>)
      tpu.yield
    }) : () -> ()
    %barrier3A = arith.constant 0 : index
    tpu.barrier barrier_id(%barrier3A)
    %mul3A_22 = arith.constant 4096 : i32
    %mul3A_23 = arith.muli %add3A, %mul3A_22 : i32
    %add3A_24 = arith.constant 0 : i32
    %add3A_25 = arith.addi %mul3A_23, %add3A_24 : i32
    %dma_start3A = arith.constant 0 : i32
    %dma_start3A_26 = arith.constant 0 : i32
    %dma_start3A_27 = tpu.memref_slice %arg8[%dma_start3A, %dma_start3A_26] : memref<64x64xi32, #tpu.memory_space<vmem>> -> memref<1x64xi32, #tpu.memory_space<vmem>>
    %dma_start3A_28 = tpu.memref_squeeze %dma_start3A_27 : memref<1x64xi32, #tpu.memory_space<vmem>> -> memref<64xi32, #tpu.memory_space<vmem>>
    %dma_start3A_29 = arith.constant 0 : i32
    %dma_start3A_30 = arith.constant 0 : i32
    %dma_start3A_31 = tpu.memref_slice %arg4[%dma_start3A_29, %dma_start3A_30] : memref<4096x128xf32, #tpu.memory_space<hbm>> -> memref<4096x128xf32, #tpu.memory_space<hbm>>
    tpu.enqueue_indirect_dma source(%dma_start3A_31 : memref<4096x128xf32, #tpu.memory_space<hbm>>) target(%arg10 : memref<64x128xf32, #tpu.memory_space<vmem>>) offsets(%dma_start3A_28 : memref<64xi32, #tpu.memory_space<vmem>>) semaphore(%arg19 : memref<!tpu.dma_semaphore, #tpu.memory_space<semaphore_mem>>)
    %dma_start3A_32 = arith.constant 0 : i32
    %dma_start3A_33 = arith.constant 0 : i32
    %dma_start3A_34 = tpu.memref_slice %arg9[%dma_start3A_32, %dma_start3A_33] : memref<64x64xi32, #tpu.memory_space<vmem>> -> memref<1x64xi32, #tpu.memory_space<vmem>>
    %dma_start3A_35 = tpu.memref_squeeze %dma_start3A_34 : memref<1x64xi32, #tpu.memory_space<vmem>> -> memref<64xi32, #tpu.memory_space<vmem>>
    %dma_start3A_36 = arith.constant 0 : i32
    %dma_start3A_37 = arith.constant 0 : i32
    %dma_start3A_38 = tpu.memref_slice %arg5[%dma_start3A_36, %dma_start3A_37] : memref<4096x128xf32, #tpu.memory_space<hbm>> -> memref<4096x128xf32, #tpu.memory_space<hbm>>
    tpu.enqueue_indirect_dma source(%dma_start3A_38 : memref<4096x128xf32, #tpu.memory_space<hbm>>) target(%arg12 : memref<64x128xf32, #tpu.memory_space<vmem>>) offsets(%dma_start3A_35 : memref<64xi32, #tpu.memory_space<vmem>>) semaphore(%arg21 : memref<!tpu.dma_semaphore, #tpu.memory_space<semaphore_mem>>)
    %dma_start3A_39 = arith.constant 0 : i32
    %dma_start3A_40 = tpu.memref_slice %arg6[%add3A_25, %dma_start3A_39] : memref<131072x128xf32, #tpu.memory_space<hbm>> -> memref<64x128xf32, #tpu.memory_space<hbm>>
    %dma_start3A_41 = arith.constant 0 : i32
    %dma_start3A_42 = tpu.memref_slice %arg6[%add3A_25, %dma_start3A_41] : memref<131072x128xf32, #tpu.memory_space<hbm>> -> memref<64x128xf32, #tpu.memory_space<hbm>>
    tpu.enqueue_dma source(%dma_start3A_42 : memref<64x128xf32, #tpu.memory_space<hbm>>) target(%arg14 : memref<64x128xf32, #tpu.memory_space<vmem>>) target_semaphore(%arg23 : memref<!tpu.dma_semaphore, #tpu.memory_space<semaphore_mem>>)
    %scan3A_43 = arith.constant 0 : i32
    %scan3A_44 = arith.constant 0 : i32
    %scan3A_45 = arith.constant 32 : i32
    %scan3A_46 = arith.addi %scan3A_44, %scan3A_45 : i32
    %scan3A_47 = arith.constant 1 : i32
    %scan3A_48 = scf.for %scan3A_84 = %scan3A_44 to %scan3A_46 step %scan3A_47 iter_args(%scan3A_85 = %scan3A_43) -> (i32)  : i32 {
      %mul3A_86 = arith.constant 2 : i32
      %mul3A_87 = arith.muli %mul3A_86, %scan3A_84 : i32
      %add3A_88 = arith.constant 0 : i32
      %add3A_89 = arith.addi %mul3A_87, %add3A_88 : i32
      %dma_wait3A_90 = arith.constant 0 : i32
      %dma_wait3A_91 = arith.constant 0 : i32
      %dma_wait3A_92 = tpu.memref_slice %arg8[%dma_wait3A_90, %dma_wait3A_91] : memref<64x64xi32, #tpu.memory_space<vmem>> -> memref<1x64xi32, #tpu.memory_space<vmem>>
      %dma_wait3A_93 = tpu.memref_squeeze %dma_wait3A_92 : memref<1x64xi32, #tpu.memory_space<vmem>> -> memref<64xi32, #tpu.memory_space<vmem>>
      %dma_wait3A_94 = arith.constant 0 : i32
      %dma_wait3A_95 = arith.constant 0 : i32
      %dma_wait3A_96 = tpu.memref_slice %arg4[%dma_wait3A_94, %dma_wait3A_95] : memref<4096x128xf32, #tpu.memory_space<hbm>> -> memref<4096x128xf32, #tpu.memory_space<hbm>>
      tpu.wait_indirect_dma semaphore(%arg19 : memref<!tpu.dma_semaphore, #tpu.memory_space<semaphore_mem>>) src(%dma_wait3A_96 : memref<4096x128xf32, #tpu.memory_space<hbm>>) dst(%arg10 : memref<64x128xf32, #tpu.memory_space<vmem>>)
      %dma_wait3A_97 = arith.constant 0 : i32
      %dma_wait3A_98 = arith.constant 0 : i32
      %dma_wait3A_99 = tpu.memref_slice %arg9[%dma_wait3A_97, %dma_wait3A_98] : memref<64x64xi32, #tpu.memory_space<vmem>> -> memref<1x64xi32, #tpu.memory_space<vmem>>
      %dma_wait3A_100 = tpu.memref_squeeze %dma_wait3A_99 : memref<1x64xi32, #tpu.memory_space<vmem>> -> memref<64xi32, #tpu.memory_space<vmem>>
      %dma_wait3A_101 = arith.constant 0 : i32
      %dma_wait3A_102 = arith.constant 0 : i32
      %dma_wait3A_103 = tpu.memref_slice %arg5[%dma_wait3A_101, %dma_wait3A_102] : memref<4096x128xf32, #tpu.memory_space<hbm>> -> memref<4096x128xf32, #tpu.memory_space<hbm>>
      tpu.wait_indirect_dma semaphore(%arg21 : memref<!tpu.dma_semaphore, #tpu.memory_space<semaphore_mem>>) src(%dma_wait3A_103 : memref<4096x128xf32, #tpu.memory_space<hbm>>) dst(%arg12 : memref<64x128xf32, #tpu.memory_space<vmem>>)
      %dma_wait3A_104 = arith.constant 0 : i32
      %dma_wait3A_105 = arith.constant 0 : i32
      %dma_wait3A_106 = tpu.memref_slice %arg6[%dma_wait3A_104, %dma_wait3A_105] : memref<131072x128xf32, #tpu.memory_space<hbm>> -> memref<64x128xf32, #tpu.memory_space<hbm>>
      %dma_wait3A_107 = arith.constant 0 : i32
      %dma_wait3A_108 = arith.constant 0 : i32
      %dma_wait3A_109 = tpu.memref_slice %arg6[%dma_wait3A_107, %dma_wait3A_108] : memref<131072x128xf32, #tpu.memory_space<hbm>> -> memref<64x128xf32, #tpu.memory_space<hbm>>
      tpu.wait_dma2 semaphore(%arg23 : memref<!tpu.dma_semaphore, #tpu.memory_space<semaphore_mem>>) src(%dma_wait3A_109 : memref<64x128xf32, #tpu.memory_space<hbm>>) dst(%arg14 : memref<64x128xf32, #tpu.memory_space<vmem>>)
      %add3A_110 = arith.constant 1 : i32
      %add3A_111 = arith.addi %add3A_89, %add3A_110 : i32
      %rem3A = arith.constant 64 : i32
      %rem3A_112 = arith.remsi %add3A_111, %rem3A : i32
      %mul3A_113 = arith.constant 4096 : i32
      %mul3A_114 = arith.muli %add3A, %mul3A_113 : i32
      %mul3A_115 = arith.constant 64 : i32
      %mul3A_116 = arith.muli %rem3A_112, %mul3A_115 : i32
      %add3A_117 = arith.addi %mul3A_114, %mul3A_116 : i32
      %dma_start3A_118 = arith.constant 0 : i32
      %dma_start3A_119 = tpu.memref_slice %arg8[%rem3A_112, %dma_start3A_118] : memref<64x64xi32, #tpu.memory_space<vmem>> -> memref<1x64xi32, #tpu.memory_space<vmem>>
      %dma_start3A_120 = tpu.memref_squeeze %dma_start3A_119 : memref<1x64xi32, #tpu.memory_space<vmem>> -> memref<64xi32, #tpu.memory_space<vmem>>
      %dma_start3A_121 = arith.constant 0 : i32
      %dma_start3A_122 = arith.constant 0 : i32
      %dma_start3A_123 = tpu.memref_slice %arg4[%dma_start3A_121, %dma_start3A_122] : memref<4096x128xf32, #tpu.memory_space<hbm>> -> memref<4096x128xf32, #tpu.memory_space<hbm>>
      tpu.enqueue_indirect_dma source(%dma_start3A_123 : memref<4096x128xf32, #tpu.memory_space<hbm>>) target(%arg11 : memref<64x128xf32, #tpu.memory_space<vmem>>) offsets(%dma_start3A_120 : memref<64xi32, #tpu.memory_space<vmem>>) semaphore(%arg20 : memref<!tpu.dma_semaphore, #tpu.memory_space<semaphore_mem>>)
      %dma_start3A_124 = arith.constant 0 : i32
      %dma_start3A_125 = tpu.memref_slice %arg9[%rem3A_112, %dma_start3A_124] : memref<64x64xi32, #tpu.memory_space<vmem>> -> memref<1x64xi32, #tpu.memory_space<vmem>>
      %dma_start3A_126 = tpu.memref_squeeze %dma_start3A_125 : memref<1x64xi32, #tpu.memory_space<vmem>> -> memref<64xi32, #tpu.memory_space<vmem>>
      %dma_start3A_127 = arith.constant 0 : i32
      %dma_start3A_128 = arith.constant 0 : i32
      %dma_start3A_129 = tpu.memref_slice %arg5[%dma_start3A_127, %dma_start3A_128] : memref<4096x128xf32, #tpu.memory_space<hbm>> -> memref<4096x128xf32, #tpu.memory_space<hbm>>
      tpu.enqueue_indirect_dma source(%dma_start3A_129 : memref<4096x128xf32, #tpu.memory_space<hbm>>) target(%arg13 : memref<64x128xf32, #tpu.memory_space<vmem>>) offsets(%dma_start3A_126 : memref<64xi32, #tpu.memory_space<vmem>>) semaphore(%arg22 : memref<!tpu.dma_semaphore, #tpu.memory_space<semaphore_mem>>)
      %dma_start3A_130 = arith.constant 0 : i32
      %dma_start3A_131 = tpu.memref_slice %arg6[%add3A_117, %dma_start3A_130] : memref<131072x128xf32, #tpu.memory_space<hbm>> -> memref<64x128xf32, #tpu.memory_space<hbm>>
      %dma_start3A_132 = arith.constant 0 : i32
      %dma_start3A_133 = tpu.memref_slice %arg6[%add3A_117, %dma_start3A_132] : memref<131072x128xf32, #tpu.memory_space<hbm>> -> memref<64x128xf32, #tpu.memory_space<hbm>>
      tpu.enqueue_dma source(%dma_start3A_133 : memref<64x128xf32, #tpu.memory_space<hbm>>) target(%arg15 : memref<64x128xf32, #tpu.memory_space<vmem>>) target_semaphore(%arg24 : memref<!tpu.dma_semaphore, #tpu.memory_space<semaphore_mem>>)
      %ge3A = arith.constant 1 : i32
      %ge3A_134 = arith.cmpi sge, %scan3A_84, %ge3A : i32
      %convert_element_type3A = arith.extui %ge3A_134 : i1 to i32
      %cond3A = arith.constant 0 : i32
      %cond3A_135 = arith.cmpi ne, %convert_element_type3A, %cond3A : i32
      scf.if %cond3A_135 {
        %dma_wait3A_217 = arith.constant 0 : i32
        %dma_wait3A_218 = arith.constant 0 : i32
        %dma_wait3A_219 = tpu.memref_slice %arg9[%dma_wait3A_217, %dma_wait3A_218] : memref<64x64xi32, #tpu.memory_space<vmem>> -> memref<1x64xi32, #tpu.memory_space<vmem>>
        %dma_wait3A_220 = tpu.memref_squeeze %dma_wait3A_219 : memref<1x64xi32, #tpu.memory_space<vmem>> -> memref<64xi32, #tpu.memory_space<vmem>>
        %dma_wait3A_221 = arith.constant 0 : i32
        %dma_wait3A_222 = arith.constant 0 : i32
        %dma_wait3A_223 = tpu.memref_slice %arg18[%dma_wait3A_221, %dma_wait3A_222] : memref<4096x128xf32, #tpu.memory_space<vmem_shared>> -> memref<4096x128xf32, #tpu.memory_space<vmem_shared>>
        tpu.wait_indirect_dma semaphore(%arg25 : memref<!tpu.dma_semaphore, #tpu.memory_space<semaphore_mem>>) src(%arg16 : memref<64x128xf32, #tpu.memory_space<vmem>>) dst(%dma_wait3A_223 : memref<4096x128xf32, #tpu.memory_space<vmem_shared>>)
      } else {
      }
      %scan3A_136 = arith.constant 0 : i32
      %scan3A_137 = arith.constant 0 : i32
      %scan3A_138 = arith.constant 64 : i32
      %scan3A_139 = arith.addi %scan3A_137, %scan3A_138 : i32
      %scan3A_140 = arith.constant 1 : i32
      %scan3A_141 = scf.for %scan3A_217 = %scan3A_137 to %scan3A_139 step %scan3A_140 iter_args(%scan3A_218 = %scan3A_136) -> (i32)  : i32 {
        %get3A = arith.index_cast %scan3A_217 : i32 to index
        %get3A_219 = arith.constant 0 : index
        %get3A_220 = tpu.vector_load %arg10[%get3A, %get3A_219] {strides = array<i32>} : memref<64x128xf32, #tpu.memory_space<vmem>>, vector<1x16xf32>,
        %get3A_221 = vector.shape_cast %get3A_220 : vector<1x16xf32> to vector<16xf32>
        %get3A_222 = arith.index_cast %scan3A_217 : i32 to index
        %get3A_223 = arith.constant 0 : index
        %get3A_224 = tpu.vector_load %arg12[%get3A_222, %get3A_223] {strides = array<i32>} : memref<64x128xf32, #tpu.memory_space<vmem>>, vector<1x16xf32>,
        %get3A_225 = vector.shape_cast %get3A_224 : vector<1x16xf32> to vector<16xf32>
        %add3A_226 = arith.addf %get3A_221, %get3A_225 : vector<16xf32>
        %get3A_227 = arith.index_cast %scan3A_217 : i32 to index
        %get3A_228 = arith.constant 0 : index
        %get3A_229 = tpu.vector_load %arg14[%get3A_227, %get3A_228] {strides = array<i32>} : memref<64x128xf32, #tpu.memory_space<vmem>>, vector<1x16xf32>,
        %get3A_230 = vector.shape_cast %get3A_229 : vector<1x16xf32> to vector<16xf32>
        %add3A_231 = arith.addf %add3A_226, %get3A_230 : vector<16xf32>
        %max3A = arith.constant 0.000000e+00 : f32
        %max3A_232 = vector.broadcast %max3A : f32 to vector<16xf32>
        %max3A_233 = arith.maximumf %add3A_231, %max3A_232 : vector<16xf32>
        %swap3A = arith.index_cast %scan3A_217 : i32 to index
        %swap3A_234 = arith.constant 0 : index
        %swap3A_235 = tpu.vector_load %arg16[%swap3A, %swap3A_234] {strides = array<i32>} : memref<64x128xf32, #tpu.memory_space<vmem>>, vector<1x16xf32>,
        %swap3A_236 = vector.shape_cast %swap3A_235 : vector<1x16xf32> to vector<16xf32>
        %swap3A_237 = vector.shape_cast %max3A_233 : vector<16xf32> to vector<1x16xf32>
        tpu.vector_store %arg16[%swap3A, %swap3A_234], %swap3A_237 {strides = array<i32>} : memref<64x128xf32, #tpu.memory_space<vmem>>, vector<1x16xf32>,
        %get3A_238 = arith.index_cast %scan3A_217 : i32 to index
        %get3A_239 = arith.constant 16 : index
        %get3A_240 = tpu.vector_load %arg10[%get3A_238, %get3A_239] {strides = array<i32>} : memref<64x128xf32, #tpu.memory_space<vmem>>, vector<1x16xf32>,
        %get3A_241 = vector.shape_cast %get3A_240 : vector<1x16xf32> to vector<16xf32>
        %get3A_242 = arith.index_cast %scan3A_217 : i32 to index
        %get3A_243 = arith.constant 16 : index
        %get3A_244 = tpu.vector_load %arg12[%get3A_242, %get3A_243] {strides = array<i32>} : memref<64x128xf32, #tpu.memory_space<vmem>>, vector<1x16xf32>,
        %get3A_245 = vector.shape_cast %get3A_244 : vector<1x16xf32> to vector<16xf32>
        %add3A_246 = arith.addf %get3A_241, %get3A_245 : vector<16xf32>
        %get3A_247 = arith.index_cast %scan3A_217 : i32 to index
        %get3A_248 = arith.constant 16 : index
        %get3A_249 = tpu.vector_load %arg14[%get3A_247, %get3A_248] {strides = array<i32>} : memref<64x128xf32, #tpu.memory_space<vmem>>, vector<1x16xf32>,
        %get3A_250 = vector.shape_cast %get3A_249 : vector<1x16xf32> to vector<16xf32>
        %add3A_251 = arith.addf %add3A_246, %get3A_250 : vector<16xf32>
        %max3A_252 = arith.constant 0.000000e+00 : f32
        %max3A_253 = vector.broadcast %max3A_252 : f32 to vector<16xf32>
        %max3A_254 = arith.maximumf %add3A_251, %max3A_253 : vector<16xf32>
        %swap3A_255 = arith.index_cast %scan3A_217 : i32 to index
        %swap3A_256 = arith.constant 16 : index
        %swap3A_257 = tpu.vector_load %arg16[%swap3A_255, %swap3A_256] {strides = array<i32>} : memref<64x128xf32, #tpu.memory_space<vmem>>, vector<1x16xf32>,
        %swap3A_258 = vector.shape_cast %swap3A_257 : vector<1x16xf32> to vector<16xf32>
        %swap3A_259 = vector.shape_cast %max3A_254 : vector<16xf32> to vector<1x16xf32>
        tpu.vector_store %arg16[%swap3A_255, %swap3A_256], %swap3A_259 {strides = array<i32>} : memref<64x128xf32, #tpu.memory_space<vmem>>, vector<1x16xf32>,
        %get3A_260 = arith.index_cast %scan3A_217 : i32 to index
        %get3A_261 = arith.constant 32 : index
        %get3A_262 = tpu.vector_load %arg10[%get3A_260, %get3A_261] {strides = array<i32>} : memref<64x128xf32, #tpu.memory_space<vmem>>, vector<1x16xf32>,
        %get3A_263 = vector.shape_cast %get3A_262 : vector<1x16xf32> to vector<16xf32>
        %get3A_264 = arith.index_cast %scan3A_217 : i32 to index
        %get3A_265 = arith.constant 32 : index
        %get3A_266 = tpu.vector_load %arg12[%get3A_264, %get3A_265] {strides = array<i32>} : memref<64x128xf32, #tpu.memory_space<vmem>>, vector<1x16xf32>,
        %get3A_267 = vector.shape_cast %get3A_266 : vector<1x16xf32> to vector<16xf32>
        %add3A_268 = arith.addf %get3A_263, %get3A_267 : vector<16xf32>
        %get3A_269 = arith.index_cast %scan3A_217 : i32 to index
        %get3A_270 = arith.constant 32 : index
        %get3A_271 = tpu.vector_load %arg14[%get3A_269, %get3A_270] {strides = array<i32>} : memref<64x128xf32, #tpu.memory_space<vmem>>, vector<1x16xf32>,
        %get3A_272 = vector.shape_cast %get3A_271 : vector<1x16xf32> to vector<16xf32>
        %add3A_273 = arith.addf %add3A_268, %get3A_272 : vector<16xf32>
        %max3A_274 = arith.constant 0.000000e+00 : f32
        %max3A_275 = vector.broadcast %max3A_274 : f32 to vector<16xf32>
        %max3A_276 = arith.maximumf %add3A_273, %max3A_275 : vector<16xf32>
        %swap3A_277 = arith.index_cast %scan3A_217 : i32 to index
        %swap3A_278 = arith.constant 32 : index
        %swap3A_279 = tpu.vector_load %arg16[%swap3A_277, %swap3A_278] {strides = array<i32>} : memref<64x128xf32, #tpu.memory_space<vmem>>, vector<1x16xf32>,
        %swap3A_280 = vector.shape_cast %swap3A_279 : vector<1x16xf32> to vector<16xf32>
        %swap3A_281 = vector.shape_cast %max3A_276 : vector<16xf32> to vector<1x16xf32>
        tpu.vector_store %arg16[%swap3A_277, %swap3A_278], %swap3A_281 {strides = array<i32>} : memref<64x128xf32, #tpu.memory_space<vmem>>, vector<1x16xf32>,
        %get3A_282 = arith.index_cast %scan3A_217 : i32 to index
        %get3A_283 = arith.constant 48 : index
        %get3A_284 = tpu.vector_load %arg10[%get3A_282, %get3A_283] {strides = array<i32>} : memref<64x128xf32, #tpu.memory_space<vmem>>, vector<1x16xf32>,
        %get3A_285 = vector.shape_cast %get3A_284 : vector<1x16xf32> to vector<16xf32>
        %get3A_286 = arith.index_cast %scan3A_217 : i32 to index
        %get3A_287 = arith.constant 48 : index
        %get3A_288 = tpu.vector_load %arg12[%get3A_286, %get3A_287] {strides = array<i32>} : memref<64x128xf32, #tpu.memory_space<vmem>>, vector<1x16xf32>,
        %get3A_289 = vector.shape_cast %get3A_288 : vector<1x16xf32> to vector<16xf32>
        %add3A_290 = arith.addf %get3A_285, %get3A_289 : vector<16xf32>
        %get3A_291 = arith.index_cast %scan3A_217 : i32 to index
        %get3A_292 = arith.constant 48 : index
        %get3A_293 = tpu.vector_load %arg14[%get3A_291, %get3A_292] {strides = array<i32>} : memref<64x128xf32, #tpu.memory_space<vmem>>, vector<1x16xf32>,
        %get3A_294 = vector.shape_cast %get3A_293 : vector<1x16xf32> to vector<16xf32>
        %add3A_295 = arith.addf %add3A_290, %get3A_294 : vector<16xf32>
        %max3A_296 = arith.constant 0.000000e+00 : f32
        %max3A_297 = vector.broadcast %max3A_296 : f32 to vector<16xf32>
        %max3A_298 = arith.maximumf %add3A_295, %max3A_297 : vector<16xf32>
        %swap3A_299 = arith.index_cast %scan3A_217 : i32 to index
        %swap3A_300 = arith.constant 48 : index
        %swap3A_301 = tpu.vector_load %arg16[%swap3A_299, %swap3A_300] {strides = array<i32>} : memref<64x128xf32, #tpu.memory_space<vmem>>, vector<1x16xf32>,
        %swap3A_302 = vector.shape_cast %swap3A_301 : vector<1x16xf32> to vector<16xf32>
        %swap3A_303 = vector.shape_cast %max3A_298 : vector<16xf32> to vector<1x16xf32>
        tpu.vector_store %arg16[%swap3A_299, %swap3A_300], %swap3A_303 {strides = array<i32>} : memref<64x128xf32, #tpu.memory_space<vmem>>, vector<1x16xf32>,
        %get3A_304 = arith.index_cast %scan3A_217 : i32 to index
        %get3A_305 = arith.constant 64 : index
        %get3A_306 = tpu.vector_load %arg10[%get3A_304, %get3A_305] {strides = array<i32>} : memref<64x128xf32, #tpu.memory_space<vmem>>, vector<1x16xf32>,
        %get3A_307 = vector.shape_cast %get3A_306 : vector<1x16xf32> to vector<16xf32>
        %get3A_308 = arith.index_cast %scan3A_217 : i32 to index
        %get3A_309 = arith.constant 64 : index
        %get3A_310 = tpu.vector_load %arg12[%get3A_308, %get3A_309] {strides = array<i32>} : memref<64x128xf32, #tpu.memory_space<vmem>>, vector<1x16xf32>,
        %get3A_311 = vector.shape_cast %get3A_310 : vector<1x16xf32> to vector<16xf32>
        %add3A_312 = arith.addf %get3A_307, %get3A_311 : vector<16xf32>
        %get3A_313 = arith.index_cast %scan3A_217 : i32 to index
        %get3A_314 = arith.constant 64 : index
        %get3A_315 = tpu.vector_load %arg14[%get3A_313, %get3A_314] {strides = array<i32>} : memref<64x128xf32, #tpu.memory_space<vmem>>, vector<1x16xf32>,
        %get3A_316 = vector.shape_cast %get3A_315 : vector<1x16xf32> to vector<16xf32>
        %add3A_317 = arith.addf %add3A_312, %get3A_316 : vector<16xf32>
        %max3A_318 = arith.constant 0.000000e+00 : f32
        %max3A_319 = vector.broadcast %max3A_318 : f32 to vector<16xf32>
        %max3A_320 = arith.maximumf %add3A_317, %max3A_319 : vector<16xf32>
        %swap3A_321 = arith.index_cast %scan3A_217 : i32 to index
        %swap3A_322 = arith.constant 64 : index
        %swap3A_323 = tpu.vector_load %arg16[%swap3A_321, %swap3A_322] {strides = array<i32>} : memref<64x128xf32, #tpu.memory_space<vmem>>, vector<1x16xf32>,
        %swap3A_324 = vector.shape_cast %swap3A_323 : vector<1x16xf32> to vector<16xf32>
        %swap3A_325 = vector.shape_cast %max3A_320 : vector<16xf32> to vector<1x16xf32>
        tpu.vector_store %arg16[%swap3A_321, %swap3A_322], %swap3A_325 {strides = array<i32>} : memref<64x128xf32, #tpu.memory_space<vmem>>, vector<1x16xf32>,
        %get3A_326 = arith.index_cast %scan3A_217 : i32 to index
        %get3A_327 = arith.constant 80 : index
        %get3A_328 = tpu.vector_load %arg10[%get3A_326, %get3A_327] {strides = array<i32>} : memref<64x128xf32, #tpu.memory_space<vmem>>, vector<1x16xf32>,
        %get3A_329 = vector.shape_cast %get3A_328 : vector<1x16xf32> to vector<16xf32>
        %get3A_330 = arith.index_cast %scan3A_217 : i32 to index
        %get3A_331 = arith.constant 80 : index
        %get3A_332 = tpu.vector_load %arg12[%get3A_330, %get3A_331] {strides = array<i32>} : memref<64x128xf32, #tpu.memory_space<vmem>>, vector<1x16xf32>,
        %get3A_333 = vector.shape_cast %get3A_332 : vector<1x16xf32> to vector<16xf32>
        %add3A_334 = arith.addf %get3A_329, %get3A_333 : vector<16xf32>
        %get3A_335 = arith.index_cast %scan3A_217 : i32 to index
        %get3A_336 = arith.constant 80 : index
        %get3A_337 = tpu.vector_load %arg14[%get3A_335, %get3A_336] {strides = array<i32>} : memref<64x128xf32, #tpu.memory_space<vmem>>, vector<1x16xf32>,
        %get3A_338 = vector.shape_cast %get3A_337 : vector<1x16xf32> to vector<16xf32>
        %add3A_339 = arith.addf %add3A_334, %get3A_338 : vector<16xf32>
        %max3A_340 = arith.constant 0.000000e+00 : f32
        %max3A_341 = vector.broadcast %max3A_340 : f32 to vector<16xf32>
        %max3A_342 = arith.maximumf %add3A_339, %max3A_341 : vector<16xf32>
        %swap3A_343 = arith.index_cast %scan3A_217 : i32 to index
        %swap3A_344 = arith.constant 80 : index
        %swap3A_345 = tpu.vector_load %arg16[%swap3A_343, %swap3A_344] {strides = array<i32>} : memref<64x128xf32, #tpu.memory_space<vmem>>, vector<1x16xf32>,
        %swap3A_346 = vector.shape_cast %swap3A_345 : vector<1x16xf32> to vector<16xf32>
        %swap3A_347 = vector.shape_cast %max3A_342 : vector<16xf32> to vector<1x16xf32>
        tpu.vector_store %arg16[%swap3A_343, %swap3A_344], %swap3A_347 {strides = array<i32>} : memref<64x128xf32, #tpu.memory_space<vmem>>, vector<1x16xf32>,
        %get3A_348 = arith.index_cast %scan3A_217 : i32 to index
        %get3A_349 = arith.constant 96 : index
        %get3A_350 = tpu.vector_load %arg10[%get3A_348, %get3A_349] {strides = array<i32>} : memref<64x128xf32, #tpu.memory_space<vmem>>, vector<1x16xf32>,
        %get3A_351 = vector.shape_cast %get3A_350 : vector<1x16xf32> to vector<16xf32>
        %get3A_352 = arith.index_cast %scan3A_217 : i32 to index
        %get3A_353 = arith.constant 96 : index
        %get3A_354 = tpu.vector_load %arg12[%get3A_352, %get3A_353] {strides = array<i32>} : memref<64x128xf32, #tpu.memory_space<vmem>>, vector<1x16xf32>,
        %get3A_355 = vector.shape_cast %get3A_354 : vector<1x16xf32> to vector<16xf32>
        %add3A_356 = arith.addf %get3A_351, %get3A_355 : vector<16xf32>
        %get3A_357 = arith.index_cast %scan3A_217 : i32 to index
        %get3A_358 = arith.constant 96 : index
        %get3A_359 = tpu.vector_load %arg14[%get3A_357, %get3A_358] {strides = array<i32>} : memref<64x128xf32, #tpu.memory_space<vmem>>, vector<1x16xf32>,
        %get3A_360 = vector.shape_cast %get3A_359 : vector<1x16xf32> to vector<16xf32>
        %add3A_361 = arith.addf %add3A_356, %get3A_360 : vector<16xf32>
        %max3A_362 = arith.constant 0.000000e+00 : f32
        %max3A_363 = vector.broadcast %max3A_362 : f32 to vector<16xf32>
        %max3A_364 = arith.maximumf %add3A_361, %max3A_363 : vector<16xf32>
        %swap3A_365 = arith.index_cast %scan3A_217 : i32 to index
        %swap3A_366 = arith.constant 96 : index
        %swap3A_367 = tpu.vector_load %arg16[%swap3A_365, %swap3A_366] {strides = array<i32>} : memref<64x128xf32, #tpu.memory_space<vmem>>, vector<1x16xf32>,
        %swap3A_368 = vector.shape_cast %swap3A_367 : vector<1x16xf32> to vector<16xf32>
        %swap3A_369 = vector.shape_cast %max3A_364 : vector<16xf32> to vector<1x16xf32>
        tpu.vector_store %arg16[%swap3A_365, %swap3A_366], %swap3A_369 {strides = array<i32>} : memref<64x128xf32, #tpu.memory_space<vmem>>, vector<1x16xf32>,
        %get3A_370 = arith.index_cast %scan3A_217 : i32 to index
        %get3A_371 = arith.constant 112 : index
        %get3A_372 = tpu.vector_load %arg10[%get3A_370, %get3A_371] {strides = array<i32>} : memref<64x128xf32, #tpu.memory_space<vmem>>, vector<1x16xf32>,
        %get3A_373 = vector.shape_cast %get3A_372 : vector<1x16xf32> to vector<16xf32>
        %get3A_374 = arith.index_cast %scan3A_217 : i32 to index
        %get3A_375 = arith.constant 112 : index
        %get3A_376 = tpu.vector_load %arg12[%get3A_374, %get3A_375] {strides = array<i32>} : memref<64x128xf32, #tpu.memory_space<vmem>>, vector<1x16xf32>,
        %get3A_377 = vector.shape_cast %get3A_376 : vector<1x16xf32> to vector<16xf32>
        %add3A_378 = arith.addf %get3A_373, %get3A_377 : vector<16xf32>
        %get3A_379 = arith.index_cast %scan3A_217 : i32 to index
        %get3A_380 = arith.constant 112 : index
        %get3A_381 = tpu.vector_load %arg14[%get3A_379, %get3A_380] {strides = array<i32>} : memref<64x128xf32, #tpu.memory_space<vmem>>, vector<1x16xf32>,
        %get3A_382 = vector.shape_cast %get3A_381 : vector<1x16xf32> to vector<16xf32>
        %add3A_383 = arith.addf %add3A_378, %get3A_382 : vector<16xf32>
        %max3A_384 = arith.constant 0.000000e+00 : f32
        %max3A_385 = vector.broadcast %max3A_384 : f32 to vector<16xf32>
        %max3A_386 = arith.maximumf %add3A_383, %max3A_385 : vector<16xf32>
        %swap3A_387 = arith.index_cast %scan3A_217 : i32 to index
        %swap3A_388 = arith.constant 112 : index
        %swap3A_389 = tpu.vector_load %arg16[%swap3A_387, %swap3A_388] {strides = array<i32>} : memref<64x128xf32, #tpu.memory_space<vmem>>, vector<1x16xf32>,
        %swap3A_390 = vector.shape_cast %swap3A_389 : vector<1x16xf32> to vector<16xf32>
        %swap3A_391 = vector.shape_cast %max3A_386 : vector<16xf32> to vector<1x16xf32>
        tpu.vector_store %arg16[%swap3A_387, %swap3A_388], %swap3A_391 {strides = array<i32>} : memref<64x128xf32, #tpu.memory_space<vmem>>, vector<1x16xf32>,
        %scan3A_392 = arith.constant 0 : i32
        scf.yield %scan3A_392 : i32
      }
      %scan3A_142 = arith.constant 64 : i32
      %dma_start3A_143 = arith.constant 0 : i32
      %dma_start3A_144 = tpu.memref_slice %arg9[%add3A_89, %dma_start3A_143] : memref<64x64xi32, #tpu.memory_space<vmem>> -> memref<1x64xi32, #tpu.memory_space<vmem>>
      %dma_start3A_145 = tpu.memref_squeeze %dma_start3A_144 : memref<1x64xi32, #tpu.memory_space<vmem>> -> memref<64xi32, #tpu.memory_space<vmem>>
      %dma_start3A_146 = arith.constant 0 : i32
      %dma_start3A_147 = arith.constant 0 : i32
      %dma_start3A_148 = tpu.memref_slice %arg18[%dma_start3A_146, %dma_start3A_147] : memref<4096x128xf32, #tpu.memory_space<vmem_shared>> -> memref<4096x128xf32, #tpu.memory_space<vmem_shared>>
      tpu.enqueue_indirect_dma source(%arg16 : memref<64x128xf32, #tpu.memory_space<vmem>>) target(%dma_start3A_148 : memref<4096x128xf32, #tpu.memory_space<vmem_shared>>) offsets(%dma_start3A_145 : memref<64xi32, #tpu.memory_space<vmem>>) semaphore(%arg25 : memref<!tpu.dma_semaphore, #tpu.memory_space<semaphore_mem>>) {add = true}
      %mul3A_149 = arith.constant 2 : i32
      %mul3A_150 = arith.muli %mul3A_149, %scan3A_84 : i32
      %add3A_151 = arith.constant 1 : i32
      %add3A_152 = arith.addi %mul3A_150, %add3A_151 : i32
      %dma_wait3A_153 = arith.constant 0 : i32
      %dma_wait3A_154 = arith.constant 0 : i32
      %dma_wait3A_155 = tpu.memref_slice %arg8[%dma_wait3A_153, %dma_wait3A_154] : memref<64x64xi32, #tpu.memory_space<vmem>> -> memref<1x64xi32, #tpu.memory_space<vmem>>
      %dma_wait3A_156 = tpu.memref_squeeze %dma_wait3A_155 : memref<1x64xi32, #tpu.memory_space<vmem>> -> memref<64xi32, #tpu.memory_space<vmem>>
      %dma_wait3A_157 = arith.constant 0 : i32
      %dma_wait3A_158 = arith.constant 0 : i32
      %dma_wait3A_159 = tpu.memref_slice %arg4[%dma_wait3A_157, %dma_wait3A_158] : memref<4096x128xf32, #tpu.memory_space<hbm>> -> memref<4096x128xf32, #tpu.memory_space<hbm>>
      tpu.wait_indirect_dma semaphore(%arg20 : memref<!tpu.dma_semaphore, #tpu.memory_space<semaphore_mem>>) src(%dma_wait3A_159 : memref<4096x128xf32, #tpu.memory_space<hbm>>) dst(%arg11 : memref<64x128xf32, #tpu.memory_space<vmem>>)
      %dma_wait3A_160 = arith.constant 0 : i32
      %dma_wait3A_161 = arith.constant 0 : i32
      %dma_wait3A_162 = tpu.memref_slice %arg9[%dma_wait3A_160, %dma_wait3A_161] : memref<64x64xi32, #tpu.memory_space<vmem>> -> memref<1x64xi32, #tpu.memory_space<vmem>>
      %dma_wait3A_163 = tpu.memref_squeeze %dma_wait3A_162 : memref<1x64xi32, #tpu.memory_space<vmem>> -> memref<64xi32, #tpu.memory_space<vmem>>
      %dma_wait3A_164 = arith.constant 0 : i32
      %dma_wait3A_165 = arith.constant 0 : i32
      %dma_wait3A_166 = tpu.memref_slice %arg5[%dma_wait3A_164, %dma_wait3A_165] : memref<4096x128xf32, #tpu.memory_space<hbm>> -> memref<4096x128xf32, #tpu.memory_space<hbm>>
      tpu.wait_indirect_dma semaphore(%arg22 : memref<!tpu.dma_semaphore, #tpu.memory_space<semaphore_mem>>) src(%dma_wait3A_166 : memref<4096x128xf32, #tpu.memory_space<hbm>>) dst(%arg13 : memref<64x128xf32, #tpu.memory_space<vmem>>)
      %dma_wait3A_167 = arith.constant 0 : i32
      %dma_wait3A_168 = arith.constant 0 : i32
      %dma_wait3A_169 = tpu.memref_slice %arg6[%dma_wait3A_167, %dma_wait3A_168] : memref<131072x128xf32, #tpu.memory_space<hbm>> -> memref<64x128xf32, #tpu.memory_space<hbm>>
      %dma_wait3A_170 = arith.constant 0 : i32
      %dma_wait3A_171 = arith.constant 0 : i32
      %dma_wait3A_172 = tpu.memref_slice %arg6[%dma_wait3A_170, %dma_wait3A_171] : memref<131072x128xf32, #tpu.memory_space<hbm>> -> memref<64x128xf32, #tpu.memory_space<hbm>>
      tpu.wait_dma2 semaphore(%arg24 : memref<!tpu.dma_semaphore, #tpu.memory_space<semaphore_mem>>) src(%dma_wait3A_172 : memref<64x128xf32, #tpu.memory_space<hbm>>) dst(%arg15 : memref<64x128xf32, #tpu.memory_space<vmem>>)
      %add3A_173 = arith.constant 1 : i32
      %add3A_174 = arith.addi %add3A_152, %add3A_173 : i32
      %rem3A_175 = arith.constant 64 : i32
      %rem3A_176 = arith.remsi %add3A_174, %rem3A_175 : i32
      %mul3A_177 = arith.constant 4096 : i32
      %mul3A_178 = arith.muli %add3A, %mul3A_177 : i32
      %mul3A_179 = arith.constant 64 : i32
      %mul3A_180 = arith.muli %rem3A_176, %mul3A_179 : i32
      %add3A_181 = arith.addi %mul3A_178, %mul3A_180 : i32
      %dma_start3A_182 = arith.constant 0 : i32
      %dma_start3A_183 = tpu.memref_slice %arg8[%rem3A_176, %dma_start3A_182] : memref<64x64xi32, #tpu.memory_space<vmem>> -> memref<1x64xi32, #tpu.memory_space<vmem>>
      %dma_start3A_184 = tpu.memref_squeeze %dma_start3A_183 : memref<1x64xi32, #tpu.memory_space<vmem>> -> memref<64xi32, #tpu.memory_space<vmem>>
      %dma_start3A_185 = arith.constant 0 : i32
      %dma_start3A_186 = arith.constant 0 : i32
      %dma_start3A_187 = tpu.memref_slice %arg4[%dma_start3A_185, %dma_start3A_186] : memref<4096x128xf32, #tpu.memory_space<hbm>> -> memref<4096x128xf32, #tpu.memory_space<hbm>>
      tpu.enqueue_indirect_dma source(%dma_start3A_187 : memref<4096x128xf32, #tpu.memory_space<hbm>>) target(%arg10 : memref<64x128xf32, #tpu.memory_space<vmem>>) offsets(%dma_start3A_184 : memref<64xi32, #tpu.memory_space<vmem>>) semaphore(%arg19 : memref<!tpu.dma_semaphore, #tpu.memory_space<semaphore_mem>>)
      %dma_start3A_188 = arith.constant 0 : i32
      %dma_start3A_189 = tpu.memref_slice %arg9[%rem3A_176, %dma_start3A_188] : memref<64x64xi32, #tpu.memory_space<vmem>> -> memref<1x64xi32, #tpu.memory_space<vmem>>
      %dma_start3A_190 = tpu.memref_squeeze %dma_start3A_189 : memref<1x64xi32, #tpu.memory_space<vmem>> -> memref<64xi32, #tpu.memory_space<vmem>>
      %dma_start3A_191 = arith.constant 0 : i32
      %dma_start3A_192 = arith.constant 0 : i32
      %dma_start3A_193 = tpu.memref_slice %arg5[%dma_start3A_191, %dma_start3A_192] : memref<4096x128xf32, #tpu.memory_space<hbm>> -> memref<4096x128xf32, #tpu.memory_space<hbm>>
      tpu.enqueue_indirect_dma source(%dma_start3A_193 : memref<4096x128xf32, #tpu.memory_space<hbm>>) target(%arg12 : memref<64x128xf32, #tpu.memory_space<vmem>>) offsets(%dma_start3A_190 : memref<64xi32, #tpu.memory_space<vmem>>) semaphore(%arg21 : memref<!tpu.dma_semaphore, #tpu.memory_space<semaphore_mem>>)
      %dma_start3A_194 = arith.constant 0 : i32
      %dma_start3A_195 = tpu.memref_slice %arg6[%add3A_181, %dma_start3A_194] : memref<131072x128xf32, #tpu.memory_space<hbm>> -> memref<64x128xf32, #tpu.memory_space<hbm>>
      %dma_start3A_196 = arith.constant 0 : i32
      %dma_start3A_197 = tpu.memref_slice %arg6[%add3A_181, %dma_start3A_196] : memref<131072x128xf32, #tpu.memory_space<hbm>> -> memref<64x128xf32, #tpu.memory_space<hbm>>
      tpu.enqueue_dma source(%dma_start3A_197 : memref<64x128xf32, #tpu.memory_space<hbm>>) target(%arg14 : memref<64x128xf32, #tpu.memory_space<vmem>>) target_semaphore(%arg23 : memref<!tpu.dma_semaphore, #tpu.memory_space<semaphore_mem>>)
      %ge3A_198 = arith.constant 1 : i32
      %ge3A_199 = arith.cmpi sge, %scan3A_84, %ge3A_198 : i32
      %convert_element_type3A_200 = arith.extui %ge3A_199 : i1 to i32
      %cond3A_201 = arith.constant 0 : i32
      %cond3A_202 = arith.cmpi ne, %convert_element_type3A_200, %cond3A_201 : i32
      scf.if %cond3A_202 {
        %dma_wait3A_217 = arith.constant 0 : i32
        %dma_wait3A_218 = arith.constant 0 : i32
        %dma_wait3A_219 = tpu.memref_slice %arg9[%dma_wait3A_217, %dma_wait3A_218] : memref<64x64xi32, #tpu.memory_space<vmem>> -> memref<1x64xi32, #tpu.memory_space<vmem>>
        %dma_wait3A_220 = tpu.memref_squeeze %dma_wait3A_219 : memref<1x64xi32, #tpu.memory_space<vmem>> -> memref<64xi32, #tpu.memory_space<vmem>>
        %dma_wait3A_221 = arith.constant 0 : i32
        %dma_wait3A_222 = arith.constant 0 : i32
        %dma_wait3A_223 = tpu.memref_slice %arg18[%dma_wait3A_221, %dma_wait3A_222] : memref<4096x128xf32, #tpu.memory_space<vmem_shared>> -> memref<4096x128xf32, #tpu.memory_space<vmem_shared>>
        tpu.wait_indirect_dma semaphore(%arg26 : memref<!tpu.dma_semaphore, #tpu.memory_space<semaphore_mem>>) src(%arg17 : memref<64x128xf32, #tpu.memory_space<vmem>>) dst(%dma_wait3A_223 : memref<4096x128xf32, #tpu.memory_space<vmem_shared>>)
      } else {
      }
      %scan3A_203 = arith.constant 0 : i32
      %scan3A_204 = arith.constant 0 : i32
      %scan3A_205 = arith.constant 64 : i32
      %scan3A_206 = arith.addi %scan3A_204, %scan3A_205 : i32
      %scan3A_207 = arith.constant 1 : i32
      %scan3A_208 = scf.for %scan3A_217 = %scan3A_204 to %scan3A_206 step %scan3A_207 iter_args(%scan3A_218 = %scan3A_203) -> (i32)  : i32 {
        %get3A = arith.index_cast %scan3A_217 : i32 to index
        %get3A_219 = arith.constant 0 : index
        %get3A_220 = tpu.vector_load %arg11[%get3A, %get3A_219] {strides = array<i32>} : memref<64x128xf32, #tpu.memory_space<vmem>>, vector<1x16xf32>,
        %get3A_221 = vector.shape_cast %get3A_220 : vector<1x16xf32> to vector<16xf32>
        %get3A_222 = arith.index_cast %scan3A_217 : i32 to index
        %get3A_223 = arith.constant 0 : index
        %get3A_224 = tpu.vector_load %arg13[%get3A_222, %get3A_223] {strides = array<i32>} : memref<64x128xf32, #tpu.memory_space<vmem>>, vector<1x16xf32>,
        %get3A_225 = vector.shape_cast %get3A_224 : vector<1x16xf32> to vector<16xf32>
        %add3A_226 = arith.addf %get3A_221, %get3A_225 : vector<16xf32>
        %get3A_227 = arith.index_cast %scan3A_217 : i32 to index
        %get3A_228 = arith.constant 0 : index
        %get3A_229 = tpu.vector_load %arg15[%get3A_227, %get3A_228] {strides = array<i32>} : memref<64x128xf32, #tpu.memory_space<vmem>>, vector<1x16xf32>,
        %get3A_230 = vector.shape_cast %get3A_229 : vector<1x16xf32> to vector<16xf32>
        %add3A_231 = arith.addf %add3A_226, %get3A_230 : vector<16xf32>
        %max3A = arith.constant 0.000000e+00 : f32
        %max3A_232 = vector.broadcast %max3A : f32 to vector<16xf32>
        %max3A_233 = arith.maximumf %add3A_231, %max3A_232 : vector<16xf32>
        %swap3A = arith.index_cast %scan3A_217 : i32 to index
        %swap3A_234 = arith.constant 0 : index
        %swap3A_235 = tpu.vector_load %arg17[%swap3A, %swap3A_234] {strides = array<i32>} : memref<64x128xf32, #tpu.memory_space<vmem>>, vector<1x16xf32>,
        %swap3A_236 = vector.shape_cast %swap3A_235 : vector<1x16xf32> to vector<16xf32>
        %swap3A_237 = vector.shape_cast %max3A_233 : vector<16xf32> to vector<1x16xf32>
        tpu.vector_store %arg17[%swap3A, %swap3A_234], %swap3A_237 {strides = array<i32>} : memref<64x128xf32, #tpu.memory_space<vmem>>, vector<1x16xf32>,
        %get3A_238 = arith.index_cast %scan3A_217 : i32 to index
        %get3A_239 = arith.constant 16 : index
        %get3A_240 = tpu.vector_load %arg11[%get3A_238, %get3A_239] {strides = array<i32>} : memref<64x128xf32, #tpu.memory_space<vmem>>, vector<1x16xf32>,
        %get3A_241 = vector.shape_cast %get3A_240 : vector<1x16xf32> to vector<16xf32>
        %get3A_242 = arith.index_cast %scan3A_217 : i32 to index
        %get3A_243 = arith.constant 16 : index
        %get3A_244 = tpu.vector_load %arg13[%get3A_242, %get3A_243] {strides = array<i32>} : memref<64x128xf32, #tpu.memory_space<vmem>>, vector<1x16xf32>,
        %get3A_245 = vector.shape_cast %get3A_244 : vector<1x16xf32> to vector<16xf32>
        %add3A_246 = arith.addf %get3A_241, %get3A_245 : vector<16xf32>
        %get3A_247 = arith.index_cast %scan3A_217 : i32 to index
        %get3A_248 = arith.constant 16 : index
        %get3A_249 = tpu.vector_load %arg15[%get3A_247, %get3A_248] {strides = array<i32>} : memref<64x128xf32, #tpu.memory_space<vmem>>, vector<1x16xf32>,
        %get3A_250 = vector.shape_cast %get3A_249 : vector<1x16xf32> to vector<16xf32>
        %add3A_251 = arith.addf %add3A_246, %get3A_250 : vector<16xf32>
        %max3A_252 = arith.constant 0.000000e+00 : f32
        %max3A_253 = vector.broadcast %max3A_252 : f32 to vector<16xf32>
        %max3A_254 = arith.maximumf %add3A_251, %max3A_253 : vector<16xf32>
        %swap3A_255 = arith.index_cast %scan3A_217 : i32 to index
        %swap3A_256 = arith.constant 16 : index
        %swap3A_257 = tpu.vector_load %arg17[%swap3A_255, %swap3A_256] {strides = array<i32>} : memref<64x128xf32, #tpu.memory_space<vmem>>, vector<1x16xf32>,
        %swap3A_258 = vector.shape_cast %swap3A_257 : vector<1x16xf32> to vector<16xf32>
        %swap3A_259 = vector.shape_cast %max3A_254 : vector<16xf32> to vector<1x16xf32>
        tpu.vector_store %arg17[%swap3A_255, %swap3A_256], %swap3A_259 {strides = array<i32>} : memref<64x128xf32, #tpu.memory_space<vmem>>, vector<1x16xf32>,
        %get3A_260 = arith.index_cast %scan3A_217 : i32 to index
        %get3A_261 = arith.constant 32 : index
        %get3A_262 = tpu.vector_load %arg11[%get3A_260, %get3A_261] {strides = array<i32>} : memref<64x128xf32, #tpu.memory_space<vmem>>, vector<1x16xf32>,
        %get3A_263 = vector.shape_cast %get3A_262 : vector<1x16xf32> to vector<16xf32>
        %get3A_264 = arith.index_cast %scan3A_217 : i32 to index
        %get3A_265 = arith.constant 32 : index
        %get3A_266 = tpu.vector_load %arg13[%get3A_264, %get3A_265] {strides = array<i32>} : memref<64x128xf32, #tpu.memory_space<vmem>>, vector<1x16xf32>,
        %get3A_267 = vector.shape_cast %get3A_266 : vector<1x16xf32> to vector<16xf32>
        %add3A_268 = arith.addf %get3A_263, %get3A_267 : vector<16xf32>
        %get3A_269 = arith.index_cast %scan3A_217 : i32 to index
        %get3A_270 = arith.constant 32 : index
        %get3A_271 = tpu.vector_load %arg15[%get3A_269, %get3A_270] {strides = array<i32>} : memref<64x128xf32, #tpu.memory_space<vmem>>, vector<1x16xf32>,
        %get3A_272 = vector.shape_cast %get3A_271 : vector<1x16xf32> to vector<16xf32>
        %add3A_273 = arith.addf %add3A_268, %get3A_272 : vector<16xf32>
        %max3A_274 = arith.constant 0.000000e+00 : f32
        %max3A_275 = vector.broadcast %max3A_274 : f32 to vector<16xf32>
        %max3A_276 = arith.maximumf %add3A_273, %max3A_275 : vector<16xf32>
        %swap3A_277 = arith.index_cast %scan3A_217 : i32 to index
        %swap3A_278 = arith.constant 32 : index
        %swap3A_279 = tpu.vector_load %arg17[%swap3A_277, %swap3A_278] {strides = array<i32>} : memref<64x128xf32, #tpu.memory_space<vmem>>, vector<1x16xf32>,
        %swap3A_280 = vector.shape_cast %swap3A_279 : vector<1x16xf32> to vector<16xf32>
        %swap3A_281 = vector.shape_cast %max3A_276 : vector<16xf32> to vector<1x16xf32>
        tpu.vector_store %arg17[%swap3A_277, %swap3A_278], %swap3A_281 {strides = array<i32>} : memref<64x128xf32, #tpu.memory_space<vmem>>, vector<1x16xf32>,
        %get3A_282 = arith.index_cast %scan3A_217 : i32 to index
        %get3A_283 = arith.constant 48 : index
        %get3A_284 = tpu.vector_load %arg11[%get3A_282, %get3A_283] {strides = array<i32>} : memref<64x128xf32, #tpu.memory_space<vmem>>, vector<1x16xf32>,
        %get3A_285 = vector.shape_cast %get3A_284 : vector<1x16xf32> to vector<16xf32>
        %get3A_286 = arith.index_cast %scan3A_217 : i32 to index
        %get3A_287 = arith.constant 48 : index
        %get3A_288 = tpu.vector_load %arg13[%get3A_286, %get3A_287] {strides = array<i32>} : memref<64x128xf32, #tpu.memory_space<vmem>>, vector<1x16xf32>,
        %get3A_289 = vector.shape_cast %get3A_288 : vector<1x16xf32> to vector<16xf32>
        %add3A_290 = arith.addf %get3A_285, %get3A_289 : vector<16xf32>
        %get3A_291 = arith.index_cast %scan3A_217 : i32 to index
        %get3A_292 = arith.constant 48 : index
        %get3A_293 = tpu.vector_load %arg15[%get3A_291, %get3A_292] {strides = array<i32>} : memref<64x128xf32, #tpu.memory_space<vmem>>, vector<1x16xf32>,
        %get3A_294 = vector.shape_cast %get3A_293 : vector<1x16xf32> to vector<16xf32>
        %add3A_295 = arith.addf %add3A_290, %get3A_294 : vector<16xf32>
        %max3A_296 = arith.constant 0.000000e+00 : f32
        %max3A_297 = vector.broadcast %max3A_296 : f32 to vector<16xf32>
        %max3A_298 = arith.maximumf %add3A_295, %max3A_297 : vector<16xf32>
        %swap3A_299 = arith.index_cast %scan3A_217 : i32 to index
        %swap3A_300 = arith.constant 48 : index
        %swap3A_301 = tpu.vector_load %arg17[%swap3A_299, %swap3A_300] {strides = array<i32>} : memref<64x128xf32, #tpu.memory_space<vmem>>, vector<1x16xf32>,
        %swap3A_302 = vector.shape_cast %swap3A_301 : vector<1x16xf32> to vector<16xf32>
        %swap3A_303 = vector.shape_cast %max3A_298 : vector<16xf32> to vector<1x16xf32>
        tpu.vector_store %arg17[%swap3A_299, %swap3A_300], %swap3A_303 {strides = array<i32>} : memref<64x128xf32, #tpu.memory_space<vmem>>, vector<1x16xf32>,
        %get3A_304 = arith.index_cast %scan3A_217 : i32 to index
        %get3A_305 = arith.constant 64 : index
        %get3A_306 = tpu.vector_load %arg11[%get3A_304, %get3A_305] {strides = array<i32>} : memref<64x128xf32, #tpu.memory_space<vmem>>, vector<1x16xf32>,
        %get3A_307 = vector.shape_cast %get3A_306 : vector<1x16xf32> to vector<16xf32>
        %get3A_308 = arith.index_cast %scan3A_217 : i32 to index
        %get3A_309 = arith.constant 64 : index
        %get3A_310 = tpu.vector_load %arg13[%get3A_308, %get3A_309] {strides = array<i32>} : memref<64x128xf32, #tpu.memory_space<vmem>>, vector<1x16xf32>,
        %get3A_311 = vector.shape_cast %get3A_310 : vector<1x16xf32> to vector<16xf32>
        %add3A_312 = arith.addf %get3A_307, %get3A_311 : vector<16xf32>
        %get3A_313 = arith.index_cast %scan3A_217 : i32 to index
        %get3A_314 = arith.constant 64 : index
        %get3A_315 = tpu.vector_load %arg15[%get3A_313, %get3A_314] {strides = array<i32>} : memref<64x128xf32, #tpu.memory_space<vmem>>, vector<1x16xf32>,
        %get3A_316 = vector.shape_cast %get3A_315 : vector<1x16xf32> to vector<16xf32>
        %add3A_317 = arith.addf %add3A_312, %get3A_316 : vector<16xf32>
        %max3A_318 = arith.constant 0.000000e+00 : f32
        %max3A_319 = vector.broadcast %max3A_318 : f32 to vector<16xf32>
        %max3A_320 = arith.maximumf %add3A_317, %max3A_319 : vector<16xf32>
        %swap3A_321 = arith.index_cast %scan3A_217 : i32 to index
        %swap3A_322 = arith.constant 64 : index
        %swap3A_323 = tpu.vector_load %arg17[%swap3A_321, %swap3A_322] {strides = array<i32>} : memref<64x128xf32, #tpu.memory_space<vmem>>, vector<1x16xf32>,
        %swap3A_324 = vector.shape_cast %swap3A_323 : vector<1x16xf32> to vector<16xf32>
        %swap3A_325 = vector.shape_cast %max3A_320 : vector<16xf32> to vector<1x16xf32>
        tpu.vector_store %arg17[%swap3A_321, %swap3A_322], %swap3A_325 {strides = array<i32>} : memref<64x128xf32, #tpu.memory_space<vmem>>, vector<1x16xf32>,
        %get3A_326 = arith.index_cast %scan3A_217 : i32 to index
        %get3A_327 = arith.constant 80 : index
        %get3A_328 = tpu.vector_load %arg11[%get3A_326, %get3A_327] {strides = array<i32>} : memref<64x128xf32, #tpu.memory_space<vmem>>, vector<1x16xf32>,
        %get3A_329 = vector.shape_cast %get3A_328 : vector<1x16xf32> to vector<16xf32>
        %get3A_330 = arith.index_cast %scan3A_217 : i32 to index
        %get3A_331 = arith.constant 80 : index
        %get3A_332 = tpu.vector_load %arg13[%get3A_330, %get3A_331] {strides = array<i32>} : memref<64x128xf32, #tpu.memory_space<vmem>>, vector<1x16xf32>,
        %get3A_333 = vector.shape_cast %get3A_332 : vector<1x16xf32> to vector<16xf32>
        %add3A_334 = arith.addf %get3A_329, %get3A_333 : vector<16xf32>
        %get3A_335 = arith.index_cast %scan3A_217 : i32 to index
        %get3A_336 = arith.constant 80 : index
        %get3A_337 = tpu.vector_load %arg15[%get3A_335, %get3A_336] {strides = array<i32>} : memref<64x128xf32, #tpu.memory_space<vmem>>, vector<1x16xf32>,
        %get3A_338 = vector.shape_cast %get3A_337 : vector<1x16xf32> to vector<16xf32>
        %add3A_339 = arith.addf %add3A_334, %get3A_338 : vector<16xf32>
        %max3A_340 = arith.constant 0.000000e+00 : f32
        %max3A_341 = vector.broadcast %max3A_340 : f32 to vector<16xf32>
        %max3A_342 = arith.maximumf %add3A_339, %max3A_341 : vector<16xf32>
        %swap3A_343 = arith.index_cast %scan3A_217 : i32 to index
        %swap3A_344 = arith.constant 80 : index
        %swap3A_345 = tpu.vector_load %arg17[%swap3A_343, %swap3A_344] {strides = array<i32>} : memref<64x128xf32, #tpu.memory_space<vmem>>, vector<1x16xf32>,
        %swap3A_346 = vector.shape_cast %swap3A_345 : vector<1x16xf32> to vector<16xf32>
        %swap3A_347 = vector.shape_cast %max3A_342 : vector<16xf32> to vector<1x16xf32>
        tpu.vector_store %arg17[%swap3A_343, %swap3A_344], %swap3A_347 {strides = array<i32>} : memref<64x128xf32, #tpu.memory_space<vmem>>, vector<1x16xf32>,
        %get3A_348 = arith.index_cast %scan3A_217 : i32 to index
        %get3A_349 = arith.constant 96 : index
        %get3A_350 = tpu.vector_load %arg11[%get3A_348, %get3A_349] {strides = array<i32>} : memref<64x128xf32, #tpu.memory_space<vmem>>, vector<1x16xf32>,
        %get3A_351 = vector.shape_cast %get3A_350 : vector<1x16xf32> to vector<16xf32>
        %get3A_352 = arith.index_cast %scan3A_217 : i32 to index
        %get3A_353 = arith.constant 96 : index
        %get3A_354 = tpu.vector_load %arg13[%get3A_352, %get3A_353] {strides = array<i32>} : memref<64x128xf32, #tpu.memory_space<vmem>>, vector<1x16xf32>,
        %get3A_355 = vector.shape_cast %get3A_354 : vector<1x16xf32> to vector<16xf32>
        %add3A_356 = arith.addf %get3A_351, %get3A_355 : vector<16xf32>
        %get3A_357 = arith.index_cast %scan3A_217 : i32 to index
        %get3A_358 = arith.constant 96 : index
        %get3A_359 = tpu.vector_load %arg15[%get3A_357, %get3A_358] {strides = array<i32>} : memref<64x128xf32, #tpu.memory_space<vmem>>, vector<1x16xf32>,
        %get3A_360 = vector.shape_cast %get3A_359 : vector<1x16xf32> to vector<16xf32>
        %add3A_361 = arith.addf %add3A_356, %get3A_360 : vector<16xf32>
        %max3A_362 = arith.constant 0.000000e+00 : f32
        %max3A_363 = vector.broadcast %max3A_362 : f32 to vector<16xf32>
        %max3A_364 = arith.maximumf %add3A_361, %max3A_363 : vector<16xf32>
        %swap3A_365 = arith.index_cast %scan3A_217 : i32 to index
        %swap3A_366 = arith.constant 96 : index
        %swap3A_367 = tpu.vector_load %arg17[%swap3A_365, %swap3A_366] {strides = array<i32>} : memref<64x128xf32, #tpu.memory_space<vmem>>, vector<1x16xf32>,
        %swap3A_368 = vector.shape_cast %swap3A_367 : vector<1x16xf32> to vector<16xf32>
        %swap3A_369 = vector.shape_cast %max3A_364 : vector<16xf32> to vector<1x16xf32>
        tpu.vector_store %arg17[%swap3A_365, %swap3A_366], %swap3A_369 {strides = array<i32>} : memref<64x128xf32, #tpu.memory_space<vmem>>, vector<1x16xf32>,
        %get3A_370 = arith.index_cast %scan3A_217 : i32 to index
        %get3A_371 = arith.constant 112 : index
        %get3A_372 = tpu.vector_load %arg11[%get3A_370, %get3A_371] {strides = array<i32>} : memref<64x128xf32, #tpu.memory_space<vmem>>, vector<1x16xf32>,
        %get3A_373 = vector.shape_cast %get3A_372 : vector<1x16xf32> to vector<16xf32>
        %get3A_374 = arith.index_cast %scan3A_217 : i32 to index
        %get3A_375 = arith.constant 112 : index
        %get3A_376 = tpu.vector_load %arg13[%get3A_374, %get3A_375] {strides = array<i32>} : memref<64x128xf32, #tpu.memory_space<vmem>>, vector<1x16xf32>,
        %get3A_377 = vector.shape_cast %get3A_376 : vector<1x16xf32> to vector<16xf32>
        %add3A_378 = arith.addf %get3A_373, %get3A_377 : vector<16xf32>
        %get3A_379 = arith.index_cast %scan3A_217 : i32 to index
        %get3A_380 = arith.constant 112 : index
        %get3A_381 = tpu.vector_load %arg15[%get3A_379, %get3A_380] {strides = array<i32>} : memref<64x128xf32, #tpu.memory_space<vmem>>, vector<1x16xf32>,
        %get3A_382 = vector.shape_cast %get3A_381 : vector<1x16xf32> to vector<16xf32>
        %add3A_383 = arith.addf %add3A_378, %get3A_382 : vector<16xf32>
        %max3A_384 = arith.constant 0.000000e+00 : f32
        %max3A_385 = vector.broadcast %max3A_384 : f32 to vector<16xf32>
        %max3A_386 = arith.maximumf %add3A_383, %max3A_385 : vector<16xf32>
        %swap3A_387 = arith.index_cast %scan3A_217 : i32 to index
        %swap3A_388 = arith.constant 112 : index
        %swap3A_389 = tpu.vector_load %arg17[%swap3A_387, %swap3A_388] {strides = array<i32>} : memref<64x128xf32, #tpu.memory_space<vmem>>, vector<1x16xf32>,
        %swap3A_390 = vector.shape_cast %swap3A_389 : vector<1x16xf32> to vector<16xf32>
        %swap3A_391 = vector.shape_cast %max3A_386 : vector<16xf32> to vector<1x16xf32>
        tpu.vector_store %arg17[%swap3A_387, %swap3A_388], %swap3A_391 {strides = array<i32>} : memref<64x128xf32, #tpu.memory_space<vmem>>, vector<1x16xf32>,
        %scan3A_392 = arith.constant 0 : i32
        scf.yield %scan3A_392 : i32
      }
      %scan3A_209 = arith.constant 64 : i32
      %dma_start3A_210 = arith.constant 0 : i32
      %dma_start3A_211 = tpu.memref_slice %arg9[%add3A_152, %dma_start3A_210] : memref<64x64xi32, #tpu.memory_space<vmem>> -> memref<1x64xi32, #tpu.memory_space<vmem>>
      %dma_start3A_212 = tpu.memref_squeeze %dma_start3A_211 : memref<1x64xi32, #tpu.memory_space<vmem>> -> memref<64xi32, #tpu.memory_space<vmem>>
      %dma_start3A_213 = arith.constant 0 : i32
      %dma_start3A_214 = arith.constant 0 : i32
      %dma_start3A_215 = tpu.memref_slice %arg18[%dma_start3A_213, %dma_start3A_214] : memref<4096x128xf32, #tpu.memory_space<vmem_shared>> -> memref<4096x128xf32, #tpu.memory_space<vmem_shared>>
      tpu.enqueue_indirect_dma source(%arg17 : memref<64x128xf32, #tpu.memory_space<vmem>>) target(%dma_start3A_215 : memref<4096x128xf32, #tpu.memory_space<vmem_shared>>) offsets(%dma_start3A_212 : memref<64xi32, #tpu.memory_space<vmem>>) semaphore(%arg26 : memref<!tpu.dma_semaphore, #tpu.memory_space<semaphore_mem>>) {add = true}
      %scan3A_216 = arith.constant 0 : i32
      scf.yield %scan3A_216 : i32
    }
    %scan3A_49 = arith.constant 32 : i32
    %dma_wait3A = arith.constant 0 : i32
    %dma_wait3A_50 = arith.constant 0 : i32
    %dma_wait3A_51 = tpu.memref_slice %arg8[%dma_wait3A, %dma_wait3A_50] : memref<64x64xi32, #tpu.memory_space<vmem>> -> memref<1x64xi32, #tpu.memory_space<vmem>>
    %dma_wait3A_52 = tpu.memref_squeeze %dma_wait3A_51 : memref<1x64xi32, #tpu.memory_space<vmem>> -> memref<64xi32, #tpu.memory_space<vmem>>
    %dma_wait3A_53 = arith.constant 0 : i32
    %dma_wait3A_54 = arith.constant 0 : i32
    %dma_wait3A_55 = tpu.memref_slice %arg4[%dma_wait3A_53, %dma_wait3A_54] : memref<4096x128xf32, #tpu.memory_space<hbm>> -> memref<4096x128xf32, #tpu.memory_space<hbm>>
    tpu.wait_indirect_dma semaphore(%arg19 : memref<!tpu.dma_semaphore, #tpu.memory_space<semaphore_mem>>) src(%dma_wait3A_55 : memref<4096x128xf32, #tpu.memory_space<hbm>>) dst(%arg10 : memref<64x128xf32, #tpu.memory_space<vmem>>)
    %dma_wait3A_56 = arith.constant 0 : i32
    %dma_wait3A_57 = arith.constant 0 : i32
    %dma_wait3A_58 = tpu.memref_slice %arg9[%dma_wait3A_56, %dma_wait3A_57] : memref<64x64xi32, #tpu.memory_space<vmem>> -> memref<1x64xi32, #tpu.memory_space<vmem>>
    %dma_wait3A_59 = tpu.memref_squeeze %dma_wait3A_58 : memref<1x64xi32, #tpu.memory_space<vmem>> -> memref<64xi32, #tpu.memory_space<vmem>>
    %dma_wait3A_60 = arith.constant 0 : i32
    %dma_wait3A_61 = arith.constant 0 : i32
    %dma_wait3A_62 = tpu.memref_slice %arg5[%dma_wait3A_60, %dma_wait3A_61] : memref<4096x128xf32, #tpu.memory_space<hbm>> -> memref<4096x128xf32, #tpu.memory_space<hbm>>
    tpu.wait_indirect_dma semaphore(%arg21 : memref<!tpu.dma_semaphore, #tpu.memory_space<semaphore_mem>>) src(%dma_wait3A_62 : memref<4096x128xf32, #tpu.memory_space<hbm>>) dst(%arg12 : memref<64x128xf32, #tpu.memory_space<vmem>>)
    %dma_wait3A_63 = arith.constant 0 : i32
    %dma_wait3A_64 = arith.constant 0 : i32
    %dma_wait3A_65 = tpu.memref_slice %arg6[%dma_wait3A_63, %dma_wait3A_64] : memref<131072x128xf32, #tpu.memory_space<hbm>> -> memref<64x128xf32, #tpu.memory_space<hbm>>
    %dma_wait3A_66 = arith.constant 0 : i32
    %dma_wait3A_67 = arith.constant 0 : i32
    %dma_wait3A_68 = tpu.memref_slice %arg6[%dma_wait3A_66, %dma_wait3A_67] : memref<131072x128xf32, #tpu.memory_space<hbm>> -> memref<64x128xf32, #tpu.memory_space<hbm>>
    tpu.wait_dma2 semaphore(%arg23 : memref<!tpu.dma_semaphore, #tpu.memory_space<semaphore_mem>>) src(%dma_wait3A_68 : memref<64x128xf32, #tpu.memory_space<hbm>>) dst(%arg14 : memref<64x128xf32, #tpu.memory_space<vmem>>)
    %dma_wait3A_69 = arith.constant 0 : i32
    %dma_wait3A_70 = arith.constant 0 : i32
    %dma_wait3A_71 = tpu.memref_slice %arg9[%dma_wait3A_69, %dma_wait3A_70] : memref<64x64xi32, #tpu.memory_space<vmem>> -> memref<1x64xi32, #tpu.memory_space<vmem>>
    %dma_wait3A_72 = tpu.memref_squeeze %dma_wait3A_71 : memref<1x64xi32, #tpu.memory_space<vmem>> -> memref<64xi32, #tpu.memory_space<vmem>>
    %dma_wait3A_73 = arith.constant 0 : i32
    %dma_wait3A_74 = arith.constant 0 : i32
    %dma_wait3A_75 = tpu.memref_slice %arg18[%dma_wait3A_73, %dma_wait3A_74] : memref<4096x128xf32, #tpu.memory_space<vmem_shared>> -> memref<4096x128xf32, #tpu.memory_space<vmem_shared>>
    tpu.wait_indirect_dma semaphore(%arg25 : memref<!tpu.dma_semaphore, #tpu.memory_space<semaphore_mem>>) src(%arg16 : memref<64x128xf32, #tpu.memory_space<vmem>>) dst(%dma_wait3A_75 : memref<4096x128xf32, #tpu.memory_space<vmem_shared>>)
    %dma_wait3A_76 = arith.constant 0 : i32
    %dma_wait3A_77 = arith.constant 0 : i32
    %dma_wait3A_78 = tpu.memref_slice %arg9[%dma_wait3A_76, %dma_wait3A_77] : memref<64x64xi32, #tpu.memory_space<vmem>> -> memref<1x64xi32, #tpu.memory_space<vmem>>
    %dma_wait3A_79 = tpu.memref_squeeze %dma_wait3A_78 : memref<1x64xi32, #tpu.memory_space<vmem>> -> memref<64xi32, #tpu.memory_space<vmem>>
    %dma_wait3A_80 = arith.constant 0 : i32
    %dma_wait3A_81 = arith.constant 0 : i32
    %dma_wait3A_82 = tpu.memref_slice %arg18[%dma_wait3A_80, %dma_wait3A_81] : memref<4096x128xf32, #tpu.memory_space<vmem_shared>> -> memref<4096x128xf32, #tpu.memory_space<vmem_shared>>
    tpu.wait_indirect_dma semaphore(%arg26 : memref<!tpu.dma_semaphore, #tpu.memory_space<semaphore_mem>>) src(%arg17 : memref<64x128xf32, #tpu.memory_space<vmem>>) dst(%dma_wait3A_82 : memref<4096x128xf32, #tpu.memory_space<vmem_shared>>)
    %barrier3A_83 = arith.constant 0 : index
    tpu.barrier barrier_id(%barrier3A_83)
    "tpu.region"() ({
      %run_scoped3A = tpu.sem_alloc : memref<!tpu.dma_semaphore, #tpu.memory_space<semaphore_mem>>
      %dma_start3A_84 = arith.constant 0 : i32
      %dma_start3A_85 = tpu.memref_slice %arg7[%arg0, %mul3A_2, %dma_start3A_84] : memref<2x4096x128xf32, #tpu.memory_space<hbm>> -> memref<1x256x128xf32, #tpu.memory_space<hbm>>
      %dma_start3A_86 = tpu.memref_squeeze %dma_start3A_85 : memref<1x256x128xf32, #tpu.memory_space<hbm>> -> memref<256x128xf32, #tpu.memory_space<hbm>>
      %dma_start3A_87 = arith.constant 0 : i32
      %dma_start3A_88 = tpu.memref_slice %arg18[%mul3A_2, %dma_start3A_87] : memref<4096x128xf32, #tpu.memory_space<vmem_shared>> -> memref<256x128xf32, #tpu.memory_space<vmem_shared>>
      tpu.enqueue_dma source(%dma_start3A_88 : memref<256x128xf32, #tpu.memory_space<vmem_shared>>) target(%dma_start3A_86 : memref<256x128xf32, #tpu.memory_space<hbm>>) target_semaphore(%run_scoped3A : memref<!tpu.dma_semaphore, #tpu.memory_space<semaphore_mem>>)
      %dma_wait3A_89 = arith.constant 0 : i32
      %dma_wait3A_90 = tpu.memref_slice %arg7[%arg0, %mul3A_2, %dma_wait3A_89] : memref<2x4096x128xf32, #tpu.memory_space<hbm>> -> memref<1x256x128xf32, #tpu.memory_space<hbm>>
      %dma_wait3A_91 = tpu.memref_squeeze %dma_wait3A_90 : memref<1x256x128xf32, #tpu.memory_space<hbm>> -> memref<256x128xf32, #tpu.memory_space<hbm>>
      %dma_wait3A_92 = arith.constant 0 : i32
      %dma_wait3A_93 = tpu.memref_slice %arg18[%mul3A_2, %dma_wait3A_92] : memref<4096x128xf32, #tpu.memory_space<vmem_shared>> -> memref<256x128xf32, #tpu.memory_space<vmem_shared>>
      tpu.wait_dma2 semaphore(%run_scoped3A : memref<!tpu.dma_semaphore, #tpu.memory_space<semaphore_mem>>) src(%dma_wait3A_93 : memref<256x128xf32, #tpu.memory_space<vmem_shared>>) dst(%dma_wait3A_91 : memref<256x128xf32, #tpu.memory_space<hbm>>)
      tpu.yield
    }) : () -> ()
    return
  }
}

#map = affine_map<(d0, d1) -> (0, 0)>
#map1 = affine_map<(d0, d1) -> (0, 0, 0)>
module attributes {stable_mosaic.version = 14 : i64} {
  func.func @body(%arg0: i32, %arg1: i32, %arg2: memref<2048x64xi32, #tpu.memory_space<hbm>>, %arg3: memref<2048x64xi32, #tpu.memory_space<hbm>>, %arg4: memref<4096x128xf32, #tpu.memory_space<hbm>>, %arg5: memref<4096x128xf32, #tpu.memory_space<hbm>>, %arg6: memref<131072x128xf32, #tpu.memory_space<hbm>>, %arg7: memref<2x4096x128xf32, #tpu.memory_space<hbm>>, %arg8: memref<64x64xi32, #tpu.memory_space<vmem>>, %arg9: memref<64x64xi32, #tpu.memory_space<vmem>>, %arg10: memref<64x128xf32, #tpu.memory_space<vmem>>, %arg11: memref<64x128xf32, #tpu.memory_space<vmem>>, %arg12: memref<64x128xf32, #tpu.memory_space<vmem>>, %arg13: memref<64x128xf32, #tpu.memory_space<vmem>>, %arg14: memref<64x128xf32, #tpu.memory_space<vmem>>, %arg15: memref<64x128xf32, #tpu.memory_space<vmem>>, %arg16: memref<64x128xf32, #tpu.memory_space<vmem>>, %arg17: memref<64x128xf32, #tpu.memory_space<vmem>>, %arg18: memref<4096x128xf32, #tpu.memory_space<vmem_shared>>, %arg19: memref<!tpu.dma_semaphore, #tpu.memory_space<semaphore_mem>>, %arg20: memref<!tpu.dma_semaphore, #tpu.memory_space<semaphore_mem>>, %arg21: memref<!tpu.dma_semaphore, #tpu.memory_space<semaphore_mem>>, %arg22: memref<!tpu.dma_semaphore, #tpu.memory_space<semaphore_mem>>, %arg23: memref<!tpu.dma_semaphore, #tpu.memory_space<semaphore_mem>>, %arg24: memref<!tpu.dma_semaphore, #tpu.memory_space<semaphore_mem>>, %arg25: memref<!tpu.dma_semaphore, #tpu.memory_space<semaphore_mem>>, %arg26: memref<!tpu.dma_semaphore, #tpu.memory_space<semaphore_mem>>) attributes {dimension_semantics = [#tpu.dimension_semantics<core_parallel>, #tpu.dimension_semantics<subcore_parallel>], iteration_bounds = array<i64: 2, 16>, scalar_prefetch = 0 : i64, scratch_operands = 19 : i64, tpu.core_type = #tpu.core_type<sc_vector_subcore>, window_params = [{transform_indices = #map}, {transform_indices = #map}, {transform_indices = #map}, {transform_indices = #map}, {transform_indices = #map}, {transform_indices = #map1}]} {
    %mul3A = arith.constant 16 : i32
    %mul3A_0 = arith.muli %arg0, %mul3A : i32
    %add3A = arith.addi %mul3A_0, %arg1 : i32
    %mul3A_1 = arith.constant 256 : i32
    %mul3A_2 = arith.muli %arg1, %mul3A_1 : i32
    %broadcast_in_dim3A = arith.constant 0.000000e+00 : f32
    %broadcast_in_dim3A_3 = vector.broadcast %broadcast_in_dim3A : f32 to vector<16xf32>
    %scan3A = arith.constant 0 : i32
    %scan3A_4 = arith.constant 0 : i32
    %scan3A_5 = arith.constant 512 : i32
    %scan3A_6 = arith.addi %scan3A_4, %scan3A_5 : i32
    %scan3A_7 = arith.constant 1 : i32
    %scan3A_8 = scf.for %scan3A_84 = %scan3A_4 to %scan3A_6 step %scan3A_7 iter_args(%scan3A_85 = %scan3A) -> (i32)  : i32 {
      %jit3A = arith.constant 8 : i32
      %div3A = arith.divsi %scan3A_84, %jit3A : i32
      %sign3A = arith.constant 0 : i32
      %sign3A_86 = arith.cmpi sgt, %scan3A_84, %sign3A : i32
      %sign3A_87 = arith.extui %sign3A_86 : i1 to i32
      %sign3A_88 = arith.constant 0 : i32
      %sign3A_89 = arith.cmpi slt, %scan3A_84, %sign3A_88 : i32
      %sign3A_90 = arith.extui %sign3A_89 : i1 to i32
      %sign3A_91 = arith.subi %sign3A_87, %sign3A_90 : i32
      %sign3A_92 = arith.constant 0 : i32
      %sign3A_93 = arith.cmpi sgt, %jit3A, %sign3A_92 : i32
      %sign3A_94 = arith.extui %sign3A_93 : i1 to i32
      %sign3A_95 = arith.constant 0 : i32
      %sign3A_96 = arith.cmpi slt, %jit3A, %sign3A_95 : i32
      %sign3A_97 = arith.extui %sign3A_96 : i1 to i32
      %sign3A_98 = arith.subi %sign3A_94, %sign3A_97 : i32
      %ne3A = arith.cmpi ne, %sign3A_91, %sign3A_98 : i32
      %rem3A = arith.remsi %scan3A_84, %jit3A : i32
      %ne3A_99 = arith.constant 0 : i32
      %ne3A_100 = arith.cmpi ne, %rem3A, %ne3A_99 : i32
      %and3A = arith.andi %ne3A, %ne3A_100 : i1
      %sub3A = arith.constant 1 : i32
      %sub3A_101 = arith.subi %div3A, %sub3A : i32
      %select_n3A = arith.select %and3A, %sub3A_101, %div3A : i32
      %rem3A_102 = arith.constant 8 : i32
      %rem3A_103 = arith.remsi %scan3A_84, %rem3A_102 : i32
      %mul3A_104 = arith.constant 16 : i32
      %mul3A_105 = arith.muli %rem3A_103, %mul3A_104 : i32
      %swap3A = arith.index_cast %select_n3A : i32 to index
      %swap3A_106 = arith.index_cast %mul3A_105 : i32 to index
      %swap3A_107 = tpu.vector_load %arg10[%swap3A, %swap3A_106] {strides = array<i32>} : memref<64x128xf32, #tpu.memory_space<vmem>>, vector<1x16xf32>,
      %swap3A_108 = vector.shape_cast %swap3A_107 : vector<1x16xf32> to vector<16xf32>
      %swap3A_109 = vector.shape_cast %broadcast_in_dim3A_3 : vector<16xf32> to vector<1x16xf32>
      tpu.vector_store %arg10[%swap3A, %swap3A_106], %swap3A_109 {strides = array<i32>} : memref<64x128xf32, #tpu.memory_space<vmem>>, vector<1x16xf32>,
      %scan3A_110 = arith.constant 0 : i32
      scf.yield %scan3A_110 : i32
    }
    %scan3A_9 = arith.constant 512 : i32
    %add3A_10 = arith.constant 0 : i32
    %add3A_11 = arith.addi %mul3A_2, %add3A_10 : i32
    "tpu.region"() ({
      %run_scoped3A = tpu.sem_alloc : memref<!tpu.dma_semaphore, #tpu.memory_space<semaphore_mem>>
      %dma_start3A_84 = arith.constant 0 : i32
      %dma_start3A_85 = tpu.memref_slice %arg18[%add3A_11, %dma_start3A_84] : memref<4096x128xf32, #tpu.memory_space<vmem_shared>> -> memref<64x128xf32, #tpu.memory_space<vmem_shared>>
      %dma_start3A_86 = arith.constant 0 : i32
      %dma_start3A_87 = tpu.memref_slice %arg18[%add3A_11, %dma_start3A_86] : memref<4096x128xf32, #tpu.memory_space<vmem_shared>> -> memref<64x128xf32, #tpu.memory_space<vmem_shared>>
      tpu.enqueue_dma source(%arg10 : memref<64x128xf32, #tpu.memory_space<vmem>>) target(%dma_start3A_87 : memref<64x128xf32, #tpu.memory_space<vmem_shared>>) target_semaphore(%run_scoped3A : memref<!tpu.dma_semaphore, #tpu.memory_space<semaphore_mem>>)
      %dma_wait3A_88 = arith.constant 0 : i32
      %dma_wait3A_89 = tpu.memref_slice %arg18[%add3A_11, %dma_wait3A_88] : memref<4096x128xf32, #tpu.memory_space<vmem_shared>> -> memref<64x128xf32, #tpu.memory_space<vmem_shared>>
      %dma_wait3A_90 = arith.constant 0 : i32
      %dma_wait3A_91 = tpu.memref_slice %arg18[%add3A_11, %dma_wait3A_90] : memref<4096x128xf32, #tpu.memory_space<vmem_shared>> -> memref<64x128xf32, #tpu.memory_space<vmem_shared>>
      tpu.wait_dma2 semaphore(%run_scoped3A : memref<!tpu.dma_semaphore, #tpu.memory_space<semaphore_mem>>) src(%arg10 : memref<64x128xf32, #tpu.memory_space<vmem>>) dst(%dma_wait3A_91 : memref<64x128xf32, #tpu.memory_space<vmem_shared>>)
      tpu.yield
    }) : () -> ()
    %add3A_12 = arith.constant 64 : i32
    %add3A_13 = arith.addi %mul3A_2, %add3A_12 : i32
    "tpu.region"() ({
      %run_scoped3A = tpu.sem_alloc : memref<!tpu.dma_semaphore, #tpu.memory_space<semaphore_mem>>
      %dma_start3A_84 = arith.constant 0 : i32
      %dma_start3A_85 = tpu.memref_slice %arg18[%add3A_13, %dma_start3A_84] : memref<4096x128xf32, #tpu.memory_space<vmem_shared>> -> memref<64x128xf32, #tpu.memory_space<vmem_shared>>
      %dma_start3A_86 = arith.constant 0 : i32
      %dma_start3A_87 = tpu.memref_slice %arg18[%add3A_13, %dma_start3A_86] : memref<4096x128xf32, #tpu.memory_space<vmem_shared>> -> memref<64x128xf32, #tpu.memory_space<vmem_shared>>
      tpu.enqueue_dma source(%arg10 : memref<64x128xf32, #tpu.memory_space<vmem>>) target(%dma_start3A_87 : memref<64x128xf32, #tpu.memory_space<vmem_shared>>) target_semaphore(%run_scoped3A : memref<!tpu.dma_semaphore, #tpu.memory_space<semaphore_mem>>)
      %dma_wait3A_88 = arith.constant 0 : i32
      %dma_wait3A_89 = tpu.memref_slice %arg18[%add3A_13, %dma_wait3A_88] : memref<4096x128xf32, #tpu.memory_space<vmem_shared>> -> memref<64x128xf32, #tpu.memory_space<vmem_shared>>
      %dma_wait3A_90 = arith.constant 0 : i32
      %dma_wait3A_91 = tpu.memref_slice %arg18[%add3A_13, %dma_wait3A_90] : memref<4096x128xf32, #tpu.memory_space<vmem_shared>> -> memref<64x128xf32, #tpu.memory_space<vmem_shared>>
      tpu.wait_dma2 semaphore(%run_scoped3A : memref<!tpu.dma_semaphore, #tpu.memory_space<semaphore_mem>>) src(%arg10 : memref<64x128xf32, #tpu.memory_space<vmem>>) dst(%dma_wait3A_91 : memref<64x128xf32, #tpu.memory_space<vmem_shared>>)
      tpu.yield
    }) : () -> ()
    %add3A_14 = arith.constant 128 : i32
    %add3A_15 = arith.addi %mul3A_2, %add3A_14 : i32
    "tpu.region"() ({
      %run_scoped3A = tpu.sem_alloc : memref<!tpu.dma_semaphore, #tpu.memory_space<semaphore_mem>>
      %dma_start3A_84 = arith.constant 0 : i32
      %dma_start3A_85 = tpu.memref_slice %arg18[%add3A_15, %dma_start3A_84] : memref<4096x128xf32, #tpu.memory_space<vmem_shared>> -> memref<64x128xf32, #tpu.memory_space<vmem_shared>>
      %dma_start3A_86 = arith.constant 0 : i32
      %dma_start3A_87 = tpu.memref_slice %arg18[%add3A_15, %dma_start3A_86] : memref<4096x128xf32, #tpu.memory_space<vmem_shared>> -> memref<64x128xf32, #tpu.memory_space<vmem_shared>>
      tpu.enqueue_dma source(%arg10 : memref<64x128xf32, #tpu.memory_space<vmem>>) target(%dma_start3A_87 : memref<64x128xf32, #tpu.memory_space<vmem_shared>>) target_semaphore(%run_scoped3A : memref<!tpu.dma_semaphore, #tpu.memory_space<semaphore_mem>>)
      %dma_wait3A_88 = arith.constant 0 : i32
      %dma_wait3A_89 = tpu.memref_slice %arg18[%add3A_15, %dma_wait3A_88] : memref<4096x128xf32, #tpu.memory_space<vmem_shared>> -> memref<64x128xf32, #tpu.memory_space<vmem_shared>>
      %dma_wait3A_90 = arith.constant 0 : i32
      %dma_wait3A_91 = tpu.memref_slice %arg18[%add3A_15, %dma_wait3A_90] : memref<4096x128xf32, #tpu.memory_space<vmem_shared>> -> memref<64x128xf32, #tpu.memory_space<vmem_shared>>
      tpu.wait_dma2 semaphore(%run_scoped3A : memref<!tpu.dma_semaphore, #tpu.memory_space<semaphore_mem>>) src(%arg10 : memref<64x128xf32, #tpu.memory_space<vmem>>) dst(%dma_wait3A_91 : memref<64x128xf32, #tpu.memory_space<vmem_shared>>)
      tpu.yield
    }) : () -> ()
    %add3A_16 = arith.constant 192 : i32
    %add3A_17 = arith.addi %mul3A_2, %add3A_16 : i32
    "tpu.region"() ({
      %run_scoped3A = tpu.sem_alloc : memref<!tpu.dma_semaphore, #tpu.memory_space<semaphore_mem>>
      %dma_start3A_84 = arith.constant 0 : i32
      %dma_start3A_85 = tpu.memref_slice %arg18[%add3A_17, %dma_start3A_84] : memref<4096x128xf32, #tpu.memory_space<vmem_shared>> -> memref<64x128xf32, #tpu.memory_space<vmem_shared>>
      %dma_start3A_86 = arith.constant 0 : i32
      %dma_start3A_87 = tpu.memref_slice %arg18[%add3A_17, %dma_start3A_86] : memref<4096x128xf32, #tpu.memory_space<vmem_shared>> -> memref<64x128xf32, #tpu.memory_space<vmem_shared>>
      tpu.enqueue_dma source(%arg10 : memref<64x128xf32, #tpu.memory_space<vmem>>) target(%dma_start3A_87 : memref<64x128xf32, #tpu.memory_space<vmem_shared>>) target_semaphore(%run_scoped3A : memref<!tpu.dma_semaphore, #tpu.memory_space<semaphore_mem>>)
      %dma_wait3A_88 = arith.constant 0 : i32
      %dma_wait3A_89 = tpu.memref_slice %arg18[%add3A_17, %dma_wait3A_88] : memref<4096x128xf32, #tpu.memory_space<vmem_shared>> -> memref<64x128xf32, #tpu.memory_space<vmem_shared>>
      %dma_wait3A_90 = arith.constant 0 : i32
      %dma_wait3A_91 = tpu.memref_slice %arg18[%add3A_17, %dma_wait3A_90] : memref<4096x128xf32, #tpu.memory_space<vmem_shared>> -> memref<64x128xf32, #tpu.memory_space<vmem_shared>>
      tpu.wait_dma2 semaphore(%run_scoped3A : memref<!tpu.dma_semaphore, #tpu.memory_space<semaphore_mem>>) src(%arg10 : memref<64x128xf32, #tpu.memory_space<vmem>>) dst(%dma_wait3A_91 : memref<64x128xf32, #tpu.memory_space<vmem_shared>>)
      tpu.yield
    }) : () -> ()
    %mul3A_18 = arith.constant 64 : i32
    %mul3A_19 = arith.muli %add3A, %mul3A_18 : i32
    "tpu.region"() ({
      %run_scoped3A = tpu.sem_alloc : memref<!tpu.dma_semaphore, #tpu.memory_space<semaphore_mem>>
      %dma_start3A_84 = arith.constant 0 : i32
      %dma_start3A_85 = tpu.memref_slice %arg2[%mul3A_19, %dma_start3A_84] : memref<2048x64xi32, #tpu.memory_space<hbm>> -> memref<64x64xi32, #tpu.memory_space<hbm>>
      %dma_start3A_86 = arith.constant 0 : i32
      %dma_start3A_87 = tpu.memref_slice %arg2[%mul3A_19, %dma_start3A_86] : memref<2048x64xi32, #tpu.memory_space<hbm>> -> memref<64x64xi32, #tpu.memory_space<hbm>>
      tpu.enqueue_dma source(%dma_start3A_87 : memref<64x64xi32, #tpu.memory_space<hbm>>) target(%arg8 : memref<64x64xi32, #tpu.memory_space<vmem>>) target_semaphore(%run_scoped3A : memref<!tpu.dma_semaphore, #tpu.memory_space<semaphore_mem>>)
      %dma_wait3A_88 = arith.constant 0 : i32
      %dma_wait3A_89 = tpu.memref_slice %arg2[%mul3A_19, %dma_wait3A_88] : memref<2048x64xi32, #tpu.memory_space<hbm>> -> memref<64x64xi32, #tpu.memory_space<hbm>>
      %dma_wait3A_90 = arith.constant 0 : i32
      %dma_wait3A_91 = tpu.memref_slice %arg2[%mul3A_19, %dma_wait3A_90] : memref<2048x64xi32, #tpu.memory_space<hbm>> -> memref<64x64xi32, #tpu.memory_space<hbm>>
      tpu.wait_dma2 semaphore(%run_scoped3A : memref<!tpu.dma_semaphore, #tpu.memory_space<semaphore_mem>>) src(%dma_wait3A_91 : memref<64x64xi32, #tpu.memory_space<hbm>>) dst(%arg8 : memref<64x64xi32, #tpu.memory_space<vmem>>)
      tpu.yield
    }) : () -> ()
    %mul3A_20 = arith.constant 64 : i32
    %mul3A_21 = arith.muli %add3A, %mul3A_20 : i32
    "tpu.region"() ({
      %run_scoped3A = tpu.sem_alloc : memref<!tpu.dma_semaphore, #tpu.memory_space<semaphore_mem>>
      %dma_start3A_84 = arith.constant 0 : i32
      %dma_start3A_85 = tpu.memref_slice %arg3[%mul3A_21, %dma_start3A_84] : memref<2048x64xi32, #tpu.memory_space<hbm>> -> memref<64x64xi32, #tpu.memory_space<hbm>>
      %dma_start3A_86 = arith.constant 0 : i32
      %dma_start3A_87 = tpu.memref_slice %arg3[%mul3A_21, %dma_start3A_86] : memref<2048x64xi32, #tpu.memory_space<hbm>> -> memref<64x64xi32, #tpu.memory_space<hbm>>
      tpu.enqueue_dma source(%dma_start3A_87 : memref<64x64xi32, #tpu.memory_space<hbm>>) target(%arg9 : memref<64x64xi32, #tpu.memory_space<vmem>>) target_semaphore(%run_scoped3A : memref<!tpu.dma_semaphore, #tpu.memory_space<semaphore_mem>>)
      %dma_wait3A_88 = arith.constant 0 : i32
      %dma_wait3A_89 = tpu.memref_slice %arg3[%mul3A_21, %dma_wait3A_88] : memref<2048x64xi32, #tpu.memory_space<hbm>> -> memref<64x64xi32, #tpu.memory_space<hbm>>
      %dma_wait3A_90 = arith.constant 0 : i32
      %dma_wait3A_91 = tpu.memref_slice %arg3[%mul3A_21, %dma_wait3A_90] : memref<2048x64xi32, #tpu.memory_space<hbm>> -> memref<64x64xi32, #tpu.memory_space<hbm>>
      tpu.wait_dma2 semaphore(%run_scoped3A : memref<!tpu.dma_semaphore, #tpu.memory_space<semaphore_mem>>) src(%dma_wait3A_91 : memref<64x64xi32, #tpu.memory_space<hbm>>) dst(%arg9 : memref<64x64xi32, #tpu.memory_space<vmem>>)
      tpu.yield
    }) : () -> ()
    %barrier3A = arith.constant 0 : index
    tpu.barrier barrier_id(%barrier3A)
    %mul3A_22 = arith.constant 4096 : i32
    %mul3A_23 = arith.muli %add3A, %mul3A_22 : i32
    %add3A_24 = arith.constant 0 : i32
    %add3A_25 = arith.addi %mul3A_23, %add3A_24 : i32
    %dma_start3A = arith.constant 0 : i32
    %dma_start3A_26 = arith.constant 0 : i32
    %dma_start3A_27 = tpu.memref_slice %arg8[%dma_start3A, %dma_start3A_26] : memref<64x64xi32, #tpu.memory_space<vmem>> -> memref<1x64xi32, #tpu.memory_space<vmem>>
    %dma_start3A_28 = tpu.memref_squeeze %dma_start3A_27 : memref<1x64xi32, #tpu.memory_space<vmem>> -> memref<64xi32, #tpu.memory_space<vmem>>
    %dma_start3A_29 = arith.constant 0 : i32
    %dma_start3A_30 = arith.constant 0 : i32
    %dma_start3A_31 = tpu.memref_slice %arg4[%dma_start3A_29, %dma_start3A_30] : memref<4096x128xf32, #tpu.memory_space<hbm>> -> memref<4096x128xf32, #tpu.memory_space<hbm>>
    tpu.enqueue_indirect_dma source(%dma_start3A_31 : memref<4096x128xf32, #tpu.memory_space<hbm>>) target(%arg10 : memref<64x128xf32, #tpu.memory_space<vmem>>) offsets(%dma_start3A_28 : memref<64xi32, #tpu.memory_space<vmem>>) semaphore(%arg19 : memref<!tpu.dma_semaphore, #tpu.memory_space<semaphore_mem>>)
    %dma_start3A_32 = arith.constant 0 : i32
    %dma_start3A_33 = arith.constant 0 : i32
    %dma_start3A_34 = tpu.memref_slice %arg9[%dma_start3A_32, %dma_start3A_33] : memref<64x64xi32, #tpu.memory_space<vmem>> -> memref<1x64xi32, #tpu.memory_space<vmem>>
    %dma_start3A_35 = tpu.memref_squeeze %dma_start3A_34 : memref<1x64xi32, #tpu.memory_space<vmem>> -> memref<64xi32, #tpu.memory_space<vmem>>
    %dma_start3A_36 = arith.constant 0 : i32
    %dma_start3A_37 = arith.constant 0 : i32
    %dma_start3A_38 = tpu.memref_slice %arg5[%dma_start3A_36, %dma_start3A_37] : memref<4096x128xf32, #tpu.memory_space<hbm>> -> memref<4096x128xf32, #tpu.memory_space<hbm>>
    tpu.enqueue_indirect_dma source(%dma_start3A_38 : memref<4096x128xf32, #tpu.memory_space<hbm>>) target(%arg12 : memref<64x128xf32, #tpu.memory_space<vmem>>) offsets(%dma_start3A_35 : memref<64xi32, #tpu.memory_space<vmem>>) semaphore(%arg21 : memref<!tpu.dma_semaphore, #tpu.memory_space<semaphore_mem>>)
    %dma_start3A_39 = arith.constant 0 : i32
    %dma_start3A_40 = tpu.memref_slice %arg6[%add3A_25, %dma_start3A_39] : memref<131072x128xf32, #tpu.memory_space<hbm>> -> memref<64x128xf32, #tpu.memory_space<hbm>>
    %dma_start3A_41 = arith.constant 0 : i32
    %dma_start3A_42 = tpu.memref_slice %arg6[%add3A_25, %dma_start3A_41] : memref<131072x128xf32, #tpu.memory_space<hbm>> -> memref<64x128xf32, #tpu.memory_space<hbm>>
    tpu.enqueue_dma source(%dma_start3A_42 : memref<64x128xf32, #tpu.memory_space<hbm>>) target(%arg14 : memref<64x128xf32, #tpu.memory_space<vmem>>) target_semaphore(%arg23 : memref<!tpu.dma_semaphore, #tpu.memory_space<semaphore_mem>>)
    %scan3A_43 = arith.constant 0 : i32
    %scan3A_44 = arith.constant 0 : i32
    %scan3A_45 = arith.constant 32 : i32
    %scan3A_46 = arith.addi %scan3A_44, %scan3A_45 : i32
    %scan3A_47 = arith.constant 1 : i32
    %scan3A_48 = scf.for %scan3A_84 = %scan3A_44 to %scan3A_46 step %scan3A_47 iter_args(%scan3A_85 = %scan3A_43) -> (i32)  : i32 {
      %mul3A_86 = arith.constant 2 : i32
      %mul3A_87 = arith.muli %mul3A_86, %scan3A_84 : i32
      %add3A_88 = arith.constant 0 : i32
      %add3A_89 = arith.addi %mul3A_87, %add3A_88 : i32
      %dma_wait3A_90 = arith.constant 0 : i32
      %dma_wait3A_91 = arith.constant 0 : i32
      %dma_wait3A_92 = tpu.memref_slice %arg8[%dma_wait3A_90, %dma_wait3A_91] : memref<64x64xi32, #tpu.memory_space<vmem>> -> memref<1x64xi32, #tpu.memory_space<vmem>>
      %dma_wait3A_93 = tpu.memref_squeeze %dma_wait3A_92 : memref<1x64xi32, #tpu.memory_space<vmem>> -> memref<64xi32, #tpu.memory_space<vmem>>
      %dma_wait3A_94 = arith.constant 0 : i32
      %dma_wait3A_95 = arith.constant 0 : i32
      %dma_wait3A_96 = tpu.memref_slice %arg4[%dma_wait3A_94, %dma_wait3A_95] : memref<4096x128xf32, #tpu.memory_space<hbm>> -> memref<4096x128xf32, #tpu.memory_space<hbm>>
      tpu.wait_indirect_dma semaphore(%arg19 : memref<!tpu.dma_semaphore, #tpu.memory_space<semaphore_mem>>) src(%dma_wait3A_96 : memref<4096x128xf32, #tpu.memory_space<hbm>>) dst(%arg10 : memref<64x128xf32, #tpu.memory_space<vmem>>)
      %dma_wait3A_97 = arith.constant 0 : i32
      %dma_wait3A_98 = arith.constant 0 : i32
      %dma_wait3A_99 = tpu.memref_slice %arg9[%dma_wait3A_97, %dma_wait3A_98] : memref<64x64xi32, #tpu.memory_space<vmem>> -> memref<1x64xi32, #tpu.memory_space<vmem>>
      %dma_wait3A_100 = tpu.memref_squeeze %dma_wait3A_99 : memref<1x64xi32, #tpu.memory_space<vmem>> -> memref<64xi32, #tpu.memory_space<vmem>>
      %dma_wait3A_101 = arith.constant 0 : i32
      %dma_wait3A_102 = arith.constant 0 : i32
      %dma_wait3A_103 = tpu.memref_slice %arg5[%dma_wait3A_101, %dma_wait3A_102] : memref<4096x128xf32, #tpu.memory_space<hbm>> -> memref<4096x128xf32, #tpu.memory_space<hbm>>
      tpu.wait_indirect_dma semaphore(%arg21 : memref<!tpu.dma_semaphore, #tpu.memory_space<semaphore_mem>>) src(%dma_wait3A_103 : memref<4096x128xf32, #tpu.memory_space<hbm>>) dst(%arg12 : memref<64x128xf32, #tpu.memory_space<vmem>>)
      %dma_wait3A_104 = arith.constant 0 : i32
      %dma_wait3A_105 = arith.constant 0 : i32
      %dma_wait3A_106 = tpu.memref_slice %arg6[%dma_wait3A_104, %dma_wait3A_105] : memref<131072x128xf32, #tpu.memory_space<hbm>> -> memref<64x128xf32, #tpu.memory_space<hbm>>
      %dma_wait3A_107 = arith.constant 0 : i32
      %dma_wait3A_108 = arith.constant 0 : i32
      %dma_wait3A_109 = tpu.memref_slice %arg6[%dma_wait3A_107, %dma_wait3A_108] : memref<131072x128xf32, #tpu.memory_space<hbm>> -> memref<64x128xf32, #tpu.memory_space<hbm>>
      tpu.wait_dma2 semaphore(%arg23 : memref<!tpu.dma_semaphore, #tpu.memory_space<semaphore_mem>>) src(%dma_wait3A_109 : memref<64x128xf32, #tpu.memory_space<hbm>>) dst(%arg14 : memref<64x128xf32, #tpu.memory_space<vmem>>)
      %add3A_110 = arith.constant 1 : i32
      %add3A_111 = arith.addi %add3A_89, %add3A_110 : i32
      %rem3A = arith.constant 64 : i32
      %rem3A_112 = arith.remsi %add3A_111, %rem3A : i32
      %mul3A_113 = arith.constant 4096 : i32
      %mul3A_114 = arith.muli %add3A, %mul3A_113 : i32
      %mul3A_115 = arith.constant 64 : i32
      %mul3A_116 = arith.muli %rem3A_112, %mul3A_115 : i32
      %add3A_117 = arith.addi %mul3A_114, %mul3A_116 : i32
      %dma_start3A_118 = arith.constant 0 : i32
      %dma_start3A_119 = tpu.memref_slice %arg8[%rem3A_112, %dma_start3A_118] : memref<64x64xi32, #tpu.memory_space<vmem>> -> memref<1x64xi32, #tpu.memory_space<vmem>>
      %dma_start3A_120 = tpu.memref_squeeze %dma_start3A_119 : memref<1x64xi32, #tpu.memory_space<vmem>> -> memref<64xi32, #tpu.memory_space<vmem>>
      %dma_start3A_121 = arith.constant 0 : i32
      %dma_start3A_122 = arith.constant 0 : i32
      %dma_start3A_123 = tpu.memref_slice %arg4[%dma_start3A_121, %dma_start3A_122] : memref<4096x128xf32, #tpu.memory_space<hbm>> -> memref<4096x128xf32, #tpu.memory_space<hbm>>
      tpu.enqueue_indirect_dma source(%dma_start3A_123 : memref<4096x128xf32, #tpu.memory_space<hbm>>) target(%arg11 : memref<64x128xf32, #tpu.memory_space<vmem>>) offsets(%dma_start3A_120 : memref<64xi32, #tpu.memory_space<vmem>>) semaphore(%arg20 : memref<!tpu.dma_semaphore, #tpu.memory_space<semaphore_mem>>)
      %dma_start3A_124 = arith.constant 0 : i32
      %dma_start3A_125 = tpu.memref_slice %arg9[%rem3A_112, %dma_start3A_124] : memref<64x64xi32, #tpu.memory_space<vmem>> -> memref<1x64xi32, #tpu.memory_space<vmem>>
      %dma_start3A_126 = tpu.memref_squeeze %dma_start3A_125 : memref<1x64xi32, #tpu.memory_space<vmem>> -> memref<64xi32, #tpu.memory_space<vmem>>
      %dma_start3A_127 = arith.constant 0 : i32
      %dma_start3A_128 = arith.constant 0 : i32
      %dma_start3A_129 = tpu.memref_slice %arg5[%dma_start3A_127, %dma_start3A_128] : memref<4096x128xf32, #tpu.memory_space<hbm>> -> memref<4096x128xf32, #tpu.memory_space<hbm>>
      tpu.enqueue_indirect_dma source(%dma_start3A_129 : memref<4096x128xf32, #tpu.memory_space<hbm>>) target(%arg13 : memref<64x128xf32, #tpu.memory_space<vmem>>) offsets(%dma_start3A_126 : memref<64xi32, #tpu.memory_space<vmem>>) semaphore(%arg22 : memref<!tpu.dma_semaphore, #tpu.memory_space<semaphore_mem>>)
      %dma_start3A_130 = arith.constant 0 : i32
      %dma_start3A_131 = tpu.memref_slice %arg6[%add3A_117, %dma_start3A_130] : memref<131072x128xf32, #tpu.memory_space<hbm>> -> memref<64x128xf32, #tpu.memory_space<hbm>>
      %dma_start3A_132 = arith.constant 0 : i32
      %dma_start3A_133 = tpu.memref_slice %arg6[%add3A_117, %dma_start3A_132] : memref<131072x128xf32, #tpu.memory_space<hbm>> -> memref<64x128xf32, #tpu.memory_space<hbm>>
      tpu.enqueue_dma source(%dma_start3A_133 : memref<64x128xf32, #tpu.memory_space<hbm>>) target(%arg15 : memref<64x128xf32, #tpu.memory_space<vmem>>) target_semaphore(%arg24 : memref<!tpu.dma_semaphore, #tpu.memory_space<semaphore_mem>>)
      %ge3A = arith.constant 1 : i32
      %ge3A_134 = arith.cmpi sge, %scan3A_84, %ge3A : i32
      %convert_element_type3A = arith.extui %ge3A_134 : i1 to i32
      %cond3A = arith.constant 0 : i32
      %cond3A_135 = arith.cmpi ne, %convert_element_type3A, %cond3A : i32
      scf.if %cond3A_135 {
        %dma_wait3A_217 = arith.constant 0 : i32
        %dma_wait3A_218 = arith.constant 0 : i32
        %dma_wait3A_219 = tpu.memref_slice %arg9[%dma_wait3A_217, %dma_wait3A_218] : memref<64x64xi32, #tpu.memory_space<vmem>> -> memref<1x64xi32, #tpu.memory_space<vmem>>
        %dma_wait3A_220 = tpu.memref_squeeze %dma_wait3A_219 : memref<1x64xi32, #tpu.memory_space<vmem>> -> memref<64xi32, #tpu.memory_space<vmem>>
        %dma_wait3A_221 = arith.constant 0 : i32
        %dma_wait3A_222 = arith.constant 0 : i32
        %dma_wait3A_223 = tpu.memref_slice %arg18[%dma_wait3A_221, %dma_wait3A_222] : memref<4096x128xf32, #tpu.memory_space<vmem_shared>> -> memref<4096x128xf32, #tpu.memory_space<vmem_shared>>
        tpu.wait_indirect_dma semaphore(%arg25 : memref<!tpu.dma_semaphore, #tpu.memory_space<semaphore_mem>>) src(%arg16 : memref<64x128xf32, #tpu.memory_space<vmem>>) dst(%dma_wait3A_223 : memref<4096x128xf32, #tpu.memory_space<vmem_shared>>)
      } else {
      }
      %scan3A_136 = arith.constant 0 : i32
      %scan3A_137 = arith.constant 0 : i32
      %scan3A_138 = arith.constant 64 : i32
      %scan3A_139 = arith.addi %scan3A_137, %scan3A_138 : i32
      %scan3A_140 = arith.constant 1 : i32
      %scan3A_141 = scf.for %scan3A_217 = %scan3A_137 to %scan3A_139 step %scan3A_140 iter_args(%scan3A_218 = %scan3A_136) -> (i32)  : i32 {
        %get3A = arith.index_cast %scan3A_217 : i32 to index
        %get3A_219 = arith.constant 0 : index
        %get3A_220 = tpu.vector_load %arg10[%get3A, %get3A_219] {strides = array<i32>} : memref<64x128xf32, #tpu.memory_space<vmem>>, vector<1x16xf32>,
        %get3A_221 = vector.shape_cast %get3A_220 : vector<1x16xf32> to vector<16xf32>
        %get3A_222 = arith.index_cast %scan3A_217 : i32 to index
        %get3A_223 = arith.constant 0 : index
        %get3A_224 = tpu.vector_load %arg12[%get3A_222, %get3A_223] {strides = array<i32>} : memref<64x128xf32, #tpu.memory_space<vmem>>, vector<1x16xf32>,
        %get3A_225 = vector.shape_cast %get3A_224 : vector<1x16xf32> to vector<16xf32>
        %add3A_226 = arith.addf %get3A_221, %get3A_225 : vector<16xf32>
        %get3A_227 = arith.index_cast %scan3A_217 : i32 to index
        %get3A_228 = arith.constant 0 : index
        %get3A_229 = tpu.vector_load %arg14[%get3A_227, %get3A_228] {strides = array<i32>} : memref<64x128xf32, #tpu.memory_space<vmem>>, vector<1x16xf32>,
        %get3A_230 = vector.shape_cast %get3A_229 : vector<1x16xf32> to vector<16xf32>
        %add3A_231 = arith.addf %add3A_226, %get3A_230 : vector<16xf32>
        %max3A = arith.constant 0.000000e+00 : f32
        %max3A_232 = vector.broadcast %max3A : f32 to vector<16xf32>
        %max3A_233 = arith.maximumf %add3A_231, %max3A_232 : vector<16xf32>
        %swap3A = arith.index_cast %scan3A_217 : i32 to index
        %swap3A_234 = arith.constant 0 : index
        %swap3A_235 = tpu.vector_load %arg16[%swap3A, %swap3A_234] {strides = array<i32>} : memref<64x128xf32, #tpu.memory_space<vmem>>, vector<1x16xf32>,
        %swap3A_236 = vector.shape_cast %swap3A_235 : vector<1x16xf32> to vector<16xf32>
        %swap3A_237 = vector.shape_cast %max3A_233 : vector<16xf32> to vector<1x16xf32>
        tpu.vector_store %arg16[%swap3A, %swap3A_234], %swap3A_237 {strides = array<i32>} : memref<64x128xf32, #tpu.memory_space<vmem>>, vector<1x16xf32>,
        %get3A_238 = arith.index_cast %scan3A_217 : i32 to index
        %get3A_239 = arith.constant 16 : index
        %get3A_240 = tpu.vector_load %arg10[%get3A_238, %get3A_239] {strides = array<i32>} : memref<64x128xf32, #tpu.memory_space<vmem>>, vector<1x16xf32>,
        %get3A_241 = vector.shape_cast %get3A_240 : vector<1x16xf32> to vector<16xf32>
        %get3A_242 = arith.index_cast %scan3A_217 : i32 to index
        %get3A_243 = arith.constant 16 : index
        %get3A_244 = tpu.vector_load %arg12[%get3A_242, %get3A_243] {strides = array<i32>} : memref<64x128xf32, #tpu.memory_space<vmem>>, vector<1x16xf32>,
        %get3A_245 = vector.shape_cast %get3A_244 : vector<1x16xf32> to vector<16xf32>
        %add3A_246 = arith.addf %get3A_241, %get3A_245 : vector<16xf32>
        %get3A_247 = arith.index_cast %scan3A_217 : i32 to index
        %get3A_248 = arith.constant 16 : index
        %get3A_249 = tpu.vector_load %arg14[%get3A_247, %get3A_248] {strides = array<i32>} : memref<64x128xf32, #tpu.memory_space<vmem>>, vector<1x16xf32>,
        %get3A_250 = vector.shape_cast %get3A_249 : vector<1x16xf32> to vector<16xf32>
        %add3A_251 = arith.addf %add3A_246, %get3A_250 : vector<16xf32>
        %max3A_252 = arith.constant 0.000000e+00 : f32
        %max3A_253 = vector.broadcast %max3A_252 : f32 to vector<16xf32>
        %max3A_254 = arith.maximumf %add3A_251, %max3A_253 : vector<16xf32>
        %swap3A_255 = arith.index_cast %scan3A_217 : i32 to index
        %swap3A_256 = arith.constant 16 : index
        %swap3A_257 = tpu.vector_load %arg16[%swap3A_255, %swap3A_256] {strides = array<i32>} : memref<64x128xf32, #tpu.memory_space<vmem>>, vector<1x16xf32>,
        %swap3A_258 = vector.shape_cast %swap3A_257 : vector<1x16xf32> to vector<16xf32>
        %swap3A_259 = vector.shape_cast %max3A_254 : vector<16xf32> to vector<1x16xf32>
        tpu.vector_store %arg16[%swap3A_255, %swap3A_256], %swap3A_259 {strides = array<i32>} : memref<64x128xf32, #tpu.memory_space<vmem>>, vector<1x16xf32>,
        %get3A_260 = arith.index_cast %scan3A_217 : i32 to index
        %get3A_261 = arith.constant 32 : index
        %get3A_262 = tpu.vector_load %arg10[%get3A_260, %get3A_261] {strides = array<i32>} : memref<64x128xf32, #tpu.memory_space<vmem>>, vector<1x16xf32>,
        %get3A_263 = vector.shape_cast %get3A_262 : vector<1x16xf32> to vector<16xf32>
        %get3A_264 = arith.index_cast %scan3A_217 : i32 to index
        %get3A_265 = arith.constant 32 : index
        %get3A_266 = tpu.vector_load %arg12[%get3A_264, %get3A_265] {strides = array<i32>} : memref<64x128xf32, #tpu.memory_space<vmem>>, vector<1x16xf32>,
        %get3A_267 = vector.shape_cast %get3A_266 : vector<1x16xf32> to vector<16xf32>
        %add3A_268 = arith.addf %get3A_263, %get3A_267 : vector<16xf32>
        %get3A_269 = arith.index_cast %scan3A_217 : i32 to index
        %get3A_270 = arith.constant 32 : index
        %get3A_271 = tpu.vector_load %arg14[%get3A_269, %get3A_270] {strides = array<i32>} : memref<64x128xf32, #tpu.memory_space<vmem>>, vector<1x16xf32>,
        %get3A_272 = vector.shape_cast %get3A_271 : vector<1x16xf32> to vector<16xf32>
        %add3A_273 = arith.addf %add3A_268, %get3A_272 : vector<16xf32>
        %max3A_274 = arith.constant 0.000000e+00 : f32
        %max3A_275 = vector.broadcast %max3A_274 : f32 to vector<16xf32>
        %max3A_276 = arith.maximumf %add3A_273, %max3A_275 : vector<16xf32>
        %swap3A_277 = arith.index_cast %scan3A_217 : i32 to index
        %swap3A_278 = arith.constant 32 : index
        %swap3A_279 = tpu.vector_load %arg16[%swap3A_277, %swap3A_278] {strides = array<i32>} : memref<64x128xf32, #tpu.memory_space<vmem>>, vector<1x16xf32>,
        %swap3A_280 = vector.shape_cast %swap3A_279 : vector<1x16xf32> to vector<16xf32>
        %swap3A_281 = vector.shape_cast %max3A_276 : vector<16xf32> to vector<1x16xf32>
        tpu.vector_store %arg16[%swap3A_277, %swap3A_278], %swap3A_281 {strides = array<i32>} : memref<64x128xf32, #tpu.memory_space<vmem>>, vector<1x16xf32>,
        %get3A_282 = arith.index_cast %scan3A_217 : i32 to index
        %get3A_283 = arith.constant 48 : index
        %get3A_284 = tpu.vector_load %arg10[%get3A_282, %get3A_283] {strides = array<i32>} : memref<64x128xf32, #tpu.memory_space<vmem>>, vector<1x16xf32>,
        %get3A_285 = vector.shape_cast %get3A_284 : vector<1x16xf32> to vector<16xf32>
        %get3A_286 = arith.index_cast %scan3A_217 : i32 to index
        %get3A_287 = arith.constant 48 : index
        %get3A_288 = tpu.vector_load %arg12[%get3A_286, %get3A_287] {strides = array<i32>} : memref<64x128xf32, #tpu.memory_space<vmem>>, vector<1x16xf32>,
        %get3A_289 = vector.shape_cast %get3A_288 : vector<1x16xf32> to vector<16xf32>
        %add3A_290 = arith.addf %get3A_285, %get3A_289 : vector<16xf32>
        %get3A_291 = arith.index_cast %scan3A_217 : i32 to index
        %get3A_292 = arith.constant 48 : index
        %get3A_293 = tpu.vector_load %arg14[%get3A_291, %get3A_292] {strides = array<i32>} : memref<64x128xf32, #tpu.memory_space<vmem>>, vector<1x16xf32>,
        %get3A_294 = vector.shape_cast %get3A_293 : vector<1x16xf32> to vector<16xf32>
        %add3A_295 = arith.addf %add3A_290, %get3A_294 : vector<16xf32>
        %max3A_296 = arith.constant 0.000000e+00 : f32
        %max3A_297 = vector.broadcast %max3A_296 : f32 to vector<16xf32>
        %max3A_298 = arith.maximumf %add3A_295, %max3A_297 : vector<16xf32>
        %swap3A_299 = arith.index_cast %scan3A_217 : i32 to index
        %swap3A_300 = arith.constant 48 : index
        %swap3A_301 = tpu.vector_load %arg16[%swap3A_299, %swap3A_300] {strides = array<i32>} : memref<64x128xf32, #tpu.memory_space<vmem>>, vector<1x16xf32>,
        %swap3A_302 = vector.shape_cast %swap3A_301 : vector<1x16xf32> to vector<16xf32>
        %swap3A_303 = vector.shape_cast %max3A_298 : vector<16xf32> to vector<1x16xf32>
        tpu.vector_store %arg16[%swap3A_299, %swap3A_300], %swap3A_303 {strides = array<i32>} : memref<64x128xf32, #tpu.memory_space<vmem>>, vector<1x16xf32>,
        %get3A_304 = arith.index_cast %scan3A_217 : i32 to index
        %get3A_305 = arith.constant 64 : index
        %get3A_306 = tpu.vector_load %arg10[%get3A_304, %get3A_305] {strides = array<i32>} : memref<64x128xf32, #tpu.memory_space<vmem>>, vector<1x16xf32>,
        %get3A_307 = vector.shape_cast %get3A_306 : vector<1x16xf32> to vector<16xf32>
        %get3A_308 = arith.index_cast %scan3A_217 : i32 to index
        %get3A_309 = arith.constant 64 : index
        %get3A_310 = tpu.vector_load %arg12[%get3A_308, %get3A_309] {strides = array<i32>} : memref<64x128xf32, #tpu.memory_space<vmem>>, vector<1x16xf32>,
        %get3A_311 = vector.shape_cast %get3A_310 : vector<1x16xf32> to vector<16xf32>
        %add3A_312 = arith.addf %get3A_307, %get3A_311 : vector<16xf32>
        %get3A_313 = arith.index_cast %scan3A_217 : i32 to index
        %get3A_314 = arith.constant 64 : index
        %get3A_315 = tpu.vector_load %arg14[%get3A_313, %get3A_314] {strides = array<i32>} : memref<64x128xf32, #tpu.memory_space<vmem>>, vector<1x16xf32>,
        %get3A_316 = vector.shape_cast %get3A_315 : vector<1x16xf32> to vector<16xf32>
        %add3A_317 = arith.addf %add3A_312, %get3A_316 : vector<16xf32>
        %max3A_318 = arith.constant 0.000000e+00 : f32
        %max3A_319 = vector.broadcast %max3A_318 : f32 to vector<16xf32>
        %max3A_320 = arith.maximumf %add3A_317, %max3A_319 : vector<16xf32>
        %swap3A_321 = arith.index_cast %scan3A_217 : i32 to index
        %swap3A_322 = arith.constant 64 : index
        %swap3A_323 = tpu.vector_load %arg16[%swap3A_321, %swap3A_322] {strides = array<i32>} : memref<64x128xf32, #tpu.memory_space<vmem>>, vector<1x16xf32>,
        %swap3A_324 = vector.shape_cast %swap3A_323 : vector<1x16xf32> to vector<16xf32>
        %swap3A_325 = vector.shape_cast %max3A_320 : vector<16xf32> to vector<1x16xf32>
        tpu.vector_store %arg16[%swap3A_321, %swap3A_322], %swap3A_325 {strides = array<i32>} : memref<64x128xf32, #tpu.memory_space<vmem>>, vector<1x16xf32>,
        %get3A_326 = arith.index_cast %scan3A_217 : i32 to index
        %get3A_327 = arith.constant 80 : index
        %get3A_328 = tpu.vector_load %arg10[%get3A_326, %get3A_327] {strides = array<i32>} : memref<64x128xf32, #tpu.memory_space<vmem>>, vector<1x16xf32>,
        %get3A_329 = vector.shape_cast %get3A_328 : vector<1x16xf32> to vector<16xf32>
        %get3A_330 = arith.index_cast %scan3A_217 : i32 to index
        %get3A_331 = arith.constant 80 : index
        %get3A_332 = tpu.vector_load %arg12[%get3A_330, %get3A_331] {strides = array<i32>} : memref<64x128xf32, #tpu.memory_space<vmem>>, vector<1x16xf32>,
        %get3A_333 = vector.shape_cast %get3A_332 : vector<1x16xf32> to vector<16xf32>
        %add3A_334 = arith.addf %get3A_329, %get3A_333 : vector<16xf32>
        %get3A_335 = arith.index_cast %scan3A_217 : i32 to index
        %get3A_336 = arith.constant 80 : index
        %get3A_337 = tpu.vector_load %arg14[%get3A_335, %get3A_336] {strides = array<i32>} : memref<64x128xf32, #tpu.memory_space<vmem>>, vector<1x16xf32>,
        %get3A_338 = vector.shape_cast %get3A_337 : vector<1x16xf32> to vector<16xf32>
        %add3A_339 = arith.addf %add3A_334, %get3A_338 : vector<16xf32>
        %max3A_340 = arith.constant 0.000000e+00 : f32
        %max3A_341 = vector.broadcast %max3A_340 : f32 to vector<16xf32>
        %max3A_342 = arith.maximumf %add3A_339, %max3A_341 : vector<16xf32>
        %swap3A_343 = arith.index_cast %scan3A_217 : i32 to index
        %swap3A_344 = arith.constant 80 : index
        %swap3A_345 = tpu.vector_load %arg16[%swap3A_343, %swap3A_344] {strides = array<i32>} : memref<64x128xf32, #tpu.memory_space<vmem>>, vector<1x16xf32>,
        %swap3A_346 = vector.shape_cast %swap3A_345 : vector<1x16xf32> to vector<16xf32>
        %swap3A_347 = vector.shape_cast %max3A_342 : vector<16xf32> to vector<1x16xf32>
        tpu.vector_store %arg16[%swap3A_343, %swap3A_344], %swap3A_347 {strides = array<i32>} : memref<64x128xf32, #tpu.memory_space<vmem>>, vector<1x16xf32>,
        %get3A_348 = arith.index_cast %scan3A_217 : i32 to index
        %get3A_349 = arith.constant 96 : index
        %get3A_350 = tpu.vector_load %arg10[%get3A_348, %get3A_349] {strides = array<i32>} : memref<64x128xf32, #tpu.memory_space<vmem>>, vector<1x16xf32>,
        %get3A_351 = vector.shape_cast %get3A_350 : vector<1x16xf32> to vector<16xf32>
        %get3A_352 = arith.index_cast %scan3A_217 : i32 to index
        %get3A_353 = arith.constant 96 : index
        %get3A_354 = tpu.vector_load %arg12[%get3A_352, %get3A_353] {strides = array<i32>} : memref<64x128xf32, #tpu.memory_space<vmem>>, vector<1x16xf32>,
        %get3A_355 = vector.shape_cast %get3A_354 : vector<1x16xf32> to vector<16xf32>
        %add3A_356 = arith.addf %get3A_351, %get3A_355 : vector<16xf32>
        %get3A_357 = arith.index_cast %scan3A_217 : i32 to index
        %get3A_358 = arith.constant 96 : index
        %get3A_359 = tpu.vector_load %arg14[%get3A_357, %get3A_358] {strides = array<i32>} : memref<64x128xf32, #tpu.memory_space<vmem>>, vector<1x16xf32>,
        %get3A_360 = vector.shape_cast %get3A_359 : vector<1x16xf32> to vector<16xf32>
        %add3A_361 = arith.addf %add3A_356, %get3A_360 : vector<16xf32>
        %max3A_362 = arith.constant 0.000000e+00 : f32
        %max3A_363 = vector.broadcast %max3A_362 : f32 to vector<16xf32>
        %max3A_364 = arith.maximumf %add3A_361, %max3A_363 : vector<16xf32>
        %swap3A_365 = arith.index_cast %scan3A_217 : i32 to index
        %swap3A_366 = arith.constant 96 : index
        %swap3A_367 = tpu.vector_load %arg16[%swap3A_365, %swap3A_366] {strides = array<i32>} : memref<64x128xf32, #tpu.memory_space<vmem>>, vector<1x16xf32>,
        %swap3A_368 = vector.shape_cast %swap3A_367 : vector<1x16xf32> to vector<16xf32>
        %swap3A_369 = vector.shape_cast %max3A_364 : vector<16xf32> to vector<1x16xf32>
        tpu.vector_store %arg16[%swap3A_365, %swap3A_366], %swap3A_369 {strides = array<i32>} : memref<64x128xf32, #tpu.memory_space<vmem>>, vector<1x16xf32>,
        %get3A_370 = arith.index_cast %scan3A_217 : i32 to index
        %get3A_371 = arith.constant 112 : index
        %get3A_372 = tpu.vector_load %arg10[%get3A_370, %get3A_371] {strides = array<i32>} : memref<64x128xf32, #tpu.memory_space<vmem>>, vector<1x16xf32>,
        %get3A_373 = vector.shape_cast %get3A_372 : vector<1x16xf32> to vector<16xf32>
        %get3A_374 = arith.index_cast %scan3A_217 : i32 to index
        %get3A_375 = arith.constant 112 : index
        %get3A_376 = tpu.vector_load %arg12[%get3A_374, %get3A_375] {strides = array<i32>} : memref<64x128xf32, #tpu.memory_space<vmem>>, vector<1x16xf32>,
        %get3A_377 = vector.shape_cast %get3A_376 : vector<1x16xf32> to vector<16xf32>
        %add3A_378 = arith.addf %get3A_373, %get3A_377 : vector<16xf32>
        %get3A_379 = arith.index_cast %scan3A_217 : i32 to index
        %get3A_380 = arith.constant 112 : index
        %get3A_381 = tpu.vector_load %arg14[%get3A_379, %get3A_380] {strides = array<i32>} : memref<64x128xf32, #tpu.memory_space<vmem>>, vector<1x16xf32>,
        %get3A_382 = vector.shape_cast %get3A_381 : vector<1x16xf32> to vector<16xf32>
        %add3A_383 = arith.addf %add3A_378, %get3A_382 : vector<16xf32>
        %max3A_384 = arith.constant 0.000000e+00 : f32
        %max3A_385 = vector.broadcast %max3A_384 : f32 to vector<16xf32>
        %max3A_386 = arith.maximumf %add3A_383, %max3A_385 : vector<16xf32>
        %swap3A_387 = arith.index_cast %scan3A_217 : i32 to index
        %swap3A_388 = arith.constant 112 : index
        %swap3A_389 = tpu.vector_load %arg16[%swap3A_387, %swap3A_388] {strides = array<i32>} : memref<64x128xf32, #tpu.memory_space<vmem>>, vector<1x16xf32>,
        %swap3A_390 = vector.shape_cast %swap3A_389 : vector<1x16xf32> to vector<16xf32>
        %swap3A_391 = vector.shape_cast %max3A_386 : vector<16xf32> to vector<1x16xf32>
        tpu.vector_store %arg16[%swap3A_387, %swap3A_388], %swap3A_391 {strides = array<i32>} : memref<64x128xf32, #tpu.memory_space<vmem>>, vector<1x16xf32>,
        %scan3A_392 = arith.constant 0 : i32
        scf.yield %scan3A_392 : i32
      }
      %scan3A_142 = arith.constant 64 : i32
      %dma_start3A_143 = arith.constant 0 : i32
      %dma_start3A_144 = tpu.memref_slice %arg9[%add3A_89, %dma_start3A_143] : memref<64x64xi32, #tpu.memory_space<vmem>> -> memref<1x64xi32, #tpu.memory_space<vmem>>
      %dma_start3A_145 = tpu.memref_squeeze %dma_start3A_144 : memref<1x64xi32, #tpu.memory_space<vmem>> -> memref<64xi32, #tpu.memory_space<vmem>>
      %dma_start3A_146 = arith.constant 0 : i32
      %dma_start3A_147 = arith.constant 0 : i32
      %dma_start3A_148 = tpu.memref_slice %arg18[%dma_start3A_146, %dma_start3A_147] : memref<4096x128xf32, #tpu.memory_space<vmem_shared>> -> memref<4096x128xf32, #tpu.memory_space<vmem_shared>>
      tpu.enqueue_indirect_dma source(%arg16 : memref<64x128xf32, #tpu.memory_space<vmem>>) target(%dma_start3A_148 : memref<4096x128xf32, #tpu.memory_space<vmem_shared>>) offsets(%dma_start3A_145 : memref<64xi32, #tpu.memory_space<vmem>>) semaphore(%arg25 : memref<!tpu.dma_semaphore, #tpu.memory_space<semaphore_mem>>) {add = true}
      %mul3A_149 = arith.constant 2 : i32
      %mul3A_150 = arith.muli %mul3A_149, %scan3A_84 : i32
      %add3A_151 = arith.constant 1 : i32
      %add3A_152 = arith.addi %mul3A_150, %add3A_151 : i32
      %dma_wait3A_153 = arith.constant 0 : i32
      %dma_wait3A_154 = arith.constant 0 : i32
      %dma_wait3A_155 = tpu.memref_slice %arg8[%dma_wait3A_153, %dma_wait3A_154] : memref<64x64xi32, #tpu.memory_space<vmem>> -> memref<1x64xi32, #tpu.memory_space<vmem>>
      %dma_wait3A_156 = tpu.memref_squeeze %dma_wait3A_155 : memref<1x64xi32, #tpu.memory_space<vmem>> -> memref<64xi32, #tpu.memory_space<vmem>>
      %dma_wait3A_157 = arith.constant 0 : i32
      %dma_wait3A_158 = arith.constant 0 : i32
      %dma_wait3A_159 = tpu.memref_slice %arg4[%dma_wait3A_157, %dma_wait3A_158] : memref<4096x128xf32, #tpu.memory_space<hbm>> -> memref<4096x128xf32, #tpu.memory_space<hbm>>
      tpu.wait_indirect_dma semaphore(%arg20 : memref<!tpu.dma_semaphore, #tpu.memory_space<semaphore_mem>>) src(%dma_wait3A_159 : memref<4096x128xf32, #tpu.memory_space<hbm>>) dst(%arg11 : memref<64x128xf32, #tpu.memory_space<vmem>>)
      %dma_wait3A_160 = arith.constant 0 : i32
      %dma_wait3A_161 = arith.constant 0 : i32
      %dma_wait3A_162 = tpu.memref_slice %arg9[%dma_wait3A_160, %dma_wait3A_161] : memref<64x64xi32, #tpu.memory_space<vmem>> -> memref<1x64xi32, #tpu.memory_space<vmem>>
      %dma_wait3A_163 = tpu.memref_squeeze %dma_wait3A_162 : memref<1x64xi32, #tpu.memory_space<vmem>> -> memref<64xi32, #tpu.memory_space<vmem>>
      %dma_wait3A_164 = arith.constant 0 : i32
      %dma_wait3A_165 = arith.constant 0 : i32
      %dma_wait3A_166 = tpu.memref_slice %arg5[%dma_wait3A_164, %dma_wait3A_165] : memref<4096x128xf32, #tpu.memory_space<hbm>> -> memref<4096x128xf32, #tpu.memory_space<hbm>>
      tpu.wait_indirect_dma semaphore(%arg22 : memref<!tpu.dma_semaphore, #tpu.memory_space<semaphore_mem>>) src(%dma_wait3A_166 : memref<4096x128xf32, #tpu.memory_space<hbm>>) dst(%arg13 : memref<64x128xf32, #tpu.memory_space<vmem>>)
      %dma_wait3A_167 = arith.constant 0 : i32
      %dma_wait3A_168 = arith.constant 0 : i32
      %dma_wait3A_169 = tpu.memref_slice %arg6[%dma_wait3A_167, %dma_wait3A_168] : memref<131072x128xf32, #tpu.memory_space<hbm>> -> memref<64x128xf32, #tpu.memory_space<hbm>>
      %dma_wait3A_170 = arith.constant 0 : i32
      %dma_wait3A_171 = arith.constant 0 : i32
      %dma_wait3A_172 = tpu.memref_slice %arg6[%dma_wait3A_170, %dma_wait3A_171] : memref<131072x128xf32, #tpu.memory_space<hbm>> -> memref<64x128xf32, #tpu.memory_space<hbm>>
      tpu.wait_dma2 semaphore(%arg24 : memref<!tpu.dma_semaphore, #tpu.memory_space<semaphore_mem>>) src(%dma_wait3A_172 : memref<64x128xf32, #tpu.memory_space<hbm>>) dst(%arg15 : memref<64x128xf32, #tpu.memory_space<vmem>>)
      %add3A_173 = arith.constant 1 : i32
      %add3A_174 = arith.addi %add3A_152, %add3A_173 : i32
      %rem3A_175 = arith.constant 64 : i32
      %rem3A_176 = arith.remsi %add3A_174, %rem3A_175 : i32
      %mul3A_177 = arith.constant 4096 : i32
      %mul3A_178 = arith.muli %add3A, %mul3A_177 : i32
      %mul3A_179 = arith.constant 64 : i32
      %mul3A_180 = arith.muli %rem3A_176, %mul3A_179 : i32
      %add3A_181 = arith.addi %mul3A_178, %mul3A_180 : i32
      %dma_start3A_182 = arith.constant 0 : i32
      %dma_start3A_183 = tpu.memref_slice %arg8[%rem3A_176, %dma_start3A_182] : memref<64x64xi32, #tpu.memory_space<vmem>> -> memref<1x64xi32, #tpu.memory_space<vmem>>
      %dma_start3A_184 = tpu.memref_squeeze %dma_start3A_183 : memref<1x64xi32, #tpu.memory_space<vmem>> -> memref<64xi32, #tpu.memory_space<vmem>>
      %dma_start3A_185 = arith.constant 0 : i32
      %dma_start3A_186 = arith.constant 0 : i32
      %dma_start3A_187 = tpu.memref_slice %arg4[%dma_start3A_185, %dma_start3A_186] : memref<4096x128xf32, #tpu.memory_space<hbm>> -> memref<4096x128xf32, #tpu.memory_space<hbm>>
      tpu.enqueue_indirect_dma source(%dma_start3A_187 : memref<4096x128xf32, #tpu.memory_space<hbm>>) target(%arg10 : memref<64x128xf32, #tpu.memory_space<vmem>>) offsets(%dma_start3A_184 : memref<64xi32, #tpu.memory_space<vmem>>) semaphore(%arg19 : memref<!tpu.dma_semaphore, #tpu.memory_space<semaphore_mem>>)
      %dma_start3A_188 = arith.constant 0 : i32
      %dma_start3A_189 = tpu.memref_slice %arg9[%rem3A_176, %dma_start3A_188] : memref<64x64xi32, #tpu.memory_space<vmem>> -> memref<1x64xi32, #tpu.memory_space<vmem>>
      %dma_start3A_190 = tpu.memref_squeeze %dma_start3A_189 : memref<1x64xi32, #tpu.memory_space<vmem>> -> memref<64xi32, #tpu.memory_space<vmem>>
      %dma_start3A_191 = arith.constant 0 : i32
      %dma_start3A_192 = arith.constant 0 : i32
      %dma_start3A_193 = tpu.memref_slice %arg5[%dma_start3A_191, %dma_start3A_192] : memref<4096x128xf32, #tpu.memory_space<hbm>> -> memref<4096x128xf32, #tpu.memory_space<hbm>>
      tpu.enqueue_indirect_dma source(%dma_start3A_193 : memref<4096x128xf32, #tpu.memory_space<hbm>>) target(%arg12 : memref<64x128xf32, #tpu.memory_space<vmem>>) offsets(%dma_start3A_190 : memref<64xi32, #tpu.memory_space<vmem>>) semaphore(%arg21 : memref<!tpu.dma_semaphore, #tpu.memory_space<semaphore_mem>>)
      %dma_start3A_194 = arith.constant 0 : i32
      %dma_start3A_195 = tpu.memref_slice %arg6[%add3A_181, %dma_start3A_194] : memref<131072x128xf32, #tpu.memory_space<hbm>> -> memref<64x128xf32, #tpu.memory_space<hbm>>
      %dma_start3A_196 = arith.constant 0 : i32
      %dma_start3A_197 = tpu.memref_slice %arg6[%add3A_181, %dma_start3A_196] : memref<131072x128xf32, #tpu.memory_space<hbm>> -> memref<64x128xf32, #tpu.memory_space<hbm>>
      tpu.enqueue_dma source(%dma_start3A_197 : memref<64x128xf32, #tpu.memory_space<hbm>>) target(%arg14 : memref<64x128xf32, #tpu.memory_space<vmem>>) target_semaphore(%arg23 : memref<!tpu.dma_semaphore, #tpu.memory_space<semaphore_mem>>)
      %ge3A_198 = arith.constant 1 : i32
      %ge3A_199 = arith.cmpi sge, %scan3A_84, %ge3A_198 : i32
      %convert_element_type3A_200 = arith.extui %ge3A_199 : i1 to i32
      %cond3A_201 = arith.constant 0 : i32
      %cond3A_202 = arith.cmpi ne, %convert_element_type3A_200, %cond3A_201 : i32
      scf.if %cond3A_202 {
        %dma_wait3A_217 = arith.constant 0 : i32
        %dma_wait3A_218 = arith.constant 0 : i32
        %dma_wait3A_219 = tpu.memref_slice %arg9[%dma_wait3A_217, %dma_wait3A_218] : memref<64x64xi32, #tpu.memory_space<vmem>> -> memref<1x64xi32, #tpu.memory_space<vmem>>
        %dma_wait3A_220 = tpu.memref_squeeze %dma_wait3A_219 : memref<1x64xi32, #tpu.memory_space<vmem>> -> memref<64xi32, #tpu.memory_space<vmem>>
        %dma_wait3A_221 = arith.constant 0 : i32
        %dma_wait3A_222 = arith.constant 0 : i32
        %dma_wait3A_223 = tpu.memref_slice %arg18[%dma_wait3A_221, %dma_wait3A_222] : memref<4096x128xf32, #tpu.memory_space<vmem_shared>> -> memref<4096x128xf32, #tpu.memory_space<vmem_shared>>
        tpu.wait_indirect_dma semaphore(%arg26 : memref<!tpu.dma_semaphore, #tpu.memory_space<semaphore_mem>>) src(%arg17 : memref<64x128xf32, #tpu.memory_space<vmem>>) dst(%dma_wait3A_223 : memref<4096x128xf32, #tpu.memory_space<vmem_shared>>)
      } else {
      }
      %scan3A_203 = arith.constant 0 : i32
      %scan3A_204 = arith.constant 0 : i32
      %scan3A_205 = arith.constant 64 : i32
      %scan3A_206 = arith.addi %scan3A_204, %scan3A_205 : i32
      %scan3A_207 = arith.constant 1 : i32
      %scan3A_208 = scf.for %scan3A_217 = %scan3A_204 to %scan3A_206 step %scan3A_207 iter_args(%scan3A_218 = %scan3A_203) -> (i32)  : i32 {
        %get3A = arith.index_cast %scan3A_217 : i32 to index
        %get3A_219 = arith.constant 0 : index
        %get3A_220 = tpu.vector_load %arg11[%get3A, %get3A_219] {strides = array<i32>} : memref<64x128xf32, #tpu.memory_space<vmem>>, vector<1x16xf32>,
        %get3A_221 = vector.shape_cast %get3A_220 : vector<1x16xf32> to vector<16xf32>
        %get3A_222 = arith.index_cast %scan3A_217 : i32 to index
        %get3A_223 = arith.constant 0 : index
        %get3A_224 = tpu.vector_load %arg13[%get3A_222, %get3A_223] {strides = array<i32>} : memref<64x128xf32, #tpu.memory_space<vmem>>, vector<1x16xf32>,
        %get3A_225 = vector.shape_cast %get3A_224 : vector<1x16xf32> to vector<16xf32>
        %add3A_226 = arith.addf %get3A_221, %get3A_225 : vector<16xf32>
        %get3A_227 = arith.index_cast %scan3A_217 : i32 to index
        %get3A_228 = arith.constant 0 : index
        %get3A_229 = tpu.vector_load %arg15[%get3A_227, %get3A_228] {strides = array<i32>} : memref<64x128xf32, #tpu.memory_space<vmem>>, vector<1x16xf32>,
        %get3A_230 = vector.shape_cast %get3A_229 : vector<1x16xf32> to vector<16xf32>
        %add3A_231 = arith.addf %add3A_226, %get3A_230 : vector<16xf32>
        %max3A = arith.constant 0.000000e+00 : f32
        %max3A_232 = vector.broadcast %max3A : f32 to vector<16xf32>
        %max3A_233 = arith.maximumf %add3A_231, %max3A_232 : vector<16xf32>
        %swap3A = arith.index_cast %scan3A_217 : i32 to index
        %swap3A_234 = arith.constant 0 : index
        %swap3A_235 = tpu.vector_load %arg17[%swap3A, %swap3A_234] {strides = array<i32>} : memref<64x128xf32, #tpu.memory_space<vmem>>, vector<1x16xf32>,
        %swap3A_236 = vector.shape_cast %swap3A_235 : vector<1x16xf32> to vector<16xf32>
        %swap3A_237 = vector.shape_cast %max3A_233 : vector<16xf32> to vector<1x16xf32>
        tpu.vector_store %arg17[%swap3A, %swap3A_234], %swap3A_237 {strides = array<i32>} : memref<64x128xf32, #tpu.memory_space<vmem>>, vector<1x16xf32>,
        %get3A_238 = arith.index_cast %scan3A_217 : i32 to index
        %get3A_239 = arith.constant 16 : index
        %get3A_240 = tpu.vector_load %arg11[%get3A_238, %get3A_239] {strides = array<i32>} : memref<64x128xf32, #tpu.memory_space<vmem>>, vector<1x16xf32>,
        %get3A_241 = vector.shape_cast %get3A_240 : vector<1x16xf32> to vector<16xf32>
        %get3A_242 = arith.index_cast %scan3A_217 : i32 to index
        %get3A_243 = arith.constant 16 : index
        %get3A_244 = tpu.vector_load %arg13[%get3A_242, %get3A_243] {strides = array<i32>} : memref<64x128xf32, #tpu.memory_space<vmem>>, vector<1x16xf32>,
        %get3A_245 = vector.shape_cast %get3A_244 : vector<1x16xf32> to vector<16xf32>
        %add3A_246 = arith.addf %get3A_241, %get3A_245 : vector<16xf32>
        %get3A_247 = arith.index_cast %scan3A_217 : i32 to index
        %get3A_248 = arith.constant 16 : index
        %get3A_249 = tpu.vector_load %arg15[%get3A_247, %get3A_248] {strides = array<i32>} : memref<64x128xf32, #tpu.memory_space<vmem>>, vector<1x16xf32>,
        %get3A_250 = vector.shape_cast %get3A_249 : vector<1x16xf32> to vector<16xf32>
        %add3A_251 = arith.addf %add3A_246, %get3A_250 : vector<16xf32>
        %max3A_252 = arith.constant 0.000000e+00 : f32
        %max3A_253 = vector.broadcast %max3A_252 : f32 to vector<16xf32>
        %max3A_254 = arith.maximumf %add3A_251, %max3A_253 : vector<16xf32>
        %swap3A_255 = arith.index_cast %scan3A_217 : i32 to index
        %swap3A_256 = arith.constant 16 : index
        %swap3A_257 = tpu.vector_load %arg17[%swap3A_255, %swap3A_256] {strides = array<i32>} : memref<64x128xf32, #tpu.memory_space<vmem>>, vector<1x16xf32>,
        %swap3A_258 = vector.shape_cast %swap3A_257 : vector<1x16xf32> to vector<16xf32>
        %swap3A_259 = vector.shape_cast %max3A_254 : vector<16xf32> to vector<1x16xf32>
        tpu.vector_store %arg17[%swap3A_255, %swap3A_256], %swap3A_259 {strides = array<i32>} : memref<64x128xf32, #tpu.memory_space<vmem>>, vector<1x16xf32>,
        %get3A_260 = arith.index_cast %scan3A_217 : i32 to index
        %get3A_261 = arith.constant 32 : index
        %get3A_262 = tpu.vector_load %arg11[%get3A_260, %get3A_261] {strides = array<i32>} : memref<64x128xf32, #tpu.memory_space<vmem>>, vector<1x16xf32>,
        %get3A_263 = vector.shape_cast %get3A_262 : vector<1x16xf32> to vector<16xf32>
        %get3A_264 = arith.index_cast %scan3A_217 : i32 to index
        %get3A_265 = arith.constant 32 : index
        %get3A_266 = tpu.vector_load %arg13[%get3A_264, %get3A_265] {strides = array<i32>} : memref<64x128xf32, #tpu.memory_space<vmem>>, vector<1x16xf32>,
        %get3A_267 = vector.shape_cast %get3A_266 : vector<1x16xf32> to vector<16xf32>
        %add3A_268 = arith.addf %get3A_263, %get3A_267 : vector<16xf32>
        %get3A_269 = arith.index_cast %scan3A_217 : i32 to index
        %get3A_270 = arith.constant 32 : index
        %get3A_271 = tpu.vector_load %arg15[%get3A_269, %get3A_270] {strides = array<i32>} : memref<64x128xf32, #tpu.memory_space<vmem>>, vector<1x16xf32>,
        %get3A_272 = vector.shape_cast %get3A_271 : vector<1x16xf32> to vector<16xf32>
        %add3A_273 = arith.addf %add3A_268, %get3A_272 : vector<16xf32>
        %max3A_274 = arith.constant 0.000000e+00 : f32
        %max3A_275 = vector.broadcast %max3A_274 : f32 to vector<16xf32>
        %max3A_276 = arith.maximumf %add3A_273, %max3A_275 : vector<16xf32>
        %swap3A_277 = arith.index_cast %scan3A_217 : i32 to index
        %swap3A_278 = arith.constant 32 : index
        %swap3A_279 = tpu.vector_load %arg17[%swap3A_277, %swap3A_278] {strides = array<i32>} : memref<64x128xf32, #tpu.memory_space<vmem>>, vector<1x16xf32>,
        %swap3A_280 = vector.shape_cast %swap3A_279 : vector<1x16xf32> to vector<16xf32>
        %swap3A_281 = vector.shape_cast %max3A_276 : vector<16xf32> to vector<1x16xf32>
        tpu.vector_store %arg17[%swap3A_277, %swap3A_278], %swap3A_281 {strides = array<i32>} : memref<64x128xf32, #tpu.memory_space<vmem>>, vector<1x16xf32>,
        %get3A_282 = arith.index_cast %scan3A_217 : i32 to index
        %get3A_283 = arith.constant 48 : index
        %get3A_284 = tpu.vector_load %arg11[%get3A_282, %get3A_283] {strides = array<i32>} : memref<64x128xf32, #tpu.memory_space<vmem>>, vector<1x16xf32>,
        %get3A_285 = vector.shape_cast %get3A_284 : vector<1x16xf32> to vector<16xf32>
        %get3A_286 = arith.index_cast %scan3A_217 : i32 to index
        %get3A_287 = arith.constant 48 : index
        %get3A_288 = tpu.vector_load %arg13[%get3A_286, %get3A_287] {strides = array<i32>} : memref<64x128xf32, #tpu.memory_space<vmem>>, vector<1x16xf32>,
        %get3A_289 = vector.shape_cast %get3A_288 : vector<1x16xf32> to vector<16xf32>
        %add3A_290 = arith.addf %get3A_285, %get3A_289 : vector<16xf32>
        %get3A_291 = arith.index_cast %scan3A_217 : i32 to index
        %get3A_292 = arith.constant 48 : index
        %get3A_293 = tpu.vector_load %arg15[%get3A_291, %get3A_292] {strides = array<i32>} : memref<64x128xf32, #tpu.memory_space<vmem>>, vector<1x16xf32>,
        %get3A_294 = vector.shape_cast %get3A_293 : vector<1x16xf32> to vector<16xf32>
        %add3A_295 = arith.addf %add3A_290, %get3A_294 : vector<16xf32>
        %max3A_296 = arith.constant 0.000000e+00 : f32
        %max3A_297 = vector.broadcast %max3A_296 : f32 to vector<16xf32>
        %max3A_298 = arith.maximumf %add3A_295, %max3A_297 : vector<16xf32>
        %swap3A_299 = arith.index_cast %scan3A_217 : i32 to index
        %swap3A_300 = arith.constant 48 : index
        %swap3A_301 = tpu.vector_load %arg17[%swap3A_299, %swap3A_300] {strides = array<i32>} : memref<64x128xf32, #tpu.memory_space<vmem>>, vector<1x16xf32>,
        %swap3A_302 = vector.shape_cast %swap3A_301 : vector<1x16xf32> to vector<16xf32>
        %swap3A_303 = vector.shape_cast %max3A_298 : vector<16xf32> to vector<1x16xf32>
        tpu.vector_store %arg17[%swap3A_299, %swap3A_300], %swap3A_303 {strides = array<i32>} : memref<64x128xf32, #tpu.memory_space<vmem>>, vector<1x16xf32>,
        %get3A_304 = arith.index_cast %scan3A_217 : i32 to index
        %get3A_305 = arith.constant 64 : index
        %get3A_306 = tpu.vector_load %arg11[%get3A_304, %get3A_305] {strides = array<i32>} : memref<64x128xf32, #tpu.memory_space<vmem>>, vector<1x16xf32>,
        %get3A_307 = vector.shape_cast %get3A_306 : vector<1x16xf32> to vector<16xf32>
        %get3A_308 = arith.index_cast %scan3A_217 : i32 to index
        %get3A_309 = arith.constant 64 : index
        %get3A_310 = tpu.vector_load %arg13[%get3A_308, %get3A_309] {strides = array<i32>} : memref<64x128xf32, #tpu.memory_space<vmem>>, vector<1x16xf32>,
        %get3A_311 = vector.shape_cast %get3A_310 : vector<1x16xf32> to vector<16xf32>
        %add3A_312 = arith.addf %get3A_307, %get3A_311 : vector<16xf32>
        %get3A_313 = arith.index_cast %scan3A_217 : i32 to index
        %get3A_314 = arith.constant 64 : index
        %get3A_315 = tpu.vector_load %arg15[%get3A_313, %get3A_314] {strides = array<i32>} : memref<64x128xf32, #tpu.memory_space<vmem>>, vector<1x16xf32>,
        %get3A_316 = vector.shape_cast %get3A_315 : vector<1x16xf32> to vector<16xf32>
        %add3A_317 = arith.addf %add3A_312, %get3A_316 : vector<16xf32>
        %max3A_318 = arith.constant 0.000000e+00 : f32
        %max3A_319 = vector.broadcast %max3A_318 : f32 to vector<16xf32>
        %max3A_320 = arith.maximumf %add3A_317, %max3A_319 : vector<16xf32>
        %swap3A_321 = arith.index_cast %scan3A_217 : i32 to index
        %swap3A_322 = arith.constant 64 : index
        %swap3A_323 = tpu.vector_load %arg17[%swap3A_321, %swap3A_322] {strides = array<i32>} : memref<64x128xf32, #tpu.memory_space<vmem>>, vector<1x16xf32>,
        %swap3A_324 = vector.shape_cast %swap3A_323 : vector<1x16xf32> to vector<16xf32>
        %swap3A_325 = vector.shape_cast %max3A_320 : vector<16xf32> to vector<1x16xf32>
        tpu.vector_store %arg17[%swap3A_321, %swap3A_322], %swap3A_325 {strides = array<i32>} : memref<64x128xf32, #tpu.memory_space<vmem>>, vector<1x16xf32>,
        %get3A_326 = arith.index_cast %scan3A_217 : i32 to index
        %get3A_327 = arith.constant 80 : index
        %get3A_328 = tpu.vector_load %arg11[%get3A_326, %get3A_327] {strides = array<i32>} : memref<64x128xf32, #tpu.memory_space<vmem>>, vector<1x16xf32>,
        %get3A_329 = vector.shape_cast %get3A_328 : vector<1x16xf32> to vector<16xf32>
        %get3A_330 = arith.index_cast %scan3A_217 : i32 to index
        %get3A_331 = arith.constant 80 : index
        %get3A_332 = tpu.vector_load %arg13[%get3A_330, %get3A_331] {strides = array<i32>} : memref<64x128xf32, #tpu.memory_space<vmem>>, vector<1x16xf32>,
        %get3A_333 = vector.shape_cast %get3A_332 : vector<1x16xf32> to vector<16xf32>
        %add3A_334 = arith.addf %get3A_329, %get3A_333 : vector<16xf32>
        %get3A_335 = arith.index_cast %scan3A_217 : i32 to index
        %get3A_336 = arith.constant 80 : index
        %get3A_337 = tpu.vector_load %arg15[%get3A_335, %get3A_336] {strides = array<i32>} : memref<64x128xf32, #tpu.memory_space<vmem>>, vector<1x16xf32>,
        %get3A_338 = vector.shape_cast %get3A_337 : vector<1x16xf32> to vector<16xf32>
        %add3A_339 = arith.addf %add3A_334, %get3A_338 : vector<16xf32>
        %max3A_340 = arith.constant 0.000000e+00 : f32
        %max3A_341 = vector.broadcast %max3A_340 : f32 to vector<16xf32>
        %max3A_342 = arith.maximumf %add3A_339, %max3A_341 : vector<16xf32>
        %swap3A_343 = arith.index_cast %scan3A_217 : i32 to index
        %swap3A_344 = arith.constant 80 : index
        %swap3A_345 = tpu.vector_load %arg17[%swap3A_343, %swap3A_344] {strides = array<i32>} : memref<64x128xf32, #tpu.memory_space<vmem>>, vector<1x16xf32>,
        %swap3A_346 = vector.shape_cast %swap3A_345 : vector<1x16xf32> to vector<16xf32>
        %swap3A_347 = vector.shape_cast %max3A_342 : vector<16xf32> to vector<1x16xf32>
        tpu.vector_store %arg17[%swap3A_343, %swap3A_344], %swap3A_347 {strides = array<i32>} : memref<64x128xf32, #tpu.memory_space<vmem>>, vector<1x16xf32>,
        %get3A_348 = arith.index_cast %scan3A_217 : i32 to index
        %get3A_349 = arith.constant 96 : index
        %get3A_350 = tpu.vector_load %arg11[%get3A_348, %get3A_349] {strides = array<i32>} : memref<64x128xf32, #tpu.memory_space<vmem>>, vector<1x16xf32>,
        %get3A_351 = vector.shape_cast %get3A_350 : vector<1x16xf32> to vector<16xf32>
        %get3A_352 = arith.index_cast %scan3A_217 : i32 to index
        %get3A_353 = arith.constant 96 : index
        %get3A_354 = tpu.vector_load %arg13[%get3A_352, %get3A_353] {strides = array<i32>} : memref<64x128xf32, #tpu.memory_space<vmem>>, vector<1x16xf32>,
        %get3A_355 = vector.shape_cast %get3A_354 : vector<1x16xf32> to vector<16xf32>
        %add3A_356 = arith.addf %get3A_351, %get3A_355 : vector<16xf32>
        %get3A_357 = arith.index_cast %scan3A_217 : i32 to index
        %get3A_358 = arith.constant 96 : index
        %get3A_359 = tpu.vector_load %arg15[%get3A_357, %get3A_358] {strides = array<i32>} : memref<64x128xf32, #tpu.memory_space<vmem>>, vector<1x16xf32>,
        %get3A_360 = vector.shape_cast %get3A_359 : vector<1x16xf32> to vector<16xf32>
        %add3A_361 = arith.addf %add3A_356, %get3A_360 : vector<16xf32>
        %max3A_362 = arith.constant 0.000000e+00 : f32
        %max3A_363 = vector.broadcast %max3A_362 : f32 to vector<16xf32>
        %max3A_364 = arith.maximumf %add3A_361, %max3A_363 : vector<16xf32>
        %swap3A_365 = arith.index_cast %scan3A_217 : i32 to index
        %swap3A_366 = arith.constant 96 : index
        %swap3A_367 = tpu.vector_load %arg17[%swap3A_365, %swap3A_366] {strides = array<i32>} : memref<64x128xf32, #tpu.memory_space<vmem>>, vector<1x16xf32>,
        %swap3A_368 = vector.shape_cast %swap3A_367 : vector<1x16xf32> to vector<16xf32>
        %swap3A_369 = vector.shape_cast %max3A_364 : vector<16xf32> to vector<1x16xf32>
        tpu.vector_store %arg17[%swap3A_365, %swap3A_366], %swap3A_369 {strides = array<i32>} : memref<64x128xf32, #tpu.memory_space<vmem>>, vector<1x16xf32>,
        %get3A_370 = arith.index_cast %scan3A_217 : i32 to index
        %get3A_371 = arith.constant 112 : index
        %get3A_372 = tpu.vector_load %arg11[%get3A_370, %get3A_371] {strides = array<i32>} : memref<64x128xf32, #tpu.memory_space<vmem>>, vector<1x16xf32>,
        %get3A_373 = vector.shape_cast %get3A_372 : vector<1x16xf32> to vector<16xf32>
        %get3A_374 = arith.index_cast %scan3A_217 : i32 to index
        %get3A_375 = arith.constant 112 : index
        %get3A_376 = tpu.vector_load %arg13[%get3A_374, %get3A_375] {strides = array<i32>} : memref<64x128xf32, #tpu.memory_space<vmem>>, vector<1x16xf32>,
        %get3A_377 = vector.shape_cast %get3A_376 : vector<1x16xf32> to vector<16xf32>
        %add3A_378 = arith.addf %get3A_373, %get3A_377 : vector<16xf32>
        %get3A_379 = arith.index_cast %scan3A_217 : i32 to index
        %get3A_380 = arith.constant 112 : index
        %get3A_381 = tpu.vector_load %arg15[%get3A_379, %get3A_380] {strides = array<i32>} : memref<64x128xf32, #tpu.memory_space<vmem>>, vector<1x16xf32>,
        %get3A_382 = vector.shape_cast %get3A_381 : vector<1x16xf32> to vector<16xf32>
        %add3A_383 = arith.addf %add3A_378, %get3A_382 : vector<16xf32>
        %max3A_384 = arith.constant 0.000000e+00 : f32
        %max3A_385 = vector.broadcast %max3A_384 : f32 to vector<16xf32>
        %max3A_386 = arith.maximumf %add3A_383, %max3A_385 : vector<16xf32>
        %swap3A_387 = arith.index_cast %scan3A_217 : i32 to index
        %swap3A_388 = arith.constant 112 : index
        %swap3A_389 = tpu.vector_load %arg17[%swap3A_387, %swap3A_388] {strides = array<i32>} : memref<64x128xf32, #tpu.memory_space<vmem>>, vector<1x16xf32>,
        %swap3A_390 = vector.shape_cast %swap3A_389 : vector<1x16xf32> to vector<16xf32>
        %swap3A_391 = vector.shape_cast %max3A_386 : vector<16xf32> to vector<1x16xf32>
        tpu.vector_store %arg17[%swap3A_387, %swap3A_388], %swap3A_391 {strides = array<i32>} : memref<64x128xf32, #tpu.memory_space<vmem>>, vector<1x16xf32>,
        %scan3A_392 = arith.constant 0 : i32
        scf.yield %scan3A_392 : i32
      }
      %scan3A_209 = arith.constant 64 : i32
      %dma_start3A_210 = arith.constant 0 : i32
      %dma_start3A_211 = tpu.memref_slice %arg9[%add3A_152, %dma_start3A_210] : memref<64x64xi32, #tpu.memory_space<vmem>> -> memref<1x64xi32, #tpu.memory_space<vmem>>
      %dma_start3A_212 = tpu.memref_squeeze %dma_start3A_211 : memref<1x64xi32, #tpu.memory_space<vmem>> -> memref<64xi32, #tpu.memory_space<vmem>>
      %dma_start3A_213 = arith.constant 0 : i32
      %dma_start3A_214 = arith.constant 0 : i32
      %dma_start3A_215 = tpu.memref_slice %arg18[%dma_start3A_213, %dma_start3A_214] : memref<4096x128xf32, #tpu.memory_space<vmem_shared>> -> memref<4096x128xf32, #tpu.memory_space<vmem_shared>>
      tpu.enqueue_indirect_dma source(%arg17 : memref<64x128xf32, #tpu.memory_space<vmem>>) target(%dma_start3A_215 : memref<4096x128xf32, #tpu.memory_space<vmem_shared>>) offsets(%dma_start3A_212 : memref<64xi32, #tpu.memory_space<vmem>>) semaphore(%arg26 : memref<!tpu.dma_semaphore, #tpu.memory_space<semaphore_mem>>) {add = true}
      %scan3A_216 = arith.constant 0 : i32
      scf.yield %scan3A_216 : i32
    }
    %scan3A_49 = arith.constant 32 : i32
    %dma_wait3A = arith.constant 0 : i32
    %dma_wait3A_50 = arith.constant 0 : i32
    %dma_wait3A_51 = tpu.memref_slice %arg8[%dma_wait3A, %dma_wait3A_50] : memref<64x64xi32, #tpu.memory_space<vmem>> -> memref<1x64xi32, #tpu.memory_space<vmem>>
    %dma_wait3A_52 = tpu.memref_squeeze %dma_wait3A_51 : memref<1x64xi32, #tpu.memory_space<vmem>> -> memref<64xi32, #tpu.memory_space<vmem>>
    %dma_wait3A_53 = arith.constant 0 : i32
    %dma_wait3A_54 = arith.constant 0 : i32
    %dma_wait3A_55 = tpu.memref_slice %arg4[%dma_wait3A_53, %dma_wait3A_54] : memref<4096x128xf32, #tpu.memory_space<hbm>> -> memref<4096x128xf32, #tpu.memory_space<hbm>>
    tpu.wait_indirect_dma semaphore(%arg19 : memref<!tpu.dma_semaphore, #tpu.memory_space<semaphore_mem>>) src(%dma_wait3A_55 : memref<4096x128xf32, #tpu.memory_space<hbm>>) dst(%arg10 : memref<64x128xf32, #tpu.memory_space<vmem>>)
    %dma_wait3A_56 = arith.constant 0 : i32
    %dma_wait3A_57 = arith.constant 0 : i32
    %dma_wait3A_58 = tpu.memref_slice %arg9[%dma_wait3A_56, %dma_wait3A_57] : memref<64x64xi32, #tpu.memory_space<vmem>> -> memref<1x64xi32, #tpu.memory_space<vmem>>
    %dma_wait3A_59 = tpu.memref_squeeze %dma_wait3A_58 : memref<1x64xi32, #tpu.memory_space<vmem>> -> memref<64xi32, #tpu.memory_space<vmem>>
    %dma_wait3A_60 = arith.constant 0 : i32
    %dma_wait3A_61 = arith.constant 0 : i32
    %dma_wait3A_62 = tpu.memref_slice %arg5[%dma_wait3A_60, %dma_wait3A_61] : memref<4096x128xf32, #tpu.memory_space<hbm>> -> memref<4096x128xf32, #tpu.memory_space<hbm>>
    tpu.wait_indirect_dma semaphore(%arg21 : memref<!tpu.dma_semaphore, #tpu.memory_space<semaphore_mem>>) src(%dma_wait3A_62 : memref<4096x128xf32, #tpu.memory_space<hbm>>) dst(%arg12 : memref<64x128xf32, #tpu.memory_space<vmem>>)
    %dma_wait3A_63 = arith.constant 0 : i32
    %dma_wait3A_64 = arith.constant 0 : i32
    %dma_wait3A_65 = tpu.memref_slice %arg6[%dma_wait3A_63, %dma_wait3A_64] : memref<131072x128xf32, #tpu.memory_space<hbm>> -> memref<64x128xf32, #tpu.memory_space<hbm>>
    %dma_wait3A_66 = arith.constant 0 : i32
    %dma_wait3A_67 = arith.constant 0 : i32
    %dma_wait3A_68 = tpu.memref_slice %arg6[%dma_wait3A_66, %dma_wait3A_67] : memref<131072x128xf32, #tpu.memory_space<hbm>> -> memref<64x128xf32, #tpu.memory_space<hbm>>
    tpu.wait_dma2 semaphore(%arg23 : memref<!tpu.dma_semaphore, #tpu.memory_space<semaphore_mem>>) src(%dma_wait3A_68 : memref<64x128xf32, #tpu.memory_space<hbm>>) dst(%arg14 : memref<64x128xf32, #tpu.memory_space<vmem>>)
    %dma_wait3A_69 = arith.constant 0 : i32
    %dma_wait3A_70 = arith.constant 0 : i32
    %dma_wait3A_71 = tpu.memref_slice %arg9[%dma_wait3A_69, %dma_wait3A_70] : memref<64x64xi32, #tpu.memory_space<vmem>> -> memref<1x64xi32, #tpu.memory_space<vmem>>
    %dma_wait3A_72 = tpu.memref_squeeze %dma_wait3A_71 : memref<1x64xi32, #tpu.memory_space<vmem>> -> memref<64xi32, #tpu.memory_space<vmem>>
    %dma_wait3A_73 = arith.constant 0 : i32
    %dma_wait3A_74 = arith.constant 0 : i32
    %dma_wait3A_75 = tpu.memref_slice %arg18[%dma_wait3A_73, %dma_wait3A_74] : memref<4096x128xf32, #tpu.memory_space<vmem_shared>> -> memref<4096x128xf32, #tpu.memory_space<vmem_shared>>
    tpu.wait_indirect_dma semaphore(%arg25 : memref<!tpu.dma_semaphore, #tpu.memory_space<semaphore_mem>>) src(%arg16 : memref<64x128xf32, #tpu.memory_space<vmem>>) dst(%dma_wait3A_75 : memref<4096x128xf32, #tpu.memory_space<vmem_shared>>)
    %dma_wait3A_76 = arith.constant 0 : i32
    %dma_wait3A_77 = arith.constant 0 : i32
    %dma_wait3A_78 = tpu.memref_slice %arg9[%dma_wait3A_76, %dma_wait3A_77] : memref<64x64xi32, #tpu.memory_space<vmem>> -> memref<1x64xi32, #tpu.memory_space<vmem>>
    %dma_wait3A_79 = tpu.memref_squeeze %dma_wait3A_78 : memref<1x64xi32, #tpu.memory_space<vmem>> -> memref<64xi32, #tpu.memory_space<vmem>>
    %dma_wait3A_80 = arith.constant 0 : i32
    %dma_wait3A_81 = arith.constant 0 : i32
    %dma_wait3A_82 = tpu.memref_slice %arg18[%dma_wait3A_80, %dma_wait3A_81] : memref<4096x128xf32, #tpu.memory_space<vmem_shared>> -> memref<4096x128xf32, #tpu.memory_space<vmem_shared>>
    tpu.wait_indirect_dma semaphore(%arg26 : memref<!tpu.dma_semaphore, #tpu.memory_space<semaphore_mem>>) src(%arg17 : memref<64x128xf32, #tpu.memory_space<vmem>>) dst(%dma_wait3A_82 : memref<4096x128xf32, #tpu.memory_space<vmem_shared>>)
    %barrier3A_83 = arith.constant 0 : index
    tpu.barrier barrier_id(%barrier3A_83)
    "tpu.region"() ({
      %run_scoped3A = tpu.sem_alloc : memref<!tpu.dma_semaphore, #tpu.memory_space<semaphore_mem>>
      %dma_start3A_84 = arith.constant 0 : i32
      %dma_start3A_85 = tpu.memref_slice %arg7[%arg0, %mul3A_2, %dma_start3A_84] : memref<2x4096x128xf32, #tpu.memory_space<hbm>> -> memref<1x256x128xf32, #tpu.memory_space<hbm>>
      %dma_start3A_86 = tpu.memref_squeeze %dma_start3A_85 : memref<1x256x128xf32, #tpu.memory_space<hbm>> -> memref<256x128xf32, #tpu.memory_space<hbm>>
      %dma_start3A_87 = arith.constant 0 : i32
      %dma_start3A_88 = tpu.memref_slice %arg18[%mul3A_2, %dma_start3A_87] : memref<4096x128xf32, #tpu.memory_space<vmem_shared>> -> memref<256x128xf32, #tpu.memory_space<vmem_shared>>
      tpu.enqueue_dma source(%dma_start3A_88 : memref<256x128xf32, #tpu.memory_space<vmem_shared>>) target(%dma_start3A_86 : memref<256x128xf32, #tpu.memory_space<hbm>>) target_semaphore(%run_scoped3A : memref<!tpu.dma_semaphore, #tpu.memory_space<semaphore_mem>>)
      %dma_wait3A_89 = arith.constant 0 : i32
      %dma_wait3A_90 = tpu.memref_slice %arg7[%arg0, %mul3A_2, %dma_wait3A_89] : memref<2x4096x128xf32, #tpu.memory_space<hbm>> -> memref<1x256x128xf32, #tpu.memory_space<hbm>>
      %dma_wait3A_91 = tpu.memref_squeeze %dma_wait3A_90 : memref<1x256x128xf32, #tpu.memory_space<hbm>> -> memref<256x128xf32, #tpu.memory_space<hbm>>
      %dma_wait3A_92 = arith.constant 0 : i32
      %dma_wait3A_93 = tpu.memref_slice %arg18[%mul3A_2, %dma_wait3A_92] : memref<4096x128xf32, #tpu.memory_space<vmem_shared>> -> memref<256x128xf32, #tpu.memory_space<vmem_shared>>
      tpu.wait_dma2 semaphore(%run_scoped3A : memref<!tpu.dma_semaphore, #tpu.memory_space<semaphore_mem>>) src(%dma_wait3A_93 : memref<256x128xf32, #tpu.memory_space<vmem_shared>>) dst(%dma_wait3A_91 : memref<256x128xf32, #tpu.memory_space<hbm>>)
      tpu.yield
    }) : () -> ()
    return
  }
}

#map = affine_map<(d0, d1) -> (0, 0)>
#map1 = affine_map<(d0, d1) -> (0, 0, 0)>
module attributes {stable_mosaic.version = 14 : i64} {
  func.func @body(%arg0: i32, %arg1: i32, %arg2: memref<2048x64xi32, #tpu.memory_space<hbm>>, %arg3: memref<2048x64xi32, #tpu.memory_space<hbm>>, %arg4: memref<4096x128xf32, #tpu.memory_space<hbm>>, %arg5: memref<4096x128xf32, #tpu.memory_space<hbm>>, %arg6: memref<131072x128xf32, #tpu.memory_space<hbm>>, %arg7: memref<2x4096x128xf32, #tpu.memory_space<hbm>>, %arg8: memref<64x64xi32, #tpu.memory_space<vmem>>, %arg9: memref<64x64xi32, #tpu.memory_space<vmem>>, %arg10: memref<64x128xf32, #tpu.memory_space<vmem>>, %arg11: memref<64x128xf32, #tpu.memory_space<vmem>>, %arg12: memref<64x128xf32, #tpu.memory_space<vmem>>, %arg13: memref<64x128xf32, #tpu.memory_space<vmem>>, %arg14: memref<64x128xf32, #tpu.memory_space<vmem>>, %arg15: memref<64x128xf32, #tpu.memory_space<vmem>>, %arg16: memref<64x128xf32, #tpu.memory_space<vmem>>, %arg17: memref<64x128xf32, #tpu.memory_space<vmem>>, %arg18: memref<4096x128xf32, #tpu.memory_space<vmem_shared>>, %arg19: memref<!tpu.dma_semaphore, #tpu.memory_space<semaphore_mem>>, %arg20: memref<!tpu.dma_semaphore, #tpu.memory_space<semaphore_mem>>, %arg21: memref<!tpu.dma_semaphore, #tpu.memory_space<semaphore_mem>>, %arg22: memref<!tpu.dma_semaphore, #tpu.memory_space<semaphore_mem>>, %arg23: memref<!tpu.dma_semaphore, #tpu.memory_space<semaphore_mem>>, %arg24: memref<!tpu.dma_semaphore, #tpu.memory_space<semaphore_mem>>, %arg25: memref<!tpu.dma_semaphore, #tpu.memory_space<semaphore_mem>>, %arg26: memref<!tpu.dma_semaphore, #tpu.memory_space<semaphore_mem>>) attributes {dimension_semantics = [#tpu.dimension_semantics<core_parallel>, #tpu.dimension_semantics<subcore_parallel>], iteration_bounds = array<i64: 2, 16>, scalar_prefetch = 0 : i64, scratch_operands = 19 : i64, tpu.core_type = #tpu.core_type<sc_vector_subcore>, window_params = [{transform_indices = #map}, {transform_indices = #map}, {transform_indices = #map}, {transform_indices = #map}, {transform_indices = #map}, {transform_indices = #map1}]} {
    %mul3A = arith.constant 16 : i32
    %mul3A_0 = arith.muli %arg0, %mul3A : i32
    %add3A = arith.addi %mul3A_0, %arg1 : i32
    %mul3A_1 = arith.constant 256 : i32
    %mul3A_2 = arith.muli %arg1, %mul3A_1 : i32
    %broadcast_in_dim3A = arith.constant 0.000000e+00 : f32
    %broadcast_in_dim3A_3 = vector.broadcast %broadcast_in_dim3A : f32 to vector<16xf32>
    %scan3A = arith.constant 0 : i32
    %scan3A_4 = arith.constant 0 : i32
    %scan3A_5 = arith.constant 512 : i32
    %scan3A_6 = arith.addi %scan3A_4, %scan3A_5 : i32
    %scan3A_7 = arith.constant 1 : i32
    %scan3A_8 = scf.for %scan3A_84 = %scan3A_4 to %scan3A_6 step %scan3A_7 iter_args(%scan3A_85 = %scan3A) -> (i32)  : i32 {
      %jit3A = arith.constant 8 : i32
      %div3A = arith.divsi %scan3A_84, %jit3A : i32
      %sign3A = arith.constant 0 : i32
      %sign3A_86 = arith.cmpi sgt, %scan3A_84, %sign3A : i32
      %sign3A_87 = arith.extui %sign3A_86 : i1 to i32
      %sign3A_88 = arith.constant 0 : i32
      %sign3A_89 = arith.cmpi slt, %scan3A_84, %sign3A_88 : i32
      %sign3A_90 = arith.extui %sign3A_89 : i1 to i32
      %sign3A_91 = arith.subi %sign3A_87, %sign3A_90 : i32
      %sign3A_92 = arith.constant 0 : i32
      %sign3A_93 = arith.cmpi sgt, %jit3A, %sign3A_92 : i32
      %sign3A_94 = arith.extui %sign3A_93 : i1 to i32
      %sign3A_95 = arith.constant 0 : i32
      %sign3A_96 = arith.cmpi slt, %jit3A, %sign3A_95 : i32
      %sign3A_97 = arith.extui %sign3A_96 : i1 to i32
      %sign3A_98 = arith.subi %sign3A_94, %sign3A_97 : i32
      %ne3A = arith.cmpi ne, %sign3A_91, %sign3A_98 : i32
      %rem3A = arith.remsi %scan3A_84, %jit3A : i32
      %ne3A_99 = arith.constant 0 : i32
      %ne3A_100 = arith.cmpi ne, %rem3A, %ne3A_99 : i32
      %and3A = arith.andi %ne3A, %ne3A_100 : i1
      %sub3A = arith.constant 1 : i32
      %sub3A_101 = arith.subi %div3A, %sub3A : i32
      %select_n3A = arith.select %and3A, %sub3A_101, %div3A : i32
      %rem3A_102 = arith.constant 8 : i32
      %rem3A_103 = arith.remsi %scan3A_84, %rem3A_102 : i32
      %mul3A_104 = arith.constant 16 : i32
      %mul3A_105 = arith.muli %rem3A_103, %mul3A_104 : i32
      %swap3A = arith.index_cast %select_n3A : i32 to index
      %swap3A_106 = arith.index_cast %mul3A_105 : i32 to index
      %swap3A_107 = tpu.vector_load %arg10[%swap3A, %swap3A_106] {strides = array<i32>} : memref<64x128xf32, #tpu.memory_space<vmem>>, vector<1x16xf32>,
      %swap3A_108 = vector.shape_cast %swap3A_107 : vector<1x16xf32> to vector<16xf32>
      %swap3A_109 = vector.shape_cast %broadcast_in_dim3A_3 : vector<16xf32> to vector<1x16xf32>
      tpu.vector_store %arg10[%swap3A, %swap3A_106], %swap3A_109 {strides = array<i32>} : memref<64x128xf32, #tpu.memory_space<vmem>>, vector<1x16xf32>,
      %scan3A_110 = arith.constant 0 : i32
      scf.yield %scan3A_110 : i32
    }
    %scan3A_9 = arith.constant 512 : i32
    %add3A_10 = arith.constant 0 : i32
    %add3A_11 = arith.addi %mul3A_2, %add3A_10 : i32
    "tpu.region"() ({
      %run_scoped3A = tpu.sem_alloc : memref<!tpu.dma_semaphore, #tpu.memory_space<semaphore_mem>>
      %dma_start3A_84 = arith.constant 0 : i32
      %dma_start3A_85 = tpu.memref_slice %arg18[%add3A_11, %dma_start3A_84] : memref<4096x128xf32, #tpu.memory_space<vmem_shared>> -> memref<64x128xf32, #tpu.memory_space<vmem_shared>>
      %dma_start3A_86 = arith.constant 0 : i32
      %dma_start3A_87 = tpu.memref_slice %arg18[%add3A_11, %dma_start3A_86] : memref<4096x128xf32, #tpu.memory_space<vmem_shared>> -> memref<64x128xf32, #tpu.memory_space<vmem_shared>>
      tpu.enqueue_dma source(%arg10 : memref<64x128xf32, #tpu.memory_space<vmem>>) target(%dma_start3A_87 : memref<64x128xf32, #tpu.memory_space<vmem_shared>>) target_semaphore(%run_scoped3A : memref<!tpu.dma_semaphore, #tpu.memory_space<semaphore_mem>>)
      %dma_wait3A_88 = arith.constant 0 : i32
      %dma_wait3A_89 = tpu.memref_slice %arg18[%add3A_11, %dma_wait3A_88] : memref<4096x128xf32, #tpu.memory_space<vmem_shared>> -> memref<64x128xf32, #tpu.memory_space<vmem_shared>>
      %dma_wait3A_90 = arith.constant 0 : i32
      %dma_wait3A_91 = tpu.memref_slice %arg18[%add3A_11, %dma_wait3A_90] : memref<4096x128xf32, #tpu.memory_space<vmem_shared>> -> memref<64x128xf32, #tpu.memory_space<vmem_shared>>
      tpu.wait_dma2 semaphore(%run_scoped3A : memref<!tpu.dma_semaphore, #tpu.memory_space<semaphore_mem>>) src(%arg10 : memref<64x128xf32, #tpu.memory_space<vmem>>) dst(%dma_wait3A_91 : memref<64x128xf32, #tpu.memory_space<vmem_shared>>)
      tpu.yield
    }) : () -> ()
    %add3A_12 = arith.constant 64 : i32
    %add3A_13 = arith.addi %mul3A_2, %add3A_12 : i32
    "tpu.region"() ({
      %run_scoped3A = tpu.sem_alloc : memref<!tpu.dma_semaphore, #tpu.memory_space<semaphore_mem>>
      %dma_start3A_84 = arith.constant 0 : i32
      %dma_start3A_85 = tpu.memref_slice %arg18[%add3A_13, %dma_start3A_84] : memref<4096x128xf32, #tpu.memory_space<vmem_shared>> -> memref<64x128xf32, #tpu.memory_space<vmem_shared>>
      %dma_start3A_86 = arith.constant 0 : i32
      %dma_start3A_87 = tpu.memref_slice %arg18[%add3A_13, %dma_start3A_86] : memref<4096x128xf32, #tpu.memory_space<vmem_shared>> -> memref<64x128xf32, #tpu.memory_space<vmem_shared>>
      tpu.enqueue_dma source(%arg10 : memref<64x128xf32, #tpu.memory_space<vmem>>) target(%dma_start3A_87 : memref<64x128xf32, #tpu.memory_space<vmem_shared>>) target_semaphore(%run_scoped3A : memref<!tpu.dma_semaphore, #tpu.memory_space<semaphore_mem>>)
      %dma_wait3A_88 = arith.constant 0 : i32
      %dma_wait3A_89 = tpu.memref_slice %arg18[%add3A_13, %dma_wait3A_88] : memref<4096x128xf32, #tpu.memory_space<vmem_shared>> -> memref<64x128xf32, #tpu.memory_space<vmem_shared>>
      %dma_wait3A_90 = arith.constant 0 : i32
      %dma_wait3A_91 = tpu.memref_slice %arg18[%add3A_13, %dma_wait3A_90] : memref<4096x128xf32, #tpu.memory_space<vmem_shared>> -> memref<64x128xf32, #tpu.memory_space<vmem_shared>>
      tpu.wait_dma2 semaphore(%run_scoped3A : memref<!tpu.dma_semaphore, #tpu.memory_space<semaphore_mem>>) src(%arg10 : memref<64x128xf32, #tpu.memory_space<vmem>>) dst(%dma_wait3A_91 : memref<64x128xf32, #tpu.memory_space<vmem_shared>>)
      tpu.yield
    }) : () -> ()
    %add3A_14 = arith.constant 128 : i32
    %add3A_15 = arith.addi %mul3A_2, %add3A_14 : i32
    "tpu.region"() ({
      %run_scoped3A = tpu.sem_alloc : memref<!tpu.dma_semaphore, #tpu.memory_space<semaphore_mem>>
      %dma_start3A_84 = arith.constant 0 : i32
      %dma_start3A_85 = tpu.memref_slice %arg18[%add3A_15, %dma_start3A_84] : memref<4096x128xf32, #tpu.memory_space<vmem_shared>> -> memref<64x128xf32, #tpu.memory_space<vmem_shared>>
      %dma_start3A_86 = arith.constant 0 : i32
      %dma_start3A_87 = tpu.memref_slice %arg18[%add3A_15, %dma_start3A_86] : memref<4096x128xf32, #tpu.memory_space<vmem_shared>> -> memref<64x128xf32, #tpu.memory_space<vmem_shared>>
      tpu.enqueue_dma source(%arg10 : memref<64x128xf32, #tpu.memory_space<vmem>>) target(%dma_start3A_87 : memref<64x128xf32, #tpu.memory_space<vmem_shared>>) target_semaphore(%run_scoped3A : memref<!tpu.dma_semaphore, #tpu.memory_space<semaphore_mem>>)
      %dma_wait3A_88 = arith.constant 0 : i32
      %dma_wait3A_89 = tpu.memref_slice %arg18[%add3A_15, %dma_wait3A_88] : memref<4096x128xf32, #tpu.memory_space<vmem_shared>> -> memref<64x128xf32, #tpu.memory_space<vmem_shared>>
      %dma_wait3A_90 = arith.constant 0 : i32
      %dma_wait3A_91 = tpu.memref_slice %arg18[%add3A_15, %dma_wait3A_90] : memref<4096x128xf32, #tpu.memory_space<vmem_shared>> -> memref<64x128xf32, #tpu.memory_space<vmem_shared>>
      tpu.wait_dma2 semaphore(%run_scoped3A : memref<!tpu.dma_semaphore, #tpu.memory_space<semaphore_mem>>) src(%arg10 : memref<64x128xf32, #tpu.memory_space<vmem>>) dst(%dma_wait3A_91 : memref<64x128xf32, #tpu.memory_space<vmem_shared>>)
      tpu.yield
    }) : () -> ()
    %add3A_16 = arith.constant 192 : i32
    %add3A_17 = arith.addi %mul3A_2, %add3A_16 : i32
    "tpu.region"() ({
      %run_scoped3A = tpu.sem_alloc : memref<!tpu.dma_semaphore, #tpu.memory_space<semaphore_mem>>
      %dma_start3A_84 = arith.constant 0 : i32
      %dma_start3A_85 = tpu.memref_slice %arg18[%add3A_17, %dma_start3A_84] : memref<4096x128xf32, #tpu.memory_space<vmem_shared>> -> memref<64x128xf32, #tpu.memory_space<vmem_shared>>
      %dma_start3A_86 = arith.constant 0 : i32
      %dma_start3A_87 = tpu.memref_slice %arg18[%add3A_17, %dma_start3A_86] : memref<4096x128xf32, #tpu.memory_space<vmem_shared>> -> memref<64x128xf32, #tpu.memory_space<vmem_shared>>
      tpu.enqueue_dma source(%arg10 : memref<64x128xf32, #tpu.memory_space<vmem>>) target(%dma_start3A_87 : memref<64x128xf32, #tpu.memory_space<vmem_shared>>) target_semaphore(%run_scoped3A : memref<!tpu.dma_semaphore, #tpu.memory_space<semaphore_mem>>)
      %dma_wait3A_88 = arith.constant 0 : i32
      %dma_wait3A_89 = tpu.memref_slice %arg18[%add3A_17, %dma_wait3A_88] : memref<4096x128xf32, #tpu.memory_space<vmem_shared>> -> memref<64x128xf32, #tpu.memory_space<vmem_shared>>
      %dma_wait3A_90 = arith.constant 0 : i32
      %dma_wait3A_91 = tpu.memref_slice %arg18[%add3A_17, %dma_wait3A_90] : memref<4096x128xf32, #tpu.memory_space<vmem_shared>> -> memref<64x128xf32, #tpu.memory_space<vmem_shared>>
      tpu.wait_dma2 semaphore(%run_scoped3A : memref<!tpu.dma_semaphore, #tpu.memory_space<semaphore_mem>>) src(%arg10 : memref<64x128xf32, #tpu.memory_space<vmem>>) dst(%dma_wait3A_91 : memref<64x128xf32, #tpu.memory_space<vmem_shared>>)
      tpu.yield
    }) : () -> ()
    %mul3A_18 = arith.constant 64 : i32
    %mul3A_19 = arith.muli %add3A, %mul3A_18 : i32
    "tpu.region"() ({
      %run_scoped3A = tpu.sem_alloc : memref<!tpu.dma_semaphore, #tpu.memory_space<semaphore_mem>>
      %dma_start3A_84 = arith.constant 0 : i32
      %dma_start3A_85 = tpu.memref_slice %arg2[%mul3A_19, %dma_start3A_84] : memref<2048x64xi32, #tpu.memory_space<hbm>> -> memref<64x64xi32, #tpu.memory_space<hbm>>
      %dma_start3A_86 = arith.constant 0 : i32
      %dma_start3A_87 = tpu.memref_slice %arg2[%mul3A_19, %dma_start3A_86] : memref<2048x64xi32, #tpu.memory_space<hbm>> -> memref<64x64xi32, #tpu.memory_space<hbm>>
      tpu.enqueue_dma source(%dma_start3A_87 : memref<64x64xi32, #tpu.memory_space<hbm>>) target(%arg8 : memref<64x64xi32, #tpu.memory_space<vmem>>) target_semaphore(%run_scoped3A : memref<!tpu.dma_semaphore, #tpu.memory_space<semaphore_mem>>)
      %dma_wait3A_88 = arith.constant 0 : i32
      %dma_wait3A_89 = tpu.memref_slice %arg2[%mul3A_19, %dma_wait3A_88] : memref<2048x64xi32, #tpu.memory_space<hbm>> -> memref<64x64xi32, #tpu.memory_space<hbm>>
      %dma_wait3A_90 = arith.constant 0 : i32
      %dma_wait3A_91 = tpu.memref_slice %arg2[%mul3A_19, %dma_wait3A_90] : memref<2048x64xi32, #tpu.memory_space<hbm>> -> memref<64x64xi32, #tpu.memory_space<hbm>>
      tpu.wait_dma2 semaphore(%run_scoped3A : memref<!tpu.dma_semaphore, #tpu.memory_space<semaphore_mem>>) src(%dma_wait3A_91 : memref<64x64xi32, #tpu.memory_space<hbm>>) dst(%arg8 : memref<64x64xi32, #tpu.memory_space<vmem>>)
      tpu.yield
    }) : () -> ()
    %mul3A_20 = arith.constant 64 : i32
    %mul3A_21 = arith.muli %add3A, %mul3A_20 : i32
    "tpu.region"() ({
      %run_scoped3A = tpu.sem_alloc : memref<!tpu.dma_semaphore, #tpu.memory_space<semaphore_mem>>
      %dma_start3A_84 = arith.constant 0 : i32
      %dma_start3A_85 = tpu.memref_slice %arg3[%mul3A_21, %dma_start3A_84] : memref<2048x64xi32, #tpu.memory_space<hbm>> -> memref<64x64xi32, #tpu.memory_space<hbm>>
      %dma_start3A_86 = arith.constant 0 : i32
      %dma_start3A_87 = tpu.memref_slice %arg3[%mul3A_21, %dma_start3A_86] : memref<2048x64xi32, #tpu.memory_space<hbm>> -> memref<64x64xi32, #tpu.memory_space<hbm>>
      tpu.enqueue_dma source(%dma_start3A_87 : memref<64x64xi32, #tpu.memory_space<hbm>>) target(%arg9 : memref<64x64xi32, #tpu.memory_space<vmem>>) target_semaphore(%run_scoped3A : memref<!tpu.dma_semaphore, #tpu.memory_space<semaphore_mem>>)
      %dma_wait3A_88 = arith.constant 0 : i32
      %dma_wait3A_89 = tpu.memref_slice %arg3[%mul3A_21, %dma_wait3A_88] : memref<2048x64xi32, #tpu.memory_space<hbm>> -> memref<64x64xi32, #tpu.memory_space<hbm>>
      %dma_wait3A_90 = arith.constant 0 : i32
      %dma_wait3A_91 = tpu.memref_slice %arg3[%mul3A_21, %dma_wait3A_90] : memref<2048x64xi32, #tpu.memory_space<hbm>> -> memref<64x64xi32, #tpu.memory_space<hbm>>
      tpu.wait_dma2 semaphore(%run_scoped3A : memref<!tpu.dma_semaphore, #tpu.memory_space<semaphore_mem>>) src(%dma_wait3A_91 : memref<64x64xi32, #tpu.memory_space<hbm>>) dst(%arg9 : memref<64x64xi32, #tpu.memory_space<vmem>>)
      tpu.yield
    }) : () -> ()
    %barrier3A = arith.constant 0 : index
    tpu.barrier barrier_id(%barrier3A)
    %mul3A_22 = arith.constant 4096 : i32
    %mul3A_23 = arith.muli %add3A, %mul3A_22 : i32
    %add3A_24 = arith.constant 0 : i32
    %add3A_25 = arith.addi %mul3A_23, %add3A_24 : i32
    %dma_start3A = arith.constant 0 : i32
    %dma_start3A_26 = arith.constant 0 : i32
    %dma_start3A_27 = tpu.memref_slice %arg8[%dma_start3A, %dma_start3A_26] : memref<64x64xi32, #tpu.memory_space<vmem>> -> memref<1x64xi32, #tpu.memory_space<vmem>>
    %dma_start3A_28 = tpu.memref_squeeze %dma_start3A_27 : memref<1x64xi32, #tpu.memory_space<vmem>> -> memref<64xi32, #tpu.memory_space<vmem>>
    %dma_start3A_29 = arith.constant 0 : i32
    %dma_start3A_30 = arith.constant 0 : i32
    %dma_start3A_31 = tpu.memref_slice %arg4[%dma_start3A_29, %dma_start3A_30] : memref<4096x128xf32, #tpu.memory_space<hbm>> -> memref<4096x128xf32, #tpu.memory_space<hbm>>
    tpu.enqueue_indirect_dma source(%dma_start3A_31 : memref<4096x128xf32, #tpu.memory_space<hbm>>) target(%arg10 : memref<64x128xf32, #tpu.memory_space<vmem>>) offsets(%dma_start3A_28 : memref<64xi32, #tpu.memory_space<vmem>>) semaphore(%arg19 : memref<!tpu.dma_semaphore, #tpu.memory_space<semaphore_mem>>)
    %dma_start3A_32 = arith.constant 0 : i32
    %dma_start3A_33 = arith.constant 0 : i32
    %dma_start3A_34 = tpu.memref_slice %arg9[%dma_start3A_32, %dma_start3A_33] : memref<64x64xi32, #tpu.memory_space<vmem>> -> memref<1x64xi32, #tpu.memory_space<vmem>>
    %dma_start3A_35 = tpu.memref_squeeze %dma_start3A_34 : memref<1x64xi32, #tpu.memory_space<vmem>> -> memref<64xi32, #tpu.memory_space<vmem>>
    %dma_start3A_36 = arith.constant 0 : i32
    %dma_start3A_37 = arith.constant 0 : i32
    %dma_start3A_38 = tpu.memref_slice %arg5[%dma_start3A_36, %dma_start3A_37] : memref<4096x128xf32, #tpu.memory_space<hbm>> -> memref<4096x128xf32, #tpu.memory_space<hbm>>
    tpu.enqueue_indirect_dma source(%dma_start3A_38 : memref<4096x128xf32, #tpu.memory_space<hbm>>) target(%arg12 : memref<64x128xf32, #tpu.memory_space<vmem>>) offsets(%dma_start3A_35 : memref<64xi32, #tpu.memory_space<vmem>>) semaphore(%arg21 : memref<!tpu.dma_semaphore, #tpu.memory_space<semaphore_mem>>)
    %dma_start3A_39 = arith.constant 0 : i32
    %dma_start3A_40 = tpu.memref_slice %arg6[%add3A_25, %dma_start3A_39] : memref<131072x128xf32, #tpu.memory_space<hbm>> -> memref<64x128xf32, #tpu.memory_space<hbm>>
    %dma_start3A_41 = arith.constant 0 : i32
    %dma_start3A_42 = tpu.memref_slice %arg6[%add3A_25, %dma_start3A_41] : memref<131072x128xf32, #tpu.memory_space<hbm>> -> memref<64x128xf32, #tpu.memory_space<hbm>>
    tpu.enqueue_dma source(%dma_start3A_42 : memref<64x128xf32, #tpu.memory_space<hbm>>) target(%arg14 : memref<64x128xf32, #tpu.memory_space<vmem>>) target_semaphore(%arg23 : memref<!tpu.dma_semaphore, #tpu.memory_space<semaphore_mem>>)
    %scan3A_43 = arith.constant 0 : i32
    %scan3A_44 = arith.constant 0 : i32
    %scan3A_45 = arith.constant 32 : i32
    %scan3A_46 = arith.addi %scan3A_44, %scan3A_45 : i32
    %scan3A_47 = arith.constant 1 : i32
    %scan3A_48 = scf.for %scan3A_84 = %scan3A_44 to %scan3A_46 step %scan3A_47 iter_args(%scan3A_85 = %scan3A_43) -> (i32)  : i32 {
      %mul3A_86 = arith.constant 2 : i32
      %mul3A_87 = arith.muli %mul3A_86, %scan3A_84 : i32
      %add3A_88 = arith.constant 0 : i32
      %add3A_89 = arith.addi %mul3A_87, %add3A_88 : i32
      %dma_wait3A_90 = arith.constant 0 : i32
      %dma_wait3A_91 = arith.constant 0 : i32
      %dma_wait3A_92 = tpu.memref_slice %arg8[%dma_wait3A_90, %dma_wait3A_91] : memref<64x64xi32, #tpu.memory_space<vmem>> -> memref<1x64xi32, #tpu.memory_space<vmem>>
      %dma_wait3A_93 = tpu.memref_squeeze %dma_wait3A_92 : memref<1x64xi32, #tpu.memory_space<vmem>> -> memref<64xi32, #tpu.memory_space<vmem>>
      %dma_wait3A_94 = arith.constant 0 : i32
      %dma_wait3A_95 = arith.constant 0 : i32
      %dma_wait3A_96 = tpu.memref_slice %arg4[%dma_wait3A_94, %dma_wait3A_95] : memref<4096x128xf32, #tpu.memory_space<hbm>> -> memref<4096x128xf32, #tpu.memory_space<hbm>>
      tpu.wait_indirect_dma semaphore(%arg19 : memref<!tpu.dma_semaphore, #tpu.memory_space<semaphore_mem>>) src(%dma_wait3A_96 : memref<4096x128xf32, #tpu.memory_space<hbm>>) dst(%arg10 : memref<64x128xf32, #tpu.memory_space<vmem>>)
      %dma_wait3A_97 = arith.constant 0 : i32
      %dma_wait3A_98 = arith.constant 0 : i32
      %dma_wait3A_99 = tpu.memref_slice %arg9[%dma_wait3A_97, %dma_wait3A_98] : memref<64x64xi32, #tpu.memory_space<vmem>> -> memref<1x64xi32, #tpu.memory_space<vmem>>
      %dma_wait3A_100 = tpu.memref_squeeze %dma_wait3A_99 : memref<1x64xi32, #tpu.memory_space<vmem>> -> memref<64xi32, #tpu.memory_space<vmem>>
      %dma_wait3A_101 = arith.constant 0 : i32
      %dma_wait3A_102 = arith.constant 0 : i32
      %dma_wait3A_103 = tpu.memref_slice %arg5[%dma_wait3A_101, %dma_wait3A_102] : memref<4096x128xf32, #tpu.memory_space<hbm>> -> memref<4096x128xf32, #tpu.memory_space<hbm>>
      tpu.wait_indirect_dma semaphore(%arg21 : memref<!tpu.dma_semaphore, #tpu.memory_space<semaphore_mem>>) src(%dma_wait3A_103 : memref<4096x128xf32, #tpu.memory_space<hbm>>) dst(%arg12 : memref<64x128xf32, #tpu.memory_space<vmem>>)
      %dma_wait3A_104 = arith.constant 0 : i32
      %dma_wait3A_105 = arith.constant 0 : i32
      %dma_wait3A_106 = tpu.memref_slice %arg6[%dma_wait3A_104, %dma_wait3A_105] : memref<131072x128xf32, #tpu.memory_space<hbm>> -> memref<64x128xf32, #tpu.memory_space<hbm>>
      %dma_wait3A_107 = arith.constant 0 : i32
      %dma_wait3A_108 = arith.constant 0 : i32
      %dma_wait3A_109 = tpu.memref_slice %arg6[%dma_wait3A_107, %dma_wait3A_108] : memref<131072x128xf32, #tpu.memory_space<hbm>> -> memref<64x128xf32, #tpu.memory_space<hbm>>
      tpu.wait_dma2 semaphore(%arg23 : memref<!tpu.dma_semaphore, #tpu.memory_space<semaphore_mem>>) src(%dma_wait3A_109 : memref<64x128xf32, #tpu.memory_space<hbm>>) dst(%arg14 : memref<64x128xf32, #tpu.memory_space<vmem>>)
      %add3A_110 = arith.constant 1 : i32
      %add3A_111 = arith.addi %add3A_89, %add3A_110 : i32
      %rem3A = arith.constant 64 : i32
      %rem3A_112 = arith.remsi %add3A_111, %rem3A : i32
      %mul3A_113 = arith.constant 4096 : i32
      %mul3A_114 = arith.muli %add3A, %mul3A_113 : i32
      %mul3A_115 = arith.constant 64 : i32
      %mul3A_116 = arith.muli %rem3A_112, %mul3A_115 : i32
      %add3A_117 = arith.addi %mul3A_114, %mul3A_116 : i32
      %dma_start3A_118 = arith.constant 0 : i32
      %dma_start3A_119 = tpu.memref_slice %arg8[%rem3A_112, %dma_start3A_118] : memref<64x64xi32, #tpu.memory_space<vmem>> -> memref<1x64xi32, #tpu.memory_space<vmem>>
      %dma_start3A_120 = tpu.memref_squeeze %dma_start3A_119 : memref<1x64xi32, #tpu.memory_space<vmem>> -> memref<64xi32, #tpu.memory_space<vmem>>
      %dma_start3A_121 = arith.constant 0 : i32
      %dma_start3A_122 = arith.constant 0 : i32
      %dma_start3A_123 = tpu.memref_slice %arg4[%dma_start3A_121, %dma_start3A_122] : memref<4096x128xf32, #tpu.memory_space<hbm>> -> memref<4096x128xf32, #tpu.memory_space<hbm>>
      tpu.enqueue_indirect_dma source(%dma_start3A_123 : memref<4096x128xf32, #tpu.memory_space<hbm>>) target(%arg11 : memref<64x128xf32, #tpu.memory_space<vmem>>) offsets(%dma_start3A_120 : memref<64xi32, #tpu.memory_space<vmem>>) semaphore(%arg20 : memref<!tpu.dma_semaphore, #tpu.memory_space<semaphore_mem>>)
      %dma_start3A_124 = arith.constant 0 : i32
      %dma_start3A_125 = tpu.memref_slice %arg9[%rem3A_112, %dma_start3A_124] : memref<64x64xi32, #tpu.memory_space<vmem>> -> memref<1x64xi32, #tpu.memory_space<vmem>>
      %dma_start3A_126 = tpu.memref_squeeze %dma_start3A_125 : memref<1x64xi32, #tpu.memory_space<vmem>> -> memref<64xi32, #tpu.memory_space<vmem>>
      %dma_start3A_127 = arith.constant 0 : i32
      %dma_start3A_128 = arith.constant 0 : i32
      %dma_start3A_129 = tpu.memref_slice %arg5[%dma_start3A_127, %dma_start3A_128] : memref<4096x128xf32, #tpu.memory_space<hbm>> -> memref<4096x128xf32, #tpu.memory_space<hbm>>
      tpu.enqueue_indirect_dma source(%dma_start3A_129 : memref<4096x128xf32, #tpu.memory_space<hbm>>) target(%arg13 : memref<64x128xf32, #tpu.memory_space<vmem>>) offsets(%dma_start3A_126 : memref<64xi32, #tpu.memory_space<vmem>>) semaphore(%arg22 : memref<!tpu.dma_semaphore, #tpu.memory_space<semaphore_mem>>)
      %dma_start3A_130 = arith.constant 0 : i32
      %dma_start3A_131 = tpu.memref_slice %arg6[%add3A_117, %dma_start3A_130] : memref<131072x128xf32, #tpu.memory_space<hbm>> -> memref<64x128xf32, #tpu.memory_space<hbm>>
      %dma_start3A_132 = arith.constant 0 : i32
      %dma_start3A_133 = tpu.memref_slice %arg6[%add3A_117, %dma_start3A_132] : memref<131072x128xf32, #tpu.memory_space<hbm>> -> memref<64x128xf32, #tpu.memory_space<hbm>>
      tpu.enqueue_dma source(%dma_start3A_133 : memref<64x128xf32, #tpu.memory_space<hbm>>) target(%arg15 : memref<64x128xf32, #tpu.memory_space<vmem>>) target_semaphore(%arg24 : memref<!tpu.dma_semaphore, #tpu.memory_space<semaphore_mem>>)
      %ge3A = arith.constant 1 : i32
      %ge3A_134 = arith.cmpi sge, %scan3A_84, %ge3A : i32
      %convert_element_type3A = arith.extui %ge3A_134 : i1 to i32
      %cond3A = arith.constant 0 : i32
      %cond3A_135 = arith.cmpi ne, %convert_element_type3A, %cond3A : i32
      scf.if %cond3A_135 {
        %dma_wait3A_217 = arith.constant 0 : i32
        %dma_wait3A_218 = arith.constant 0 : i32
        %dma_wait3A_219 = tpu.memref_slice %arg9[%dma_wait3A_217, %dma_wait3A_218] : memref<64x64xi32, #tpu.memory_space<vmem>> -> memref<1x64xi32, #tpu.memory_space<vmem>>
        %dma_wait3A_220 = tpu.memref_squeeze %dma_wait3A_219 : memref<1x64xi32, #tpu.memory_space<vmem>> -> memref<64xi32, #tpu.memory_space<vmem>>
        %dma_wait3A_221 = arith.constant 0 : i32
        %dma_wait3A_222 = arith.constant 0 : i32
        %dma_wait3A_223 = tpu.memref_slice %arg18[%dma_wait3A_221, %dma_wait3A_222] : memref<4096x128xf32, #tpu.memory_space<vmem_shared>> -> memref<4096x128xf32, #tpu.memory_space<vmem_shared>>
        tpu.wait_indirect_dma semaphore(%arg25 : memref<!tpu.dma_semaphore, #tpu.memory_space<semaphore_mem>>) src(%arg16 : memref<64x128xf32, #tpu.memory_space<vmem>>) dst(%dma_wait3A_223 : memref<4096x128xf32, #tpu.memory_space<vmem_shared>>)
      } else {
      }
      %scan3A_136 = arith.constant 0 : i32
      %scan3A_137 = arith.constant 0 : i32
      %scan3A_138 = arith.constant 64 : i32
      %scan3A_139 = arith.addi %scan3A_137, %scan3A_138 : i32
      %scan3A_140 = arith.constant 1 : i32
      %scan3A_141 = scf.for %scan3A_217 = %scan3A_137 to %scan3A_139 step %scan3A_140 iter_args(%scan3A_218 = %scan3A_136) -> (i32)  : i32 {
        %get3A = arith.index_cast %scan3A_217 : i32 to index
        %get3A_219 = arith.constant 0 : index
        %get3A_220 = tpu.vector_load %arg10[%get3A, %get3A_219] {strides = array<i32>} : memref<64x128xf32, #tpu.memory_space<vmem>>, vector<1x16xf32>,
        %get3A_221 = vector.shape_cast %get3A_220 : vector<1x16xf32> to vector<16xf32>
        %get3A_222 = arith.index_cast %scan3A_217 : i32 to index
        %get3A_223 = arith.constant 0 : index
        %get3A_224 = tpu.vector_load %arg12[%get3A_222, %get3A_223] {strides = array<i32>} : memref<64x128xf32, #tpu.memory_space<vmem>>, vector<1x16xf32>,
        %get3A_225 = vector.shape_cast %get3A_224 : vector<1x16xf32> to vector<16xf32>
        %add3A_226 = arith.addf %get3A_221, %get3A_225 : vector<16xf32>
        %get3A_227 = arith.index_cast %scan3A_217 : i32 to index
        %get3A_228 = arith.constant 0 : index
        %get3A_229 = tpu.vector_load %arg14[%get3A_227, %get3A_228] {strides = array<i32>} : memref<64x128xf32, #tpu.memory_space<vmem>>, vector<1x16xf32>,
        %get3A_230 = vector.shape_cast %get3A_229 : vector<1x16xf32> to vector<16xf32>
        %add3A_231 = arith.addf %add3A_226, %get3A_230 : vector<16xf32>
        %max3A = arith.constant 0.000000e+00 : f32
        %max3A_232 = vector.broadcast %max3A : f32 to vector<16xf32>
        %max3A_233 = arith.maximumf %add3A_231, %max3A_232 : vector<16xf32>
        %swap3A = arith.index_cast %scan3A_217 : i32 to index
        %swap3A_234 = arith.constant 0 : index
        %swap3A_235 = tpu.vector_load %arg16[%swap3A, %swap3A_234] {strides = array<i32>} : memref<64x128xf32, #tpu.memory_space<vmem>>, vector<1x16xf32>,
        %swap3A_236 = vector.shape_cast %swap3A_235 : vector<1x16xf32> to vector<16xf32>
        %swap3A_237 = vector.shape_cast %max3A_233 : vector<16xf32> to vector<1x16xf32>
        tpu.vector_store %arg16[%swap3A, %swap3A_234], %swap3A_237 {strides = array<i32>} : memref<64x128xf32, #tpu.memory_space<vmem>>, vector<1x16xf32>,
        %get3A_238 = arith.index_cast %scan3A_217 : i32 to index
        %get3A_239 = arith.constant 16 : index
        %get3A_240 = tpu.vector_load %arg10[%get3A_238, %get3A_239] {strides = array<i32>} : memref<64x128xf32, #tpu.memory_space<vmem>>, vector<1x16xf32>,
        %get3A_241 = vector.shape_cast %get3A_240 : vector<1x16xf32> to vector<16xf32>
        %get3A_242 = arith.index_cast %scan3A_217 : i32 to index
        %get3A_243 = arith.constant 16 : index
        %get3A_244 = tpu.vector_load %arg12[%get3A_242, %get3A_243] {strides = array<i32>} : memref<64x128xf32, #tpu.memory_space<vmem>>, vector<1x16xf32>,
        %get3A_245 = vector.shape_cast %get3A_244 : vector<1x16xf32> to vector<16xf32>
        %add3A_246 = arith.addf %get3A_241, %get3A_245 : vector<16xf32>
        %get3A_247 = arith.index_cast %scan3A_217 : i32 to index
        %get3A_248 = arith.constant 16 : index
        %get3A_249 = tpu.vector_load %arg14[%get3A_247, %get3A_248] {strides = array<i32>} : memref<64x128xf32, #tpu.memory_space<vmem>>, vector<1x16xf32>,
        %get3A_250 = vector.shape_cast %get3A_249 : vector<1x16xf32> to vector<16xf32>
        %add3A_251 = arith.addf %add3A_246, %get3A_250 : vector<16xf32>
        %max3A_252 = arith.constant 0.000000e+00 : f32
        %max3A_253 = vector.broadcast %max3A_252 : f32 to vector<16xf32>
        %max3A_254 = arith.maximumf %add3A_251, %max3A_253 : vector<16xf32>
        %swap3A_255 = arith.index_cast %scan3A_217 : i32 to index
        %swap3A_256 = arith.constant 16 : index
        %swap3A_257 = tpu.vector_load %arg16[%swap3A_255, %swap3A_256] {strides = array<i32>} : memref<64x128xf32, #tpu.memory_space<vmem>>, vector<1x16xf32>,
        %swap3A_258 = vector.shape_cast %swap3A_257 : vector<1x16xf32> to vector<16xf32>
        %swap3A_259 = vector.shape_cast %max3A_254 : vector<16xf32> to vector<1x16xf32>
        tpu.vector_store %arg16[%swap3A_255, %swap3A_256], %swap3A_259 {strides = array<i32>} : memref<64x128xf32, #tpu.memory_space<vmem>>, vector<1x16xf32>,
        %get3A_260 = arith.index_cast %scan3A_217 : i32 to index
        %get3A_261 = arith.constant 32 : index
        %get3A_262 = tpu.vector_load %arg10[%get3A_260, %get3A_261] {strides = array<i32>} : memref<64x128xf32, #tpu.memory_space<vmem>>, vector<1x16xf32>,
        %get3A_263 = vector.shape_cast %get3A_262 : vector<1x16xf32> to vector<16xf32>
        %get3A_264 = arith.index_cast %scan3A_217 : i32 to index
        %get3A_265 = arith.constant 32 : index
        %get3A_266 = tpu.vector_load %arg12[%get3A_264, %get3A_265] {strides = array<i32>} : memref<64x128xf32, #tpu.memory_space<vmem>>, vector<1x16xf32>,
        %get3A_267 = vector.shape_cast %get3A_266 : vector<1x16xf32> to vector<16xf32>
        %add3A_268 = arith.addf %get3A_263, %get3A_267 : vector<16xf32>
        %get3A_269 = arith.index_cast %scan3A_217 : i32 to index
        %get3A_270 = arith.constant 32 : index
        %get3A_271 = tpu.vector_load %arg14[%get3A_269, %get3A_270] {strides = array<i32>} : memref<64x128xf32, #tpu.memory_space<vmem>>, vector<1x16xf32>,
        %get3A_272 = vector.shape_cast %get3A_271 : vector<1x16xf32> to vector<16xf32>
        %add3A_273 = arith.addf %add3A_268, %get3A_272 : vector<16xf32>
        %max3A_274 = arith.constant 0.000000e+00 : f32
        %max3A_275 = vector.broadcast %max3A_274 : f32 to vector<16xf32>
        %max3A_276 = arith.maximumf %add3A_273, %max3A_275 : vector<16xf32>
        %swap3A_277 = arith.index_cast %scan3A_217 : i32 to index
        %swap3A_278 = arith.constant 32 : index
        %swap3A_279 = tpu.vector_load %arg16[%swap3A_277, %swap3A_278] {strides = array<i32>} : memref<64x128xf32, #tpu.memory_space<vmem>>, vector<1x16xf32>,
        %swap3A_280 = vector.shape_cast %swap3A_279 : vector<1x16xf32> to vector<16xf32>
        %swap3A_281 = vector.shape_cast %max3A_276 : vector<16xf32> to vector<1x16xf32>
        tpu.vector_store %arg16[%swap3A_277, %swap3A_278], %swap3A_281 {strides = array<i32>} : memref<64x128xf32, #tpu.memory_space<vmem>>, vector<1x16xf32>,
        %get3A_282 = arith.index_cast %scan3A_217 : i32 to index
        %get3A_283 = arith.constant 48 : index
        %get3A_284 = tpu.vector_load %arg10[%get3A_282, %get3A_283] {strides = array<i32>} : memref<64x128xf32, #tpu.memory_space<vmem>>, vector<1x16xf32>,
        %get3A_285 = vector.shape_cast %get3A_284 : vector<1x16xf32> to vector<16xf32>
        %get3A_286 = arith.index_cast %scan3A_217 : i32 to index
        %get3A_287 = arith.constant 48 : index
        %get3A_288 = tpu.vector_load %arg12[%get3A_286, %get3A_287] {strides = array<i32>} : memref<64x128xf32, #tpu.memory_space<vmem>>, vector<1x16xf32>,
        %get3A_289 = vector.shape_cast %get3A_288 : vector<1x16xf32> to vector<16xf32>
        %add3A_290 = arith.addf %get3A_285, %get3A_289 : vector<16xf32>
        %get3A_291 = arith.index_cast %scan3A_217 : i32 to index
        %get3A_292 = arith.constant 48 : index
        %get3A_293 = tpu.vector_load %arg14[%get3A_291, %get3A_292] {strides = array<i32>} : memref<64x128xf32, #tpu.memory_space<vmem>>, vector<1x16xf32>,
        %get3A_294 = vector.shape_cast %get3A_293 : vector<1x16xf32> to vector<16xf32>
        %add3A_295 = arith.addf %add3A_290, %get3A_294 : vector<16xf32>
        %max3A_296 = arith.constant 0.000000e+00 : f32
        %max3A_297 = vector.broadcast %max3A_296 : f32 to vector<16xf32>
        %max3A_298 = arith.maximumf %add3A_295, %max3A_297 : vector<16xf32>
        %swap3A_299 = arith.index_cast %scan3A_217 : i32 to index
        %swap3A_300 = arith.constant 48 : index
        %swap3A_301 = tpu.vector_load %arg16[%swap3A_299, %swap3A_300] {strides = array<i32>} : memref<64x128xf32, #tpu.memory_space<vmem>>, vector<1x16xf32>,
        %swap3A_302 = vector.shape_cast %swap3A_301 : vector<1x16xf32> to vector<16xf32>
        %swap3A_303 = vector.shape_cast %max3A_298 : vector<16xf32> to vector<1x16xf32>
        tpu.vector_store %arg16[%swap3A_299, %swap3A_300], %swap3A_303 {strides = array<i32>} : memref<64x128xf32, #tpu.memory_space<vmem>>, vector<1x16xf32>,
        %get3A_304 = arith.index_cast %scan3A_217 : i32 to index
        %get3A_305 = arith.constant 64 : index
        %get3A_306 = tpu.vector_load %arg10[%get3A_304, %get3A_305] {strides = array<i32>} : memref<64x128xf32, #tpu.memory_space<vmem>>, vector<1x16xf32>,
        %get3A_307 = vector.shape_cast %get3A_306 : vector<1x16xf32> to vector<16xf32>
        %get3A_308 = arith.index_cast %scan3A_217 : i32 to index
        %get3A_309 = arith.constant 64 : index
        %get3A_310 = tpu.vector_load %arg12[%get3A_308, %get3A_309] {strides = array<i32>} : memref<64x128xf32, #tpu.memory_space<vmem>>, vector<1x16xf32>,
        %get3A_311 = vector.shape_cast %get3A_310 : vector<1x16xf32> to vector<16xf32>
        %add3A_312 = arith.addf %get3A_307, %get3A_311 : vector<16xf32>
        %get3A_313 = arith.index_cast %scan3A_217 : i32 to index
        %get3A_314 = arith.constant 64 : index
        %get3A_315 = tpu.vector_load %arg14[%get3A_313, %get3A_314] {strides = array<i32>} : memref<64x128xf32, #tpu.memory_space<vmem>>, vector<1x16xf32>,
        %get3A_316 = vector.shape_cast %get3A_315 : vector<1x16xf32> to vector<16xf32>
        %add3A_317 = arith.addf %add3A_312, %get3A_316 : vector<16xf32>
        %max3A_318 = arith.constant 0.000000e+00 : f32
        %max3A_319 = vector.broadcast %max3A_318 : f32 to vector<16xf32>
        %max3A_320 = arith.maximumf %add3A_317, %max3A_319 : vector<16xf32>
        %swap3A_321 = arith.index_cast %scan3A_217 : i32 to index
        %swap3A_322 = arith.constant 64 : index
        %swap3A_323 = tpu.vector_load %arg16[%swap3A_321, %swap3A_322] {strides = array<i32>} : memref<64x128xf32, #tpu.memory_space<vmem>>, vector<1x16xf32>,
        %swap3A_324 = vector.shape_cast %swap3A_323 : vector<1x16xf32> to vector<16xf32>
        %swap3A_325 = vector.shape_cast %max3A_320 : vector<16xf32> to vector<1x16xf32>
        tpu.vector_store %arg16[%swap3A_321, %swap3A_322], %swap3A_325 {strides = array<i32>} : memref<64x128xf32, #tpu.memory_space<vmem>>, vector<1x16xf32>,
        %get3A_326 = arith.index_cast %scan3A_217 : i32 to index
        %get3A_327 = arith.constant 80 : index
        %get3A_328 = tpu.vector_load %arg10[%get3A_326, %get3A_327] {strides = array<i32>} : memref<64x128xf32, #tpu.memory_space<vmem>>, vector<1x16xf32>,
        %get3A_329 = vector.shape_cast %get3A_328 : vector<1x16xf32> to vector<16xf32>
        %get3A_330 = arith.index_cast %scan3A_217 : i32 to index
        %get3A_331 = arith.constant 80 : index
        %get3A_332 = tpu.vector_load %arg12[%get3A_330, %get3A_331] {strides = array<i32>} : memref<64x128xf32, #tpu.memory_space<vmem>>, vector<1x16xf32>,
        %get3A_333 = vector.shape_cast %get3A_332 : vector<1x16xf32> to vector<16xf32>
        %add3A_334 = arith.addf %get3A_329, %get3A_333 : vector<16xf32>
        %get3A_335 = arith.index_cast %scan3A_217 : i32 to index
        %get3A_336 = arith.constant 80 : index
        %get3A_337 = tpu.vector_load %arg14[%get3A_335, %get3A_336] {strides = array<i32>} : memref<64x128xf32, #tpu.memory_space<vmem>>, vector<1x16xf32>,
        %get3A_338 = vector.shape_cast %get3A_337 : vector<1x16xf32> to vector<16xf32>
        %add3A_339 = arith.addf %add3A_334, %get3A_338 : vector<16xf32>
        %max3A_340 = arith.constant 0.000000e+00 : f32
        %max3A_341 = vector.broadcast %max3A_340 : f32 to vector<16xf32>
        %max3A_342 = arith.maximumf %add3A_339, %max3A_341 : vector<16xf32>
        %swap3A_343 = arith.index_cast %scan3A_217 : i32 to index
        %swap3A_344 = arith.constant 80 : index
        %swap3A_345 = tpu.vector_load %arg16[%swap3A_343, %swap3A_344] {strides = array<i32>} : memref<64x128xf32, #tpu.memory_space<vmem>>, vector<1x16xf32>,
        %swap3A_346 = vector.shape_cast %swap3A_345 : vector<1x16xf32> to vector<16xf32>
        %swap3A_347 = vector.shape_cast %max3A_342 : vector<16xf32> to vector<1x16xf32>
        tpu.vector_store %arg16[%swap3A_343, %swap3A_344], %swap3A_347 {strides = array<i32>} : memref<64x128xf32, #tpu.memory_space<vmem>>, vector<1x16xf32>,
        %get3A_348 = arith.index_cast %scan3A_217 : i32 to index
        %get3A_349 = arith.constant 96 : index
        %get3A_350 = tpu.vector_load %arg10[%get3A_348, %get3A_349] {strides = array<i32>} : memref<64x128xf32, #tpu.memory_space<vmem>>, vector<1x16xf32>,
        %get3A_351 = vector.shape_cast %get3A_350 : vector<1x16xf32> to vector<16xf32>
        %get3A_352 = arith.index_cast %scan3A_217 : i32 to index
        %get3A_353 = arith.constant 96 : index
        %get3A_354 = tpu.vector_load %arg12[%get3A_352, %get3A_353] {strides = array<i32>} : memref<64x128xf32, #tpu.memory_space<vmem>>, vector<1x16xf32>,
        %get3A_355 = vector.shape_cast %get3A_354 : vector<1x16xf32> to vector<16xf32>
        %add3A_356 = arith.addf %get3A_351, %get3A_355 : vector<16xf32>
        %get3A_357 = arith.index_cast %scan3A_217 : i32 to index
        %get3A_358 = arith.constant 96 : index
        %get3A_359 = tpu.vector_load %arg14[%get3A_357, %get3A_358] {strides = array<i32>} : memref<64x128xf32, #tpu.memory_space<vmem>>, vector<1x16xf32>,
        %get3A_360 = vector.shape_cast %get3A_359 : vector<1x16xf32> to vector<16xf32>
        %add3A_361 = arith.addf %add3A_356, %get3A_360 : vector<16xf32>
        %max3A_362 = arith.constant 0.000000e+00 : f32
        %max3A_363 = vector.broadcast %max3A_362 : f32 to vector<16xf32>
        %max3A_364 = arith.maximumf %add3A_361, %max3A_363 : vector<16xf32>
        %swap3A_365 = arith.index_cast %scan3A_217 : i32 to index
        %swap3A_366 = arith.constant 96 : index
        %swap3A_367 = tpu.vector_load %arg16[%swap3A_365, %swap3A_366] {strides = array<i32>} : memref<64x128xf32, #tpu.memory_space<vmem>>, vector<1x16xf32>,
        %swap3A_368 = vector.shape_cast %swap3A_367 : vector<1x16xf32> to vector<16xf32>
        %swap3A_369 = vector.shape_cast %max3A_364 : vector<16xf32> to vector<1x16xf32>
        tpu.vector_store %arg16[%swap3A_365, %swap3A_366], %swap3A_369 {strides = array<i32>} : memref<64x128xf32, #tpu.memory_space<vmem>>, vector<1x16xf32>,
        %get3A_370 = arith.index_cast %scan3A_217 : i32 to index
        %get3A_371 = arith.constant 112 : index
        %get3A_372 = tpu.vector_load %arg10[%get3A_370, %get3A_371] {strides = array<i32>} : memref<64x128xf32, #tpu.memory_space<vmem>>, vector<1x16xf32>,
        %get3A_373 = vector.shape_cast %get3A_372 : vector<1x16xf32> to vector<16xf32>
        %get3A_374 = arith.index_cast %scan3A_217 : i32 to index
        %get3A_375 = arith.constant 112 : index
        %get3A_376 = tpu.vector_load %arg12[%get3A_374, %get3A_375] {strides = array<i32>} : memref<64x128xf32, #tpu.memory_space<vmem>>, vector<1x16xf32>,
        %get3A_377 = vector.shape_cast %get3A_376 : vector<1x16xf32> to vector<16xf32>
        %add3A_378 = arith.addf %get3A_373, %get3A_377 : vector<16xf32>
        %get3A_379 = arith.index_cast %scan3A_217 : i32 to index
        %get3A_380 = arith.constant 112 : index
        %get3A_381 = tpu.vector_load %arg14[%get3A_379, %get3A_380] {strides = array<i32>} : memref<64x128xf32, #tpu.memory_space<vmem>>, vector<1x16xf32>,
        %get3A_382 = vector.shape_cast %get3A_381 : vector<1x16xf32> to vector<16xf32>
        %add3A_383 = arith.addf %add3A_378, %get3A_382 : vector<16xf32>
        %max3A_384 = arith.constant 0.000000e+00 : f32
        %max3A_385 = vector.broadcast %max3A_384 : f32 to vector<16xf32>
        %max3A_386 = arith.maximumf %add3A_383, %max3A_385 : vector<16xf32>
        %swap3A_387 = arith.index_cast %scan3A_217 : i32 to index
        %swap3A_388 = arith.constant 112 : index
        %swap3A_389 = tpu.vector_load %arg16[%swap3A_387, %swap3A_388] {strides = array<i32>} : memref<64x128xf32, #tpu.memory_space<vmem>>, vector<1x16xf32>,
        %swap3A_390 = vector.shape_cast %swap3A_389 : vector<1x16xf32> to vector<16xf32>
        %swap3A_391 = vector.shape_cast %max3A_386 : vector<16xf32> to vector<1x16xf32>
        tpu.vector_store %arg16[%swap3A_387, %swap3A_388], %swap3A_391 {strides = array<i32>} : memref<64x128xf32, #tpu.memory_space<vmem>>, vector<1x16xf32>,
        %scan3A_392 = arith.constant 0 : i32
        scf.yield %scan3A_392 : i32
      }
      %scan3A_142 = arith.constant 64 : i32
      %dma_start3A_143 = arith.constant 0 : i32
      %dma_start3A_144 = tpu.memref_slice %arg9[%add3A_89, %dma_start3A_143] : memref<64x64xi32, #tpu.memory_space<vmem>> -> memref<1x64xi32, #tpu.memory_space<vmem>>
      %dma_start3A_145 = tpu.memref_squeeze %dma_start3A_144 : memref<1x64xi32, #tpu.memory_space<vmem>> -> memref<64xi32, #tpu.memory_space<vmem>>
      %dma_start3A_146 = arith.constant 0 : i32
      %dma_start3A_147 = arith.constant 0 : i32
      %dma_start3A_148 = tpu.memref_slice %arg18[%dma_start3A_146, %dma_start3A_147] : memref<4096x128xf32, #tpu.memory_space<vmem_shared>> -> memref<4096x128xf32, #tpu.memory_space<vmem_shared>>
      tpu.enqueue_indirect_dma source(%arg16 : memref<64x128xf32, #tpu.memory_space<vmem>>) target(%dma_start3A_148 : memref<4096x128xf32, #tpu.memory_space<vmem_shared>>) offsets(%dma_start3A_145 : memref<64xi32, #tpu.memory_space<vmem>>) semaphore(%arg25 : memref<!tpu.dma_semaphore, #tpu.memory_space<semaphore_mem>>) {add = true}
      %mul3A_149 = arith.constant 2 : i32
      %mul3A_150 = arith.muli %mul3A_149, %scan3A_84 : i32
      %add3A_151 = arith.constant 1 : i32
      %add3A_152 = arith.addi %mul3A_150, %add3A_151 : i32
      %dma_wait3A_153 = arith.constant 0 : i32
      %dma_wait3A_154 = arith.constant 0 : i32
      %dma_wait3A_155 = tpu.memref_slice %arg8[%dma_wait3A_153, %dma_wait3A_154] : memref<64x64xi32, #tpu.memory_space<vmem>> -> memref<1x64xi32, #tpu.memory_space<vmem>>
      %dma_wait3A_156 = tpu.memref_squeeze %dma_wait3A_155 : memref<1x64xi32, #tpu.memory_space<vmem>> -> memref<64xi32, #tpu.memory_space<vmem>>
      %dma_wait3A_157 = arith.constant 0 : i32
      %dma_wait3A_158 = arith.constant 0 : i32
      %dma_wait3A_159 = tpu.memref_slice %arg4[%dma_wait3A_157, %dma_wait3A_158] : memref<4096x128xf32, #tpu.memory_space<hbm>> -> memref<4096x128xf32, #tpu.memory_space<hbm>>
      tpu.wait_indirect_dma semaphore(%arg20 : memref<!tpu.dma_semaphore, #tpu.memory_space<semaphore_mem>>) src(%dma_wait3A_159 : memref<4096x128xf32, #tpu.memory_space<hbm>>) dst(%arg11 : memref<64x128xf32, #tpu.memory_space<vmem>>)
      %dma_wait3A_160 = arith.constant 0 : i32
      %dma_wait3A_161 = arith.constant 0 : i32
      %dma_wait3A_162 = tpu.memref_slice %arg9[%dma_wait3A_160, %dma_wait3A_161] : memref<64x64xi32, #tpu.memory_space<vmem>> -> memref<1x64xi32, #tpu.memory_space<vmem>>
      %dma_wait3A_163 = tpu.memref_squeeze %dma_wait3A_162 : memref<1x64xi32, #tpu.memory_space<vmem>> -> memref<64xi32, #tpu.memory_space<vmem>>
      %dma_wait3A_164 = arith.constant 0 : i32
      %dma_wait3A_165 = arith.constant 0 : i32
      %dma_wait3A_166 = tpu.memref_slice %arg5[%dma_wait3A_164, %dma_wait3A_165] : memref<4096x128xf32, #tpu.memory_space<hbm>> -> memref<4096x128xf32, #tpu.memory_space<hbm>>
      tpu.wait_indirect_dma semaphore(%arg22 : memref<!tpu.dma_semaphore, #tpu.memory_space<semaphore_mem>>) src(%dma_wait3A_166 : memref<4096x128xf32, #tpu.memory_space<hbm>>) dst(%arg13 : memref<64x128xf32, #tpu.memory_space<vmem>>)
      %dma_wait3A_167 = arith.constant 0 : i32
      %dma_wait3A_168 = arith.constant 0 : i32
      %dma_wait3A_169 = tpu.memref_slice %arg6[%dma_wait3A_167, %dma_wait3A_168] : memref<131072x128xf32, #tpu.memory_space<hbm>> -> memref<64x128xf32, #tpu.memory_space<hbm>>
      %dma_wait3A_170 = arith.constant 0 : i32
      %dma_wait3A_171 = arith.constant 0 : i32
      %dma_wait3A_172 = tpu.memref_slice %arg6[%dma_wait3A_170, %dma_wait3A_171] : memref<131072x128xf32, #tpu.memory_space<hbm>> -> memref<64x128xf32, #tpu.memory_space<hbm>>
      tpu.wait_dma2 semaphore(%arg24 : memref<!tpu.dma_semaphore, #tpu.memory_space<semaphore_mem>>) src(%dma_wait3A_172 : memref<64x128xf32, #tpu.memory_space<hbm>>) dst(%arg15 : memref<64x128xf32, #tpu.memory_space<vmem>>)
      %add3A_173 = arith.constant 1 : i32
      %add3A_174 = arith.addi %add3A_152, %add3A_173 : i32
      %rem3A_175 = arith.constant 64 : i32
      %rem3A_176 = arith.remsi %add3A_174, %rem3A_175 : i32
      %mul3A_177 = arith.constant 4096 : i32
      %mul3A_178 = arith.muli %add3A, %mul3A_177 : i32
      %mul3A_179 = arith.constant 64 : i32
      %mul3A_180 = arith.muli %rem3A_176, %mul3A_179 : i32
      %add3A_181 = arith.addi %mul3A_178, %mul3A_180 : i32
      %dma_start3A_182 = arith.constant 0 : i32
      %dma_start3A_183 = tpu.memref_slice %arg8[%rem3A_176, %dma_start3A_182] : memref<64x64xi32, #tpu.memory_space<vmem>> -> memref<1x64xi32, #tpu.memory_space<vmem>>
      %dma_start3A_184 = tpu.memref_squeeze %dma_start3A_183 : memref<1x64xi32, #tpu.memory_space<vmem>> -> memref<64xi32, #tpu.memory_space<vmem>>
      %dma_start3A_185 = arith.constant 0 : i32
      %dma_start3A_186 = arith.constant 0 : i32
      %dma_start3A_187 = tpu.memref_slice %arg4[%dma_start3A_185, %dma_start3A_186] : memref<4096x128xf32, #tpu.memory_space<hbm>> -> memref<4096x128xf32, #tpu.memory_space<hbm>>
      tpu.enqueue_indirect_dma source(%dma_start3A_187 : memref<4096x128xf32, #tpu.memory_space<hbm>>) target(%arg10 : memref<64x128xf32, #tpu.memory_space<vmem>>) offsets(%dma_start3A_184 : memref<64xi32, #tpu.memory_space<vmem>>) semaphore(%arg19 : memref<!tpu.dma_semaphore, #tpu.memory_space<semaphore_mem>>)
      %dma_start3A_188 = arith.constant 0 : i32
      %dma_start3A_189 = tpu.memref_slice %arg9[%rem3A_176, %dma_start3A_188] : memref<64x64xi32, #tpu.memory_space<vmem>> -> memref<1x64xi32, #tpu.memory_space<vmem>>
      %dma_start3A_190 = tpu.memref_squeeze %dma_start3A_189 : memref<1x64xi32, #tpu.memory_space<vmem>> -> memref<64xi32, #tpu.memory_space<vmem>>
      %dma_start3A_191 = arith.constant 0 : i32
      %dma_start3A_192 = arith.constant 0 : i32
      %dma_start3A_193 = tpu.memref_slice %arg5[%dma_start3A_191, %dma_start3A_192] : memref<4096x128xf32, #tpu.memory_space<hbm>> -> memref<4096x128xf32, #tpu.memory_space<hbm>>
      tpu.enqueue_indirect_dma source(%dma_start3A_193 : memref<4096x128xf32, #tpu.memory_space<hbm>>) target(%arg12 : memref<64x128xf32, #tpu.memory_space<vmem>>) offsets(%dma_start3A_190 : memref<64xi32, #tpu.memory_space<vmem>>) semaphore(%arg21 : memref<!tpu.dma_semaphore, #tpu.memory_space<semaphore_mem>>)
      %dma_start3A_194 = arith.constant 0 : i32
      %dma_start3A_195 = tpu.memref_slice %arg6[%add3A_181, %dma_start3A_194] : memref<131072x128xf32, #tpu.memory_space<hbm>> -> memref<64x128xf32, #tpu.memory_space<hbm>>
      %dma_start3A_196 = arith.constant 0 : i32
      %dma_start3A_197 = tpu.memref_slice %arg6[%add3A_181, %dma_start3A_196] : memref<131072x128xf32, #tpu.memory_space<hbm>> -> memref<64x128xf32, #tpu.memory_space<hbm>>
      tpu.enqueue_dma source(%dma_start3A_197 : memref<64x128xf32, #tpu.memory_space<hbm>>) target(%arg14 : memref<64x128xf32, #tpu.memory_space<vmem>>) target_semaphore(%arg23 : memref<!tpu.dma_semaphore, #tpu.memory_space<semaphore_mem>>)
      %ge3A_198 = arith.constant 1 : i32
      %ge3A_199 = arith.cmpi sge, %scan3A_84, %ge3A_198 : i32
      %convert_element_type3A_200 = arith.extui %ge3A_199 : i1 to i32
      %cond3A_201 = arith.constant 0 : i32
      %cond3A_202 = arith.cmpi ne, %convert_element_type3A_200, %cond3A_201 : i32
      scf.if %cond3A_202 {
        %dma_wait3A_217 = arith.constant 0 : i32
        %dma_wait3A_218 = arith.constant 0 : i32
        %dma_wait3A_219 = tpu.memref_slice %arg9[%dma_wait3A_217, %dma_wait3A_218] : memref<64x64xi32, #tpu.memory_space<vmem>> -> memref<1x64xi32, #tpu.memory_space<vmem>>
        %dma_wait3A_220 = tpu.memref_squeeze %dma_wait3A_219 : memref<1x64xi32, #tpu.memory_space<vmem>> -> memref<64xi32, #tpu.memory_space<vmem>>
        %dma_wait3A_221 = arith.constant 0 : i32
        %dma_wait3A_222 = arith.constant 0 : i32
        %dma_wait3A_223 = tpu.memref_slice %arg18[%dma_wait3A_221, %dma_wait3A_222] : memref<4096x128xf32, #tpu.memory_space<vmem_shared>> -> memref<4096x128xf32, #tpu.memory_space<vmem_shared>>
        tpu.wait_indirect_dma semaphore(%arg26 : memref<!tpu.dma_semaphore, #tpu.memory_space<semaphore_mem>>) src(%arg17 : memref<64x128xf32, #tpu.memory_space<vmem>>) dst(%dma_wait3A_223 : memref<4096x128xf32, #tpu.memory_space<vmem_shared>>)
      } else {
      }
      %scan3A_203 = arith.constant 0 : i32
      %scan3A_204 = arith.constant 0 : i32
      %scan3A_205 = arith.constant 64 : i32
      %scan3A_206 = arith.addi %scan3A_204, %scan3A_205 : i32
      %scan3A_207 = arith.constant 1 : i32
      %scan3A_208 = scf.for %scan3A_217 = %scan3A_204 to %scan3A_206 step %scan3A_207 iter_args(%scan3A_218 = %scan3A_203) -> (i32)  : i32 {
        %get3A = arith.index_cast %scan3A_217 : i32 to index
        %get3A_219 = arith.constant 0 : index
        %get3A_220 = tpu.vector_load %arg11[%get3A, %get3A_219] {strides = array<i32>} : memref<64x128xf32, #tpu.memory_space<vmem>>, vector<1x16xf32>,
        %get3A_221 = vector.shape_cast %get3A_220 : vector<1x16xf32> to vector<16xf32>
        %get3A_222 = arith.index_cast %scan3A_217 : i32 to index
        %get3A_223 = arith.constant 0 : index
        %get3A_224 = tpu.vector_load %arg13[%get3A_222, %get3A_223] {strides = array<i32>} : memref<64x128xf32, #tpu.memory_space<vmem>>, vector<1x16xf32>,
        %get3A_225 = vector.shape_cast %get3A_224 : vector<1x16xf32> to vector<16xf32>
        %add3A_226 = arith.addf %get3A_221, %get3A_225 : vector<16xf32>
        %get3A_227 = arith.index_cast %scan3A_217 : i32 to index
        %get3A_228 = arith.constant 0 : index
        %get3A_229 = tpu.vector_load %arg15[%get3A_227, %get3A_228] {strides = array<i32>} : memref<64x128xf32, #tpu.memory_space<vmem>>, vector<1x16xf32>,
        %get3A_230 = vector.shape_cast %get3A_229 : vector<1x16xf32> to vector<16xf32>
        %add3A_231 = arith.addf %add3A_226, %get3A_230 : vector<16xf32>
        %max3A = arith.constant 0.000000e+00 : f32
        %max3A_232 = vector.broadcast %max3A : f32 to vector<16xf32>
        %max3A_233 = arith.maximumf %add3A_231, %max3A_232 : vector<16xf32>
        %swap3A = arith.index_cast %scan3A_217 : i32 to index
        %swap3A_234 = arith.constant 0 : index
        %swap3A_235 = tpu.vector_load %arg17[%swap3A, %swap3A_234] {strides = array<i32>} : memref<64x128xf32, #tpu.memory_space<vmem>>, vector<1x16xf32>,
        %swap3A_236 = vector.shape_cast %swap3A_235 : vector<1x16xf32> to vector<16xf32>
        %swap3A_237 = vector.shape_cast %max3A_233 : vector<16xf32> to vector<1x16xf32>
        tpu.vector_store %arg17[%swap3A, %swap3A_234], %swap3A_237 {strides = array<i32>} : memref<64x128xf32, #tpu.memory_space<vmem>>, vector<1x16xf32>,
        %get3A_238 = arith.index_cast %scan3A_217 : i32 to index
        %get3A_239 = arith.constant 16 : index
        %get3A_240 = tpu.vector_load %arg11[%get3A_238, %get3A_239] {strides = array<i32>} : memref<64x128xf32, #tpu.memory_space<vmem>>, vector<1x16xf32>,
        %get3A_241 = vector.shape_cast %get3A_240 : vector<1x16xf32> to vector<16xf32>
        %get3A_242 = arith.index_cast %scan3A_217 : i32 to index
        %get3A_243 = arith.constant 16 : index
        %get3A_244 = tpu.vector_load %arg13[%get3A_242, %get3A_243] {strides = array<i32>} : memref<64x128xf32, #tpu.memory_space<vmem>>, vector<1x16xf32>,
        %get3A_245 = vector.shape_cast %get3A_244 : vector<1x16xf32> to vector<16xf32>
        %add3A_246 = arith.addf %get3A_241, %get3A_245 : vector<16xf32>
        %get3A_247 = arith.index_cast %scan3A_217 : i32 to index
        %get3A_248 = arith.constant 16 : index
        %get3A_249 = tpu.vector_load %arg15[%get3A_247, %get3A_248] {strides = array<i32>} : memref<64x128xf32, #tpu.memory_space<vmem>>, vector<1x16xf32>,
        %get3A_250 = vector.shape_cast %get3A_249 : vector<1x16xf32> to vector<16xf32>
        %add3A_251 = arith.addf %add3A_246, %get3A_250 : vector<16xf32>
        %max3A_252 = arith.constant 0.000000e+00 : f32
        %max3A_253 = vector.broadcast %max3A_252 : f32 to vector<16xf32>
        %max3A_254 = arith.maximumf %add3A_251, %max3A_253 : vector<16xf32>
        %swap3A_255 = arith.index_cast %scan3A_217 : i32 to index
        %swap3A_256 = arith.constant 16 : index
        %swap3A_257 = tpu.vector_load %arg17[%swap3A_255, %swap3A_256] {strides = array<i32>} : memref<64x128xf32, #tpu.memory_space<vmem>>, vector<1x16xf32>,
        %swap3A_258 = vector.shape_cast %swap3A_257 : vector<1x16xf32> to vector<16xf32>
        %swap3A_259 = vector.shape_cast %max3A_254 : vector<16xf32> to vector<1x16xf32>
        tpu.vector_store %arg17[%swap3A_255, %swap3A_256], %swap3A_259 {strides = array<i32>} : memref<64x128xf32, #tpu.memory_space<vmem>>, vector<1x16xf32>,
        %get3A_260 = arith.index_cast %scan3A_217 : i32 to index
        %get3A_261 = arith.constant 32 : index
        %get3A_262 = tpu.vector_load %arg11[%get3A_260, %get3A_261] {strides = array<i32>} : memref<64x128xf32, #tpu.memory_space<vmem>>, vector<1x16xf32>,
        %get3A_263 = vector.shape_cast %get3A_262 : vector<1x16xf32> to vector<16xf32>
        %get3A_264 = arith.index_cast %scan3A_217 : i32 to index
        %get3A_265 = arith.constant 32 : index
        %get3A_266 = tpu.vector_load %arg13[%get3A_264, %get3A_265] {strides = array<i32>} : memref<64x128xf32, #tpu.memory_space<vmem>>, vector<1x16xf32>,
        %get3A_267 = vector.shape_cast %get3A_266 : vector<1x16xf32> to vector<16xf32>
        %add3A_268 = arith.addf %get3A_263, %get3A_267 : vector<16xf32>
        %get3A_269 = arith.index_cast %scan3A_217 : i32 to index
        %get3A_270 = arith.constant 32 : index
        %get3A_271 = tpu.vector_load %arg15[%get3A_269, %get3A_270] {strides = array<i32>} : memref<64x128xf32, #tpu.memory_space<vmem>>, vector<1x16xf32>,
        %get3A_272 = vector.shape_cast %get3A_271 : vector<1x16xf32> to vector<16xf32>
        %add3A_273 = arith.addf %add3A_268, %get3A_272 : vector<16xf32>
        %max3A_274 = arith.constant 0.000000e+00 : f32
        %max3A_275 = vector.broadcast %max3A_274 : f32 to vector<16xf32>
        %max3A_276 = arith.maximumf %add3A_273, %max3A_275 : vector<16xf32>
        %swap3A_277 = arith.index_cast %scan3A_217 : i32 to index
        %swap3A_278 = arith.constant 32 : index
        %swap3A_279 = tpu.vector_load %arg17[%swap3A_277, %swap3A_278] {strides = array<i32>} : memref<64x128xf32, #tpu.memory_space<vmem>>, vector<1x16xf32>,
        %swap3A_280 = vector.shape_cast %swap3A_279 : vector<1x16xf32> to vector<16xf32>
        %swap3A_281 = vector.shape_cast %max3A_276 : vector<16xf32> to vector<1x16xf32>
        tpu.vector_store %arg17[%swap3A_277, %swap3A_278], %swap3A_281 {strides = array<i32>} : memref<64x128xf32, #tpu.memory_space<vmem>>, vector<1x16xf32>,
        %get3A_282 = arith.index_cast %scan3A_217 : i32 to index
        %get3A_283 = arith.constant 48 : index
        %get3A_284 = tpu.vector_load %arg11[%get3A_282, %get3A_283] {strides = array<i32>} : memref<64x128xf32, #tpu.memory_space<vmem>>, vector<1x16xf32>,
        %get3A_285 = vector.shape_cast %get3A_284 : vector<1x16xf32> to vector<16xf32>
        %get3A_286 = arith.index_cast %scan3A_217 : i32 to index
        %get3A_287 = arith.constant 48 : index
        %get3A_288 = tpu.vector_load %arg13[%get3A_286, %get3A_287] {strides = array<i32>} : memref<64x128xf32, #tpu.memory_space<vmem>>, vector<1x16xf32>,
        %get3A_289 = vector.shape_cast %get3A_288 : vector<1x16xf32> to vector<16xf32>
        %add3A_290 = arith.addf %get3A_285, %get3A_289 : vector<16xf32>
        %get3A_291 = arith.index_cast %scan3A_217 : i32 to index
        %get3A_292 = arith.constant 48 : index
        %get3A_293 = tpu.vector_load %arg15[%get3A_291, %get3A_292] {strides = array<i32>} : memref<64x128xf32, #tpu.memory_space<vmem>>, vector<1x16xf32>,
        %get3A_294 = vector.shape_cast %get3A_293 : vector<1x16xf32> to vector<16xf32>
        %add3A_295 = arith.addf %add3A_290, %get3A_294 : vector<16xf32>
        %max3A_296 = arith.constant 0.000000e+00 : f32
        %max3A_297 = vector.broadcast %max3A_296 : f32 to vector<16xf32>
        %max3A_298 = arith.maximumf %add3A_295, %max3A_297 : vector<16xf32>
        %swap3A_299 = arith.index_cast %scan3A_217 : i32 to index
        %swap3A_300 = arith.constant 48 : index
        %swap3A_301 = tpu.vector_load %arg17[%swap3A_299, %swap3A_300] {strides = array<i32>} : memref<64x128xf32, #tpu.memory_space<vmem>>, vector<1x16xf32>,
        %swap3A_302 = vector.shape_cast %swap3A_301 : vector<1x16xf32> to vector<16xf32>
        %swap3A_303 = vector.shape_cast %max3A_298 : vector<16xf32> to vector<1x16xf32>
        tpu.vector_store %arg17[%swap3A_299, %swap3A_300], %swap3A_303 {strides = array<i32>} : memref<64x128xf32, #tpu.memory_space<vmem>>, vector<1x16xf32>,
        %get3A_304 = arith.index_cast %scan3A_217 : i32 to index
        %get3A_305 = arith.constant 64 : index
        %get3A_306 = tpu.vector_load %arg11[%get3A_304, %get3A_305] {strides = array<i32>} : memref<64x128xf32, #tpu.memory_space<vmem>>, vector<1x16xf32>,
        %get3A_307 = vector.shape_cast %get3A_306 : vector<1x16xf32> to vector<16xf32>
        %get3A_308 = arith.index_cast %scan3A_217 : i32 to index
        %get3A_309 = arith.constant 64 : index
        %get3A_310 = tpu.vector_load %arg13[%get3A_308, %get3A_309] {strides = array<i32>} : memref<64x128xf32, #tpu.memory_space<vmem>>, vector<1x16xf32>,
        %get3A_311 = vector.shape_cast %get3A_310 : vector<1x16xf32> to vector<16xf32>
        %add3A_312 = arith.addf %get3A_307, %get3A_311 : vector<16xf32>
        %get3A_313 = arith.index_cast %scan3A_217 : i32 to index
        %get3A_314 = arith.constant 64 : index
        %get3A_315 = tpu.vector_load %arg15[%get3A_313, %get3A_314] {strides = array<i32>} : memref<64x128xf32, #tpu.memory_space<vmem>>, vector<1x16xf32>,
        %get3A_316 = vector.shape_cast %get3A_315 : vector<1x16xf32> to vector<16xf32>
        %add3A_317 = arith.addf %add3A_312, %get3A_316 : vector<16xf32>
        %max3A_318 = arith.constant 0.000000e+00 : f32
        %max3A_319 = vector.broadcast %max3A_318 : f32 to vector<16xf32>
        %max3A_320 = arith.maximumf %add3A_317, %max3A_319 : vector<16xf32>
        %swap3A_321 = arith.index_cast %scan3A_217 : i32 to index
        %swap3A_322 = arith.constant 64 : index
        %swap3A_323 = tpu.vector_load %arg17[%swap3A_321, %swap3A_322] {strides = array<i32>} : memref<64x128xf32, #tpu.memory_space<vmem>>, vector<1x16xf32>,
        %swap3A_324 = vector.shape_cast %swap3A_323 : vector<1x16xf32> to vector<16xf32>
        %swap3A_325 = vector.shape_cast %max3A_320 : vector<16xf32> to vector<1x16xf32>
        tpu.vector_store %arg17[%swap3A_321, %swap3A_322], %swap3A_325 {strides = array<i32>} : memref<64x128xf32, #tpu.memory_space<vmem>>, vector<1x16xf32>,
        %get3A_326 = arith.index_cast %scan3A_217 : i32 to index
        %get3A_327 = arith.constant 80 : index
        %get3A_328 = tpu.vector_load %arg11[%get3A_326, %get3A_327] {strides = array<i32>} : memref<64x128xf32, #tpu.memory_space<vmem>>, vector<1x16xf32>,
        %get3A_329 = vector.shape_cast %get3A_328 : vector<1x16xf32> to vector<16xf32>
        %get3A_330 = arith.index_cast %scan3A_217 : i32 to index
        %get3A_331 = arith.constant 80 : index
        %get3A_332 = tpu.vector_load %arg13[%get3A_330, %get3A_331] {strides = array<i32>} : memref<64x128xf32, #tpu.memory_space<vmem>>, vector<1x16xf32>,
        %get3A_333 = vector.shape_cast %get3A_332 : vector<1x16xf32> to vector<16xf32>
        %add3A_334 = arith.addf %get3A_329, %get3A_333 : vector<16xf32>
        %get3A_335 = arith.index_cast %scan3A_217 : i32 to index
        %get3A_336 = arith.constant 80 : index
        %get3A_337 = tpu.vector_load %arg15[%get3A_335, %get3A_336] {strides = array<i32>} : memref<64x128xf32, #tpu.memory_space<vmem>>, vector<1x16xf32>,
        %get3A_338 = vector.shape_cast %get3A_337 : vector<1x16xf32> to vector<16xf32>
        %add3A_339 = arith.addf %add3A_334, %get3A_338 : vector<16xf32>
        %max3A_340 = arith.constant 0.000000e+00 : f32
        %max3A_341 = vector.broadcast %max3A_340 : f32 to vector<16xf32>
        %max3A_342 = arith.maximumf %add3A_339, %max3A_341 : vector<16xf32>
        %swap3A_343 = arith.index_cast %scan3A_217 : i32 to index
        %swap3A_344 = arith.constant 80 : index
        %swap3A_345 = tpu.vector_load %arg17[%swap3A_343, %swap3A_344] {strides = array<i32>} : memref<64x128xf32, #tpu.memory_space<vmem>>, vector<1x16xf32>,
        %swap3A_346 = vector.shape_cast %swap3A_345 : vector<1x16xf32> to vector<16xf32>
        %swap3A_347 = vector.shape_cast %max3A_342 : vector<16xf32> to vector<1x16xf32>
        tpu.vector_store %arg17[%swap3A_343, %swap3A_344], %swap3A_347 {strides = array<i32>} : memref<64x128xf32, #tpu.memory_space<vmem>>, vector<1x16xf32>,
        %get3A_348 = arith.index_cast %scan3A_217 : i32 to index
        %get3A_349 = arith.constant 96 : index
        %get3A_350 = tpu.vector_load %arg11[%get3A_348, %get3A_349] {strides = array<i32>} : memref<64x128xf32, #tpu.memory_space<vmem>>, vector<1x16xf32>,
        %get3A_351 = vector.shape_cast %get3A_350 : vector<1x16xf32> to vector<16xf32>
        %get3A_352 = arith.index_cast %scan3A_217 : i32 to index
        %get3A_353 = arith.constant 96 : index
        %get3A_354 = tpu.vector_load %arg13[%get3A_352, %get3A_353] {strides = array<i32>} : memref<64x128xf32, #tpu.memory_space<vmem>>, vector<1x16xf32>,
        %get3A_355 = vector.shape_cast %get3A_354 : vector<1x16xf32> to vector<16xf32>
        %add3A_356 = arith.addf %get3A_351, %get3A_355 : vector<16xf32>
        %get3A_357 = arith.index_cast %scan3A_217 : i32 to index
        %get3A_358 = arith.constant 96 : index
        %get3A_359 = tpu.vector_load %arg15[%get3A_357, %get3A_358] {strides = array<i32>} : memref<64x128xf32, #tpu.memory_space<vmem>>, vector<1x16xf32>,
        %get3A_360 = vector.shape_cast %get3A_359 : vector<1x16xf32> to vector<16xf32>
        %add3A_361 = arith.addf %add3A_356, %get3A_360 : vector<16xf32>
        %max3A_362 = arith.constant 0.000000e+00 : f32
        %max3A_363 = vector.broadcast %max3A_362 : f32 to vector<16xf32>
        %max3A_364 = arith.maximumf %add3A_361, %max3A_363 : vector<16xf32>
        %swap3A_365 = arith.index_cast %scan3A_217 : i32 to index
        %swap3A_366 = arith.constant 96 : index
        %swap3A_367 = tpu.vector_load %arg17[%swap3A_365, %swap3A_366] {strides = array<i32>} : memref<64x128xf32, #tpu.memory_space<vmem>>, vector<1x16xf32>,
        %swap3A_368 = vector.shape_cast %swap3A_367 : vector<1x16xf32> to vector<16xf32>
        %swap3A_369 = vector.shape_cast %max3A_364 : vector<16xf32> to vector<1x16xf32>
        tpu.vector_store %arg17[%swap3A_365, %swap3A_366], %swap3A_369 {strides = array<i32>} : memref<64x128xf32, #tpu.memory_space<vmem>>, vector<1x16xf32>,
        %get3A_370 = arith.index_cast %scan3A_217 : i32 to index
        %get3A_371 = arith.constant 112 : index
        %get3A_372 = tpu.vector_load %arg11[%get3A_370, %get3A_371] {strides = array<i32>} : memref<64x128xf32, #tpu.memory_space<vmem>>, vector<1x16xf32>,
        %get3A_373 = vector.shape_cast %get3A_372 : vector<1x16xf32> to vector<16xf32>
        %get3A_374 = arith.index_cast %scan3A_217 : i32 to index
        %get3A_375 = arith.constant 112 : index
        %get3A_376 = tpu.vector_load %arg13[%get3A_374, %get3A_375] {strides = array<i32>} : memref<64x128xf32, #tpu.memory_space<vmem>>, vector<1x16xf32>,
        %get3A_377 = vector.shape_cast %get3A_376 : vector<1x16xf32> to vector<16xf32>
        %add3A_378 = arith.addf %get3A_373, %get3A_377 : vector<16xf32>
        %get3A_379 = arith.index_cast %scan3A_217 : i32 to index
        %get3A_380 = arith.constant 112 : index
        %get3A_381 = tpu.vector_load %arg15[%get3A_379, %get3A_380] {strides = array<i32>} : memref<64x128xf32, #tpu.memory_space<vmem>>, vector<1x16xf32>,
        %get3A_382 = vector.shape_cast %get3A_381 : vector<1x16xf32> to vector<16xf32>
        %add3A_383 = arith.addf %add3A_378, %get3A_382 : vector<16xf32>
        %max3A_384 = arith.constant 0.000000e+00 : f32
        %max3A_385 = vector.broadcast %max3A_384 : f32 to vector<16xf32>
        %max3A_386 = arith.maximumf %add3A_383, %max3A_385 : vector<16xf32>
        %swap3A_387 = arith.index_cast %scan3A_217 : i32 to index
        %swap3A_388 = arith.constant 112 : index
        %swap3A_389 = tpu.vector_load %arg17[%swap3A_387, %swap3A_388] {strides = array<i32>} : memref<64x128xf32, #tpu.memory_space<vmem>>, vector<1x16xf32>,
        %swap3A_390 = vector.shape_cast %swap3A_389 : vector<1x16xf32> to vector<16xf32>
        %swap3A_391 = vector.shape_cast %max3A_386 : vector<16xf32> to vector<1x16xf32>
        tpu.vector_store %arg17[%swap3A_387, %swap3A_388], %swap3A_391 {strides = array<i32>} : memref<64x128xf32, #tpu.memory_space<vmem>>, vector<1x16xf32>,
        %scan3A_392 = arith.constant 0 : i32
        scf.yield %scan3A_392 : i32
      }
      %scan3A_209 = arith.constant 64 : i32
      %dma_start3A_210 = arith.constant 0 : i32
      %dma_start3A_211 = tpu.memref_slice %arg9[%add3A_152, %dma_start3A_210] : memref<64x64xi32, #tpu.memory_space<vmem>> -> memref<1x64xi32, #tpu.memory_space<vmem>>
      %dma_start3A_212 = tpu.memref_squeeze %dma_start3A_211 : memref<1x64xi32, #tpu.memory_space<vmem>> -> memref<64xi32, #tpu.memory_space<vmem>>
      %dma_start3A_213 = arith.constant 0 : i32
      %dma_start3A_214 = arith.constant 0 : i32
      %dma_start3A_215 = tpu.memref_slice %arg18[%dma_start3A_213, %dma_start3A_214] : memref<4096x128xf32, #tpu.memory_space<vmem_shared>> -> memref<4096x128xf32, #tpu.memory_space<vmem_shared>>
      tpu.enqueue_indirect_dma source(%arg17 : memref<64x128xf32, #tpu.memory_space<vmem>>) target(%dma_start3A_215 : memref<4096x128xf32, #tpu.memory_space<vmem_shared>>) offsets(%dma_start3A_212 : memref<64xi32, #tpu.memory_space<vmem>>) semaphore(%arg26 : memref<!tpu.dma_semaphore, #tpu.memory_space<semaphore_mem>>) {add = true}
      %scan3A_216 = arith.constant 0 : i32
      scf.yield %scan3A_216 : i32
    }
    %scan3A_49 = arith.constant 32 : i32
    %dma_wait3A = arith.constant 0 : i32
    %dma_wait3A_50 = arith.constant 0 : i32
    %dma_wait3A_51 = tpu.memref_slice %arg8[%dma_wait3A, %dma_wait3A_50] : memref<64x64xi32, #tpu.memory_space<vmem>> -> memref<1x64xi32, #tpu.memory_space<vmem>>
    %dma_wait3A_52 = tpu.memref_squeeze %dma_wait3A_51 : memref<1x64xi32, #tpu.memory_space<vmem>> -> memref<64xi32, #tpu.memory_space<vmem>>
    %dma_wait3A_53 = arith.constant 0 : i32
    %dma_wait3A_54 = arith.constant 0 : i32
    %dma_wait3A_55 = tpu.memref_slice %arg4[%dma_wait3A_53, %dma_wait3A_54] : memref<4096x128xf32, #tpu.memory_space<hbm>> -> memref<4096x128xf32, #tpu.memory_space<hbm>>
    tpu.wait_indirect_dma semaphore(%arg19 : memref<!tpu.dma_semaphore, #tpu.memory_space<semaphore_mem>>) src(%dma_wait3A_55 : memref<4096x128xf32, #tpu.memory_space<hbm>>) dst(%arg10 : memref<64x128xf32, #tpu.memory_space<vmem>>)
    %dma_wait3A_56 = arith.constant 0 : i32
    %dma_wait3A_57 = arith.constant 0 : i32
    %dma_wait3A_58 = tpu.memref_slice %arg9[%dma_wait3A_56, %dma_wait3A_57] : memref<64x64xi32, #tpu.memory_space<vmem>> -> memref<1x64xi32, #tpu.memory_space<vmem>>
    %dma_wait3A_59 = tpu.memref_squeeze %dma_wait3A_58 : memref<1x64xi32, #tpu.memory_space<vmem>> -> memref<64xi32, #tpu.memory_space<vmem>>
    %dma_wait3A_60 = arith.constant 0 : i32
    %dma_wait3A_61 = arith.constant 0 : i32
    %dma_wait3A_62 = tpu.memref_slice %arg5[%dma_wait3A_60, %dma_wait3A_61] : memref<4096x128xf32, #tpu.memory_space<hbm>> -> memref<4096x128xf32, #tpu.memory_space<hbm>>
    tpu.wait_indirect_dma semaphore(%arg21 : memref<!tpu.dma_semaphore, #tpu.memory_space<semaphore_mem>>) src(%dma_wait3A_62 : memref<4096x128xf32, #tpu.memory_space<hbm>>) dst(%arg12 : memref<64x128xf32, #tpu.memory_space<vmem>>)
    %dma_wait3A_63 = arith.constant 0 : i32
    %dma_wait3A_64 = arith.constant 0 : i32
    %dma_wait3A_65 = tpu.memref_slice %arg6[%dma_wait3A_63, %dma_wait3A_64] : memref<131072x128xf32, #tpu.memory_space<hbm>> -> memref<64x128xf32, #tpu.memory_space<hbm>>
    %dma_wait3A_66 = arith.constant 0 : i32
    %dma_wait3A_67 = arith.constant 0 : i32
    %dma_wait3A_68 = tpu.memref_slice %arg6[%dma_wait3A_66, %dma_wait3A_67] : memref<131072x128xf32, #tpu.memory_space<hbm>> -> memref<64x128xf32, #tpu.memory_space<hbm>>
    tpu.wait_dma2 semaphore(%arg23 : memref<!tpu.dma_semaphore, #tpu.memory_space<semaphore_mem>>) src(%dma_wait3A_68 : memref<64x128xf32, #tpu.memory_space<hbm>>) dst(%arg14 : memref<64x128xf32, #tpu.memory_space<vmem>>)
    %dma_wait3A_69 = arith.constant 0 : i32
    %dma_wait3A_70 = arith.constant 0 : i32
    %dma_wait3A_71 = tpu.memref_slice %arg9[%dma_wait3A_69, %dma_wait3A_70] : memref<64x64xi32, #tpu.memory_space<vmem>> -> memref<1x64xi32, #tpu.memory_space<vmem>>
    %dma_wait3A_72 = tpu.memref_squeeze %dma_wait3A_71 : memref<1x64xi32, #tpu.memory_space<vmem>> -> memref<64xi32, #tpu.memory_space<vmem>>
    %dma_wait3A_73 = arith.constant 0 : i32
    %dma_wait3A_74 = arith.constant 0 : i32
    %dma_wait3A_75 = tpu.memref_slice %arg18[%dma_wait3A_73, %dma_wait3A_74] : memref<4096x128xf32, #tpu.memory_space<vmem_shared>> -> memref<4096x128xf32, #tpu.memory_space<vmem_shared>>
    tpu.wait_indirect_dma semaphore(%arg25 : memref<!tpu.dma_semaphore, #tpu.memory_space<semaphore_mem>>) src(%arg16 : memref<64x128xf32, #tpu.memory_space<vmem>>) dst(%dma_wait3A_75 : memref<4096x128xf32, #tpu.memory_space<vmem_shared>>)
    %dma_wait3A_76 = arith.constant 0 : i32
    %dma_wait3A_77 = arith.constant 0 : i32
    %dma_wait3A_78 = tpu.memref_slice %arg9[%dma_wait3A_76, %dma_wait3A_77] : memref<64x64xi32, #tpu.memory_space<vmem>> -> memref<1x64xi32, #tpu.memory_space<vmem>>
    %dma_wait3A_79 = tpu.memref_squeeze %dma_wait3A_78 : memref<1x64xi32, #tpu.memory_space<vmem>> -> memref<64xi32, #tpu.memory_space<vmem>>
    %dma_wait3A_80 = arith.constant 0 : i32
    %dma_wait3A_81 = arith.constant 0 : i32
    %dma_wait3A_82 = tpu.memref_slice %arg18[%dma_wait3A_80, %dma_wait3A_81] : memref<4096x128xf32, #tpu.memory_space<vmem_shared>> -> memref<4096x128xf32, #tpu.memory_space<vmem_shared>>
    tpu.wait_indirect_dma semaphore(%arg26 : memref<!tpu.dma_semaphore, #tpu.memory_space<semaphore_mem>>) src(%arg17 : memref<64x128xf32, #tpu.memory_space<vmem>>) dst(%dma_wait3A_82 : memref<4096x128xf32, #tpu.memory_space<vmem_shared>>)
    %barrier3A_83 = arith.constant 0 : index
    tpu.barrier barrier_id(%barrier3A_83)
    "tpu.region"() ({
      %run_scoped3A = tpu.sem_alloc : memref<!tpu.dma_semaphore, #tpu.memory_space<semaphore_mem>>
      %dma_start3A_84 = arith.constant 0 : i32
      %dma_start3A_85 = tpu.memref_slice %arg7[%arg0, %mul3A_2, %dma_start3A_84] : memref<2x4096x128xf32, #tpu.memory_space<hbm>> -> memref<1x256x128xf32, #tpu.memory_space<hbm>>
      %dma_start3A_86 = tpu.memref_squeeze %dma_start3A_85 : memref<1x256x128xf32, #tpu.memory_space<hbm>> -> memref<256x128xf32, #tpu.memory_space<hbm>>
      %dma_start3A_87 = arith.constant 0 : i32
      %dma_start3A_88 = tpu.memref_slice %arg18[%mul3A_2, %dma_start3A_87] : memref<4096x128xf32, #tpu.memory_space<vmem_shared>> -> memref<256x128xf32, #tpu.memory_space<vmem_shared>>
      tpu.enqueue_dma source(%dma_start3A_88 : memref<256x128xf32, #tpu.memory_space<vmem_shared>>) target(%dma_start3A_86 : memref<256x128xf32, #tpu.memory_space<hbm>>) target_semaphore(%run_scoped3A : memref<!tpu.dma_semaphore, #tpu.memory_space<semaphore_mem>>)
      %dma_wait3A_89 = arith.constant 0 : i32
      %dma_wait3A_90 = tpu.memref_slice %arg7[%arg0, %mul3A_2, %dma_wait3A_89] : memref<2x4096x128xf32, #tpu.memory_space<hbm>> -> memref<1x256x128xf32, #tpu.memory_space<hbm>>
      %dma_wait3A_91 = tpu.memref_squeeze %dma_wait3A_90 : memref<1x256x128xf32, #tpu.memory_space<hbm>> -> memref<256x128xf32, #tpu.memory_space<hbm>>
      %dma_wait3A_92 = arith.constant 0 : i32
      %dma_wait3A_93 = tpu.memref_slice %arg18[%mul3A_2, %dma_wait3A_92] : memref<4096x128xf32, #tpu.memory_space<vmem_shared>> -> memref<256x128xf32, #tpu.memory_space<vmem_shared>>
      tpu.wait_dma2 semaphore(%run_scoped3A : memref<!tpu.dma_semaphore, #tpu.memory_space<semaphore_mem>>) src(%dma_wait3A_93 : memref<256x128xf32, #tpu.memory_space<vmem_shared>>) dst(%dma_wait3A_91 : memref<256x128xf32, #tpu.memory_space<hbm>>)
      tpu.yield
    }) : () -> ()
    return
  }
}

#map = affine_map<(d0, d1) -> (0)>
module attributes {stable_mosaic.version = 14 : i64} {
  func.func @body(%arg0: i32, %arg1: i32, %arg2: memref<4096xf32, #tpu.memory_space<hbm>>, %arg3: memref<4096xf32, #tpu.memory_space<hbm>>, %arg4: memref<131072xi32, #tpu.memory_space<hbm>>, %arg5: memref<131072xi32, #tpu.memory_space<hbm>>, %arg6: memref<131072xf32, #tpu.memory_space<hbm>>, %arg7: memref<4096xf32, #tpu.memory_space<vmem>>, %arg8: memref<4096xf32, #tpu.memory_space<vmem>>, %arg9: memref<4096xi32, #tpu.memory_space<vmem>>, %arg10: memref<4096xi32, #tpu.memory_space<vmem>>, %arg11: memref<4096xf32, #tpu.memory_space<vmem>>) attributes {dimension_semantics = [#tpu.dimension_semantics<core_parallel>, #tpu.dimension_semantics<subcore_parallel>], iteration_bounds = array<i64: 2, 16>, scalar_prefetch = 0 : i64, scratch_operands = 5 : i64, tpu.core_type = #tpu.core_type<sc_vector_subcore>, window_params = [{transform_indices = #map}, {transform_indices = #map}, {transform_indices = #map}, {transform_indices = #map}, {transform_indices = #map}]} {
    %mul3A = arith.constant 16 : i32
    %mul3A_0 = arith.muli %arg0, %mul3A : i32
    %add3A = arith.addi %mul3A_0, %arg1 : i32
    %mul3A_1 = arith.constant 4096 : i32
    %mul3A_2 = arith.muli %add3A, %mul3A_1 : i32
    "tpu.region"() ({
      %run_scoped3A = tpu.sem_alloc : memref<!tpu.dma_semaphore, #tpu.memory_space<semaphore_mem>>
      tpu.enqueue_dma source(%arg2 : memref<4096xf32, #tpu.memory_space<hbm>>) target(%arg7 : memref<4096xf32, #tpu.memory_space<vmem>>) target_semaphore(%run_scoped3A : memref<!tpu.dma_semaphore, #tpu.memory_space<semaphore_mem>>)
      tpu.wait_dma2 semaphore(%run_scoped3A : memref<!tpu.dma_semaphore, #tpu.memory_space<semaphore_mem>>) src(%arg2 : memref<4096xf32, #tpu.memory_space<hbm>>) dst(%arg7 : memref<4096xf32, #tpu.memory_space<vmem>>)
      tpu.yield
    }) : () -> ()
    "tpu.region"() ({
      %run_scoped3A = tpu.sem_alloc : memref<!tpu.dma_semaphore, #tpu.memory_space<semaphore_mem>>
      tpu.enqueue_dma source(%arg3 : memref<4096xf32, #tpu.memory_space<hbm>>) target(%arg8 : memref<4096xf32, #tpu.memory_space<vmem>>) target_semaphore(%run_scoped3A : memref<!tpu.dma_semaphore, #tpu.memory_space<semaphore_mem>>)
      tpu.wait_dma2 semaphore(%run_scoped3A : memref<!tpu.dma_semaphore, #tpu.memory_space<semaphore_mem>>) src(%arg3 : memref<4096xf32, #tpu.memory_space<hbm>>) dst(%arg8 : memref<4096xf32, #tpu.memory_space<vmem>>)
      tpu.yield
    }) : () -> ()
    "tpu.region"() ({
      %run_scoped3A = tpu.sem_alloc : memref<!tpu.dma_semaphore, #tpu.memory_space<semaphore_mem>>
      %dma_start3A = tpu.memref_slice %arg4[%mul3A_2] : memref<131072xi32, #tpu.memory_space<hbm>> -> memref<4096xi32, #tpu.memory_space<hbm>>
      %dma_start3A_9 = tpu.memref_slice %arg4[%mul3A_2] : memref<131072xi32, #tpu.memory_space<hbm>> -> memref<4096xi32, #tpu.memory_space<hbm>>
      tpu.enqueue_dma source(%dma_start3A_9 : memref<4096xi32, #tpu.memory_space<hbm>>) target(%arg9 : memref<4096xi32, #tpu.memory_space<vmem>>) target_semaphore(%run_scoped3A : memref<!tpu.dma_semaphore, #tpu.memory_space<semaphore_mem>>)
      %dma_wait3A = tpu.memref_slice %arg4[%mul3A_2] : memref<131072xi32, #tpu.memory_space<hbm>> -> memref<4096xi32, #tpu.memory_space<hbm>>
      %dma_wait3A_10 = tpu.memref_slice %arg4[%mul3A_2] : memref<131072xi32, #tpu.memory_space<hbm>> -> memref<4096xi32, #tpu.memory_space<hbm>>
      tpu.wait_dma2 semaphore(%run_scoped3A : memref<!tpu.dma_semaphore, #tpu.memory_space<semaphore_mem>>) src(%dma_wait3A_10 : memref<4096xi32, #tpu.memory_space<hbm>>) dst(%arg9 : memref<4096xi32, #tpu.memory_space<vmem>>)
      tpu.yield
    }) : () -> ()
    "tpu.region"() ({
      %run_scoped3A = tpu.sem_alloc : memref<!tpu.dma_semaphore, #tpu.memory_space<semaphore_mem>>
      %dma_start3A = tpu.memref_slice %arg5[%mul3A_2] : memref<131072xi32, #tpu.memory_space<hbm>> -> memref<4096xi32, #tpu.memory_space<hbm>>
      %dma_start3A_9 = tpu.memref_slice %arg5[%mul3A_2] : memref<131072xi32, #tpu.memory_space<hbm>> -> memref<4096xi32, #tpu.memory_space<hbm>>
      tpu.enqueue_dma source(%dma_start3A_9 : memref<4096xi32, #tpu.memory_space<hbm>>) target(%arg10 : memref<4096xi32, #tpu.memory_space<vmem>>) target_semaphore(%run_scoped3A : memref<!tpu.dma_semaphore, #tpu.memory_space<semaphore_mem>>)
      %dma_wait3A = tpu.memref_slice %arg5[%mul3A_2] : memref<131072xi32, #tpu.memory_space<hbm>> -> memref<4096xi32, #tpu.memory_space<hbm>>
      %dma_wait3A_10 = tpu.memref_slice %arg5[%mul3A_2] : memref<131072xi32, #tpu.memory_space<hbm>> -> memref<4096xi32, #tpu.memory_space<hbm>>
      tpu.wait_dma2 semaphore(%run_scoped3A : memref<!tpu.dma_semaphore, #tpu.memory_space<semaphore_mem>>) src(%dma_wait3A_10 : memref<4096xi32, #tpu.memory_space<hbm>>) dst(%arg10 : memref<4096xi32, #tpu.memory_space<vmem>>)
      tpu.yield
    }) : () -> ()
    %scan3A = arith.constant 0 : i32
    %scan3A_3 = arith.constant 0 : i32
    %scan3A_4 = arith.constant 256 : i32
    %scan3A_5 = arith.addi %scan3A_3, %scan3A_4 : i32
    %scan3A_6 = arith.constant 1 : i32
    %scan3A_7 = scf.for %scan3A_9 = %scan3A_3 to %scan3A_5 step %scan3A_6 iter_args(%scan3A_10 = %scan3A) -> (i32)  : i32 {
      %mul3A_11 = arith.constant 16 : i32
      %mul3A_12 = arith.muli %scan3A_9, %mul3A_11 : i32
      %get3A = arith.index_cast %mul3A_12 : i32 to index
      %get3A_13 = tpu.vector_load %arg9[%get3A] {strides = array<i32>} : memref<4096xi32, #tpu.memory_space<vmem>>, vector<16xi32>,
      %gather3A = tpu.vector_load_idx %arg7[%get3A_13] : memref<4096xf32, #tpu.memory_space<vmem>>[vector<16xi32>], vector<16xf32>,
      %get3A_14 = arith.index_cast %mul3A_12 : i32 to index
      %get3A_15 = tpu.vector_load %arg10[%get3A_14] {strides = array<i32>} : memref<4096xi32, #tpu.memory_space<vmem>>, vector<16xi32>,
      %gather3A_16 = tpu.vector_load_idx %arg8[%get3A_15] : memref<4096xf32, #tpu.memory_space<vmem>>[vector<16xi32>], vector<16xf32>,
      %add3A_17 = arith.addf %gather3A, %gather3A_16 : vector<16xf32>
      %neg3A = arith.constant 0.000000e+00 : f32
      %neg3A_18 = vector.broadcast %neg3A : f32 to vector<16xf32>
      %neg3A_19 = arith.subf %neg3A_18, %add3A_17 : vector<16xf32>
      %exp3A = math.exp %neg3A_19 : vector<16xf32>
      %add3A_20 = arith.constant 1.000000e+00 : f32
      %add3A_21 = vector.broadcast %add3A_20 : f32 to vector<16xf32>
      %add3A_22 = arith.addf %add3A_21, %exp3A : vector<16xf32>
      %div3A = arith.constant 1.000000e+00 : f32
      %div3A_23 = vector.broadcast %div3A : f32 to vector<16xf32>
      %div3A_24 = arith.divf %div3A_23, %add3A_22 : vector<16xf32>
      %swap3A = arith.index_cast %mul3A_12 : i32 to index
      %swap3A_25 = tpu.vector_load %arg11[%swap3A] {strides = array<i32>} : memref<4096xf32, #tpu.memory_space<vmem>>, vector<16xf32>,
      tpu.vector_store %arg11[%swap3A], %div3A_24 {strides = array<i32>} : memref<4096xf32, #tpu.memory_space<vmem>>, vector<16xf32>,
      %scan3A_26 = arith.constant 0 : i32
      scf.yield %scan3A_26 : i32
    }
    %scan3A_8 = arith.constant 256 : i32
    "tpu.region"() ({
      %run_scoped3A = tpu.sem_alloc : memref<!tpu.dma_semaphore, #tpu.memory_space<semaphore_mem>>
      %dma_start3A = tpu.memref_slice %arg6[%mul3A_2] : memref<131072xf32, #tpu.memory_space<hbm>> -> memref<4096xf32, #tpu.memory_space<hbm>>
      %dma_start3A_9 = tpu.memref_slice %arg6[%mul3A_2] : memref<131072xf32, #tpu.memory_space<hbm>> -> memref<4096xf32, #tpu.memory_space<hbm>>
      tpu.enqueue_dma source(%arg11 : memref<4096xf32, #tpu.memory_space<vmem>>) target(%dma_start3A_9 : memref<4096xf32, #tpu.memory_space<hbm>>) target_semaphore(%run_scoped3A : memref<!tpu.dma_semaphore, #tpu.memory_space<semaphore_mem>>)
      %dma_wait3A = tpu.memref_slice %arg6[%mul3A_2] : memref<131072xf32, #tpu.memory_space<hbm>> -> memref<4096xf32, #tpu.memory_space<hbm>>
      %dma_wait3A_10 = tpu.memref_slice %arg6[%mul3A_2] : memref<131072xf32, #tpu.memory_space<hbm>> -> memref<4096xf32, #tpu.memory_space<hbm>>
      tpu.wait_dma2 semaphore(%run_scoped3A : memref<!tpu.dma_semaphore, #tpu.memory_space<semaphore_mem>>) src(%arg11 : memref<4096xf32, #tpu.memory_space<vmem>>) dst(%dma_wait3A_10 : memref<4096xf32, #tpu.memory_space<hbm>>)
      tpu.yield
    }) : () -> ()
    return
  }
}

module attributes {stable_mosaic.version = 14 : i64} {
  func.func @_prep_body(%arg0: memref<4096x128xf32, #tpu.memory_space<vmem>>, %arg1: memref<128x128xf32, #tpu.memory_space<vmem>>, %arg2: memref<1x128xf32, #tpu.memory_space<vmem>>, %arg3: memref<128x128xf32, #tpu.memory_space<vmem>>, %arg4: memref<128x128xf32, #tpu.memory_space<vmem>>, %arg5: memref<4096x128xf32, #tpu.memory_space<vmem>>, %arg6: memref<4096x128xf32, #tpu.memory_space<vmem>>, %arg7: memref<4096x128xf32, #tpu.memory_space<vmem>>) attributes {dimension_semantics = [], scalar_prefetch = 0 : i64, scratch_operands = 0 : i64, tpu.core_type = #tpu.core_type<tc>} {
    %get3A = arith.constant 0 : index
    %get3A_0 = arith.constant 0 : index
    %get3A_1 = vector.load %arg0[%get3A, %get3A_0] : memref<4096x128xf32, #tpu.memory_space<vmem>>, vector<4096x128xf32>
    %get3A_2 = arith.constant 0 : index
    %get3A_3 = arith.constant 0 : index
    %get3A_4 = vector.load %arg1[%get3A_2, %get3A_3] : memref<128x128xf32, #tpu.memory_space<vmem>>, vector<128x128xf32>
    %dot_general3A = arith.constant dense<0.000000e+00> : vector<4096x128xf32>
    %dot_general3A_5 = tpu.matmul %get3A_1, %get3A_4, %dot_general3A {dimension_numbers = #tpu.dot_dimension_numbers<[1], [0], [0], [1], [0, 0, 1, 1], [], []>, transpose_lhs_hint = false} : vector<4096x128xf32>, vector<128x128xf32>, vector<4096x128xf32> -> vector<4096x128xf32>
    %get3A_6 = arith.constant 0 : index
    %get3A_7 = arith.constant 0 : index
    %get3A_8 = vector.load %arg2[%get3A_6, %get3A_7] : memref<1x128xf32, #tpu.memory_space<vmem>>, vector<1x128xf32>
    %add3A = vector.broadcast %get3A_8 : vector<1x128xf32> to vector<4096x128xf32>
    %add3A_9 = arith.addf %dot_general3A_5, %add3A : vector<4096x128xf32>
    %swap3A = arith.constant 0 : index
    %swap3A_10 = arith.constant 0 : index
    %swap3A_11 = vector.load %arg5[%swap3A, %swap3A_10] : memref<4096x128xf32, #tpu.memory_space<vmem>>, vector<4096x128xf32>
    tpu.vector_store %arg5[%swap3A, %swap3A_10], %add3A_9 {strides = array<i32>} : memref<4096x128xf32, #tpu.memory_space<vmem>>, vector<4096x128xf32>,
    %get3A_12 = arith.constant 0 : index
    %get3A_13 = arith.constant 0 : index
    %get3A_14 = vector.load %arg3[%get3A_12, %get3A_13] : memref<128x128xf32, #tpu.memory_space<vmem>>, vector<128x128xf32>
    %dot_general3A_15 = arith.constant dense<0.000000e+00> : vector<4096x128xf32>
    %dot_general3A_16 = tpu.matmul %add3A_9, %get3A_14, %dot_general3A_15 {dimension_numbers = #tpu.dot_dimension_numbers<[1], [0], [0], [1], [0, 0, 1, 1], [], []>, transpose_lhs_hint = false} : vector<4096x128xf32>, vector<128x128xf32>, vector<4096x128xf32> -> vector<4096x128xf32>
    %swap3A_17 = arith.constant 0 : index
    %swap3A_18 = arith.constant 0 : index
    %swap3A_19 = vector.load %arg6[%swap3A_17, %swap3A_18] : memref<4096x128xf32, #tpu.memory_space<vmem>>, vector<4096x128xf32>
    tpu.vector_store %arg6[%swap3A_17, %swap3A_18], %dot_general3A_16 {strides = array<i32>} : memref<4096x128xf32, #tpu.memory_space<vmem>>, vector<4096x128xf32>,
    %get3A_20 = arith.constant 0 : index
    %get3A_21 = arith.constant 0 : index
    %get3A_22 = vector.load %arg4[%get3A_20, %get3A_21] : memref<128x128xf32, #tpu.memory_space<vmem>>, vector<128x128xf32>
    %dot_general3A_23 = arith.constant dense<0.000000e+00> : vector<4096x128xf32>
    %dot_general3A_24 = tpu.matmul %add3A_9, %get3A_22, %dot_general3A_23 {dimension_numbers = #tpu.dot_dimension_numbers<[1], [0], [0], [1], [0, 0, 1, 1], [], []>, transpose_lhs_hint = false} : vector<4096x128xf32>, vector<128x128xf32>, vector<4096x128xf32> -> vector<4096x128xf32>
    %swap3A_25 = arith.constant 0 : index
    %swap3A_26 = arith.constant 0 : index
    %swap3A_27 = vector.load %arg7[%swap3A_25, %swap3A_26] : memref<4096x128xf32, #tpu.memory_space<vmem>>, vector<4096x128xf32>
    tpu.vector_store %arg7[%swap3A_25, %swap3A_26], %dot_general3A_24 {strides = array<i32>} : memref<4096x128xf32, #tpu.memory_space<vmem>>, vector<4096x128xf32>,
    return
  }
}

module attributes {stable_mosaic.version = 14 : i64} {
  func.func @_em_body(%arg0: i32, %arg1: memref<4096x16xf32, #tpu.memory_space<vmem>>, %arg2: memref<16x128xf32, #tpu.memory_space<vmem>>, %arg3: memref<1x128xf32, #tpu.memory_space<vmem>>, %arg4: memref<128x384xf32, #tpu.memory_space<vmem>>, %arg5: memref<1x384xf32, #tpu.memory_space<vmem>>, %arg6: memref<4096x128xf32, #tpu.memory_space<vmem>>, %arg7: memref<4096x128xf32, #tpu.memory_space<vmem>>, %arg8: memref<4096x128xf32, #tpu.memory_space<vmem>>) attributes {dimension_semantics = [#tpu.dimension_semantics<arbitrary>], iteration_bounds = array<i64: 32>, scalar_prefetch = 0 : i64, scratch_operands = 0 : i64, tpu.core_type = #tpu.core_type<tc>, window_params = [{transform_indices = @transform_0, window_bounds = array<i64: 4096, 16>}, {pipeline_mode = #tpu.pipeline_mode<synchronous>, transform_indices = @transform_1, window_bounds = array<i64: 16, 128>}, {pipeline_mode = #tpu.pipeline_mode<synchronous>, transform_indices = @transform_2, window_bounds = array<i64: 1, 128>}, {pipeline_mode = #tpu.pipeline_mode<synchronous>, transform_indices = @transform_3, window_bounds = array<i64: 128, 384>}, {pipeline_mode = #tpu.pipeline_mode<synchronous>, transform_indices = @transform_4, window_bounds = array<i64: 1, 384>}, {transform_indices = @transform_5, window_bounds = array<i64: 4096, 128>}, {transform_indices = @transform_6, window_bounds = array<i64: 4096, 128>}, {transform_indices = @transform_7, window_bounds = array<i64: 4096, 128>}]} {
    %get3A = arith.constant 0 : index
    %get3A_0 = arith.constant 0 : index
    %get3A_1 = vector.load %arg2[%get3A, %get3A_0] : memref<16x128xf32, #tpu.memory_space<vmem>>, vector<16x128xf32>
    %get3A_2 = arith.constant 0 : index
    %get3A_3 = arith.constant 0 : index
    %get3A_4 = vector.load %arg4[%get3A_2, %get3A_3] : memref<128x384xf32, #tpu.memory_space<vmem>>, vector<128x384xf32>
    %dot_general3A = arith.constant dense<0.000000e+00> : vector<16x384xf32>
    %dot_general3A_5 = tpu.matmul %get3A_1, %get3A_4, %dot_general3A {dimension_numbers = #tpu.dot_dimension_numbers<[1], [0], [0], [1], [0, 0, 1, 1], [], []>, transpose_lhs_hint = false} : vector<16x128xf32>, vector<128x384xf32>, vector<16x384xf32> -> vector<16x384xf32>
    %get3A_6 = arith.constant 0 : index
    %get3A_7 = arith.constant 0 : index
    %get3A_8 = vector.load %arg3[%get3A_6, %get3A_7] : memref<1x128xf32, #tpu.memory_space<vmem>>, vector<1x128xf32>
    %get3A_9 = arith.constant 0 : index
    %get3A_10 = arith.constant 0 : index
    %get3A_11 = vector.load %arg4[%get3A_9, %get3A_10] : memref<128x384xf32, #tpu.memory_space<vmem>>, vector<128x384xf32>
    %dot_general3A_12 = arith.constant dense<0.000000e+00> : vector<1x384xf32>
    %dot_general3A_13 = tpu.matmul %get3A_8, %get3A_11, %dot_general3A_12 {dimension_numbers = #tpu.dot_dimension_numbers<[1], [0], [0], [1], [0, 0, 1, 1], [], []>, transpose_lhs_hint = false} : vector<1x128xf32>, vector<128x384xf32>, vector<1x384xf32> -> vector<1x384xf32>
    %get3A_14 = arith.constant 0 : index
    %get3A_15 = arith.constant 0 : index
    %get3A_16 = vector.load %arg5[%get3A_14, %get3A_15] : memref<1x384xf32, #tpu.memory_space<vmem>>, vector<1x384xf32>
    %add3A = arith.addf %dot_general3A_13, %get3A_16 : vector<1x384xf32>
    %get3A_17 = arith.constant 0 : index
    %get3A_18 = arith.constant 0 : index
    %get3A_19 = vector.load %arg1[%get3A_17, %get3A_18] : memref<4096x16xf32, #tpu.memory_space<vmem>>, vector<4096x16xf32>
    %dot_general3A_20 = arith.constant dense<0.000000e+00> : vector<4096x384xf32>
    %dot_general3A_21 = tpu.matmul %get3A_19, %dot_general3A_5, %dot_general3A_20 {dimension_numbers = #tpu.dot_dimension_numbers<[1], [0], [0], [1], [0, 0, 1, 1], [], []>, transpose_lhs_hint = false} : vector<4096x16xf32>, vector<16x384xf32>, vector<4096x384xf32> -> vector<4096x384xf32>
    %add3A_22 = vector.broadcast %add3A : vector<1x384xf32> to vector<4096x384xf32>
    %add3A_23 = arith.addf %dot_general3A_21, %add3A_22 : vector<4096x384xf32>
    %slice3A = vector.extract_strided_slice %add3A_23 {offsets = [0, 0], sizes = [4096, 128], strides = [1, 1]} : vector<4096x384xf32> to vector<4096x128xf32>
    %swap3A = arith.constant 0 : index
    %swap3A_24 = arith.constant 0 : index
    %swap3A_25 = vector.load %arg6[%swap3A, %swap3A_24] : memref<4096x128xf32, #tpu.memory_space<vmem>>, vector<4096x128xf32>
    tpu.vector_store %arg6[%swap3A, %swap3A_24], %slice3A {strides = array<i32>} : memref<4096x128xf32, #tpu.memory_space<vmem>>, vector<4096x128xf32>,
    %slice3A_26 = vector.extract_strided_slice %add3A_23 {offsets = [0, 128], sizes = [4096, 128], strides = [1, 1]} : vector<4096x384xf32> to vector<4096x128xf32>
    %swap3A_27 = arith.constant 0 : index
    %swap3A_28 = arith.constant 0 : index
    %swap3A_29 = vector.load %arg7[%swap3A_27, %swap3A_28] : memref<4096x128xf32, #tpu.memory_space<vmem>>, vector<4096x128xf32>
    tpu.vector_store %arg7[%swap3A_27, %swap3A_28], %slice3A_26 {strides = array<i32>} : memref<4096x128xf32, #tpu.memory_space<vmem>>, vector<4096x128xf32>,
    %slice3A_30 = vector.extract_strided_slice %add3A_23 {offsets = [0, 256], sizes = [4096, 128], strides = [1, 1]} : vector<4096x384xf32> to vector<4096x128xf32>
    %swap3A_31 = arith.constant 0 : index
    %swap3A_32 = arith.constant 0 : index
    %swap3A_33 = vector.load %arg8[%swap3A_31, %swap3A_32] : memref<4096x128xf32, #tpu.memory_space<vmem>>, vector<4096x128xf32>
    tpu.vector_store %arg8[%swap3A_31, %swap3A_32], %slice3A_30 {strides = array<i32>} : memref<4096x128xf32, #tpu.memory_space<vmem>>, vector<4096x128xf32>,
    return
  }
  func.func @transform_0(%arg0: i32) -> (i32, i32) {
    %c0_i32 = arith.constant 0 : i32
    %c0_i32_0 = arith.constant 0 : i32
    return %arg0, %c0_i32 : i32, i32
  }
  func.func @transform_1(%arg0: i32) -> (i32, i32) {
    %c0_i32 = arith.constant 0 : i32
    %c0_i32_0 = arith.constant 0 : i32
    %c0_i32_1 = arith.constant 0 : i32
    return %c0_i32, %c0_i32_0 : i32, i32
  }
  func.func @transform_2(%arg0: i32) -> (i32, i32) {
    %c0_i32 = arith.constant 0 : i32
    %c0_i32_0 = arith.constant 0 : i32
    %c0_i32_1 = arith.constant 0 : i32
    return %c0_i32, %c0_i32_0 : i32, i32
  }
  func.func @transform_3(%arg0: i32) -> (i32, i32) {
    %c0_i32 = arith.constant 0 : i32
    %c0_i32_0 = arith.constant 0 : i32
    %c0_i32_1 = arith.constant 0 : i32
    return %c0_i32, %c0_i32_0 : i32, i32
  }
  func.func @transform_4(%arg0: i32) -> (i32, i32) {
    %c0_i32 = arith.constant 0 : i32
    %c0_i32_0 = arith.constant 0 : i32
    %c0_i32_1 = arith.constant 0 : i32
    return %c0_i32, %c0_i32_0 : i32, i32
  }
  func.func @transform_5(%arg0: i32) -> (i32, i32) {
    %c0_i32 = arith.constant 0 : i32
    %c0_i32_0 = arith.constant 0 : i32
    return %arg0, %c0_i32 : i32, i32
  }
  func.func @transform_6(%arg0: i32) -> (i32, i32) {
    %c0_i32 = arith.constant 0 : i32
    %c0_i32_0 = arith.constant 0 : i32
    return %arg0, %c0_i32 : i32, i32
  }
  func.func @transform_7(%arg0: i32) -> (i32, i32) {
    %c0_i32 = arith.constant 0 : i32
    %c0_i32_0 = arith.constant 0 : i32
    return %arg0, %c0_i32 : i32, i32
  }
}

module attributes {stable_mosaic.version = 14 : i64} {
  func.func @_upd_first_body(%arg0: memref<4096x128xf32, #tpu.memory_space<vmem>>, %arg1: memref<2x4096x128xf32, #tpu.memory_space<vmem>>, %arg2: memref<2x4096x128xf32, #tpu.memory_space<vmem>>, %arg3: memref<128x128xf32, #tpu.memory_space<vmem>>, %arg4: memref<128x128xf32, #tpu.memory_space<vmem>>, %arg5: memref<1x128xf32, #tpu.memory_space<vmem>>, %arg6: memref<128x128xf32, #tpu.memory_space<vmem>>, %arg7: memref<128x128xf32, #tpu.memory_space<vmem>>, %arg8: memref<4096x128xf32, #tpu.memory_space<vmem>>, %arg9: memref<4096x128xf32, #tpu.memory_space<vmem>>, %arg10: memref<4096x128xf32, #tpu.memory_space<vmem>>, %arg11: memref<4096x1xf32, #tpu.memory_space<vmem>>) attributes {dimension_semantics = [], scalar_prefetch = 0 : i64, scratch_operands = 0 : i64, tpu.core_type = #tpu.core_type<tc>} {
    %get3A = arith.constant 0 : index
    %get3A_0 = arith.constant 0 : index
    %get3A_1 = arith.constant 0 : index
    %get3A_2 = vector.load %arg2[%get3A, %get3A_0, %get3A_1] : memref<2x4096x128xf32, #tpu.memory_space<vmem>>, vector<2x4096x128xf32>
    %slice3A = vector.extract_strided_slice %get3A_2 {offsets = [0, 0, 0], sizes = [1, 4096, 1], strides = [1, 1, 1]} : vector<2x4096x128xf32> to vector<1x4096x1xf32>
    %squeeze3A = vector.shape_cast %slice3A : vector<1x4096x1xf32> to vector<4096x1xf32>
    %slice3A_3 = vector.extract_strided_slice %get3A_2 {offsets = [1, 0, 0], sizes = [1, 4096, 1], strides = [1, 1, 1]} : vector<2x4096x128xf32> to vector<1x4096x1xf32>
    %squeeze3A_4 = vector.shape_cast %slice3A_3 : vector<1x4096x1xf32> to vector<4096x1xf32>
    %add3A = arith.addf %squeeze3A, %squeeze3A_4 : vector<4096x1xf32>
    %add3A_5 = arith.constant 9.99999997E-7 : f32
    %add3A_6 = vector.broadcast %add3A_5 : f32 to vector<4096x1xf32>
    %add3A_7 = arith.addf %add3A, %add3A_6 : vector<4096x1xf32>
    %div3A = arith.constant 1.000000e+00 : f32
    %div3A_8 = vector.broadcast %div3A : f32 to vector<4096x1xf32>
    %div3A_9 = arith.divf %div3A_8, %add3A_7 : vector<4096x1xf32>
    %swap3A = arith.constant 0 : index
    %swap3A_10 = arith.constant 0 : index
    %swap3A_11 = vector.load %arg11[%swap3A, %swap3A_10] : memref<4096x1xf32, #tpu.memory_space<vmem>>, vector<4096x1xf32>
    tpu.vector_store %arg11[%swap3A, %swap3A_10], %div3A_9 {strides = array<i32>} : memref<4096x1xf32, #tpu.memory_space<vmem>>, vector<4096x1xf32>,
    %get3A_12 = arith.constant 0 : index
    %get3A_13 = arith.constant 0 : index
    %get3A_14 = arith.constant 0 : index
    %get3A_15 = vector.load %arg1[%get3A_12, %get3A_13, %get3A_14] : memref<2x4096x128xf32, #tpu.memory_space<vmem>>, vector<1x4096x128xf32>
    %get3A_16 = vector.shape_cast %get3A_15 : vector<1x4096x128xf32> to vector<4096x128xf32>
    %get3A_17 = arith.constant 1 : index
    %get3A_18 = arith.constant 0 : index
    %get3A_19 = arith.constant 0 : index
    %get3A_20 = vector.load %arg1[%get3A_17, %get3A_18, %get3A_19] : memref<2x4096x128xf32, #tpu.memory_space<vmem>>, vector<1x4096x128xf32>
    %get3A_21 = vector.shape_cast %get3A_20 : vector<1x4096x128xf32> to vector<4096x128xf32>
    %add3A_22 = arith.addf %get3A_16, %get3A_21 : vector<4096x128xf32>
    %mul3A = vector.broadcast %div3A_9 : vector<4096x1xf32> to vector<4096x128xf32>
    %mul3A_23 = arith.mulf %add3A_22, %mul3A : vector<4096x128xf32>
    %get3A_24 = arith.constant 0 : index
    %get3A_25 = arith.constant 0 : index
    %get3A_26 = vector.load %arg0[%get3A_24, %get3A_25] : memref<4096x128xf32, #tpu.memory_space<vmem>>, vector<4096x128xf32>
    %get3A_27 = arith.constant 0 : index
    %get3A_28 = arith.constant 0 : index
    %get3A_29 = vector.load %arg3[%get3A_27, %get3A_28] : memref<128x128xf32, #tpu.memory_space<vmem>>, vector<128x128xf32>
    %dot_general3A = arith.constant dense<0.000000e+00> : vector<4096x128xf32>
    %dot_general3A_30 = tpu.matmul %get3A_26, %get3A_29, %dot_general3A {dimension_numbers = #tpu.dot_dimension_numbers<[1], [0], [0], [1], [0, 0, 1, 1], [], []>, transpose_lhs_hint = false} : vector<4096x128xf32>, vector<128x128xf32>, vector<4096x128xf32> -> vector<4096x128xf32>
    %get3A_31 = arith.constant 0 : index
    %get3A_32 = arith.constant 0 : index
    %get3A_33 = vector.load %arg4[%get3A_31, %get3A_32] : memref<128x128xf32, #tpu.memory_space<vmem>>, vector<128x128xf32>
    %dot_general3A_34 = arith.constant dense<0.000000e+00> : vector<4096x128xf32>
    %dot_general3A_35 = tpu.matmul %mul3A_23, %get3A_33, %dot_general3A_34 {dimension_numbers = #tpu.dot_dimension_numbers<[1], [0], [0], [1], [0, 0, 1, 1], [], []>, transpose_lhs_hint = false} : vector<4096x128xf32>, vector<128x128xf32>, vector<4096x128xf32> -> vector<4096x128xf32>
    %add3A_36 = arith.addf %dot_general3A_30, %dot_general3A_35 : vector<4096x128xf32>
    %get3A_37 = arith.constant 0 : index
    %get3A_38 = arith.constant 0 : index
    %get3A_39 = vector.load %arg5[%get3A_37, %get3A_38] : memref<1x128xf32, #tpu.memory_space<vmem>>, vector<1x128xf32>
    %add3A_40 = vector.broadcast %get3A_39 : vector<1x128xf32> to vector<4096x128xf32>
    %add3A_41 = arith.addf %add3A_36, %add3A_40 : vector<4096x128xf32>
    %max3A = arith.constant 0.000000e+00 : f32
    %max3A_42 = vector.broadcast %max3A : f32 to vector<4096x128xf32>
    %max3A_43 = arith.maximumf %add3A_41, %max3A_42 : vector<4096x128xf32>
    %swap3A_44 = arith.constant 0 : index
    %swap3A_45 = arith.constant 0 : index
    %swap3A_46 = vector.load %arg8[%swap3A_44, %swap3A_45] : memref<4096x128xf32, #tpu.memory_space<vmem>>, vector<4096x128xf32>
    tpu.vector_store %arg8[%swap3A_44, %swap3A_45], %max3A_43 {strides = array<i32>} : memref<4096x128xf32, #tpu.memory_space<vmem>>, vector<4096x128xf32>,
    %get3A_47 = arith.constant 0 : index
    %get3A_48 = arith.constant 0 : index
    %get3A_49 = vector.load %arg6[%get3A_47, %get3A_48] : memref<128x128xf32, #tpu.memory_space<vmem>>, vector<128x128xf32>
    %dot_general3A_50 = arith.constant dense<0.000000e+00> : vector<4096x128xf32>
    %dot_general3A_51 = tpu.matmul %max3A_43, %get3A_49, %dot_general3A_50 {dimension_numbers = #tpu.dot_dimension_numbers<[1], [0], [0], [1], [0, 0, 1, 1], [], []>, transpose_lhs_hint = false} : vector<4096x128xf32>, vector<128x128xf32>, vector<4096x128xf32> -> vector<4096x128xf32>
    %swap3A_52 = arith.constant 0 : index
    %swap3A_53 = arith.constant 0 : index
    %swap3A_54 = vector.load %arg9[%swap3A_52, %swap3A_53] : memref<4096x128xf32, #tpu.memory_space<vmem>>, vector<4096x128xf32>
    tpu.vector_store %arg9[%swap3A_52, %swap3A_53], %dot_general3A_51 {strides = array<i32>} : memref<4096x128xf32, #tpu.memory_space<vmem>>, vector<4096x128xf32>,
    %get3A_55 = arith.constant 0 : index
    %get3A_56 = arith.constant 0 : index
    %get3A_57 = vector.load %arg7[%get3A_55, %get3A_56] : memref<128x128xf32, #tpu.memory_space<vmem>>, vector<128x128xf32>
    %dot_general3A_58 = arith.constant dense<0.000000e+00> : vector<4096x128xf32>
    %dot_general3A_59 = tpu.matmul %max3A_43, %get3A_57, %dot_general3A_58 {dimension_numbers = #tpu.dot_dimension_numbers<[1], [0], [0], [1], [0, 0, 1, 1], [], []>, transpose_lhs_hint = false} : vector<4096x128xf32>, vector<128x128xf32>, vector<4096x128xf32> -> vector<4096x128xf32>
    %swap3A_60 = arith.constant 0 : index
    %swap3A_61 = arith.constant 0 : index
    %swap3A_62 = vector.load %arg10[%swap3A_60, %swap3A_61] : memref<4096x128xf32, #tpu.memory_space<vmem>>, vector<4096x128xf32>
    tpu.vector_store %arg10[%swap3A_60, %swap3A_61], %dot_general3A_59 {strides = array<i32>} : memref<4096x128xf32, #tpu.memory_space<vmem>>, vector<4096x128xf32>,
    return
  }
}

module attributes {stable_mosaic.version = 14 : i64} {
  func.func @_upd_mid_body(%arg0: memref<4096x128xf32, #tpu.memory_space<vmem>>, %arg1: memref<2x4096x128xf32, #tpu.memory_space<vmem>>, %arg2: memref<4096x1xf32, #tpu.memory_space<vmem>>, %arg3: memref<128x128xf32, #tpu.memory_space<vmem>>, %arg4: memref<128x128xf32, #tpu.memory_space<vmem>>, %arg5: memref<1x128xf32, #tpu.memory_space<vmem>>, %arg6: memref<128x128xf32, #tpu.memory_space<vmem>>, %arg7: memref<128x128xf32, #tpu.memory_space<vmem>>, %arg8: memref<4096x128xf32, #tpu.memory_space<vmem>>, %arg9: memref<4096x128xf32, #tpu.memory_space<vmem>>, %arg10: memref<4096x128xf32, #tpu.memory_space<vmem>>) attributes {dimension_semantics = [], scalar_prefetch = 0 : i64, scratch_operands = 0 : i64, tpu.core_type = #tpu.core_type<tc>} {
    %get3A = arith.constant 0 : index
    %get3A_0 = arith.constant 0 : index
    %get3A_1 = arith.constant 0 : index
    %get3A_2 = vector.load %arg1[%get3A, %get3A_0, %get3A_1] : memref<2x4096x128xf32, #tpu.memory_space<vmem>>, vector<1x4096x128xf32>
    %get3A_3 = vector.shape_cast %get3A_2 : vector<1x4096x128xf32> to vector<4096x128xf32>
    %get3A_4 = arith.constant 1 : index
    %get3A_5 = arith.constant 0 : index
    %get3A_6 = arith.constant 0 : index
    %get3A_7 = vector.load %arg1[%get3A_4, %get3A_5, %get3A_6] : memref<2x4096x128xf32, #tpu.memory_space<vmem>>, vector<1x4096x128xf32>
    %get3A_8 = vector.shape_cast %get3A_7 : vector<1x4096x128xf32> to vector<4096x128xf32>
    %add3A = arith.addf %get3A_3, %get3A_8 : vector<4096x128xf32>
    %get3A_9 = arith.constant 0 : index
    %get3A_10 = arith.constant 0 : index
    %get3A_11 = vector.load %arg2[%get3A_9, %get3A_10] : memref<4096x1xf32, #tpu.memory_space<vmem>>, vector<4096x1xf32>
    %mul3A = vector.broadcast %get3A_11 : vector<4096x1xf32> to vector<4096x128xf32>
    %mul3A_12 = arith.mulf %add3A, %mul3A : vector<4096x128xf32>
    %get3A_13 = arith.constant 0 : index
    %get3A_14 = arith.constant 0 : index
    %get3A_15 = vector.load %arg0[%get3A_13, %get3A_14] : memref<4096x128xf32, #tpu.memory_space<vmem>>, vector<4096x128xf32>
    %get3A_16 = arith.constant 0 : index
    %get3A_17 = arith.constant 0 : index
    %get3A_18 = vector.load %arg3[%get3A_16, %get3A_17] : memref<128x128xf32, #tpu.memory_space<vmem>>, vector<128x128xf32>
    %dot_general3A = arith.constant dense<0.000000e+00> : vector<4096x128xf32>
    %dot_general3A_19 = tpu.matmul %get3A_15, %get3A_18, %dot_general3A {dimension_numbers = #tpu.dot_dimension_numbers<[1], [0], [0], [1], [0, 0, 1, 1], [], []>, transpose_lhs_hint = false} : vector<4096x128xf32>, vector<128x128xf32>, vector<4096x128xf32> -> vector<4096x128xf32>
    %get3A_20 = arith.constant 0 : index
    %get3A_21 = arith.constant 0 : index
    %get3A_22 = vector.load %arg4[%get3A_20, %get3A_21] : memref<128x128xf32, #tpu.memory_space<vmem>>, vector<128x128xf32>
    %dot_general3A_23 = arith.constant dense<0.000000e+00> : vector<4096x128xf32>
    %dot_general3A_24 = tpu.matmul %mul3A_12, %get3A_22, %dot_general3A_23 {dimension_numbers = #tpu.dot_dimension_numbers<[1], [0], [0], [1], [0, 0, 1, 1], [], []>, transpose_lhs_hint = false} : vector<4096x128xf32>, vector<128x128xf32>, vector<4096x128xf32> -> vector<4096x128xf32>
    %add3A_25 = arith.addf %dot_general3A_19, %dot_general3A_24 : vector<4096x128xf32>
    %get3A_26 = arith.constant 0 : index
    %get3A_27 = arith.constant 0 : index
    %get3A_28 = vector.load %arg5[%get3A_26, %get3A_27] : memref<1x128xf32, #tpu.memory_space<vmem>>, vector<1x128xf32>
    %add3A_29 = vector.broadcast %get3A_28 : vector<1x128xf32> to vector<4096x128xf32>
    %add3A_30 = arith.addf %add3A_25, %add3A_29 : vector<4096x128xf32>
    %max3A = arith.constant 0.000000e+00 : f32
    %max3A_31 = vector.broadcast %max3A : f32 to vector<4096x128xf32>
    %max3A_32 = arith.maximumf %add3A_30, %max3A_31 : vector<4096x128xf32>
    %swap3A = arith.constant 0 : index
    %swap3A_33 = arith.constant 0 : index
    %swap3A_34 = vector.load %arg8[%swap3A, %swap3A_33] : memref<4096x128xf32, #tpu.memory_space<vmem>>, vector<4096x128xf32>
    tpu.vector_store %arg8[%swap3A, %swap3A_33], %max3A_32 {strides = array<i32>} : memref<4096x128xf32, #tpu.memory_space<vmem>>, vector<4096x128xf32>,
    %get3A_35 = arith.constant 0 : index
    %get3A_36 = arith.constant 0 : index
    %get3A_37 = vector.load %arg6[%get3A_35, %get3A_36] : memref<128x128xf32, #tpu.memory_space<vmem>>, vector<128x128xf32>
    %dot_general3A_38 = arith.constant dense<0.000000e+00> : vector<4096x128xf32>
    %dot_general3A_39 = tpu.matmul %max3A_32, %get3A_37, %dot_general3A_38 {dimension_numbers = #tpu.dot_dimension_numbers<[1], [0], [0], [1], [0, 0, 1, 1], [], []>, transpose_lhs_hint = false} : vector<4096x128xf32>, vector<128x128xf32>, vector<4096x128xf32> -> vector<4096x128xf32>
    %swap3A_40 = arith.constant 0 : index
    %swap3A_41 = arith.constant 0 : index
    %swap3A_42 = vector.load %arg9[%swap3A_40, %swap3A_41] : memref<4096x128xf32, #tpu.memory_space<vmem>>, vector<4096x128xf32>
    tpu.vector_store %arg9[%swap3A_40, %swap3A_41], %dot_general3A_39 {strides = array<i32>} : memref<4096x128xf32, #tpu.memory_space<vmem>>, vector<4096x128xf32>,
    %get3A_43 = arith.constant 0 : index
    %get3A_44 = arith.constant 0 : index
    %get3A_45 = vector.load %arg7[%get3A_43, %get3A_44] : memref<128x128xf32, #tpu.memory_space<vmem>>, vector<128x128xf32>
    %dot_general3A_46 = arith.constant dense<0.000000e+00> : vector<4096x128xf32>
    %dot_general3A_47 = tpu.matmul %max3A_32, %get3A_45, %dot_general3A_46 {dimension_numbers = #tpu.dot_dimension_numbers<[1], [0], [0], [1], [0, 0, 1, 1], [], []>, transpose_lhs_hint = false} : vector<4096x128xf32>, vector<128x128xf32>, vector<4096x128xf32> -> vector<4096x128xf32>
    %swap3A_48 = arith.constant 0 : index
    %swap3A_49 = arith.constant 0 : index
    %swap3A_50 = vector.load %arg10[%swap3A_48, %swap3A_49] : memref<4096x128xf32, #tpu.memory_space<vmem>>, vector<4096x128xf32>
    tpu.vector_store %arg10[%swap3A_48, %swap3A_49], %dot_general3A_47 {strides = array<i32>} : memref<4096x128xf32, #tpu.memory_space<vmem>>, vector<4096x128xf32>,
    return
  }
}

module attributes {stable_mosaic.version = 14 : i64} {
  func.func @_upd_last_body(%arg0: memref<4096x128xf32, #tpu.memory_space<vmem>>, %arg1: memref<2x4096x128xf32, #tpu.memory_space<vmem>>, %arg2: memref<4096x1xf32, #tpu.memory_space<vmem>>, %arg3: memref<128x128xf32, #tpu.memory_space<vmem>>, %arg4: memref<128x128xf32, #tpu.memory_space<vmem>>, %arg5: memref<1x128xf32, #tpu.memory_space<vmem>>, %arg6: memref<128x384xf32, #tpu.memory_space<vmem>>, %arg7: memref<1x384xf32, #tpu.memory_space<vmem>>, %arg8: memref<4096x384xf32, #tpu.memory_space<vmem>>) attributes {dimension_semantics = [], scalar_prefetch = 0 : i64, scratch_operands = 0 : i64, tpu.core_type = #tpu.core_type<tc>} {
    %get3A = arith.constant 0 : index
    %get3A_0 = arith.constant 0 : index
    %get3A_1 = arith.constant 0 : index
    %get3A_2 = vector.load %arg1[%get3A, %get3A_0, %get3A_1] : memref<2x4096x128xf32, #tpu.memory_space<vmem>>, vector<1x4096x128xf32>
    %get3A_3 = vector.shape_cast %get3A_2 : vector<1x4096x128xf32> to vector<4096x128xf32>
    %get3A_4 = arith.constant 1 : index
    %get3A_5 = arith.constant 0 : index
    %get3A_6 = arith.constant 0 : index
    %get3A_7 = vector.load %arg1[%get3A_4, %get3A_5, %get3A_6] : memref<2x4096x128xf32, #tpu.memory_space<vmem>>, vector<1x4096x128xf32>
    %get3A_8 = vector.shape_cast %get3A_7 : vector<1x4096x128xf32> to vector<4096x128xf32>
    %add3A = arith.addf %get3A_3, %get3A_8 : vector<4096x128xf32>
    %get3A_9 = arith.constant 0 : index
    %get3A_10 = arith.constant 0 : index
    %get3A_11 = vector.load %arg2[%get3A_9, %get3A_10] : memref<4096x1xf32, #tpu.memory_space<vmem>>, vector<4096x1xf32>
    %mul3A = vector.broadcast %get3A_11 : vector<4096x1xf32> to vector<4096x128xf32>
    %mul3A_12 = arith.mulf %add3A, %mul3A : vector<4096x128xf32>
    %get3A_13 = arith.constant 0 : index
    %get3A_14 = arith.constant 0 : index
    %get3A_15 = vector.load %arg0[%get3A_13, %get3A_14] : memref<4096x128xf32, #tpu.memory_space<vmem>>, vector<4096x128xf32>
    %get3A_16 = arith.constant 0 : index
    %get3A_17 = arith.constant 0 : index
    %get3A_18 = vector.load %arg3[%get3A_16, %get3A_17] : memref<128x128xf32, #tpu.memory_space<vmem>>, vector<128x128xf32>
    %dot_general3A = arith.constant dense<0.000000e+00> : vector<4096x128xf32>
    %dot_general3A_19 = tpu.matmul %get3A_15, %get3A_18, %dot_general3A {dimension_numbers = #tpu.dot_dimension_numbers<[1], [0], [0], [1], [0, 0, 1, 1], [], []>, transpose_lhs_hint = false} : vector<4096x128xf32>, vector<128x128xf32>, vector<4096x128xf32> -> vector<4096x128xf32>
    %get3A_20 = arith.constant 0 : index
    %get3A_21 = arith.constant 0 : index
    %get3A_22 = vector.load %arg4[%get3A_20, %get3A_21] : memref<128x128xf32, #tpu.memory_space<vmem>>, vector<128x128xf32>
    %dot_general3A_23 = arith.constant dense<0.000000e+00> : vector<4096x128xf32>
    %dot_general3A_24 = tpu.matmul %mul3A_12, %get3A_22, %dot_general3A_23 {dimension_numbers = #tpu.dot_dimension_numbers<[1], [0], [0], [1], [0, 0, 1, 1], [], []>, transpose_lhs_hint = false} : vector<4096x128xf32>, vector<128x128xf32>, vector<4096x128xf32> -> vector<4096x128xf32>
    %add3A_25 = arith.addf %dot_general3A_19, %dot_general3A_24 : vector<4096x128xf32>
    %get3A_26 = arith.constant 0 : index
    %get3A_27 = arith.constant 0 : index
    %get3A_28 = vector.load %arg5[%get3A_26, %get3A_27] : memref<1x128xf32, #tpu.memory_space<vmem>>, vector<1x128xf32>
    %add3A_29 = vector.broadcast %get3A_28 : vector<1x128xf32> to vector<4096x128xf32>
    %add3A_30 = arith.addf %add3A_25, %add3A_29 : vector<4096x128xf32>
    %max3A = arith.constant 0.000000e+00 : f32
    %max3A_31 = vector.broadcast %max3A : f32 to vector<4096x128xf32>
    %max3A_32 = arith.maximumf %add3A_30, %max3A_31 : vector<4096x128xf32>
    %get3A_33 = arith.constant 0 : index
    %get3A_34 = arith.constant 0 : index
    %get3A_35 = vector.load %arg6[%get3A_33, %get3A_34] : memref<128x384xf32, #tpu.memory_space<vmem>>, vector<128x384xf32>
    %dot_general3A_36 = arith.constant dense<0.000000e+00> : vector<4096x384xf32>
    %dot_general3A_37 = tpu.matmul %max3A_32, %get3A_35, %dot_general3A_36 {dimension_numbers = #tpu.dot_dimension_numbers<[1], [0], [0], [1], [0, 0, 1, 1], [], []>, transpose_lhs_hint = false} : vector<4096x128xf32>, vector<128x384xf32>, vector<4096x384xf32> -> vector<4096x384xf32>
    %get3A_38 = arith.constant 0 : index
    %get3A_39 = arith.constant 0 : index
    %get3A_40 = vector.load %arg7[%get3A_38, %get3A_39] : memref<1x384xf32, #tpu.memory_space<vmem>>, vector<1x384xf32>
    %add3A_41 = vector.broadcast %get3A_40 : vector<1x384xf32> to vector<4096x384xf32>
    %add3A_42 = arith.addf %dot_general3A_37, %add3A_41 : vector<4096x384xf32>
    %swap3A = arith.constant 0 : index
    %swap3A_43 = arith.constant 0 : index
    %swap3A_44 = vector.load %arg8[%swap3A, %swap3A_43] : memref<4096x384xf32, #tpu.memory_space<vmem>>, vector<4096x384xf32>
    tpu.vector_store %arg8[%swap3A, %swap3A_43], %add3A_42 {strides = array<i32>} : memref<4096x384xf32, #tpu.memory_space<vmem>>, vector<4096x384xf32>,
    return
  }
}

module attributes {stable_mosaic.version = 14 : i64} {
  func.func @_attn_body(%arg0: i32, %arg1: memref<256x384xf32, #tpu.memory_space<vmem>>, %arg2: memref<4096x384xf32, #tpu.memory_space<vmem>>, %arg3: memref<128x128xf32, #tpu.memory_space<vmem>>, %arg4: memref<1x128xf32, #tpu.memory_space<vmem>>, %arg5: memref<128x4xf32, #tpu.memory_space<vmem>>, %arg6: memref<1x4xf32, #tpu.memory_space<vmem>>, %arg7: memref<256x128xf32, #tpu.memory_space<vmem>>, %arg8: memref<256x4096xf32, #tpu.memory_space<vmem>>, %arg9: memref<256x4xf32, #tpu.memory_space<vmem>>) attributes {dimension_semantics = [#tpu.dimension_semantics<arbitrary>], iteration_bounds = array<i64: 16>, scalar_prefetch = 0 : i64, scratch_operands = 0 : i64, tpu.core_type = #tpu.core_type<tc>, window_params = [{transform_indices = @transform_0, window_bounds = array<i64: 256, 384>}, {pipeline_mode = #tpu.pipeline_mode<synchronous>, transform_indices = @transform_1, window_bounds = array<i64: 4096, 384>}, {pipeline_mode = #tpu.pipeline_mode<synchronous>, transform_indices = @transform_2, window_bounds = array<i64: 128, 128>}, {pipeline_mode = #tpu.pipeline_mode<synchronous>, transform_indices = @transform_3, window_bounds = array<i64: 1, 128>}, {pipeline_mode = #tpu.pipeline_mode<synchronous>, transform_indices = @transform_4, window_bounds = array<i64: 128, 4>}, {pipeline_mode = #tpu.pipeline_mode<synchronous>, transform_indices = @transform_5, window_bounds = array<i64: 1, 4>}, {transform_indices = @transform_6, window_bounds = array<i64: 256, 128>}, {transform_indices = @transform_7, window_bounds = array<i64: 256, 4096>}, {transform_indices = @transform_8, window_bounds = array<i64: 256, 4>}]} {
    %get3A = arith.constant 0 : index
    %get3A_0 = arith.constant 0 : index
    %get3A_1 = vector.load %arg1[%get3A, %get3A_0] : memref<256x384xf32, #tpu.memory_space<vmem>>, vector<256x384xf32>
    %get3A_2 = arith.constant 0 : index
    %get3A_3 = arith.constant 0 : index
    %get3A_4 = vector.load %arg2[%get3A_2, %get3A_3] : memref<4096x384xf32, #tpu.memory_space<vmem>>, vector<4096x384xf32>
    %broadcast_in_dim3A = arith.constant 0.000000e+00 : f32
    %broadcast_in_dim3A_5 = vector.broadcast %broadcast_in_dim3A : f32 to vector<256x4096xf32>
    %slice3A = vector.extract_strided_slice %get3A_1 {offsets = [0, 0], sizes = [256, 16], strides = [1, 1]} : vector<256x384xf32> to vector<256x16xf32>
    %mul3A = arith.constant 0.360673755 : f32
    %mul3A_6 = vector.broadcast %mul3A : f32 to vector<256x16xf32>
    %mul3A_7 = arith.mulf %slice3A, %mul3A_6 : vector<256x16xf32>
    %convert_element_type3A = arith.truncf %mul3A_7 : vector<256x16xf32> to vector<256x16xbf16>
    %slice3A_8 = vector.extract_strided_slice %get3A_4 {offsets = [0, 128], sizes = [4096, 16], strides = [1, 1]} : vector<4096x384xf32> to vector<4096x16xf32>
    %convert_element_type3A_9 = arith.truncf %slice3A_8 : vector<4096x16xf32> to vector<4096x16xbf16>
    %slice3A_10 = vector.extract_strided_slice %get3A_4 {offsets = [0, 256], sizes = [4096, 16], strides = [1, 1]} : vector<4096x384xf32> to vector<4096x16xf32>
    %convert_element_type3A_11 = arith.truncf %slice3A_10 : vector<4096x16xf32> to vector<4096x16xbf16>
    %dot_general3A = arith.constant dense<0.000000e+00> : vector<256x4096xf32>
    %dot_general3A_12 = tpu.matmul %convert_element_type3A, %convert_element_type3A_9, %dot_general3A {dimension_numbers = #tpu.dot_dimension_numbers<[1], [1], [0], [0], [0, 0, 1, 0], [], []>, transpose_lhs_hint = false} : vector<256x16xbf16>, vector<4096x16xbf16>, vector<256x4096xf32> -> vector<256x4096xf32>
    %reduce_max3A = arith.constant dense<0xFF800000> : vector<256xf32>
    %reduce_max3A_13 = vector.multi_reduction <maximumf>, %dot_general3A_12, %reduce_max3A [1] : vector<256x4096xf32> to vector<256xf32>
    %broadcast_in_dim3A_14 = vector.shape_cast %reduce_max3A_13 : vector<256xf32> to vector<256x1xf32>
    %sub3A = vector.broadcast %broadcast_in_dim3A_14 : vector<256x1xf32> to vector<256x4096xf32>
    %sub3A_15 = arith.subf %dot_general3A_12, %sub3A : vector<256x4096xf32>
    %exp23A = math.exp2 %sub3A_15 : vector<256x4096xf32>
    %reduce_sum3A = arith.constant dense<0.000000e+00> : vector<256xf32>
    %reduce_sum3A_16 = vector.multi_reduction <add>, %exp23A, %reduce_sum3A [1] : vector<256x4096xf32> to vector<256xf32>
    %broadcast_in_dim3A_17 = vector.shape_cast %reduce_sum3A_16 : vector<256xf32> to vector<256x1xf32>
    %div3A = arith.constant 1.000000e+00 : f32
    %div3A_18 = vector.broadcast %div3A : f32 to vector<256x1xf32>
    %div3A_19 = arith.divf %div3A_18, %broadcast_in_dim3A_17 : vector<256x1xf32>
    %mul3A_20 = vector.broadcast %div3A_19 : vector<256x1xf32> to vector<256x4096xf32>
    %mul3A_21 = arith.mulf %exp23A, %mul3A_20 : vector<256x4096xf32>
    %add3A = arith.addf %broadcast_in_dim3A_5, %mul3A_21 : vector<256x4096xf32>
    %convert_element_type3A_22 = arith.truncf %mul3A_21 : vector<256x4096xf32> to vector<256x4096xbf16>
    %dot_general3A_23 = arith.constant dense<0.000000e+00> : vector<256x16xf32>
    %dot_general3A_24 = tpu.matmul %convert_element_type3A_22, %convert_element_type3A_11, %dot_general3A_23 {dimension_numbers = #tpu.dot_dimension_numbers<[1], [0], [0], [1], [0, 0, 1, 1], [], []>, transpose_lhs_hint = false} : vector<256x4096xbf16>, vector<4096x16xbf16>, vector<256x16xf32> -> vector<256x16xf32>
    %slice3A_25 = vector.extract_strided_slice %get3A_1 {offsets = [0, 16], sizes = [256, 16], strides = [1, 1]} : vector<256x384xf32> to vector<256x16xf32>
    %mul3A_26 = arith.constant 0.360673755 : f32
    %mul3A_27 = vector.broadcast %mul3A_26 : f32 to vector<256x16xf32>
    %mul3A_28 = arith.mulf %slice3A_25, %mul3A_27 : vector<256x16xf32>
    %convert_element_type3A_29 = arith.truncf %mul3A_28 : vector<256x16xf32> to vector<256x16xbf16>
    %slice3A_30 = vector.extract_strided_slice %get3A_4 {offsets = [0, 144], sizes = [4096, 16], strides = [1, 1]} : vector<4096x384xf32> to vector<4096x16xf32>
    %convert_element_type3A_31 = arith.truncf %slice3A_30 : vector<4096x16xf32> to vector<4096x16xbf16>
    %slice3A_32 = vector.extract_strided_slice %get3A_4 {offsets = [0, 272], sizes = [4096, 16], strides = [1, 1]} : vector<4096x384xf32> to vector<4096x16xf32>
    %convert_element_type3A_33 = arith.truncf %slice3A_32 : vector<4096x16xf32> to vector<4096x16xbf16>
    %dot_general3A_34 = arith.constant dense<0.000000e+00> : vector<256x4096xf32>
    %dot_general3A_35 = tpu.matmul %convert_element_type3A_29, %convert_element_type3A_31, %dot_general3A_34 {dimension_numbers = #tpu.dot_dimension_numbers<[1], [1], [0], [0], [0, 0, 1, 0], [], []>, transpose_lhs_hint = false} : vector<256x16xbf16>, vector<4096x16xbf16>, vector<256x4096xf32> -> vector<256x4096xf32>
    %reduce_max3A_36 = arith.constant dense<0xFF800000> : vector<256xf32>
    %reduce_max3A_37 = vector.multi_reduction <maximumf>, %dot_general3A_35, %reduce_max3A_36 [1] : vector<256x4096xf32> to vector<256xf32>
    %broadcast_in_dim3A_38 = vector.shape_cast %reduce_max3A_37 : vector<256xf32> to vector<256x1xf32>
    %sub3A_39 = vector.broadcast %broadcast_in_dim3A_38 : vector<256x1xf32> to vector<256x4096xf32>
    %sub3A_40 = arith.subf %dot_general3A_35, %sub3A_39 : vector<256x4096xf32>
    %exp23A_41 = math.exp2 %sub3A_40 : vector<256x4096xf32>
    %reduce_sum3A_42 = arith.constant dense<0.000000e+00> : vector<256xf32>
    %reduce_sum3A_43 = vector.multi_reduction <add>, %exp23A_41, %reduce_sum3A_42 [1] : vector<256x4096xf32> to vector<256xf32>
    %broadcast_in_dim3A_44 = vector.shape_cast %reduce_sum3A_43 : vector<256xf32> to vector<256x1xf32>
    %div3A_45 = arith.constant 1.000000e+00 : f32
    %div3A_46 = vector.broadcast %div3A_45 : f32 to vector<256x1xf32>
    %div3A_47 = arith.divf %div3A_46, %broadcast_in_dim3A_44 : vector<256x1xf32>
    %mul3A_48 = vector.broadcast %div3A_47 : vector<256x1xf32> to vector<256x4096xf32>
    %mul3A_49 = arith.mulf %exp23A_41, %mul3A_48 : vector<256x4096xf32>
    %add3A_50 = arith.addf %add3A, %mul3A_49 : vector<256x4096xf32>
    %convert_element_type3A_51 = arith.truncf %mul3A_49 : vector<256x4096xf32> to vector<256x4096xbf16>
    %dot_general3A_52 = arith.constant dense<0.000000e+00> : vector<256x16xf32>
    %dot_general3A_53 = tpu.matmul %convert_element_type3A_51, %convert_element_type3A_33, %dot_general3A_52 {dimension_numbers = #tpu.dot_dimension_numbers<[1], [0], [0], [1], [0, 0, 1, 1], [], []>, transpose_lhs_hint = false} : vector<256x4096xbf16>, vector<4096x16xbf16>, vector<256x16xf32> -> vector<256x16xf32>
    %slice3A_54 = vector.extract_strided_slice %get3A_1 {offsets = [0, 32], sizes = [256, 16], strides = [1, 1]} : vector<256x384xf32> to vector<256x16xf32>
    %mul3A_55 = arith.constant 0.360673755 : f32
    %mul3A_56 = vector.broadcast %mul3A_55 : f32 to vector<256x16xf32>
    %mul3A_57 = arith.mulf %slice3A_54, %mul3A_56 : vector<256x16xf32>
    %convert_element_type3A_58 = arith.truncf %mul3A_57 : vector<256x16xf32> to vector<256x16xbf16>
    %slice3A_59 = vector.extract_strided_slice %get3A_4 {offsets = [0, 160], sizes = [4096, 16], strides = [1, 1]} : vector<4096x384xf32> to vector<4096x16xf32>
    %convert_element_type3A_60 = arith.truncf %slice3A_59 : vector<4096x16xf32> to vector<4096x16xbf16>
    %slice3A_61 = vector.extract_strided_slice %get3A_4 {offsets = [0, 288], sizes = [4096, 16], strides = [1, 1]} : vector<4096x384xf32> to vector<4096x16xf32>
    %convert_element_type3A_62 = arith.truncf %slice3A_61 : vector<4096x16xf32> to vector<4096x16xbf16>
    %dot_general3A_63 = arith.constant dense<0.000000e+00> : vector<256x4096xf32>
    %dot_general3A_64 = tpu.matmul %convert_element_type3A_58, %convert_element_type3A_60, %dot_general3A_63 {dimension_numbers = #tpu.dot_dimension_numbers<[1], [1], [0], [0], [0, 0, 1, 0], [], []>, transpose_lhs_hint = false} : vector<256x16xbf16>, vector<4096x16xbf16>, vector<256x4096xf32> -> vector<256x4096xf32>
    %reduce_max3A_65 = arith.constant dense<0xFF800000> : vector<256xf32>
    %reduce_max3A_66 = vector.multi_reduction <maximumf>, %dot_general3A_64, %reduce_max3A_65 [1] : vector<256x4096xf32> to vector<256xf32>
    %broadcast_in_dim3A_67 = vector.shape_cast %reduce_max3A_66 : vector<256xf32> to vector<256x1xf32>
    %sub3A_68 = vector.broadcast %broadcast_in_dim3A_67 : vector<256x1xf32> to vector<256x4096xf32>
    %sub3A_69 = arith.subf %dot_general3A_64, %sub3A_68 : vector<256x4096xf32>
    %exp23A_70 = math.exp2 %sub3A_69 : vector<256x4096xf32>
    %reduce_sum3A_71 = arith.constant dense<0.000000e+00> : vector<256xf32>
    %reduce_sum3A_72 = vector.multi_reduction <add>, %exp23A_70, %reduce_sum3A_71 [1] : vector<256x4096xf32> to vector<256xf32>
    %broadcast_in_dim3A_73 = vector.shape_cast %reduce_sum3A_72 : vector<256xf32> to vector<256x1xf32>
    %div3A_74 = arith.constant 1.000000e+00 : f32
    %div3A_75 = vector.broadcast %div3A_74 : f32 to vector<256x1xf32>
    %div3A_76 = arith.divf %div3A_75, %broadcast_in_dim3A_73 : vector<256x1xf32>
    %mul3A_77 = vector.broadcast %div3A_76 : vector<256x1xf32> to vector<256x4096xf32>
    %mul3A_78 = arith.mulf %exp23A_70, %mul3A_77 : vector<256x4096xf32>
    %add3A_79 = arith.addf %add3A_50, %mul3A_78 : vector<256x4096xf32>
    %convert_element_type3A_80 = arith.truncf %mul3A_78 : vector<256x4096xf32> to vector<256x4096xbf16>
    %dot_general3A_81 = arith.constant dense<0.000000e+00> : vector<256x16xf32>
    %dot_general3A_82 = tpu.matmul %convert_element_type3A_80, %convert_element_type3A_62, %dot_general3A_81 {dimension_numbers = #tpu.dot_dimension_numbers<[1], [0], [0], [1], [0, 0, 1, 1], [], []>, transpose_lhs_hint = false} : vector<256x4096xbf16>, vector<4096x16xbf16>, vector<256x16xf32> -> vector<256x16xf32>
    %slice3A_83 = vector.extract_strided_slice %get3A_1 {offsets = [0, 48], sizes = [256, 16], strides = [1, 1]} : vector<256x384xf32> to vector<256x16xf32>
    %mul3A_84 = arith.constant 0.360673755 : f32
    %mul3A_85 = vector.broadcast %mul3A_84 : f32 to vector<256x16xf32>
    %mul3A_86 = arith.mulf %slice3A_83, %mul3A_85 : vector<256x16xf32>
    %convert_element_type3A_87 = arith.truncf %mul3A_86 : vector<256x16xf32> to vector<256x16xbf16>
    %slice3A_88 = vector.extract_strided_slice %get3A_4 {offsets = [0, 176], sizes = [4096, 16], strides = [1, 1]} : vector<4096x384xf32> to vector<4096x16xf32>
    %convert_element_type3A_89 = arith.truncf %slice3A_88 : vector<4096x16xf32> to vector<4096x16xbf16>
    %slice3A_90 = vector.extract_strided_slice %get3A_4 {offsets = [0, 304], sizes = [4096, 16], strides = [1, 1]} : vector<4096x384xf32> to vector<4096x16xf32>
    %convert_element_type3A_91 = arith.truncf %slice3A_90 : vector<4096x16xf32> to vector<4096x16xbf16>
    %dot_general3A_92 = arith.constant dense<0.000000e+00> : vector<256x4096xf32>
    %dot_general3A_93 = tpu.matmul %convert_element_type3A_87, %convert_element_type3A_89, %dot_general3A_92 {dimension_numbers = #tpu.dot_dimension_numbers<[1], [1], [0], [0], [0, 0, 1, 0], [], []>, transpose_lhs_hint = false} : vector<256x16xbf16>, vector<4096x16xbf16>, vector<256x4096xf32> -> vector<256x4096xf32>
    %reduce_max3A_94 = arith.constant dense<0xFF800000> : vector<256xf32>
    %reduce_max3A_95 = vector.multi_reduction <maximumf>, %dot_general3A_93, %reduce_max3A_94 [1] : vector<256x4096xf32> to vector<256xf32>
    %broadcast_in_dim3A_96 = vector.shape_cast %reduce_max3A_95 : vector<256xf32> to vector<256x1xf32>
    %sub3A_97 = vector.broadcast %broadcast_in_dim3A_96 : vector<256x1xf32> to vector<256x4096xf32>
    %sub3A_98 = arith.subf %dot_general3A_93, %sub3A_97 : vector<256x4096xf32>
    %exp23A_99 = math.exp2 %sub3A_98 : vector<256x4096xf32>
    %reduce_sum3A_100 = arith.constant dense<0.000000e+00> : vector<256xf32>
    %reduce_sum3A_101 = vector.multi_reduction <add>, %exp23A_99, %reduce_sum3A_100 [1] : vector<256x4096xf32> to vector<256xf32>
    %broadcast_in_dim3A_102 = vector.shape_cast %reduce_sum3A_101 : vector<256xf32> to vector<256x1xf32>
    %div3A_103 = arith.constant 1.000000e+00 : f32
    %div3A_104 = vector.broadcast %div3A_103 : f32 to vector<256x1xf32>
    %div3A_105 = arith.divf %div3A_104, %broadcast_in_dim3A_102 : vector<256x1xf32>
    %mul3A_106 = vector.broadcast %div3A_105 : vector<256x1xf32> to vector<256x4096xf32>
    %mul3A_107 = arith.mulf %exp23A_99, %mul3A_106 : vector<256x4096xf32>
    %add3A_108 = arith.addf %add3A_79, %mul3A_107 : vector<256x4096xf32>
    %convert_element_type3A_109 = arith.truncf %mul3A_107 : vector<256x4096xf32> to vector<256x4096xbf16>
    %dot_general3A_110 = arith.constant dense<0.000000e+00> : vector<256x16xf32>
    %dot_general3A_111 = tpu.matmul %convert_element_type3A_109, %convert_element_type3A_91, %dot_general3A_110 {dimension_numbers = #tpu.dot_dimension_numbers<[1], [0], [0], [1], [0, 0, 1, 1], [], []>, transpose_lhs_hint = false} : vector<256x4096xbf16>, vector<4096x16xbf16>, vector<256x16xf32> -> vector<256x16xf32>
    %slice3A_112 = vector.extract_strided_slice %get3A_1 {offsets = [0, 64], sizes = [256, 16], strides = [1, 1]} : vector<256x384xf32> to vector<256x16xf32>
    %mul3A_113 = arith.constant 0.360673755 : f32
    %mul3A_114 = vector.broadcast %mul3A_113 : f32 to vector<256x16xf32>
    %mul3A_115 = arith.mulf %slice3A_112, %mul3A_114 : vector<256x16xf32>
    %convert_element_type3A_116 = arith.truncf %mul3A_115 : vector<256x16xf32> to vector<256x16xbf16>
    %slice3A_117 = vector.extract_strided_slice %get3A_4 {offsets = [0, 192], sizes = [4096, 16], strides = [1, 1]} : vector<4096x384xf32> to vector<4096x16xf32>
    %convert_element_type3A_118 = arith.truncf %slice3A_117 : vector<4096x16xf32> to vector<4096x16xbf16>
    %slice3A_119 = vector.extract_strided_slice %get3A_4 {offsets = [0, 320], sizes = [4096, 16], strides = [1, 1]} : vector<4096x384xf32> to vector<4096x16xf32>
    %convert_element_type3A_120 = arith.truncf %slice3A_119 : vector<4096x16xf32> to vector<4096x16xbf16>
    %dot_general3A_121 = arith.constant dense<0.000000e+00> : vector<256x4096xf32>
    %dot_general3A_122 = tpu.matmul %convert_element_type3A_116, %convert_element_type3A_118, %dot_general3A_121 {dimension_numbers = #tpu.dot_dimension_numbers<[1], [1], [0], [0], [0, 0, 1, 0], [], []>, transpose_lhs_hint = false} : vector<256x16xbf16>, vector<4096x16xbf16>, vector<256x4096xf32> -> vector<256x4096xf32>
    %reduce_max3A_123 = arith.constant dense<0xFF800000> : vector<256xf32>
    %reduce_max3A_124 = vector.multi_reduction <maximumf>, %dot_general3A_122, %reduce_max3A_123 [1] : vector<256x4096xf32> to vector<256xf32>
    %broadcast_in_dim3A_125 = vector.shape_cast %reduce_max3A_124 : vector<256xf32> to vector<256x1xf32>
    %sub3A_126 = vector.broadcast %broadcast_in_dim3A_125 : vector<256x1xf32> to vector<256x4096xf32>
    %sub3A_127 = arith.subf %dot_general3A_122, %sub3A_126 : vector<256x4096xf32>
    %exp23A_128 = math.exp2 %sub3A_127 : vector<256x4096xf32>
    %reduce_sum3A_129 = arith.constant dense<0.000000e+00> : vector<256xf32>
    %reduce_sum3A_130 = vector.multi_reduction <add>, %exp23A_128, %reduce_sum3A_129 [1] : vector<256x4096xf32> to vector<256xf32>
    %broadcast_in_dim3A_131 = vector.shape_cast %reduce_sum3A_130 : vector<256xf32> to vector<256x1xf32>
    %div3A_132 = arith.constant 1.000000e+00 : f32
    %div3A_133 = vector.broadcast %div3A_132 : f32 to vector<256x1xf32>
    %div3A_134 = arith.divf %div3A_133, %broadcast_in_dim3A_131 : vector<256x1xf32>
    %mul3A_135 = vector.broadcast %div3A_134 : vector<256x1xf32> to vector<256x4096xf32>
    %mul3A_136 = arith.mulf %exp23A_128, %mul3A_135 : vector<256x4096xf32>
    %add3A_137 = arith.addf %add3A_108, %mul3A_136 : vector<256x4096xf32>
    %convert_element_type3A_138 = arith.truncf %mul3A_136 : vector<256x4096xf32> to vector<256x4096xbf16>
    %dot_general3A_139 = arith.constant dense<0.000000e+00> : vector<256x16xf32>
    %dot_general3A_140 = tpu.matmul %convert_element_type3A_138, %convert_element_type3A_120, %dot_general3A_139 {dimension_numbers = #tpu.dot_dimension_numbers<[1], [0], [0], [1], [0, 0, 1, 1], [], []>, transpose_lhs_hint = false} : vector<256x4096xbf16>, vector<4096x16xbf16>, vector<256x16xf32> -> vector<256x16xf32>
    %slice3A_141 = vector.extract_strided_slice %get3A_1 {offsets = [0, 80], sizes = [256, 16], strides = [1, 1]} : vector<256x384xf32> to vector<256x16xf32>
    %mul3A_142 = arith.constant 0.360673755 : f32
    %mul3A_143 = vector.broadcast %mul3A_142 : f32 to vector<256x16xf32>
    %mul3A_144 = arith.mulf %slice3A_141, %mul3A_143 : vector<256x16xf32>
    %convert_element_type3A_145 = arith.truncf %mul3A_144 : vector<256x16xf32> to vector<256x16xbf16>
    %slice3A_146 = vector.extract_strided_slice %get3A_4 {offsets = [0, 208], sizes = [4096, 16], strides = [1, 1]} : vector<4096x384xf32> to vector<4096x16xf32>
    %convert_element_type3A_147 = arith.truncf %slice3A_146 : vector<4096x16xf32> to vector<4096x16xbf16>
    %slice3A_148 = vector.extract_strided_slice %get3A_4 {offsets = [0, 336], sizes = [4096, 16], strides = [1, 1]} : vector<4096x384xf32> to vector<4096x16xf32>
    %convert_element_type3A_149 = arith.truncf %slice3A_148 : vector<4096x16xf32> to vector<4096x16xbf16>
    %dot_general3A_150 = arith.constant dense<0.000000e+00> : vector<256x4096xf32>
    %dot_general3A_151 = tpu.matmul %convert_element_type3A_145, %convert_element_type3A_147, %dot_general3A_150 {dimension_numbers = #tpu.dot_dimension_numbers<[1], [1], [0], [0], [0, 0, 1, 0], [], []>, transpose_lhs_hint = false} : vector<256x16xbf16>, vector<4096x16xbf16>, vector<256x4096xf32> -> vector<256x4096xf32>
    %reduce_max3A_152 = arith.constant dense<0xFF800000> : vector<256xf32>
    %reduce_max3A_153 = vector.multi_reduction <maximumf>, %dot_general3A_151, %reduce_max3A_152 [1] : vector<256x4096xf32> to vector<256xf32>
    %broadcast_in_dim3A_154 = vector.shape_cast %reduce_max3A_153 : vector<256xf32> to vector<256x1xf32>
    %sub3A_155 = vector.broadcast %broadcast_in_dim3A_154 : vector<256x1xf32> to vector<256x4096xf32>
    %sub3A_156 = arith.subf %dot_general3A_151, %sub3A_155 : vector<256x4096xf32>
    %exp23A_157 = math.exp2 %sub3A_156 : vector<256x4096xf32>
    %reduce_sum3A_158 = arith.constant dense<0.000000e+00> : vector<256xf32>
    %reduce_sum3A_159 = vector.multi_reduction <add>, %exp23A_157, %reduce_sum3A_158 [1] : vector<256x4096xf32> to vector<256xf32>
    %broadcast_in_dim3A_160 = vector.shape_cast %reduce_sum3A_159 : vector<256xf32> to vector<256x1xf32>
    %div3A_161 = arith.constant 1.000000e+00 : f32
    %div3A_162 = vector.broadcast %div3A_161 : f32 to vector<256x1xf32>
    %div3A_163 = arith.divf %div3A_162, %broadcast_in_dim3A_160 : vector<256x1xf32>
    %mul3A_164 = vector.broadcast %div3A_163 : vector<256x1xf32> to vector<256x4096xf32>
    %mul3A_165 = arith.mulf %exp23A_157, %mul3A_164 : vector<256x4096xf32>
    %add3A_166 = arith.addf %add3A_137, %mul3A_165 : vector<256x4096xf32>
    %convert_element_type3A_167 = arith.truncf %mul3A_165 : vector<256x4096xf32> to vector<256x4096xbf16>
    %dot_general3A_168 = arith.constant dense<0.000000e+00> : vector<256x16xf32>
    %dot_general3A_169 = tpu.matmul %convert_element_type3A_167, %convert_element_type3A_149, %dot_general3A_168 {dimension_numbers = #tpu.dot_dimension_numbers<[1], [0], [0], [1], [0, 0, 1, 1], [], []>, transpose_lhs_hint = false} : vector<256x4096xbf16>, vector<4096x16xbf16>, vector<256x16xf32> -> vector<256x16xf32>
    %slice3A_170 = vector.extract_strided_slice %get3A_1 {offsets = [0, 96], sizes = [256, 16], strides = [1, 1]} : vector<256x384xf32> to vector<256x16xf32>
    %mul3A_171 = arith.constant 0.360673755 : f32
    %mul3A_172 = vector.broadcast %mul3A_171 : f32 to vector<256x16xf32>
    %mul3A_173 = arith.mulf %slice3A_170, %mul3A_172 : vector<256x16xf32>
    %convert_element_type3A_174 = arith.truncf %mul3A_173 : vector<256x16xf32> to vector<256x16xbf16>
    %slice3A_175 = vector.extract_strided_slice %get3A_4 {offsets = [0, 224], sizes = [4096, 16], strides = [1, 1]} : vector<4096x384xf32> to vector<4096x16xf32>
    %convert_element_type3A_176 = arith.truncf %slice3A_175 : vector<4096x16xf32> to vector<4096x16xbf16>
    %slice3A_177 = vector.extract_strided_slice %get3A_4 {offsets = [0, 352], sizes = [4096, 16], strides = [1, 1]} : vector<4096x384xf32> to vector<4096x16xf32>
    %convert_element_type3A_178 = arith.truncf %slice3A_177 : vector<4096x16xf32> to vector<4096x16xbf16>
    %dot_general3A_179 = arith.constant dense<0.000000e+00> : vector<256x4096xf32>
    %dot_general3A_180 = tpu.matmul %convert_element_type3A_174, %convert_element_type3A_176, %dot_general3A_179 {dimension_numbers = #tpu.dot_dimension_numbers<[1], [1], [0], [0], [0, 0, 1, 0], [], []>, transpose_lhs_hint = false} : vector<256x16xbf16>, vector<4096x16xbf16>, vector<256x4096xf32> -> vector<256x4096xf32>
    %reduce_max3A_181 = arith.constant dense<0xFF800000> : vector<256xf32>
    %reduce_max3A_182 = vector.multi_reduction <maximumf>, %dot_general3A_180, %reduce_max3A_181 [1] : vector<256x4096xf32> to vector<256xf32>
    %broadcast_in_dim3A_183 = vector.shape_cast %reduce_max3A_182 : vector<256xf32> to vector<256x1xf32>
    %sub3A_184 = vector.broadcast %broadcast_in_dim3A_183 : vector<256x1xf32> to vector<256x4096xf32>
    %sub3A_185 = arith.subf %dot_general3A_180, %sub3A_184 : vector<256x4096xf32>
    %exp23A_186 = math.exp2 %sub3A_185 : vector<256x4096xf32>
    %reduce_sum3A_187 = arith.constant dense<0.000000e+00> : vector<256xf32>
    %reduce_sum3A_188 = vector.multi_reduction <add>, %exp23A_186, %reduce_sum3A_187 [1] : vector<256x4096xf32> to vector<256xf32>
    %broadcast_in_dim3A_189 = vector.shape_cast %reduce_sum3A_188 : vector<256xf32> to vector<256x1xf32>
    %div3A_190 = arith.constant 1.000000e+00 : f32
    %div3A_191 = vector.broadcast %div3A_190 : f32 to vector<256x1xf32>
    %div3A_192 = arith.divf %div3A_191, %broadcast_in_dim3A_189 : vector<256x1xf32>
    %mul3A_193 = vector.broadcast %div3A_192 : vector<256x1xf32> to vector<256x4096xf32>
    %mul3A_194 = arith.mulf %exp23A_186, %mul3A_193 : vector<256x4096xf32>
    %add3A_195 = arith.addf %add3A_166, %mul3A_194 : vector<256x4096xf32>
    %convert_element_type3A_196 = arith.truncf %mul3A_194 : vector<256x4096xf32> to vector<256x4096xbf16>
    %dot_general3A_197 = arith.constant dense<0.000000e+00> : vector<256x16xf32>
    %dot_general3A_198 = tpu.matmul %convert_element_type3A_196, %convert_element_type3A_178, %dot_general3A_197 {dimension_numbers = #tpu.dot_dimension_numbers<[1], [0], [0], [1], [0, 0, 1, 1], [], []>, transpose_lhs_hint = false} : vector<256x4096xbf16>, vector<4096x16xbf16>, vector<256x16xf32> -> vector<256x16xf32>
    %slice3A_199 = vector.extract_strided_slice %get3A_1 {offsets = [0, 112], sizes = [256, 16], strides = [1, 1]} : vector<256x384xf32> to vector<256x16xf32>
    %mul3A_200 = arith.constant 0.360673755 : f32
    %mul3A_201 = vector.broadcast %mul3A_200 : f32 to vector<256x16xf32>
    %mul3A_202 = arith.mulf %slice3A_199, %mul3A_201 : vector<256x16xf32>
    %convert_element_type3A_203 = arith.truncf %mul3A_202 : vector<256x16xf32> to vector<256x16xbf16>
    %slice3A_204 = vector.extract_strided_slice %get3A_4 {offsets = [0, 240], sizes = [4096, 16], strides = [1, 1]} : vector<4096x384xf32> to vector<4096x16xf32>
    %convert_element_type3A_205 = arith.truncf %slice3A_204 : vector<4096x16xf32> to vector<4096x16xbf16>
    %slice3A_206 = vector.extract_strided_slice %get3A_4 {offsets = [0, 368], sizes = [4096, 16], strides = [1, 1]} : vector<4096x384xf32> to vector<4096x16xf32>
    %convert_element_type3A_207 = arith.truncf %slice3A_206 : vector<4096x16xf32> to vector<4096x16xbf16>
    %dot_general3A_208 = arith.constant dense<0.000000e+00> : vector<256x4096xf32>
    %dot_general3A_209 = tpu.matmul %convert_element_type3A_203, %convert_element_type3A_205, %dot_general3A_208 {dimension_numbers = #tpu.dot_dimension_numbers<[1], [1], [0], [0], [0, 0, 1, 0], [], []>, transpose_lhs_hint = false} : vector<256x16xbf16>, vector<4096x16xbf16>, vector<256x4096xf32> -> vector<256x4096xf32>
    %reduce_max3A_210 = arith.constant dense<0xFF800000> : vector<256xf32>
    %reduce_max3A_211 = vector.multi_reduction <maximumf>, %dot_general3A_209, %reduce_max3A_210 [1] : vector<256x4096xf32> to vector<256xf32>
    %broadcast_in_dim3A_212 = vector.shape_cast %reduce_max3A_211 : vector<256xf32> to vector<256x1xf32>
    %sub3A_213 = vector.broadcast %broadcast_in_dim3A_212 : vector<256x1xf32> to vector<256x4096xf32>
    %sub3A_214 = arith.subf %dot_general3A_209, %sub3A_213 : vector<256x4096xf32>
    %exp23A_215 = math.exp2 %sub3A_214 : vector<256x4096xf32>
    %reduce_sum3A_216 = arith.constant dense<0.000000e+00> : vector<256xf32>
    %reduce_sum3A_217 = vector.multi_reduction <add>, %exp23A_215, %reduce_sum3A_216 [1] : vector<256x4096xf32> to vector<256xf32>
    %broadcast_in_dim3A_218 = vector.shape_cast %reduce_sum3A_217 : vector<256xf32> to vector<256x1xf32>
    %div3A_219 = arith.constant 1.000000e+00 : f32
    %div3A_220 = vector.broadcast %div3A_219 : f32 to vector<256x1xf32>
    %div3A_221 = arith.divf %div3A_220, %broadcast_in_dim3A_218 : vector<256x1xf32>
    %mul3A_222 = vector.broadcast %div3A_221 : vector<256x1xf32> to vector<256x4096xf32>
    %mul3A_223 = arith.mulf %exp23A_215, %mul3A_222 : vector<256x4096xf32>
    %add3A_224 = arith.addf %add3A_195, %mul3A_223 : vector<256x4096xf32>
    %convert_element_type3A_225 = arith.truncf %mul3A_223 : vector<256x4096xf32> to vector<256x4096xbf16>
    %dot_general3A_226 = arith.constant dense<0.000000e+00> : vector<256x16xf32>
    %dot_general3A_227 = tpu.matmul %convert_element_type3A_225, %convert_element_type3A_207, %dot_general3A_226 {dimension_numbers = #tpu.dot_dimension_numbers<[1], [0], [0], [1], [0, 0, 1, 1], [], []>, transpose_lhs_hint = false} : vector<256x4096xbf16>, vector<4096x16xbf16>, vector<256x16xf32> -> vector<256x16xf32>
    %concatenate3A = tpu.concatenate %dot_general3A_24, %dot_general3A_53, %dot_general3A_82, %dot_general3A_111, %dot_general3A_140, %dot_general3A_169, %dot_general3A_198, %dot_general3A_227 in 1 : vector<256x16xf32>, vector<256x16xf32>, vector<256x16xf32>, vector<256x16xf32>, vector<256x16xf32>, vector<256x16xf32>, vector<256x16xf32>, vector<256x16xf32> -> vector<256x128xf32>
    %get3A_228 = arith.constant 0 : index
    %get3A_229 = arith.constant 0 : index
    %get3A_230 = vector.load %arg3[%get3A_228, %get3A_229] : memref<128x128xf32, #tpu.memory_space<vmem>>, vector<128x128xf32>
    %dot_general3A_231 = arith.constant dense<0.000000e+00> : vector<256x128xf32>
    %dot_general3A_232 = tpu.matmul %concatenate3A, %get3A_230, %dot_general3A_231 {dimension_numbers = #tpu.dot_dimension_numbers<[1], [0], [0], [1], [0, 0, 1, 1], [], []>, transpose_lhs_hint = false} : vector<256x128xf32>, vector<128x128xf32>, vector<256x128xf32> -> vector<256x128xf32>
    %get3A_233 = arith.constant 0 : index
    %get3A_234 = arith.constant 0 : index
    %get3A_235 = vector.load %arg4[%get3A_233, %get3A_234] : memref<1x128xf32, #tpu.memory_space<vmem>>, vector<1x128xf32>
    %add3A_236 = vector.broadcast %get3A_235 : vector<1x128xf32> to vector<256x128xf32>
    %add3A_237 = arith.addf %dot_general3A_232, %add3A_236 : vector<256x128xf32>
    %swap3A = arith.constant 0 : index
    %swap3A_238 = arith.constant 0 : index
    %swap3A_239 = vector.load %arg7[%swap3A, %swap3A_238] : memref<256x128xf32, #tpu.memory_space<vmem>>, vector<256x128xf32>
    tpu.vector_store %arg7[%swap3A, %swap3A_238], %add3A_237 {strides = array<i32>} : memref<256x128xf32, #tpu.memory_space<vmem>>, vector<256x128xf32>,
    %mul3A_240 = arith.constant 1.250000e-01 : f32
    %mul3A_241 = vector.broadcast %mul3A_240 : f32 to vector<256x4096xf32>
    %mul3A_242 = arith.mulf %add3A_224, %mul3A_241 : vector<256x4096xf32>
    %swap3A_243 = arith.constant 0 : index
    %swap3A_244 = arith.constant 0 : index
    %swap3A_245 = vector.load %arg8[%swap3A_243, %swap3A_244] : memref<256x4096xf32, #tpu.memory_space<vmem>>, vector<256x4096xf32>
    tpu.vector_store %arg8[%swap3A_243, %swap3A_244], %mul3A_242 {strides = array<i32>} : memref<256x4096xf32, #tpu.memory_space<vmem>>, vector<256x4096xf32>,
    %get3A_246 = arith.constant 0 : index
    %get3A_247 = arith.constant 0 : index
    %get3A_248 = vector.load %arg5[%get3A_246, %get3A_247] : memref<128x4xf32, #tpu.memory_space<vmem>>, vector<128x4xf32>
    %dot_general3A_249 = arith.constant dense<0.000000e+00> : vector<256x4xf32>
    %dot_general3A_250 = tpu.matmul %add3A_237, %get3A_248, %dot_general3A_249 {dimension_numbers = #tpu.dot_dimension_numbers<[1], [0], [0], [1], [0, 0, 1, 1], [], []>, transpose_lhs_hint = false} : vector<256x128xf32>, vector<128x4xf32>, vector<256x4xf32> -> vector<256x4xf32>
    %get3A_251 = arith.constant 0 : index
    %get3A_252 = arith.constant 0 : index
    %get3A_253 = vector.load %arg6[%get3A_251, %get3A_252] : memref<1x4xf32, #tpu.memory_space<vmem>>, vector<1x4xf32>
    %add3A_254 = vector.broadcast %get3A_253 : vector<1x4xf32> to vector<256x4xf32>
    %add3A_255 = arith.addf %dot_general3A_250, %add3A_254 : vector<256x4xf32>
    %neg3A = arith.constant 0.000000e+00 : f32
    %neg3A_256 = vector.broadcast %neg3A : f32 to vector<256x4xf32>
    %neg3A_257 = arith.subf %neg3A_256, %add3A_255 : vector<256x4xf32>
    %exp3A = math.exp %neg3A_257 : vector<256x4xf32>
    %add3A_258 = arith.constant 1.000000e+00 : f32
    %add3A_259 = vector.broadcast %add3A_258 : f32 to vector<256x4xf32>
    %add3A_260 = arith.addf %add3A_259, %exp3A : vector<256x4xf32>
    %div3A_261 = arith.constant 1.000000e+00 : f32
    %div3A_262 = vector.broadcast %div3A_261 : f32 to vector<256x4xf32>
    %div3A_263 = arith.divf %div3A_262, %add3A_260 : vector<256x4xf32>
    %slice3A_264 = vector.extract_strided_slice %div3A_263 {offsets = [0, 0], sizes = [256, 2], strides = [1, 1]} : vector<256x4xf32> to vector<256x2xf32>
    %slice3A_265 = vector.extract_strided_slice %add3A_255 {offsets = [0, 2], sizes = [256, 2], strides = [1, 1]} : vector<256x4xf32> to vector<256x2xf32>
    %concatenate3A_266 = tpu.concatenate %slice3A_264, %slice3A_265 in 1 : vector<256x2xf32>, vector<256x2xf32> -> vector<256x4xf32>
    %swap3A_267 = arith.constant 0 : index
    %swap3A_268 = arith.constant 0 : index
    %swap3A_269 = vector.load %arg9[%swap3A_267, %swap3A_268] : memref<256x4xf32, #tpu.memory_space<vmem>>, vector<256x4xf32>
    tpu.vector_store %arg9[%swap3A_267, %swap3A_268], %concatenate3A_266 {strides = array<i32>} : memref<256x4xf32, #tpu.memory_space<vmem>>, vector<256x4xf32>,
    return
  }
  func.func @transform_0(%arg0: i32) -> (i32, i32) {
    %c0_i32 = arith.constant 0 : i32
    %c0_i32_0 = arith.constant 0 : i32
    return %arg0, %c0_i32 : i32, i32
  }
  func.func @transform_1(%arg0: i32) -> (i32, i32) {
    %c0_i32 = arith.constant 0 : i32
    %c0_i32_0 = arith.constant 0 : i32
    %c0_i32_1 = arith.constant 0 : i32
    return %c0_i32, %c0_i32_0 : i32, i32
  }
  func.func @transform_2(%arg0: i32) -> (i32, i32) {
    %c0_i32 = arith.constant 0 : i32
    %c0_i32_0 = arith.constant 0 : i32
    %c0_i32_1 = arith.constant 0 : i32
    return %c0_i32, %c0_i32_0 : i32, i32
  }
  func.func @transform_3(%arg0: i32) -> (i32, i32) {
    %c0_i32 = arith.constant 0 : i32
    %c0_i32_0 = arith.constant 0 : i32
    %c0_i32_1 = arith.constant 0 : i32
    return %c0_i32, %c0_i32_0 : i32, i32
  }
  func.func @transform_4(%arg0: i32) -> (i32, i32) {
    %c0_i32 = arith.constant 0 : i32
    %c0_i32_0 = arith.constant 0 : i32
    %c0_i32_1 = arith.constant 0 : i32
    return %c0_i32, %c0_i32_0 : i32, i32
  }
  func.func @transform_5(%arg0: i32) -> (i32, i32) {
    %c0_i32 = arith.constant 0 : i32
    %c0_i32_0 = arith.constant 0 : i32
    %c0_i32_1 = arith.constant 0 : i32
    return %c0_i32, %c0_i32_0 : i32, i32
  }
  func.func @transform_6(%arg0: i32) -> (i32, i32) {
    %c0_i32 = arith.constant 0 : i32
    %c0_i32_0 = arith.constant 0 : i32
    return %arg0, %c0_i32 : i32, i32
  }
  func.func @transform_7(%arg0: i32) -> (i32, i32) {
    %c0_i32 = arith.constant 0 : i32
    %c0_i32_0 = arith.constant 0 : i32
    return %arg0, %c0_i32 : i32, i32
  }
  func.func @transform_8(%arg0: i32) -> (i32, i32) {
    %c0_i32 = arith.constant 0 : i32
    %c0_i32_0 = arith.constant 0 : i32
    return %arg0, %c0_i32 : i32, i32
  }
}

</mosaic_0001>

<sc_bundles>
// kernel: kernel.13.cloned.1.call-start
scs
__scs_entry_jumppad:
0x0: {  	(pc) =	sbr.rel $0x88, $3  }
0x1: {  	(tag) =	ssettag $0x0;
	lr =	simm.s32 $0x1  }
0x2: {  	[smem:$0x3F80] =	sst lr;
	_ =	strace $0xD0000000  }
0x3: {  	_ = 	snop  }
0x4: {  	_ = 	snop  }
0x5: {  	_ = 	snop  }
0x6: {  	_ = 	snop  }
0x7: {  	_ = 	snop  }
__scs_overlays_trampoline_lowered:
0x8: {  	[smem:$0x3F8F] =	sst s0  }
0x9: {  	[smem:$0x3F90] =	sst s1  }
0xa: {  	[smem:$0x3F91] =	sst s2  }
0xb: {  	[smem:$0x3F92] =	sst s3  }
0xc: {  	[smem:$0x3F93] =	sst s4  }
0xd: {  	[smem:$0x3F94] =	sst s5  }
0xe: {  	[smem:$0x3F95] =	sst s6  }
0xf: {  	[smem:$0x3F96] =	sst s7  }
0x10: {  	[smem:$0x3F97] =	sst s8  }
0x11: {  	[smem:$0x3F98] =	sst s9;
	s0 =	simm.s32 @!p0 $0x0  }
0x12: {  	s1 =	sld [smem:$0x3F7E];
	s0 =	simm.s32 @p0 $0x1  }
0x13: {  	[smem:$0x3F99] =	sst s0;
	s0 =	simm.s32 @!p1 $0x0  }
0x14: {  	s2 =	sld [smem:$0x3F7D];
	s0 =	simm.s32 @p1 $0x1  }
0x15: {  	[smem:$0x3F9A] =	sst s0;
	s0 =	simm.s32 @!p2 $0x0  }
0x16: {  	s3 =	sld [smem:$0x3FDB];
	s0 =	simm.s32 @p2 $0x1  }
0x17: {  	s4 =	simm.s32 $0x1BF5;
	[smem:$0x3F9C] =	sst s0  }
0x18: {  	s0 =	sld [smem:$0x3F7F];
	_ =	swait.ge [sflag:s4], $0x0  }
0x19: {  	s7 =	sld [smem:$0x3F80]  }
0x1a: {  	s8 =	sadd.s32 $0xFFFFE003, lr  }
0x1b: {  	s9 =	sadd.s32 $0xFFFFFEF7, lr;
	s5 =	simm.s32 $0xFFFFFFFF;
	p2 =	slt.u32 s8, $0xFFFFF086  }
0x1c: {  	p1 =	slt.u32 s9, $0xF7A;
	s5 =	simm.s32 @!p2 $0x0  }
0x1d: {  	s5 =	simm.s32 @p1 $0x1;
	p0 =	seq.s32 s7, s2  }
0x1e: {  	s7 =	smul.u32 @!p0 $0xF7A, s2;
	p2 =	seq.s32 @!p0 s5, $0x0  }
0x1f: {  	s9 =	smul.u32 $0xF7A, s1;
	s8 =	simm.s32 @!p0 $0x1BF5;
	p2 =	por !p2, p0  }
0x20: {  	[sflag:s8] =	ssyncset.s32 @!p0 $0xFFFFF086;
	s6 =	sadd.s32 @!p0 s3, s7;
	s7 =	simm.s32 @!p0 $0x108  }
0x21: {  	s3 =	sadd.s32 s3, s9;
	s6 =	sadd.s32 @!p0 $0x88, s6;
	s7 =	simm.s32 @p2 $0x1082  }
0x22: {  	[simem:s7], [sflag:s8] =	dma.local @!p0 [hbm:s6], $0xF7A  }
0x23: {  	s9 =	sor.u32 $0xD0000000, s2;
	s6 =	simm.s32 $0x108;
	_ =	swait.ge @!p0 [sflag:s8], $0x0  }
0x24: {  	s3 =	sadd.s32 $0x88, s3;
	s6 =	simm.s32 @!p1 $0x1082;
	[sflag:s4] =	ssyncset.s32 $0xFFFFF086  }
0x25: {  	[simem:s6], [sflag:s4] =	dma.local [hbm:s3], $0xF7A  }
0x26: {  	[smem:$0x3F80] =	sst s1;
	(tag) =	ssettag s2;
	_ =	strace s9  }
0x27: {  	s1 =	sld [smem:$0x3F90]  }
0x28: {  	s2 =	sld [smem:$0x3F91]  }
0x29: {  	s4 =	sld [smem:$0x3F93]  }
0x2a: {  	p0 =	seq.s32 s5, $0x0;
	s5 =	sld [smem:$0x3F94]  }
0x2b: {  	s6 =	sld [smem:$0x3F95]  }
0x2c: {  	s7 =	sld [smem:$0x3F96]  }
0x2d: {  	s3 =	simm.s32 $0x108;
	s8 =	sld [smem:$0x3F97]  }
0x2e: {  	s3 =	simm.s32 @!p0 $0x1082;
	s9 =	sld [smem:$0x3F98]  }
0x2f: {  	lr =	sadd.s32 s0, s3;
	s0 =	sld [smem:$0x3F8F]  }
0x30: {  	s3 =	sld [smem:$0x3F92]  }
0x31: {  	[smem:$0x3F9B] =	sst s10  }
0x32: {  	s10 =	sld [smem:$0x3F99];
	_ =	sdelay $0x3  }
0x33: {  	p0 =	seq.s32 s10, $0x1;
	s10 =	sld [smem:$0x3F9B];
	_ =	sdelay $0x3  }
0x34: {  	[smem:$0x3F9B] =	sst s10  }
0x35: {  	s10 =	sld [smem:$0x3F9A];
	_ =	sdelay $0x3  }
0x36: {  	p1 =	seq.s32 s10, $0x1;
	s10 =	sld [smem:$0x3F9B];
	_ =	sdelay $0x3  }
0x37: {  	[smem:$0x3F9B] =	sst s10  }
0x38: {  	s10 =	sld [smem:$0x3F9C]  }
0x39: {  	_ = 	snop;
	(pc) =	sbr.ind lr, $3  }
0x3a: {  	_ = 	snop  }
0x3b: {  	_ = 	snop  }
0x3c: {  	p2 =	seq.s32 s10, $0x1;
	s10 =	sld [smem:$0x3F9B]  }
0x3d: {  	_ =	shalt  }
0x3e: {  	_ =	shalt  }
0x3f: {  	_ =	shalt  }
0x40: {  	_ =	shalt  }
0x41: {  	_ =	shalt  }
0x42: {  	_ =	shalt  }
0x43: {  	_ =	shalt  }
0x44: {  	_ =	shalt  }
0x45: {  	_ =	shalt  }
0x46: {  	_ =	shalt  }
0x47: {  	_ =	shalt  }
0x48: {  	_ =	shalt  }
0x49: {  	_ =	shalt  }
0x4a: {  	_ =	shalt  }
0x4b: {  	_ =	shalt  }
0x4c: {  	_ =	shalt  }
0x4d: {  	_ =	shalt  }
0x4e: {  	_ =	shalt  }
0x4f: {  	_ =	shalt  }
0x50: {  	_ =	shalt  }
0x51: {  	_ =	shalt  }
0x52: {  	_ =	shalt  }
0x53: {  	_ =	shalt  }
0x54: {  	_ =	shalt  }
0x55: {  	_ =	shalt  }
0x56: {  	_ =	shalt  }
0x57: {  	_ =	shalt  }
0x58: {  	_ =	shalt  }
0x59: {  	_ =	shalt  }
0x5a: {  	_ =	shalt  }
0x5b: {  	_ =	shalt  }
0x5c: {  	_ =	shalt  }
0x5d: {  	_ =	shalt  }
0x5e: {  	_ =	shalt  }
0x5f: {  	_ =	shalt  }
0x60: {  	_ =	shalt  }
0x61: {  	_ =	shalt  }
0x62: {  	_ =	shalt  }
0x63: {  	_ =	shalt  }
0x64: {  	_ =	shalt  }
0x65: {  	_ =	shalt  }
0x66: {  	_ =	shalt  }
0x67: {  	_ =	shalt  }
0x68: {  	_ =	shalt  }
0x69: {  	_ =	shalt  }
0x6a: {  	_ =	shalt  }
0x6b: {  	_ =	shalt  }
0x6c: {  	_ =	shalt  }
0x6d: {  	_ =	shalt  }
0x6e: {  	_ =	shalt  }
0x6f: {  	_ =	shalt  }
0x70: {  	_ =	shalt  }
0x71: {  	_ =	shalt  }
0x72: {  	_ =	shalt  }
0x73: {  	_ =	shalt  }
0x74: {  	_ =	shalt  }
0x75: {  	_ =	shalt  }
0x76: {  	_ =	shalt  }
0x77: {  	_ =	shalt  }
0x78: {  	_ =	shalt  }
0x79: {  	_ =	shalt  }
0x7a: {  	_ =	shalt  }
0x7b: {  	_ =	shalt  }
0x7c: {  	_ =	shalt  }
0x7d: {  	_ =	shalt  }
0x7e: {  	_ =	shalt  }
0x7f: {  	_ =	shalt  }
0x80: {  	_ =	shalt  }
0x81: {  	_ =	shalt  }
0x82: {  	_ =	shalt  }
0x83: {  	_ =	shalt  }
0x84: {  	_ =	shalt  }
0x85: {  	_ =	shalt  }
0x86: {  	_ =	shalt  }
0x87: {  	_ =	shalt  }
.Lfunc_end0:
.L_simem_size_0:
called_computation_lowered:
.L_overlay_start_0:
0x88: {  	s2 =	sld [smem:$0x3FD9]  }
0x89: {  	s3 =	sld [smem:$0x3FFE];
	_ =	sdelay $0x1  }
0x8a: {  	s1 =	srdreg.scid  }
0x8b: {  	s0 =	sand.u32 $0x1, s1  }
0x8c: {  	s15 =	sshll.u32 s0, $0xA;
	s2 =	sadd.s32 s3, s2  }
0x8d: {  	s2 =	sadd.s32 s2, s15  }
0x8e: {  	[smem:$0x3FA7] =	sst s2  }
0x8f: {  	_ = 	snop  }
0x90: {  	s2 =	sld [smem:$0x3FD0];
	_ =	sdelay $0x2  }
0x91: {  	s16 =	simm.s32 $0xB;
	s4 =	simm.s32 $0x10  }
0x92: {  	[smem:s4], [sflag:s16] =	dma.local [hbm:s2], $0x1  }
0x93: {  	_ =	swait.eq [sflag:s16], $0x1  }
0x94: {  	[sflag:s16] =	ssyncset.done $0x0  }
0x95: {  	[sflag:s16] =	ssyncadd.s32 $0xFFFFFFFF  }
0x96: {  	s17 =	sld [smem:$0x14];
	(tm) =	ssettm $0x1  }
0x97: {  	s18 =	sld [smem:$0x3FFB];
	_ =	sdelay $0x3  }
0x98: {  	_ =	strace s18  }
0x99: {  	s2 =	sld [smem:$0x3FFC];
	_ =	sdelay $0x3  }
0x9a: {  	_ =	strace s2  }
0x9b: {  	s2 =	sld [smem:$0x3FFD];
	_ =	sdelay $0x3  }
0x9c: {  	_ =	strace s2  }
0x9d: {  	_ =	strace $0x8FFFFFFF  }
0x9e: {  	s19 =	sld [smem:$0x3FDB];
	_ =	sdelay $0x1  }
0x9f: {  	s20 =	simm.s32 $_scs_section_size  }
0xa0: {  	s5 =	simm.s32 $_size__tile_overlayer_lowered;
	s6 =	simm.s32 $_tile_overlayer_lowered  }
0xa1: {  	s7 =	simm.s32 $0x1BFF;
	s21 =	sshll.u32 s6, $0x1;
	s4 =	sadd.s32 s20, s19  }
0xa2: {  	s22 =	simm.s32 $0x0;
	s5 =	sshll.u32 s5, $0x1;
	s6 =	sadd.s32 s21, s4  }
0xa3: {  	[timem:s22], [sflag:s7] =	dma.local [hbm:s6], s5  }
0xa4: {  	_ =	swait.ge [sflag:s7], s5  }
0xa5: {  	s5 =	ssub.s32 $0x0, s5;
	[sflag:s7] =	ssyncset.done $0x0  }
0xa6: {  	[sflag:s7] =	ssyncadd.s32 s5;
	_ =	sdelay $0x1  }
0xa7: {  	s23 =	simm.s32 $0x1B8B  }
0xa8: {  	_ =	swait.ge [sflag:s23], $0x1  }
0xa9: {  	[sflag:s23] =	ssyncset.done $0x0  }
0xaa: {  	[sflag:s23] =	ssyncadd.s32 $0xFFFFFFFF  }
0xab: {  	s5 =	sld [smem:$0x0]  }
0xac: {  	s6 =	sand.u32 $0xFFFFFFFE, s1  }
0xad: {  	p0 =	sne.s32 s1, s6  }
0xae: {  	s6 =	sshll.u32 @p0 s6, $0xE  }
0xaf: {  	s6 =	sadd.s32 @p0 $0x11B8D, s6;
	s7 =	sshll.u32 @p0 s5, $0x11  }
0xb0: {  	s6 =	sor.u32 @p0 s7, s6  }
0xb1: {  	[sflag:s6] =	ssyncadd.remote.s32 @p0 $0x1;
	_ =	sdelay $0x1  }
0xb2: {  	s6 =	simm.s32 @p0 $0x1B8D  }
0xb3: {  	_ =	swait.eq @p0 [sflag:s6], $0x1  }
0xb4: {  	[sflag:s6] =	ssyncadd.s32 @p0 $0xFFFFFFFF  }
0xb5: {  	s7 =	sshll.u32 @!p0 s1, $0xE  }
0xb6: {  	s7 =	sor.u32 @!p0 $0x4000, s7;
	s6 =	simm.s32 @!p0 $0x1B8D  }
0xb7: {  	s5 =	sshll.u32 @!p0 s5, $0x11;
	s7 =	sadd.s32 @!p0 $0x11B8D, s7;
	_ =	swait.eq @!p0 [sflag:s6], $0x1  }
0xb8: {  	s5 =	sor.u32 @!p0 s5, s7;
	[sflag:s6] =	ssyncadd.s32 @!p0 $0xFFFFFFFF  }
0xb9: {  	s25 =	simm.s32 $0x1B8E;
	s24 =	sld [smem:$0x3FFE];
	[sflag:s5] =	ssyncadd.remote.s32 @!p0 $0x1  }
0xba: {  	s26 =	simm.s32 $execute0_lowered;
	[smem:$0x3FD2] =	sst s25  }
0xbb: {  	s6 =	sshll.u32 s26, $0x1;
	_ =	strace $0x80000049;
	[dreg:$0x1] =	wrdreg $0xFFFFFFFF  }
0xbc: {  	s28 =	simm.s32 $_size_execute0_lowered;
	s4 =	sadd.s32 s4, s6;
	[dreg:$0x0] =	wrdreg $0x0  }
0xbd: {  	s6 =	sshll.u32 s28, $0x1;
	[dreg:$0x2] =	wrdreg s4  }
0xbe: {  	[dreg:$0x3] =	wrdreg s6  }
0xbf: {  	[dreg:$0x4] =	wrdreg $0xC0  }
0xc0: {  	_ =	task [dreg:s22], $0x5FFFF  }
0xc1: {  	[dreg:$0x1] =	wrdreg $0xFFFFFFFF  }
0xc2: {  	[dreg:$0x0] =	wrdreg $0x60  }
0xc3: {  	[dreg:$0x2] =	wrdreg s24  }
0xc4: {  	[dreg:$0x3] =	wrdreg s17  }
0xc5: {  	[dreg:$0x4] =	wrdreg $0x80800  }
0xc6: {  	[dreg:$0x5] =	wrdreg $0x9  }
0xc7: {  	_ =	task.clear_ibuf [dreg:s22], $0x6FFFF;
	_ =	strace $0x90000049  }
0xc8: {  	s29 =	simm.s32 $0x9;
	_ =	strace $0x8000004B  }
0xc9: {  	_ =	swait.ge [sflag:s29], $0x1  }
0xca: {  	[sflag:s29] =	ssyncadd.s32 $0xFFFFFFFF  }
0xcb: {  	_ =	strace $0x9000004B  }
0xcc: {  	_ =	sfence  }
0xcd: {  	s30 =	sld [smem:$0x0];
	_ =	sdelay $0x2  }
0xce: {  	s31 =	sshll.u32 s1, $0xD;
	s1 =	sshrl.u32 s1, $0x2  }
0xcf: {  	s4 =	sand.u32 $0x4000, s31;
	s1 =	sadd.s32 s1, s30  }
0xd0: {  	s0 =	sor.u32 s4, s0;
	s1 =	sshll.u32 s1, $0x11  }
0xd1: {  	s0 =	sor.u32 s1, s0  }
0xd2: {  	s0 =	sadd.s32 $0x8F2B, s0  }
0xd3: {  	[sflag:s0] =	ssyncadd.remote.s32 $0x1  }
0xd4: {  	_ =	sfence.sel $0xFFFF  }
0xd5: {  	[dreg:$0x0] =	wrdreg $0xFFFFFFFF;
	(pc) =	sbr.abs _section_cstart, $3  }
0xd6: {  	[dreg:$0x1] =	wrdreg $0xFFFFFFFF  }
0xd7: {  	_ =	task.clear_ibuf [dreg:s22], $0x2FFFF;
	_ =	strace $0x9FFFFFFF  }
0xd8: {  	(tm) =	ssettm $0x7FFFFFFF  }
0xd9: {  	_ =	shalt  }
tec
execute0_lowered:
.L_overlay_start_1:
0x0: {  	(tag) =	ssettag $0x1  }
0x1: {  	s4 =	rddreg [dreg:$0x0]  }
0x2: {  	s5 =	rddreg [dreg:$0x1]  }
0x3: {  	s1 =	rddreg [dreg:$0x2]  }
0x4: {  	s0 =	rddreg [dreg:$0x3];
	s2 =	simm.s32 $0x0;
	s3 =	srdreg.scid  }
0x5: {  	s11 =	simm.s32 $0x4080;
	s14 =	simm.s32 $0x0;
	[smem:$0x7FF] =	sst s2  }
0x6: {  	s6 =	sand.u32 $0x1, s3;
	s3 =	stileid.u32;
	_ =	strace $0x8000004A  }
0x7: {  	s7 =	sshll.u32 s6, $0xD;
	s8 =	ssub.s32 $0x2, s6;
	s9 =	sshll.u32 s3, $0xF  }
0x8: {  	s30 =	sshll.u32 s3, $0xC;
	s10 =	sshll.u32 s3, $0x9;
	s6 =	sshll.u32 s6, $0x10  }
0x9: {  	s12 =	sshll.u32 s3, $0x6;
	s7 =	sadd.s32 s7, s4;
	s29 =	sshrl.u32 s8, $0x1  }
0xa: {  	s4 =	sadd.s32 s9, s1;
	s9 =	sadd.s32 s5, s30;
	s12 =	sor.u32 $0x1C01, s12  }
0xb: {  	s8 =	ssub.s32 s8, s29;
	s5 =	sadd.s32 $0x4000, s4;
	s6 =	sadd.s32 s6, s9  }
0xc: {  	s31 =	sadd.s32 s10, s7;
	s9 =	simm.s32 $0x80;
	s10 =	simm.s32 $0x1  }
0xd: {  	v0 =	vimm.f32 $0.0e+00;
	v1 =	vimm.f32 $1.000000000e+00;
	s13 =	sshrl.u32 s4, $0x3;
	s7 =	smax.u32 s8, $0x1;
	s8 =	sadd.s32 $0xA800, s31  }
.LBB2_1:
0xe: {  	s15 =	simm.s32 $0x40;
	s16 =	simm.s32 $0x0  }
.LBB2_2:
0xf: {  	p0 =	sne.s32 s15, $0xFFC0;
	[tilespmem:s16+$0x80] =	vst v0;
	s17 =	smov.u32 s15;
	s15 =	sadd.s32 $0x40, s15  }
.Ltmp0:
0x10: {  	[tilespmem:s16+$0x4080] =	vst v1;
	(pc) =	sbr.rel @p0 .LBB2_2-.Ltmp0, $2  }
0x11: {  	_ =	sdelay $0x2  }
0x12: {  	s16 =	sshra.s32 s17, $0x2  }
0x13: {  	[tilespmem:s16+$0x80] =	vst v0  }
0x14: {  	[tilespmem:s16+$0x4080] =	vst v1  }
0x15: {  	[spmem:s4] =	stream.linear.scatter [tilespmem:s9], [sflag:$0x1], $0x4000, $0x38;
	[tilespmem:$0x10080] =	vst v63  }
0x16: {  	_ =	swait.ge [sflag:s10], $0x4000  }
0x17: {  	[sflag:s10] =	ssyncset.done $0x0  }
0x18: {  	[sflag:s10] =	ssyncadd.s32 $0xFFFFC000  }
0x19: {  	[spmem:s5] =	stream.linear.scatter [tilespmem:s9], [sflag:$0x1], $0x4000, $0x38;
	[tilespmem:$0x10080] =	vst v63  }
0x1a: {  	_ =	swait.ge [sflag:s10], $0x4000  }
0x1b: {  	[sflag:s10] =	ssyncset.done $0x0  }
0x1c: {  	[sflag:s10] =	ssyncadd.s32 $0xFFFFC000  }
0x1d: {  	s15 =	sadd.s32 $0x0, s8;
	[bflag:$0x0] =	sbarrier.arrive $0xFFFF  }
0x1e: {  	[tilespmem:s2], [sflag:$0x1] =	stream.linear.gather [hbm4b:s15+s2], $0x80, $0x38;
	[tilespmem:$0x10080] =	vst v63  }
0x1f: {  	_ =	swait.ge [sflag:s10], $0x80  }
0x20: {  	[sflag:s10] =	ssyncset.done $0x0  }
0x21: {  	[sflag:s10] =	ssyncadd.s32 $0xFFFFFF80  }
0x22: {  	[spmem:s1] =	stream.indirect.scatter.add.f32 [tilespmem:s11], [sflag:$0x1], $0x80, s2, s9, $0xb8;
	[tilespmem:$0x10080] =	vst v63  }
0x23: {  	_ =	swait.ge [sflag:s10], $0x4000  }
0x24: {  	s16 =	simm.s32 $0x20;
	s15 =	simm.s32 $0x10;
	[sflag:s10] =	ssyncset.done $0x0  }
.LBB2_4:
0x25: {  	s17 =	sadd.s32 s15, s8  }
0x26: {  	[sflag:s10] =	ssyncadd.s32 $0xFFFFC000;
	s15 =	smov.u32 s16;
	s18 =	sadd.s32 $0x10, s16  }
0x27: {  	[tilespmem:s2], [sflag:$0x1] =	stream.linear.gather [hbm4b:s17+s2], $0x80, $0x38;
	[tilespmem:$0x10080] =	vst v63  }
0x28: {  	p0 =	sne.s32 s16, $0x1F0;
	_ =	swait.ge [sflag:s10], $0x80  }
.Ltmp1:
0x29: {  	[sflag:s10] =	ssyncset.done $0x0;
	(pc) =	sbr.rel @p0 .LBB2_4-.Ltmp1, $4  }
0x2a: {  	[sflag:s10] =	ssyncadd.s32 $0xFFFFFF80  }
0x2b: {  	[spmem:s1] =	stream.indirect.scatter.add.f32 [tilespmem:s11], [sflag:$0x1], $0x80, s2, s9, $0xb8;
	[tilespmem:$0x10080] =	vst v63  }
0x2c: {  	_ =	swait.ge [sflag:s10], $0x4000  }
0x2d: {  	s16 =	smov.u32 s18;
	[sflag:s10] =	ssyncset.done $0x0  }
0x2e: {  	s15 =	sadd.s32 s15, s8;
	[sflag:s10] =	ssyncadd.s32 $0xFFFFC000  }
0x2f: {  	[tilespmem:s2], [sflag:$0x1] =	stream.linear.gather [hbm4b:s15+s2], $0x80, $0x38;
	[tilespmem:$0x10080] =	vst v63  }
0x30: {  	_ =	swait.ge [sflag:s10], $0x80  }
0x31: {  	[sflag:s10] =	ssyncset.done $0x0  }
0x32: {  	[sflag:s10] =	ssyncadd.s32 $0xFFFFFF80  }
0x33: {  	[spmem:s1] =	stream.indirect.scatter.add.f32 [tilespmem:s11], [sflag:$0x1], $0x80, s2, s9, $0xb8;
	[tilespmem:$0x10080] =	vst v63  }
0x34: {  	_ =	swait.ge [sflag:s10], $0x4000  }
0x35: {  	s14 =	sadd.s32 $0x1, s14;
	[sflag:s10] =	ssyncset.done $0x0  }
0x36: {  	p0 =	sne.s32 s14, s7;
	[sflag:s10] =	ssyncadd.s32 $0xFFFFC000  }
.Ltmp2:
0x37: {  	[bflag:$0x0] =	sbarrier.arrive $0xFFFF;
	(pc) =	sbr.rel @p0 .LBB2_1-.Ltmp2, $4  }
0x38: {  	[hbm:s6], [sflag:s12] =	dma.local [spmem:s13], $0x1000  }
0x39: {  	_ =	swait.ge [sflag:s10], $0x1000  }
0x3a: {  	[sflag:s10] =	ssyncset.done $0x0  }
0x3b: {  	[sflag:s10] =	ssyncadd.s32 $0xFFFFF000  }
0x3c: {  	_ =	sfence.sel $0x180000  }
0x3d: {  	[bflag:$0x0] =	sbarrier.arrive $0xFFFF  }
0x3e: {  	p0 =	sne.s32 s3, $0x0;
	_ =	strace $0x9000004A  }
0x3f: {  	s0 =	sadd.s32 @!p0 $0x100000, s0;
	[bflag:$0x2] =	sbarrier.arrive $0xFFFF  }
0x40: {  	[sflag:s0] =	ssyncadd.tile.s32 @!p0 $0x1;
	_ =	shalt  }
.Lfunc_end2:
_tile_overlayer_lowered:
.L_overlay_start_2:
0x41: {  	(tag) =	ssettag $0x2  }
0x42: {  	s0 =	rddreg [dreg:$0x0];
	s2 =	stileid.u32  }
0x43: {  	s1 =	rddreg [dreg:$0x1];
	p0 =	sne.s32 s2, $0x0  }
0x44: {  	s3 =	rddreg [dreg:$0x2];
	[bflag:$0x3] =	sbarrier.arrive $0xFFFF;
	s2 =	simm.s32 @!p0 $0x1C01  }
0x45: {  	[timem:s3], [sflag:s2] =	dma.local @!p0 [hbm:s0], s1  }
0x46: {  	s0 =	simm.s32 @!p0 $0x1  }
0x47: {  	_ =	swait.ge @!p0 [sflag:s0], s1  }
0x48: {  	s1 =	ssub.s32 @!p0 $0x0, s1;
	[sflag:s0] =	ssyncset.done @!p0 $0x0  }
0x49: {  	[sflag:s0] =	ssyncadd.s32 @!p0 s1  }
0x4a: {  	[bflag:$0x3] =	sbarrier.arrive $0xFFFF  }
0x4b: {  	_ =	shalt  }

// kernel: kernel.16.cloned.1.call-start
scs
__scs_entry_jumppad:
0x0: {  	(pc) =	sbr.rel $0x88, $3  }
0x1: {  	(tag) =	ssettag $0x0;
	lr =	simm.s32 $0x1  }
0x2: {  	[smem:$0x3F80] =	sst lr;
	_ =	strace $0xD0000000  }
0x3: {  	_ = 	snop  }
0x4: {  	_ = 	snop  }
0x5: {  	_ = 	snop  }
0x6: {  	_ = 	snop  }
0x7: {  	_ = 	snop  }
__scs_overlays_trampoline_lowered:
0x8: {  	[smem:$0x3F8F] =	sst s0  }
0x9: {  	[smem:$0x3F90] =	sst s1  }
0xa: {  	[smem:$0x3F91] =	sst s2  }
0xb: {  	[smem:$0x3F92] =	sst s3  }
0xc: {  	[smem:$0x3F93] =	sst s4  }
0xd: {  	[smem:$0x3F94] =	sst s5  }
0xe: {  	[smem:$0x3F95] =	sst s6  }
0xf: {  	[smem:$0x3F96] =	sst s7  }
0x10: {  	[smem:$0x3F97] =	sst s8  }
0x11: {  	[smem:$0x3F98] =	sst s9;
	s0 =	simm.s32 @!p0 $0x0  }
0x12: {  	s1 =	sld [smem:$0x3F7E];
	s0 =	simm.s32 @p0 $0x1  }
0x13: {  	[smem:$0x3F99] =	sst s0;
	s0 =	simm.s32 @!p1 $0x0  }
0x14: {  	s2 =	sld [smem:$0x3F7D];
	s0 =	simm.s32 @p1 $0x1  }
0x15: {  	[smem:$0x3F9A] =	sst s0;
	s0 =	simm.s32 @!p2 $0x0  }
0x16: {  	s3 =	sld [smem:$0x3FDB];
	s0 =	simm.s32 @p2 $0x1  }
0x17: {  	s4 =	simm.s32 $0x1BF5;
	[smem:$0x3F9C] =	sst s0  }
0x18: {  	s0 =	sld [smem:$0x3F7F];
	_ =	swait.ge [sflag:s4], $0x0  }
0x19: {  	s7 =	sld [smem:$0x3F80]  }
0x1a: {  	s8 =	sadd.s32 $0xFFFFE003, lr  }
0x1b: {  	s9 =	sadd.s32 $0xFFFFFEF7, lr;
	s5 =	simm.s32 $0xFFFFFFFF;
	p2 =	slt.u32 s8, $0xFFFFF086  }
0x1c: {  	p1 =	slt.u32 s9, $0xF7A;
	s5 =	simm.s32 @!p2 $0x0  }
0x1d: {  	s5 =	simm.s32 @p1 $0x1;
	p0 =	seq.s32 s7, s2  }
0x1e: {  	s7 =	smul.u32 @!p0 $0xF7A, s2;
	p2 =	seq.s32 @!p0 s5, $0x0  }
0x1f: {  	s9 =	smul.u32 $0xF7A, s1;
	s8 =	simm.s32 @!p0 $0x1BF5;
	p2 =	por !p2, p0  }
0x20: {  	[sflag:s8] =	ssyncset.s32 @!p0 $0xFFFFF086;
	s6 =	sadd.s32 @!p0 s3, s7;
	s7 =	simm.s32 @!p0 $0x108  }
0x21: {  	s3 =	sadd.s32 s3, s9;
	s6 =	sadd.s32 @!p0 $0x88, s6;
	s7 =	simm.s32 @p2 $0x1082  }
0x22: {  	[simem:s7], [sflag:s8] =	dma.local @!p0 [hbm:s6], $0xF7A  }
0x23: {  	s9 =	sor.u32 $0xD0000000, s2;
	s6 =	simm.s32 $0x108;
	_ =	swait.ge @!p0 [sflag:s8], $0x0  }
0x24: {  	s3 =	sadd.s32 $0x88, s3;
	s6 =	simm.s32 @!p1 $0x1082;
	[sflag:s4] =	ssyncset.s32 $0xFFFFF086  }
0x25: {  	[simem:s6], [sflag:s4] =	dma.local [hbm:s3], $0xF7A  }
0x26: {  	[smem:$0x3F80] =	sst s1;
	(tag) =	ssettag s2;
	_ =	strace s9  }
0x27: {  	s1 =	sld [smem:$0x3F90]  }
0x28: {  	s2 =	sld [smem:$0x3F91]  }
0x29: {  	s4 =	sld [smem:$0x3F93]  }
0x2a: {  	p0 =	seq.s32 s5, $0x0;
	s5 =	sld [smem:$0x3F94]  }
0x2b: {  	s6 =	sld [smem:$0x3F95]  }
0x2c: {  	s7 =	sld [smem:$0x3F96]  }
0x2d: {  	s3 =	simm.s32 $0x108;
	s8 =	sld [smem:$0x3F97]  }
0x2e: {  	s3 =	simm.s32 @!p0 $0x1082;
	s9 =	sld [smem:$0x3F98]  }
0x2f: {  	lr =	sadd.s32 s0, s3;
	s0 =	sld [smem:$0x3F8F]  }
0x30: {  	s3 =	sld [smem:$0x3F92]  }
0x31: {  	[smem:$0x3F9B] =	sst s10  }
0x32: {  	s10 =	sld [smem:$0x3F99];
	_ =	sdelay $0x3  }
0x33: {  	p0 =	seq.s32 s10, $0x1;
	s10 =	sld [smem:$0x3F9B];
	_ =	sdelay $0x3  }
0x34: {  	[smem:$0x3F9B] =	sst s10  }
0x35: {  	s10 =	sld [smem:$0x3F9A];
	_ =	sdelay $0x3  }
0x36: {  	p1 =	seq.s32 s10, $0x1;
	s10 =	sld [smem:$0x3F9B];
	_ =	sdelay $0x3  }
0x37: {  	[smem:$0x3F9B] =	sst s10  }
0x38: {  	s10 =	sld [smem:$0x3F9C]  }
0x39: {  	_ = 	snop;
	(pc) =	sbr.ind lr, $3  }
0x3a: {  	_ = 	snop  }
0x3b: {  	_ = 	snop  }
0x3c: {  	p2 =	seq.s32 s10, $0x1;
	s10 =	sld [smem:$0x3F9B]  }
0x3d: {  	_ =	shalt  }
0x3e: {  	_ =	shalt  }
0x3f: {  	_ =	shalt  }
0x40: {  	_ =	shalt  }
0x41: {  	_ =	shalt  }
0x42: {  	_ =	shalt  }
0x43: {  	_ =	shalt  }
0x44: {  	_ =	shalt  }
0x45: {  	_ =	shalt  }
0x46: {  	_ =	shalt  }
0x47: {  	_ =	shalt  }
0x48: {  	_ =	shalt  }
0x49: {  	_ =	shalt  }
0x4a: {  	_ =	shalt  }
0x4b: {  	_ =	shalt  }
0x4c: {  	_ =	shalt  }
0x4d: {  	_ =	shalt  }
0x4e: {  	_ =	shalt  }
0x4f: {  	_ =	shalt  }
0x50: {  	_ =	shalt  }
0x51: {  	_ =	shalt  }
0x52: {  	_ =	shalt  }
0x53: {  	_ =	shalt  }
0x54: {  	_ =	shalt  }
0x55: {  	_ =	shalt  }
0x56: {  	_ =	shalt  }
0x57: {  	_ =	shalt  }
0x58: {  	_ =	shalt  }
0x59: {  	_ =	shalt  }
0x5a: {  	_ =	shalt  }
0x5b: {  	_ =	shalt  }
0x5c: {  	_ =	shalt  }
0x5d: {  	_ =	shalt  }
0x5e: {  	_ =	shalt  }
0x5f: {  	_ =	shalt  }
0x60: {  	_ =	shalt  }
0x61: {  	_ =	shalt  }
0x62: {  	_ =	shalt  }
0x63: {  	_ =	shalt  }
0x64: {  	_ =	shalt  }
0x65: {  	_ =	shalt  }
0x66: {  	_ =	shalt  }
0x67: {  	_ =	shalt  }
0x68: {  	_ =	shalt  }
0x69: {  	_ =	shalt  }
0x6a: {  	_ =	shalt  }
0x6b: {  	_ =	shalt  }
0x6c: {  	_ =	shalt  }
0x6d: {  	_ =	shalt  }
0x6e: {  	_ =	shalt  }
0x6f: {  	_ =	shalt  }
0x70: {  	_ =	shalt  }
0x71: {  	_ =	shalt  }
0x72: {  	_ =	shalt  }
0x73: {  	_ =	shalt  }
0x74: {  	_ =	shalt  }
0x75: {  	_ =	shalt  }
0x76: {  	_ =	shalt  }
0x77: {  	_ =	shalt  }
0x78: {  	_ =	shalt  }
0x79: {  	_ =	shalt  }
0x7a: {  	_ =	shalt  }
0x7b: {  	_ =	shalt  }
0x7c: {  	_ =	shalt  }
0x7d: {  	_ =	shalt  }
0x7e: {  	_ =	shalt  }
0x7f: {  	_ =	shalt  }
0x80: {  	_ =	shalt  }
0x81: {  	_ =	shalt  }
0x82: {  	_ =	shalt  }
0x83: {  	_ =	shalt  }
0x84: {  	_ =	shalt  }
0x85: {  	_ =	shalt  }
0x86: {  	_ =	shalt  }
0x87: {  	_ =	shalt  }
.Lfunc_end0:
.L_simem_size_0:
called_computation.1_lowered:
.L_overlay_start_0:
0x88: {  	s2 =	sld [smem:$0x3FD9]  }
0x89: {  	s3 =	sld [smem:$0x3FFE];
	_ =	sdelay $0x1  }
0x8a: {  	s1 =	srdreg.scid  }
0x8b: {  	s0 =	sand.u32 $0x1, s1  }
0x8c: {  	s14 =	sshll.u32 s0, $0xA;
	s2 =	sadd.s32 s3, s2  }
0x8d: {  	s2 =	sadd.s32 s2, s14  }
0x8e: {  	[smem:$0x3FA7] =	sst s2  }
0x8f: {  	_ = 	snop  }
0x90: {  	s2 =	sld [smem:$0x3FD0];
	_ =	sdelay $0x2  }
0x91: {  	s15 =	simm.s32 $0xB;
	s4 =	simm.s32 $0x10  }
0x92: {  	[smem:s4], [sflag:s15] =	dma.local [hbm:s2], $0x1  }
0x93: {  	_ =	swait.eq [sflag:s15], $0x1  }
0x94: {  	[sflag:s15] =	ssyncset.done $0x0  }
0x95: {  	[sflag:s15] =	ssyncadd.s32 $0xFFFFFFFF  }
0x96: {  	s16 =	sld [smem:$0x10];
	(tm) =	ssettm $0x1  }
0x97: {  	s17 =	sld [smem:$0x3FFB];
	_ =	sdelay $0x3  }
0x98: {  	_ =	strace s17  }
0x99: {  	s3 =	sld [smem:$0x3FFC];
	_ =	sdelay $0x3  }
0x9a: {  	_ =	strace s3  }
0x9b: {  	s3 =	sld [smem:$0x3FFD];
	_ =	sdelay $0x3  }
0x9c: {  	_ =	strace s3  }
0x9d: {  	_ =	strace $0x8FFFFFFF  }
0x9e: {  	s18 =	sld [smem:$0x3FDB];
	_ =	sdelay $0x1  }
0x9f: {  	s19 =	simm.s32 $_scs_section_size  }
0xa0: {  	s5 =	simm.s32 $_size__tile_overlayer_lowered;
	s6 =	simm.s32 $_tile_overlayer_lowered  }
0xa1: {  	s22 =	simm.s32 $0x1BFF;
	s21 =	sshll.u32 s6, $0x1;
	s3 =	sadd.s32 s19, s18  }
0xa2: {  	s7 =	simm.s32 $0x0;
	s20 =	sshll.u32 s5, $0x1;
	s5 =	sadd.s32 s21, s3  }
0xa3: {  	[timem:s7], [sflag:s22] =	dma.local [hbm:s5], s20  }
0xa4: {  	_ =	swait.ge [sflag:s22], s20  }
0xa5: {  	s4 =	ssub.s32 $0x0, s20;
	[sflag:s22] =	ssyncset.done $0x0  }
0xa6: {  	[sflag:s22] =	ssyncadd.s32 s4;
	_ =	sdelay $0x1  }
0xa7: {  	s23 =	simm.s32 $0x1B8B  }
0xa8: {  	_ =	swait.ge [sflag:s23], $0x1  }
0xa9: {  	[sflag:s23] =	ssyncset.done $0x0  }
0xaa: {  	s25 =	simm.s32 $0x1B8E;
	s24 =	sld [smem:$0x3FFE];
	[sflag:s23] =	ssyncadd.s32 $0xFFFFFFFF  }
0xab: {  	s26 =	simm.s32 $execute0_lowered;
	[smem:$0x3FD2] =	sst s25  }
0xac: {  	s5 =	sshll.u32 s26, $0x1;
	_ =	strace $0x80000046;
	[dreg:$0x1] =	wrdreg $0xFFFFFFFF  }
0xad: {  	s28 =	simm.s32 $_size_execute0_lowered;
	s3 =	sadd.s32 s3, s5;
	[dreg:$0x0] =	wrdreg $0x0  }
0xae: {  	s5 =	sshll.u32 s28, $0x1;
	[dreg:$0x2] =	wrdreg s3  }
0xaf: {  	[dreg:$0x3] =	wrdreg s5  }
0xb0: {  	[dreg:$0x4] =	wrdreg $0xC0  }
0xb1: {  	_ =	task [dreg:s7], $0x5FFFF  }
0xb2: {  	[dreg:$0x1] =	wrdreg $0xFFFFFFFF  }
0xb3: {  	[dreg:$0x0] =	wrdreg $0x60  }
0xb4: {  	[dreg:$0x2] =	wrdreg s24  }
0xb5: {  	[dreg:$0x3] =	wrdreg s16  }
0xb6: {  	[dreg:$0x4] =	wrdreg $0x140000  }
0xb7: {  	[dreg:$0x5] =	wrdreg $0xA  }
0xb8: {  	_ =	task.clear_ibuf [dreg:s7], $0x6FFFF;
	_ =	strace $0x90000046  }
0xb9: {  	s29 =	simm.s32 $0xA;
	_ =	strace $0x80000048  }
0xba: {  	_ =	swait.ge [sflag:s29], $0x1  }
0xbb: {  	[sflag:s29] =	ssyncadd.s32 $0xFFFFFFFF  }
0xbc: {  	_ =	strace $0x90000048  }
0xbd: {  	_ =	sfence  }
0xbe: {  	s30 =	sld [smem:$0x0];
	_ =	sdelay $0x2  }
0xbf: {  	s31 =	sshll.u32 s1, $0xD;
	s1 =	sshrl.u32 s1, $0x2  }
0xc0: {  	s3 =	sand.u32 $0x4000, s31;
	s1 =	sadd.s32 s1, s30  }
0xc1: {  	s0 =	sor.u32 s3, s0;
	s1 =	sshll.u32 s1, $0x11  }
0xc2: {  	s0 =	sor.u32 s1, s0  }
0xc3: {  	s0 =	sadd.s32 $0x8F2B, s0  }
0xc4: {  	[sflag:s0] =	ssyncadd.remote.s32 $0x1  }
0xc5: {  	_ =	sfence.sel $0xFFFF  }
0xc6: {  	[dreg:$0x0] =	wrdreg $0xFFFFFFFF;
	(pc) =	sbr.abs _section_cstart, $3  }
0xc7: {  	[dreg:$0x1] =	wrdreg $0xFFFFFFFF  }
0xc8: {  	_ =	task.clear_ibuf [dreg:s7], $0x2FFFF;
	_ =	strace $0x9FFFFFFF  }
0xc9: {  	(tm) =	ssettm $0x7FFFFFFF  }
tec
execute0_lowered:
.L_overlay_start_1:
0x0: {  	(tag) =	ssettag $0x1  }
0x1: {  	s0 =	rddreg [dreg:$0x0]  }
0x2: {  	s1 =	srdreg.scid;
	s2 =	rddreg [dreg:$0x1]  }
0x3: {  	s3 =	rddreg [dreg:$0x2];
	s11 =	stileid.u32  }
0x4: {  	s4 =	simm.s32 $0x0;
	s15 =	simm.s32 $0x4000;
	s16 =	simm.s32 $0x9  }
0x5: {  	s28 =	simm.s32 $0x10000;
	s29 =	simm.s32 $0x2;
	s30 =	simm.s32 $0x4  }
0x6: {  	s31 =	simm.s32 $0x6;
	s1 =	sand.u32 $0x1, s1;
	[smem:$0x7FF] =	sst s4  }
0x7: {  	s9 =	sshll.u32 s11, $0xC;
	s5 =	sshll.u32 s1, $0x4;
	_ =	strace $0x80000047  }
0x8: {  	s19 =	ssub.s32 $0x2, s1;
	s1 =	sshll.u32 s1, $0x10;
	s5 =	sor.u32 s11, s5  }
0x9: {  	s10 =	sshrl.u32 s19, $0x1;
	s11 =	sshll.u32 s11, $0xF;
	s6 =	sshll.u32 s5, $0xA  }
0xa: {  	s18 =	sshll.u32 s5, $0x10;
	s5 =	sadd.s32 $0x61F000, s0;
	s20 =	ssub.s32 s19, s10  }
0xb: {  	s19 =	simm.s32 $0x8000;
	s7 =	sadd.s32 s6, s0;
	s8 =	sadd.s32 s18, s0  }
0xc: {  	s0 =	sadd.s32 s9, s0;
	s6 =	sadd.s32 s11, s3;
	s26 =	smax.u32 s20, $0x1  }
0xd: {  	s18 =	simm.s32 $0x40;
	s20 =	simm.s32 $0xC000;
	s21 =	sadd.s32 $0x2000, s6  }
0xe: {  	s22 =	sadd.s32 $0x4000, s6;
	s23 =	sadd.s32 $0x6000, s6;
	[dreg:$0xa] =	wrdreg s26  }
0xf: {  	s24 =	sadd.s32 $0xE800, s7;
	s0 =	sadd.s32 s1, s0;
	[dreg:$0x4] =	wrdreg s21  }
0x10: {  	s25 =	sadd.s32 $0x16800, s7;
	s12 =	sadd.s32 $0x1F000, s8;
	[dreg:$0x5] =	wrdreg s22  }
0x11: {  	s26 =	simm.s32 $0xE000;
	s1 =	simm.s32 $0x7;
	[dreg:$0x6] =	wrdreg s23  }
0x12: {  	s7 =	simm.s32 $0x8;
	s8 =	simm.s32 $0x0;
	[dreg:$0x7] =	wrdreg s24  }
0x13: {  	[dreg:$0x8] =	wrdreg s25;
	s0 =	sadd.s32 $0x62F000, s0;
	s21 =	simm.s32 $0x1  }
0x14: {  	s22 =	simm.s32 $0x3;
	s23 =	simm.s32 $0x5;
	s24 =	simm.s32 $0x6000  }
0x15: {  	v0 =	vimm.f32 $0.0e+00;
	s25 =	simm.s32 $0xA000;
	[dreg:$0x9] =	wrdreg s0;
	s0 =	simm.s32 $0x12000  }
.LBB2_1:
0x16: {  	s9 =	sand.u32 $0x7E00, s4  }
0x17: {  	s10 =	sand.u32 $0x70, s4;
	s11 =	sshrl.u32 s9, $0x2  }
0x18: {  	s9 =	simm.s32 $0x40;
	s11 =	sor.u32 s10, s11;
	s10 =	simm.s32 $0x0  }
.LBB2_2:
0x19: {  	p0 =	sne.s32 s9, $0x7FC0  }
0x1a: {  	[tilespmem:s11+$0x4000] =	vst v0;
	s10 =	sadd.s32 $0x10, s10;
	s11 =	smov.u32 s9;
	s9 =	sadd.s32 $0x40, s9  }
.Ltmp0:
0x1b: {  	(pc) =	sbr.rel @p0 .LBB2_2-.Ltmp0, $4  }
0x1c: {  	_ = 	snop  }
0x1d: {  	s11 =	sand.u32 $0x7E00, s11  }
0x1e: {  	s13 =	sand.u32 $0x70, s10;
	s11 =	sshrl.u32 s11, $0x2  }
0x1f: {  	s11 =	sor.u32 s13, s11  }
0x20: {  	[tilespmem:s11+$0x4000] =	vst v0  }
0x21: {  	[spmem:s6] =	stream.linear.scatter [tilespmem:s15], [sflag:$0x9], $0x2000, $0x38;
	[tilespmem:$0x1C000] =	vst v63  }
0x22: {  	_ =	swait.ge [sflag:s16], $0x2000  }
0x23: {  	[sflag:s16] =	ssyncset.done $0x0  }
0x24: {  	s9 =	rddreg [dreg:$0x4];
	[sflag:s16] =	ssyncadd.s32 $0xFFFFE000  }
0x25: {  	[spmem:s9] =	stream.linear.scatter [tilespmem:s15], [sflag:$0x9], $0x2000, $0x38;
	[tilespmem:$0x1C000] =	vst v63  }
0x26: {  	_ =	swait.ge [sflag:s16], $0x2000  }
0x27: {  	[sflag:s16] =	ssyncset.done $0x0  }
0x28: {  	s10 =	rddreg [dreg:$0x5];
	[sflag:s16] =	ssyncadd.s32 $0xFFFFE000  }
0x29: {  	[spmem:s10] =	stream.linear.scatter [tilespmem:s15], [sflag:$0x9], $0x2000, $0x38;
	[tilespmem:$0x1C000] =	vst v63  }
0x2a: {  	_ =	swait.ge [sflag:s16], $0x2000  }
0x2b: {  	[sflag:s16] =	ssyncset.done $0x0  }
0x2c: {  	s11 =	rddreg [dreg:$0x6];
	[sflag:s16] =	ssyncadd.s32 $0xFFFFE000  }
0x2d: {  	[spmem:s11] =	stream.linear.scatter [tilespmem:s15], [sflag:$0x9], $0x2000, $0x38;
	[tilespmem:$0x1C000] =	vst v63  }
0x2e: {  	_ =	swait.ge [sflag:s16], $0x2000  }
0x2f: {  	[sflag:s16] =	ssyncset.done $0x0  }
0x30: {  	s17 =	simm.s32 $0x0;
	s13 =	rddreg [dreg:$0x7];
	[sflag:s16] =	ssyncadd.s32 $0xFFFFE000  }
0x31: {  	[tilespmem:s17], [sflag:$0x9] =	stream.linear.gather [hbm4b:s13+s17], $0x2000, $0x38;
	[tilespmem:$0x1C000] =	vst v63  }
0x32: {  	_ =	swait.ge [sflag:s16], $0x2000  }
0x33: {  	[sflag:s16] =	ssyncset.done $0x0  }
0x34: {  	s10 =	simm.s32 $0x2000;
	s14 =	rddreg [dreg:$0x8];
	[sflag:s16] =	ssyncadd.s32 $0xFFFFE000  }
0x35: {  	[tilespmem:s10], [sflag:$0x9] =	stream.linear.gather [hbm4b:s14+s17], $0x2000, $0x38;
	[tilespmem:$0x1C000] =	vst v63  }
0x36: {  	_ =	swait.ge [sflag:s16], $0x2000  }
0x37: {  	[sflag:s16] =	ssyncset.done $0x0  }
0x38: {  	[sflag:s16] =	ssyncadd.s32 $0xFFFFE000  }
0x39: {  	[bflag:$0x0] =	sbarrier.arrive $0xFFFF  }
0x3a: {  	[tilespmem:s15], [sflag:$0x1] =	stream.indirect.gather [hbm4b:s2+s18], $0x80, s17, s18, $0xb8;
	[tilespmem:$0x1C000] =	vst v63  }
0x3b: {  	_ = 	snop  }
0x3c: {  	[tilespmem:s19], [sflag:$0x3] =	stream.indirect.gather [hbm4b:s5+s18], $0x80, s10, s18, $0xb8;
	[tilespmem:$0x1C000] =	vst v63  }
0x3d: {  	_ = 	snop  }
0x3e: {  	[tilespmem:s20], [sflag:$0x5] =	stream.linear.gather [hbm4b:s12+s17], $0x2000, $0x38;
	[tilespmem:$0x1C000] =	vst v63  }
.LBB2_4:
0x3f: {  	_ =	swait.ge [sflag:s21], $0x2000  }
0x40: {  	[sflag:s21] =	ssyncset.done $0x0  }
0x41: {  	[sflag:s21] =	ssyncadd.s32 $0xFFFFE000  }
0x42: {  	_ =	swait.ge [sflag:s22], $0x2000  }
0x43: {  	[sflag:s22] =	ssyncset.done $0x0  }
0x44: {  	[sflag:s22] =	ssyncadd.s32 $0xFFFFE000  }
0x45: {  	_ =	swait.ge [sflag:s23], $0x2000  }
0x46: {  	s10 =	sshllo.u32 s17, $0x1;
	[sflag:s23] =	ssyncset.done $0x0  }
0x47: {  	s9 =	sshll.u32 s10, $0x7;
	[sflag:s23] =	ssyncadd.s32 $0xFFFFE000  }
0x48: {  	[tilespmem:s24], [sflag:$0x2] =	stream.indirect.gather [hbm4b:s2+s18], $0x80, s9, s18, $0xb8;
	[tilespmem:$0x1C000] =	vst v63  }
0x49: {  	s10 =	sshll.u32 s10, $0xA;
	s11 =	sadd.s32 $0x2000, s9  }
0x4a: {  	[tilespmem:s25], [sflag:$0x4] =	stream.indirect.gather [hbm4b:s5+s18], $0x80, s11, s18, $0xb8;
	[tilespmem:$0x1C000] =	vst v63  }
0x4b: {  	p0 =	seq.s32 s17, $0x0;
	s10 =	sadd.s32 s10, s12  }
0x4c: {  	[tilespmem:s26], [sflag:$0x6] =	stream.linear.gather [hbm4b:s10+s4], $0x2000, $0x38;
	[tilespmem:$0x1C000] =	vst v63  }
0x4d: {  	s10 =	simm.s32 @!p0 $0x7  }
0x4e: {  	_ =	swait.ge @!p0 [sflag:s10], $0x2000  }
0x4f: {  	[sflag:s10] =	ssyncset.done @!p0 $0x0  }
0x50: {  	s11 =	simm.s32 $0x0;
	[sflag:s10] =	ssyncadd.s32 @!p0 $0xFFFFE000  }
0x51: {  	v1 =	vld [tilespmem:s11+$0x4070]  }
0x52: {  	v2 =	vld [tilespmem:s11+$0x8070]  }
0x53: {  	v3 =	vld [tilespmem:s11+$0x4000]  }
0x54: {  	v4 =	vld [tilespmem:s11+$0xC070]  }
0x55: {  	v5 =	vld [tilespmem:s11+$0x8000]  }
0x56: {  	v6 =	vld [tilespmem:s11+$0x4010]  }
0x57: {  	v7 =	vld [tilespmem:s11+$0x8010]  }
0x58: {  	v8 =	vld [tilespmem:s11+$0x8020]  }
0x59: {  	v10 =	vld [tilespmem:s11+$0x8030]  }
0x5a: {  	v11 =	vld [tilespmem:s11+$0x4040]  }
0x5b: {  	v12 =	vld [tilespmem:s11+$0x4050]  }
0x5c: {  	v13 =	vld [tilespmem:s11+$0x8050]  }
0x5d: {  	v14 =	vld [tilespmem:s11+$0x4060];
	v1 =	vadd.f32 v2, v1  }
0x5e: {  	v15 =	vld [tilespmem:s11+$0x8060]  }
0x5f: {  	v16 =	vld [tilespmem:s11+$0xC000];
	v1 =	vadd.f32 v4, v1  }
0x60: {  	v2 =	vld [tilespmem:s11+$0x4020]  }
0x61: {  	v4 =	vld [tilespmem:s11+$0x4030];
	v1 =	vmax.f32 v1, $0.0e+00  }
0x62: {  	[tilespmem:s11+$0x10070] =	vst v1;
	v1 =	vld [tilespmem:s11+$0x8040]  }
0x63: {  	v17 =	vld [tilespmem:s11+$0xC010]  }
0x64: {  	v18 =	vld [tilespmem:s11+$0xC020]  }
0x65: {  	v9 =	vld [tilespmem:s11+$0xC030];
	v3 =	vadd.f32 v5, v3;
	v19 =	vadd.f32 v7, v6  }
0x66: {  	v20 =	vadd.f32 v8, v2;
	v8 =	vld [tilespmem:s11+$0xC040];
	v5 =	vadd.f32 v10, v4  }
0x67: {  	v7 =	vld [tilespmem:s11+$0xC050];
	v4 =	vadd.f32 v1, v11;
	v11 =	vadd.f32 v16, v3  }
0x68: {  	s13 =	simm.s32 $0x80;
	v6 =	vld [tilespmem:s11+$0xC060];
	v10 =	vadd.f32 v17, v19;
	v3 =	vadd.f32 v13, v12  }
0x69: {  	s14 =	simm.s32 $0x400;
	s10 =	sshll.u32 s17, $0x1;
	v2 =	vld [tilespmem:s13+$0x4070];
	v1 =	vadd.f32 v15, v14;
	v12 =	vmax.f32 v11, $0.0e+00;
	v11 =	vadd.f32 v18, v20  }
.LBB2_5:
0x6a: {  	p1 =	sne.s32 s14, $0x7E00;
	v13 =	vld [tilespmem:s13+$0x8070];
	[tilespmem:s11+$0x10000] =	vst v12;
	v10 =	vmax.f32 v10, $0.0e+00;
	v5 =	vadd.f32 v9, v5  }
0x6b: {  	v9 =	vld [tilespmem:s13+$0x4000];
	[tilespmem:s11+$0x10010] =	vst v10;
	v10 =	vmax.f32 v11, $0.0e+00;
	v4 =	vadd.f32 v8, v4  }
0x6c: {  	v8 =	vld [tilespmem:s13+$0xC070];
	[tilespmem:s11+$0x10020] =	vst v10;
	v5 =	vmax.f32 v5, $0.0e+00;
	v3 =	vadd.f32 v7, v3  }
0x6d: {  	v7 =	vld [tilespmem:s13+$0x8000];
	[tilespmem:s11+$0x10030] =	vst v5;
	v4 =	vmax.f32 v4, $0.0e+00;
	v1 =	vadd.f32 v6, v1  }
0x6e: {  	v5 =	vld [tilespmem:s13+$0x4010];
	[tilespmem:s11+$0x10040] =	vst v4;
	v3 =	vmax.f32 v3, $0.0e+00  }
0x6f: {  	v4 =	vld [tilespmem:s13+$0x8010];
	v2 =	vadd.f32 v13, v2;
	[tilespmem:s11+$0x10050] =	vst v3;
	v1 =	vmax.f32 v1, $0.0e+00  }
0x70: {  	v3 =	vld [tilespmem:s13+$0x4020];
	[tilespmem:s11+$0x10060] =	vst v1;
	s11 =	smov.u32 s13  }
0x71: {  	v1 =	vld [tilespmem:s11+$0x8020];
	v2 =	vadd.f32 v8, v2  }
0x72: {  	v6 =	vadd.f32 v7, v9;
	v7 =	vld [tilespmem:s11+$0x4030]  }
0x73: {  	v8 =	vld [tilespmem:s11+$0x8030];
	v2 =	vmax.f32 v2, $0.0e+00  }
0x74: {  	v10 =	vadd.f32 v4, v5;
	v4 =	vld [tilespmem:s11+$0x4040];
	[tilespmem:s11+$0x10070] =	vst v2  }
0x75: {  	v2 =	vld [tilespmem:s11+$0x8040]  }
0x76: {  	v11 =	vadd.f32 v1, v3;
	v1 =	vld [tilespmem:s11+$0x4050]  }
0x77: {  	v3 =	vld [tilespmem:s11+$0x8050]  }
0x78: {  	v5 =	vadd.f32 v8, v7;
	v7 =	vld [tilespmem:s11+$0x4060]  }
0x79: {  	v12 =	vld [tilespmem:s11+$0x8060]  }
0x7a: {  	v13 =	vld [tilespmem:s11+$0xC000];
	v4 =	vadd.f32 v2, v4  }
0x7b: {  	v2 =	vld [tilespmem:s11+$0xC010]  }
0x7c: {  	v14 =	vld [tilespmem:s11+$0xC020];
	v3 =	vadd.f32 v3, v1  }
.Ltmp1:
0x7d: {  	v9 =	vld [tilespmem:s11+$0xC030];
	(pc) =	sbr.rel @p1 .LBB2_5-.Ltmp1, $4  }
0x7e: {  	v8 =	vld [tilespmem:s11+$0xC040];
	v1 =	vadd.f32 v12, v7  }
0x7f: {  	v12 =	vadd.f32 v13, v6;
	v7 =	vld [tilespmem:s11+$0xC050]  }
0x80: {  	s13 =	sshra.s32 s14, $0x2;
	v10 =	vadd.f32 v2, v10;
	v6 =	vld [tilespmem:s11+$0xC060]  }
0x81: {  	s14 =	sadd.s32 $0x200, s14;
	v2 =	vld [tilespmem:s13+$0x4070];
	v12 =	vmax.f32 v12, $0.0e+00;
	v11 =	vadd.f32 v14, v11  }
0x82: {  	v13 =	vld [tilespmem:s13+$0x8070];
	[tilespmem:s11+$0x10000] =	vst v12;
	v10 =	vmax.f32 v10, $0.0e+00;
	v5 =	vadd.f32 v9, v5  }
0x83: {  	v12 =	vld [tilespmem:s13+$0x4000];
	[tilespmem:s11+$0x10010] =	vst v10;
	v9 =	vmax.f32 v11, $0.0e+00;
	v4 =	vadd.f32 v8, v4  }
0x84: {  	v10 =	vld [tilespmem:s13+$0xC070];
	[tilespmem:s11+$0x10020] =	vst v9;
	v5 =	vmax.f32 v5, $0.0e+00;
	v3 =	vadd.f32 v7, v3  }
0x85: {  	v8 =	vld [tilespmem:s13+$0x8000];
	[tilespmem:s11+$0x10030] =	vst v5;
	v4 =	vmax.f32 v4, $0.0e+00;
	v1 =	vadd.f32 v6, v1  }
0x86: {  	v5 =	vld [tilespmem:s13+$0x4010];
	[tilespmem:s11+$0x10040] =	vst v4;
	v3 =	vmax.f32 v3, $0.0e+00  }
0x87: {  	v4 =	vld [tilespmem:s13+$0x8010];
	[tilespmem:s11+$0x10050] =	vst v3;
	v1 =	vmax.f32 v1, $0.0e+00  }
0x88: {  	v3 =	vld [tilespmem:s13+$0x4020];
	[tilespmem:s11+$0x10060] =	vst v1  }
0x89: {  	v1 =	vld [tilespmem:s13+$0x8020]  }
0x8a: {  	v6 =	vld [tilespmem:s13+$0x4030]  }
0x8b: {  	v2 =	vadd.f32 v13, v2;
	v7 =	vld [tilespmem:s13+$0x8030]  }
0x8c: {  	v9 =	vld [tilespmem:s13+$0x4040]  }
0x8d: {  	v2 =	vadd.f32 v10, v2;
	v10 =	vld [tilespmem:s13+$0x4050]  }
0x8e: {  	v11 =	vld [tilespmem:s13+$0x8050]  }
0x8f: {  	v13 =	vld [tilespmem:s13+$0x4060]  }
0x90: {  	v14 =	vld [tilespmem:s13+$0x8060]  }
0x91: {  	v15 =	vld [tilespmem:s13+$0xC000]  }
0x92: {  	v16 =	vld [tilespmem:s13+$0xC010]  }
0x93: {  	v17 =	vld [tilespmem:s13+$0xC020];
	v2 =	vmax.f32 v2, $0.0e+00  }
0x94: {  	[tilespmem:s13+$0x10070] =	vst v2;
	v2 =	vld [tilespmem:s13+$0x8040]  }
0x95: {  	v8 =	vadd.f32 v8, v12;
	v12 =	vld [tilespmem:s13+$0xC030]  }
0x96: {  	v4 =	vadd.f32 v4, v5;
	v5 =	vld [tilespmem:s13+$0xC040]  }
0x97: {  	v1 =	vadd.f32 v1, v3;
	v3 =	vadd.f32 v15, v8;
	v8 =	vld [tilespmem:s13+$0xC050]  }
0x98: {  	v6 =	vadd.f32 v7, v6;
	v4 =	vadd.f32 v16, v4;
	v7 =	vld [tilespmem:s13+$0xC060]  }
0x99: {  	v3 =	vmax.f32 v3, $0.0e+00;
	v1 =	vadd.f32 v17, v1;
	v2 =	vadd.f32 v2, v9  }
0x9a: {  	v9 =	vadd.f32 v11, v10;
	[tilespmem:s13+$0x10000] =	vst v3;
	v3 =	vmax.f32 v4, $0.0e+00;
	v4 =	vadd.f32 v12, v6  }
0x9b: {  	v6 =	vadd.f32 v14, v13;
	[tilespmem:s13+$0x10010] =	vst v3;
	v1 =	vmax.f32 v1, $0.0e+00;
	v2 =	vadd.f32 v5, v2  }
0x9c: {  	[tilespmem:s13+$0x10020] =	vst v1;
	v1 =	vmax.f32 v4, $0.0e+00;
	v3 =	vadd.f32 v8, v9  }
0x9d: {  	[tilespmem:s13+$0x10030] =	vst v1;
	v1 =	vmax.f32 v2, $0.0e+00;
	v2 =	vadd.f32 v7, v6  }
0x9e: {  	s14 =	sshll.u32 s17, $0x8;
	[tilespmem:s13+$0x10040] =	vst v1;
	v1 =	vmax.f32 v3, $0.0e+00  }
0x9f: {  	s11 =	sand.u32 $0x3FFFFF00, s14;
	[tilespmem:s13+$0x10050] =	vst v1;
	v1 =	vmax.f32 v2, $0.0e+00  }
0xa0: {  	s11 =	sadd.s32 $0x2000, s11;
	[tilespmem:s13+$0x10060] =	vst v1  }
0xa1: {  	[spmem:s3] =	stream.indirect.scatter.add.f32 [tilespmem:s28], [sflag:$0x7], $0x80, s11, s18, $0xb8;
	[tilespmem:$0x1C000] =	vst v63  }
0xa2: {  	_ =	swait.ge [sflag:s29], $0x2000  }
0xa3: {  	[sflag:s29] =	ssyncset.done $0x0  }
0xa4: {  	[sflag:s29] =	ssyncadd.s32 $0xFFFFE000  }
0xa5: {  	_ =	swait.ge [sflag:s30], $0x2000  }
0xa6: {  	[sflag:s30] =	ssyncset.done $0x0  }
0xa7: {  	[sflag:s30] =	ssyncadd.s32 $0xFFFFE000  }
0xa8: {  	s10 =	sadd.s32 $0x2, s10;
	_ =	swait.ge [sflag:s31], $0x2000  }
0xa9: {  	s10 =	sand.u32 $0x3E, s10;
	[sflag:s31] =	ssyncset.done $0x0  }
0xaa: {  	s14 =	sshll.u32 s10, $0x7;
	[sflag:s31] =	ssyncadd.s32 $0xFFFFE000  }
0xab: {  	[tilespmem:s15], [sflag:$0x1] =	stream.indirect.gather [hbm4b:s2+s18], $0x80, s14, s18, $0xb8;
	[tilespmem:$0x1C000] =	vst v63  }
0xac: {  	s10 =	sshll.u32 s10, $0xA;
	s11 =	sor.u32 $0x2000, s14  }
0xad: {  	[tilespmem:s19], [sflag:$0x3] =	stream.indirect.gather [hbm4b:s5+s18], $0x80, s11, s18, $0xb8;
	[tilespmem:$0x1C000] =	vst v63  }
0xae: {  	s10 =	sadd.s32 s10, s12  }
0xaf: {  	[tilespmem:s20], [sflag:$0x5] =	stream.linear.gather [hbm4b:s10+s4], $0x2000, $0x38;
	[tilespmem:$0x1C000] =	vst v63  }
0xb0: {  	s10 =	simm.s32 @!p0 $0x8  }
0xb1: {  	_ =	swait.ge @!p0 [sflag:s10], $0x2000  }
0xb2: {  	[sflag:s10] =	ssyncset.done @!p0 $0x0  }
0xb3: {  	[sflag:s10] =	ssyncadd.s32 @!p0 $0xFFFFE000;
	s10 =	simm.s32 $0x0  }
0xb4: {  	v1 =	vld [tilespmem:s10+$0x6070]  }
0xb5: {  	v2 =	vld [tilespmem:s10+$0xA070]  }
0xb6: {  	v3 =	vld [tilespmem:s10+$0x6000]  }
0xb7: {  	v4 =	vld [tilespmem:s10+$0xE070]  }
0xb8: {  	v5 =	vld [tilespmem:s10+$0xA000]  }
0xb9: {  	v6 =	vld [tilespmem:s10+$0x6010]  }
0xba: {  	v7 =	vld [tilespmem:s10+$0xA010]  }
0xbb: {  	v8 =	vld [tilespmem:s10+$0xA020]  }
0xbc: {  	v10 =	vld [tilespmem:s10+$0xA030]  }
0xbd: {  	v11 =	vld [tilespmem:s10+$0x6040]  }
0xbe: {  	v12 =	vld [tilespmem:s10+$0x6050]  }
0xbf: {  	v13 =	vld [tilespmem:s10+$0xA050]  }
0xc0: {  	v14 =	vld [tilespmem:s10+$0x6060];
	v1 =	vadd.f32 v2, v1  }
0xc1: {  	v15 =	vld [tilespmem:s10+$0xA060]  }
0xc2: {  	v62 =	vld [tilespmem:s10+$0xE000];
	v1 =	vadd.f32 v4, v1  }
0xc3: {  	v2 =	vld [tilespmem:s10+$0x6020]  }
0xc4: {  	v4 =	vld [tilespmem:s10+$0x6030];
	v1 =	vmax.f32 v1, $0.0e+00  }
0xc5: {  	[tilespmem:s10+$0x12070] =	vst v1;
	v1 =	vld [tilespmem:s10+$0xA040]  }
0xc6: {  	v63 =	vld [tilespmem:s10+$0xE010]  }
0xc7: {  	v18 =	vld [tilespmem:s10+$0xE020]  }
0xc8: {  	v9 =	vld [tilespmem:s10+$0xE030];
	v3 =	vadd.f32 v5, v3;
	v19 =	vadd.f32 v7, v6  }
0xc9: {  	v20 =	vadd.f32 v8, v2;
	v8 =	vld [tilespmem:s10+$0xE040];
	v5 =	vadd.f32 v10, v4  }
0xca: {  	v7 =	vld [tilespmem:s10+$0xE050];
	v4 =	vadd.f32 v1, v11;
	v11 =	vadd.f32 v62, v3  }
0xcb: {  	s11 =	simm.s32 $0x80;
	v6 =	vld [tilespmem:s10+$0xE060];
	v10 =	vadd.f32 v63, v19;
	v3 =	vadd.f32 v13, v12  }
0xcc: {  	s13 =	simm.s32 $0x400;
	v2 =	vld [tilespmem:s11+$0x6070];
	v1 =	vadd.f32 v15, v14;
	v12 =	vmax.f32 v11, $0.0e+00;
	v11 =	vadd.f32 v18, v20  }
.LBB2_7:
0xcd: {  	p0 =	sne.s32 s13, $0x7E00;
	v13 =	vld [tilespmem:s11+$0xA070];
	[tilespmem:s10+$0x12000] =	vst v12;
	v10 =	vmax.f32 v10, $0.0e+00;
	v5 =	vadd.f32 v9, v5  }
0xce: {  	v9 =	vld [tilespmem:s11+$0x6000];
	[tilespmem:s10+$0x12010] =	vst v10;
	v10 =	vmax.f32 v11, $0.0e+00;
	v4 =	vadd.f32 v8, v4  }
0xcf: {  	v8 =	vld [tilespmem:s11+$0xE070];
	[tilespmem:s10+$0x12020] =	vst v10;
	v5 =	vmax.f32 v5, $0.0e+00;
	v3 =	vadd.f32 v7, v3  }
0xd0: {  	v7 =	vld [tilespmem:s11+$0xA000];
	[tilespmem:s10+$0x12030] =	vst v5;
	v4 =	vmax.f32 v4, $0.0e+00;
	v1 =	vadd.f32 v6, v1  }
0xd1: {  	v5 =	vld [tilespmem:s11+$0x6010];
	[tilespmem:s10+$0x12040] =	vst v4;
	v3 =	vmax.f32 v3, $0.0e+00  }
0xd2: {  	v4 =	vld [tilespmem:s11+$0xA010];
	v2 =	vadd.f32 v13, v2;
	[tilespmem:s10+$0x12050] =	vst v3;
	v1 =	vmax.f32 v1, $0.0e+00  }
0xd3: {  	v3 =	vld [tilespmem:s11+$0x6020];
	[tilespmem:s10+$0x12060] =	vst v1;
	s10 =	smov.u32 s11  }
0xd4: {  	v1 =	vld [tilespmem:s10+$0xA020];
	v2 =	vadd.f32 v8, v2  }
0xd5: {  	v6 =	vadd.f32 v7, v9;
	v7 =	vld [tilespmem:s10+$0x6030]  }
0xd6: {  	v8 =	vld [tilespmem:s10+$0xA030];
	v2 =	vmax.f32 v2, $0.0e+00  }
0xd7: {  	v10 =	vadd.f32 v4, v5;
	v4 =	vld [tilespmem:s10+$0x6040];
	[tilespmem:s10+$0x12070] =	vst v2  }
0xd8: {  	v2 =	vld [tilespmem:s10+$0xA040]  }
0xd9: {  	v11 =	vadd.f32 v1, v3;
	v1 =	vld [tilespmem:s10+$0x6050]  }
0xda: {  	v3 =	vld [tilespmem:s10+$0xA050]  }
0xdb: {  	v5 =	vadd.f32 v8, v7;
	v7 =	vld [tilespmem:s10+$0x6060]  }
0xdc: {  	v12 =	vld [tilespmem:s10+$0xA060]  }
0xdd: {  	v13 =	vld [tilespmem:s10+$0xE000];
	v4 =	vadd.f32 v2, v4  }
0xde: {  	v2 =	vld [tilespmem:s10+$0xE010]  }
0xdf: {  	v14 =	vld [tilespmem:s10+$0xE020];
	v3 =	vadd.f32 v3, v1  }
.Ltmp2:
0xe0: {  	v9 =	vld [tilespmem:s10+$0xE030];
	(pc) =	sbr.rel @p0 .LBB2_7-.Ltmp2, $4  }
0xe1: {  	v8 =	vld [tilespmem:s10+$0xE040];
	v1 =	vadd.f32 v12, v7  }
0xe2: {  	v12 =	vadd.f32 v13, v6;
	v7 =	vld [tilespmem:s10+$0xE050]  }
0xe3: {  	s11 =	sshra.s32 s13, $0x2;
	v10 =	vadd.f32 v2, v10;
	v6 =	vld [tilespmem:s10+$0xE060]  }
0xe4: {  	s13 =	sadd.s32 $0x200, s13;
	v2 =	vld [tilespmem:s11+$0x6070];
	v12 =	vmax.f32 v12, $0.0e+00;
	v11 =	vadd.f32 v14, v11  }
0xe5: {  	v13 =	vld [tilespmem:s11+$0xA070];
	[tilespmem:s10+$0x12000] =	vst v12;
	v10 =	vmax.f32 v10, $0.0e+00;
	v5 =	vadd.f32 v9, v5  }
0xe6: {  	v12 =	vld [tilespmem:s11+$0x6000];
	[tilespmem:s10+$0x12010] =	vst v10;
	v50 =	vmax.f32 v11, $0.0e+00;
	v4 =	vadd.f32 v8, v4  }
0xe7: {  	v10 =	vld [tilespmem:s11+$0xE070];
	[tilespmem:s10+$0x12020] =	vst v50;
	v5 =	vmax.f32 v5, $0.0e+00;
	v3 =	vadd.f32 v7, v3  }
0xe8: {  	v51 =	vld [tilespmem:s11+$0xA000];
	[tilespmem:s10+$0x12030] =	vst v5;
	v4 =	vmax.f32 v4, $0.0e+00;
	v1 =	vadd.f32 v6, v1  }
0xe9: {  	v5 =	vld [tilespmem:s11+$0x6010];
	[tilespmem:s10+$0x12040] =	vst v4;
	v3 =	vmax.f32 v3, $0.0e+00  }
0xea: {  	v4 =	vld [tilespmem:s11+$0xA010];
	[tilespmem:s10+$0x12050] =	vst v3;
	v1 =	vmax.f32 v1, $0.0e+00  }
0xeb: {  	v3 =	vld [tilespmem:s11+$0x6020];
	[tilespmem:s10+$0x12060] =	vst v1  }
0xec: {  	v1 =	vld [tilespmem:s11+$0xA020]  }
0xed: {  	v52 =	vld [tilespmem:s11+$0x6030]  }
0xee: {  	v53 =	vld [tilespmem:s11+$0xA030]  }
0xef: {  	v9 =	vld [tilespmem:s11+$0x6040]  }
0xf0: {  	v54 =	vld [tilespmem:s11+$0x6050]  }
0xf1: {  	v55 =	vld [tilespmem:s11+$0xA050]  }
0xf2: {  	v2 =	vadd.f32 v13, v2;
	v56 =	vld [tilespmem:s11+$0x6060]  }
0xf3: {  	v14 =	vld [tilespmem:s11+$0xA060]  }
0xf4: {  	v2 =	vadd.f32 v10, v2;
	v15 =	vld [tilespmem:s11+$0xE000]  }
0xf5: {  	v16 =	vld [tilespmem:s11+$0xE010]  }
0xf6: {  	v17 =	vld [tilespmem:s11+$0xE020];
	v2 =	vmax.f32 v2, $0.0e+00  }
0xf7: {  	[tilespmem:s11+$0x12070] =	vst v2;
	v2 =	vld [tilespmem:s11+$0xA040]  }
0xf8: {  	v57 =	vld [tilespmem:s11+$0xE030];
	v8 =	vadd.f32 v51, v12  }
0xf9: {  	v58 =	vld [tilespmem:s11+$0xE040];
	v4 =	vadd.f32 v4, v5  }
0xfa: {  	v59 =	vld [tilespmem:s11+$0xE050];
	v1 =	vadd.f32 v1, v3;
	v3 =	vadd.f32 v15, v8  }
0xfb: {  	v60 =	vld [tilespmem:s11+$0xE060];
	v6 =	vadd.f32 v53, v52;
	v4 =	vadd.f32 v16, v4  }
0xfc: {  	v1 =	vadd.f32 v17, v1;
	v3 =	vmax.f32 v3, $0.0e+00;
	v2 =	vadd.f32 v2, v9  }
0xfd: {  	v61 =	vadd.f32 v55, v54;
	v62 =	vadd.f32 v57, v6;
	[tilespmem:s11+$0x12000] =	vst v3;
	v3 =	vmax.f32 v4, $0.0e+00  }
0xfe: {  	s17 =	sadd.s32 $0x1, s17;
	v63 =	vadd.f32 v14, v56;
	[tilespmem:s11+$0x12010] =	vst v3;
	v1 =	vmax.f32 v1, $0.0e+00;
	v2 =	vadd.f32 v58, v2  }
0xff: {  	p0 =	sne.s32 s17, $0x20;
	v3 =	vadd.f32 v59, v61;
	[tilespmem:s11+$0x12020] =	vst v1;
	v1 =	vmax.f32 v62, $0.0e+00  }
.Ltmp3:
0x100: {  	[tilespmem:s11+$0x12030] =	vst v1;
	v1 =	vmax.f32 v2, $0.0e+00;
	v2 =	vadd.f32 v60, v63;
	(pc) =	sbr.rel @p0 .LBB2_4-.Ltmp3, $4  }
0x101: {  	[tilespmem:s11+$0x12040] =	vst v1;
	v1 =	vmax.f32 v3, $0.0e+00  }
0x102: {  	s9 =	sand.u32 $0x3FFFFF80, s9;
	[tilespmem:s11+$0x12050] =	vst v1;
	v1 =	vmax.f32 v2, $0.0e+00  }
0x103: {  	s9 =	sadd.s32 $0x2000, s9;
	[tilespmem:s11+$0x12060] =	vst v1  }
0x104: {  	[spmem:s3] =	stream.indirect.scatter.add.f32 [tilespmem:s0], [sflag:$0x8], $0x80, s9, s18, $0xb8;
	[tilespmem:$0x1C000] =	vst v63  }
0x105: {  	_ =	swait.ge [sflag:s21], $0x2000  }
0x106: {  	[sflag:s21] =	ssyncset.done $0x0  }
0x107: {  	[sflag:s21] =	ssyncadd.s32 $0xFFFFE000  }
0x108: {  	_ =	swait.ge [sflag:s22], $0x2000  }
0x109: {  	[sflag:s22] =	ssyncset.done $0x0  }
0x10a: {  	[sflag:s22] =	ssyncadd.s32 $0xFFFFE000  }
0x10b: {  	_ =	swait.ge [sflag:s23], $0x2000  }
0x10c: {  	[sflag:s23] =	ssyncset.done $0x0  }
0x10d: {  	[sflag:s23] =	ssyncadd.s32 $0xFFFFE000  }
0x10e: {  	_ =	swait.ge [sflag:s1], $0x2000  }
0x10f: {  	[sflag:s1] =	ssyncset.done $0x0  }
0x110: {  	[sflag:s1] =	ssyncadd.s32 $0xFFFFE000  }
0x111: {  	_ =	swait.ge [sflag:s7], $0x2000  }
0x112: {  	[sflag:s7] =	ssyncset.done $0x0  }
0x113: {  	s9 =	stileid.u32;
	[sflag:s7] =	ssyncadd.s32 $0xFFFFE000  }
0x114: {  	s9 =	sshll.u32 s9, $0x6;
	[bflag:$0x0] =	sbarrier.arrive $0xFFFF  }
0x115: {  	s10 =	sshrl.u32 s6, $0x3;
	s9 =	sor.u32 $0x1C09, s9;
	s11 =	rddreg [dreg:$0x9]  }
0x116: {  	[hbm:s11], [sflag:s9] =	dma.local [spmem:s10], $0x1000  }
0x117: {  	_ =	swait.ge [sflag:s16], $0x1000  }
0x118: {  	s8 =	sadd.s32 $0x1, s8;
	s17 =	rddreg [dreg:$0xa]  }
0x119: {  	p0 =	sne.s32 s8, s17  }
.Ltmp4:
0x11a: {  	_ = 	snop;
	(pc) =	sbr.rel @p0 .LBB2_1-.Ltmp4, $3  }
0x11b: {  	_ =	sdelay $0x1  }
0x11c: {  	[sflag:s16] =	ssyncset.done $0x0  }
0x11d: {  	[sflag:s16] =	ssyncadd.s32 $0xFFFFF000  }
0x11e: {  	_ =	sfence.sel $0x180000  }
0x11f: {  	[bflag:$0x0] =	sbarrier.arrive $0xFFFF  }
0x120: {  	_ =	strace $0x90000047  }
0x121: {  	s0 =	stileid.u32;
	[bflag:$0x2] =	sbarrier.arrive $0xFFFF  }
0x122: {  	p0 =	sne.s32 s0, $0x0;
	s0 =	rddreg [dreg:$0x3]  }
0x123: {  	s0 =	sadd.s32 @!p0 $0x100000, s0  }
0x124: {  	[sflag:s0] =	ssyncadd.tile.s32 @!p0 $0x1;
	_ =	shalt  }
.Lfunc_end2:
_tile_overlayer_lowered:
.L_overlay_start_2:
0x125: {  	(tag) =	ssettag $0x2  }
0x126: {  	s0 =	rddreg [dreg:$0x0];
	s2 =	stileid.u32  }
0x127: {  	s1 =	rddreg [dreg:$0x1];
	p0 =	sne.s32 s2, $0x0  }
0x128: {  	s3 =	rddreg [dreg:$0x2];
	[bflag:$0x3] =	sbarrier.arrive $0xFFFF;
	s2 =	simm.s32 @!p0 $0x1C09  }
0x129: {  	[timem:s3], [sflag:s2] =	dma.local @!p0 [hbm:s0], s1  }
0x12a: {  	s0 =	simm.s32 @!p0 $0x9  }
0x12b: {  	_ =	swait.ge @!p0 [sflag:s0], s1  }
0x12c: {  	s1 =	ssub.s32 @!p0 $0x0, s1;
	[sflag:s0] =	ssyncset.done @!p0 $0x0  }
0x12d: {  	[sflag:s0] =	ssyncadd.s32 @!p0 s1  }
0x12e: {  	[bflag:$0x3] =	sbarrier.arrive $0xFFFF  }
0x12f: {  	_ =	shalt  }

// kernel: kernel.19.cloned.1.call-start
scs
__scs_entry_jumppad:
0x0: {  	(pc) =	sbr.rel $0x88, $3  }
0x1: {  	(tag) =	ssettag $0x0;
	lr =	simm.s32 $0x1  }
0x2: {  	[smem:$0x3F80] =	sst lr;
	_ =	strace $0xD0000000  }
0x3: {  	_ = 	snop  }
0x4: {  	_ = 	snop  }
0x5: {  	_ = 	snop  }
0x6: {  	_ = 	snop  }
0x7: {  	_ = 	snop  }
__scs_overlays_trampoline_lowered:
0x8: {  	[smem:$0x3F8F] =	sst s0  }
0x9: {  	[smem:$0x3F90] =	sst s1  }
0xa: {  	[smem:$0x3F91] =	sst s2  }
0xb: {  	[smem:$0x3F92] =	sst s3  }
0xc: {  	[smem:$0x3F93] =	sst s4  }
0xd: {  	[smem:$0x3F94] =	sst s5  }
0xe: {  	[smem:$0x3F95] =	sst s6  }
0xf: {  	[smem:$0x3F96] =	sst s7  }
0x10: {  	[smem:$0x3F97] =	sst s8  }
0x11: {  	[smem:$0x3F98] =	sst s9;
	s0 =	simm.s32 @!p0 $0x0  }
0x12: {  	s1 =	sld [smem:$0x3F7E];
	s0 =	simm.s32 @p0 $0x1  }
0x13: {  	[smem:$0x3F99] =	sst s0;
	s0 =	simm.s32 @!p1 $0x0  }
0x14: {  	s2 =	sld [smem:$0x3F7D];
	s0 =	simm.s32 @p1 $0x1  }
0x15: {  	[smem:$0x3F9A] =	sst s0;
	s0 =	simm.s32 @!p2 $0x0  }
0x16: {  	s3 =	sld [smem:$0x3FDB];
	s0 =	simm.s32 @p2 $0x1  }
0x17: {  	s4 =	simm.s32 $0x1BF5;
	[smem:$0x3F9C] =	sst s0  }
0x18: {  	s0 =	sld [smem:$0x3F7F];
	_ =	swait.ge [sflag:s4], $0x0  }
0x19: {  	s7 =	sld [smem:$0x3F80]  }
0x1a: {  	s8 =	sadd.s32 $0xFFFFE003, lr  }
0x1b: {  	s9 =	sadd.s32 $0xFFFFFEF7, lr;
	s5 =	simm.s32 $0xFFFFFFFF;
	p2 =	slt.u32 s8, $0xFFFFF086  }
0x1c: {  	p1 =	slt.u32 s9, $0xF7A;
	s5 =	simm.s32 @!p2 $0x0  }
0x1d: {  	s5 =	simm.s32 @p1 $0x1;
	p0 =	seq.s32 s7, s2  }
0x1e: {  	s7 =	smul.u32 @!p0 $0xF7A, s2;
	p2 =	seq.s32 @!p0 s5, $0x0  }
0x1f: {  	s9 =	smul.u32 $0xF7A, s1;
	s8 =	simm.s32 @!p0 $0x1BF5;
	p2 =	por !p2, p0  }
0x20: {  	[sflag:s8] =	ssyncset.s32 @!p0 $0xFFFFF086;
	s6 =	sadd.s32 @!p0 s3, s7;
	s7 =	simm.s32 @!p0 $0x108  }
0x21: {  	s3 =	sadd.s32 s3, s9;
	s6 =	sadd.s32 @!p0 $0x88, s6;
	s7 =	simm.s32 @p2 $0x1082  }
0x22: {  	[simem:s7], [sflag:s8] =	dma.local @!p0 [hbm:s6], $0xF7A  }
0x23: {  	s9 =	sor.u32 $0xD0000000, s2;
	s6 =	simm.s32 $0x108;
	_ =	swait.ge @!p0 [sflag:s8], $0x0  }
0x24: {  	s3 =	sadd.s32 $0x88, s3;
	s6 =	simm.s32 @!p1 $0x1082;
	[sflag:s4] =	ssyncset.s32 $0xFFFFF086  }
0x25: {  	[simem:s6], [sflag:s4] =	dma.local [hbm:s3], $0xF7A  }
0x26: {  	[smem:$0x3F80] =	sst s1;
	(tag) =	ssettag s2;
	_ =	strace s9  }
0x27: {  	s1 =	sld [smem:$0x3F90]  }
0x28: {  	s2 =	sld [smem:$0x3F91]  }
0x29: {  	s4 =	sld [smem:$0x3F93]  }
0x2a: {  	p0 =	seq.s32 s5, $0x0;
	s5 =	sld [smem:$0x3F94]  }
0x2b: {  	s6 =	sld [smem:$0x3F95]  }
0x2c: {  	s7 =	sld [smem:$0x3F96]  }
0x2d: {  	s3 =	simm.s32 $0x108;
	s8 =	sld [smem:$0x3F97]  }
0x2e: {  	s3 =	simm.s32 @!p0 $0x1082;
	s9 =	sld [smem:$0x3F98]  }
0x2f: {  	lr =	sadd.s32 s0, s3;
	s0 =	sld [smem:$0x3F8F]  }
0x30: {  	s3 =	sld [smem:$0x3F92]  }
0x31: {  	[smem:$0x3F9B] =	sst s10  }
0x32: {  	s10 =	sld [smem:$0x3F99];
	_ =	sdelay $0x3  }
0x33: {  	p0 =	seq.s32 s10, $0x1;
	s10 =	sld [smem:$0x3F9B];
	_ =	sdelay $0x3  }
0x34: {  	[smem:$0x3F9B] =	sst s10  }
0x35: {  	s10 =	sld [smem:$0x3F9A];
	_ =	sdelay $0x3  }
0x36: {  	p1 =	seq.s32 s10, $0x1;
	s10 =	sld [smem:$0x3F9B];
	_ =	sdelay $0x3  }
0x37: {  	[smem:$0x3F9B] =	sst s10  }
0x38: {  	s10 =	sld [smem:$0x3F9C]  }
0x39: {  	_ = 	snop;
	(pc) =	sbr.ind lr, $3  }
0x3a: {  	_ = 	snop  }
0x3b: {  	_ = 	snop  }
0x3c: {  	p2 =	seq.s32 s10, $0x1;
	s10 =	sld [smem:$0x3F9B]  }
0x3d: {  	_ =	shalt  }
0x3e: {  	_ =	shalt  }
0x3f: {  	_ =	shalt  }
0x40: {  	_ =	shalt  }
0x41: {  	_ =	shalt  }
0x42: {  	_ =	shalt  }
0x43: {  	_ =	shalt  }
0x44: {  	_ =	shalt  }
0x45: {  	_ =	shalt  }
0x46: {  	_ =	shalt  }
0x47: {  	_ =	shalt  }
0x48: {  	_ =	shalt  }
0x49: {  	_ =	shalt  }
0x4a: {  	_ =	shalt  }
0x4b: {  	_ =	shalt  }
0x4c: {  	_ =	shalt  }
0x4d: {  	_ =	shalt  }
0x4e: {  	_ =	shalt  }
0x4f: {  	_ =	shalt  }
0x50: {  	_ =	shalt  }
0x51: {  	_ =	shalt  }
0x52: {  	_ =	shalt  }
0x53: {  	_ =	shalt  }
0x54: {  	_ =	shalt  }
0x55: {  	_ =	shalt  }
0x56: {  	_ =	shalt  }
0x57: {  	_ =	shalt  }
0x58: {  	_ =	shalt  }
0x59: {  	_ =	shalt  }
0x5a: {  	_ =	shalt  }
0x5b: {  	_ =	shalt  }
0x5c: {  	_ =	shalt  }
0x5d: {  	_ =	shalt  }
0x5e: {  	_ =	shalt  }
0x5f: {  	_ =	shalt  }
0x60: {  	_ =	shalt  }
0x61: {  	_ =	shalt  }
0x62: {  	_ =	shalt  }
0x63: {  	_ =	shalt  }
0x64: {  	_ =	shalt  }
0x65: {  	_ =	shalt  }
0x66: {  	_ =	shalt  }
0x67: {  	_ =	shalt  }
0x68: {  	_ =	shalt  }
0x69: {  	_ =	shalt  }
0x6a: {  	_ =	shalt  }
0x6b: {  	_ =	shalt  }
0x6c: {  	_ =	shalt  }
0x6d: {  	_ =	shalt  }
0x6e: {  	_ =	shalt  }
0x6f: {  	_ =	shalt  }
0x70: {  	_ =	shalt  }
0x71: {  	_ =	shalt  }
0x72: {  	_ =	shalt  }
0x73: {  	_ =	shalt  }
0x74: {  	_ =	shalt  }
0x75: {  	_ =	shalt  }
0x76: {  	_ =	shalt  }
0x77: {  	_ =	shalt  }
0x78: {  	_ =	shalt  }
0x79: {  	_ =	shalt  }
0x7a: {  	_ =	shalt  }
0x7b: {  	_ =	shalt  }
0x7c: {  	_ =	shalt  }
0x7d: {  	_ =	shalt  }
0x7e: {  	_ =	shalt  }
0x7f: {  	_ =	shalt  }
0x80: {  	_ =	shalt  }
0x81: {  	_ =	shalt  }
0x82: {  	_ =	shalt  }
0x83: {  	_ =	shalt  }
0x84: {  	_ =	shalt  }
0x85: {  	_ =	shalt  }
0x86: {  	_ =	shalt  }
0x87: {  	_ =	shalt  }
.Lfunc_end0:
.L_simem_size_0:
called_computation.2_lowered:
.L_overlay_start_0:
0x88: {  	s2 =	sld [smem:$0x3FD9]  }
0x89: {  	s3 =	sld [smem:$0x3FFE];
	_ =	sdelay $0x1  }
0x8a: {  	s1 =	srdreg.scid  }
0x8b: {  	s0 =	sand.u32 $0x1, s1  }
0x8c: {  	s14 =	sshll.u32 s0, $0xA;
	s2 =	sadd.s32 s3, s2  }
0x8d: {  	s2 =	sadd.s32 s2, s14  }
0x8e: {  	[smem:$0x3FA7] =	sst s2  }
0x8f: {  	_ = 	snop  }
0x90: {  	s2 =	sld [smem:$0x3FD0];
	_ =	sdelay $0x2  }
0x91: {  	s15 =	simm.s32 $0xB;
	s4 =	simm.s32 $0x10  }
0x92: {  	[smem:s4], [sflag:s15] =	dma.local [hbm:s2], $0x1  }
0x93: {  	_ =	swait.eq [sflag:s15], $0x1  }
0x94: {  	[sflag:s15] =	ssyncset.done $0x0  }
0x95: {  	s16 =	sld [smem:$0x10];
	[sflag:s15] =	ssyncadd.s32 $0xFFFFFFFF  }
0x96: {  	s17 =	sld [smem:$0x14];
	(tm) =	ssettm $0x1  }
0x97: {  	s18 =	sld [smem:$0x3FFB];
	_ =	sdelay $0x3  }
0x98: {  	_ =	strace s18  }
0x99: {  	s4 =	sld [smem:$0x3FFC];
	_ =	sdelay $0x3  }
0x9a: {  	_ =	strace s4  }
0x9b: {  	s4 =	sld [smem:$0x3FFD];
	_ =	sdelay $0x3  }
0x9c: {  	_ =	strace s4  }
0x9d: {  	_ =	strace $0x8FFFFFFF  }
0x9e: {  	s19 =	sld [smem:$0x3FDB];
	_ =	sdelay $0x1  }
0x9f: {  	s5 =	simm.s32 $_scs_section_size  }
0xa0: {  	s6 =	simm.s32 $_size__tile_overlayer_lowered;
	s7 =	simm.s32 $_tile_overlayer_lowered  }
0xa1: {  	s22 =	simm.s32 $0x1BFF;
	s21 =	sshll.u32 s7, $0x1;
	s4 =	sadd.s32 s5, s19  }
0xa2: {  	s8 =	simm.s32 $0x0;
	s20 =	sshll.u32 s6, $0x1;
	s6 =	sadd.s32 s21, s4  }
0xa3: {  	[timem:s8], [sflag:s22] =	dma.local [hbm:s6], s20  }
0xa4: {  	_ =	swait.ge [sflag:s22], s20  }
0xa5: {  	s5 =	ssub.s32 $0x0, s20;
	[sflag:s22] =	ssyncset.done $0x0  }
0xa6: {  	[sflag:s22] =	ssyncadd.s32 s5;
	_ =	sdelay $0x1  }
0xa7: {  	s23 =	simm.s32 $0x1B8B  }
0xa8: {  	_ =	swait.ge [sflag:s23], $0x1  }
0xa9: {  	[sflag:s23] =	ssyncset.done $0x0  }
0xaa: {  	s25 =	simm.s32 $0x1B8E;
	s24 =	sld [smem:$0x3FFE];
	[sflag:s23] =	ssyncadd.s32 $0xFFFFFFFF  }
0xab: {  	s26 =	simm.s32 $execute0_lowered;
	[smem:$0x3FD2] =	sst s25  }
0xac: {  	s6 =	sshll.u32 s26, $0x1;
	_ =	strace $0x8000004C;
	[dreg:$0x1] =	wrdreg $0xFFFFFFFF  }
0xad: {  	s28 =	simm.s32 $_size_execute0_lowered;
	s4 =	sadd.s32 s4, s6;
	[dreg:$0x0] =	wrdreg $0x0  }
0xae: {  	s6 =	sshll.u32 s28, $0x1;
	[dreg:$0x2] =	wrdreg s4  }
0xaf: {  	[dreg:$0x3] =	wrdreg s6  }
0xb0: {  	[dreg:$0x4] =	wrdreg $0xC0  }
0xb1: {  	_ =	task [dreg:s8], $0x5FFFF  }
0xb2: {  	[dreg:$0x1] =	wrdreg $0xFFFFFFFF  }
0xb3: {  	[dreg:$0x0] =	wrdreg $0x60  }
0xb4: {  	[dreg:$0x2] =	wrdreg s24  }
0xb5: {  	[dreg:$0x3] =	wrdreg s16  }
0xb6: {  	[dreg:$0x4] =	wrdreg s17  }
0xb7: {  	[dreg:$0x5] =	wrdreg $0x140000  }
0xb8: {  	[dreg:$0x6] =	wrdreg $0x9  }
0xb9: {  	_ =	task.clear_ibuf [dreg:s8], $0x7FFFF;
	_ =	strace $0x9000004C  }
0xba: {  	s29 =	simm.s32 $0x9;
	_ =	strace $0x8000004E  }
0xbb: {  	_ =	swait.ge [sflag:s29], $0x1  }
0xbc: {  	[sflag:s29] =	ssyncadd.s32 $0xFFFFFFFF  }
0xbd: {  	_ =	strace $0x9000004E  }
0xbe: {  	_ =	sfence  }
0xbf: {  	s30 =	sld [smem:$0x0];
	_ =	sdelay $0x2  }
0xc0: {  	s31 =	sshll.u32 s1, $0xD;
	s1 =	sshrl.u32 s1, $0x2  }
0xc1: {  	s3 =	sand.u32 $0x4000, s31;
	s1 =	sadd.s32 s1, s30  }
0xc2: {  	s0 =	sor.u32 s3, s0;
	s1 =	sshll.u32 s1, $0x11  }
0xc3: {  	s0 =	sor.u32 s1, s0  }
0xc4: {  	s0 =	sadd.s32 $0x8F2B, s0  }
0xc5: {  	[sflag:s0] =	ssyncadd.remote.s32 $0x1  }
0xc6: {  	_ =	sfence.sel $0xFFFF  }
0xc7: {  	[dreg:$0x0] =	wrdreg $0xFFFFFFFF;
	(pc) =	sbr.abs _section_cstart, $3  }
0xc8: {  	[dreg:$0x1] =	wrdreg $0xFFFFFFFF  }
0xc9: {  	_ =	task.clear_ibuf [dreg:s8], $0x2FFFF;
	_ =	strace $0x9FFFFFFF  }
0xca: {  	(tm) =	ssettm $0x7FFFFFFF  }
0xcb: {  	_ =	shalt  }
tec
execute0_lowered:
.L_overlay_start_1:
0x0: {  	(tag) =	ssettag $0x1  }
0x1: {  	s1 =	rddreg [dreg:$0x0]  }
0x2: {  	s0 =	rddreg [dreg:$0x1]  }
0x3: {  	s7 =	rddreg [dreg:$0x2]  }
0x4: {  	s2 =	srdreg.scid;
	s3 =	rddreg [dreg:$0x3]  }
0x5: {  	s13 =	stileid.u32;
	s4 =	simm.s32 $0x0;
	s15 =	simm.s32 $0x4000  }
0x6: {  	s16 =	simm.s32 $0x9;
	s18 =	simm.s32 $0x40;
	s19 =	simm.s32 $0x8000  }
0x7: {  	s20 =	simm.s32 $0xC000;
	s28 =	simm.s32 $0x10000;
	s29 =	simm.s32 $0x2  }
0x8: {  	s30 =	simm.s32 $0x4;
	s31 =	simm.s32 $0x6;
	s2 =	sand.u32 $0x1, s2  }
0x9: {  	[smem:$0x7FF] =	sst s4;
	s10 =	sshll.u32 s13, $0xF;
	s23 =	sshll.u32 s13, $0xC  }
0xa: {  	s5 =	sshll.u32 s2, $0x4;
	_ =	strace $0x8000004D;
	s9 =	ssub.s32 $0x2, s2  }
0xb: {  	s2 =	sshll.u32 s2, $0x10;
	s7 =	sadd.s32 s7, s23;
	s23 =	simm.s32 $0x5  }
0xc: {  	s6 =	sor.u32 s13, s5;
	s12 =	sshrl.u32 s9, $0x1;
	s25 =	sadd.s32 s2, s7  }
0xd: {  	s2 =	simm.s32 $0x7;
	s7 =	simm.s32 $0x8;
	s5 =	sshll.u32 s6, $0xA  }
0xe: {  	s11 =	sshll.u32 s6, $0x10;
	s6 =	sadd.s32 s10, s3;
	s9 =	ssub.s32 s9, s12  }
0xf: {  	[dreg:$0xa] =	wrdreg s25;
	s25 =	simm.s32 $0xA000;
	s10 =	sadd.s32 $0x2000, s6  }
0x10: {  	s8 =	sadd.s32 s5, s1;
	s21 =	sadd.s32 $0x4000, s6;
	[dreg:$0x5] =	wrdreg s10  }
0x11: {  	s5 =	sadd.s32 $0x1F000, s1;
	s22 =	sadd.s32 $0x6000, s6;
	[dreg:$0x6] =	wrdreg s21  }
0x12: {  	s1 =	sadd.s32 s11, s1;
	s26 =	smax.u32 s9, $0x1;
	[dreg:$0x7] =	wrdreg s22  }
0x13: {  	s24 =	sadd.s32 $0xE800, s8;
	s8 =	sadd.s32 $0x16800, s8;
	s12 =	sadd.s32 $0x21F000, s1  }
0x14: {  	[dreg:$0xb] =	wrdreg s26;
	s21 =	simm.s32 $0x1;
	s22 =	simm.s32 $0x3  }
0x15: {  	s26 =	simm.s32 $0xE000;
	s1 =	simm.s32 $0x12000;
	[dreg:$0x8] =	wrdreg s24  }
0x16: {  	v0 =	vimm.f32 $0.0e+00;
	[dreg:$0x9] =	wrdreg s8;
	s24 =	simm.s32 $0x6000;
	s8 =	simm.s32 $0x0  }
.LBB2_1:
0x17: {  	s9 =	sand.u32 $0x7E00, s4  }
0x18: {  	s10 =	sand.u32 $0x70, s4;
	s11 =	sshrl.u32 s9, $0x2  }
0x19: {  	s9 =	simm.s32 $0x40;
	s11 =	sor.u32 s10, s11;
	s10 =	simm.s32 $0x0  }
.LBB2_2:
0x1a: {  	p0 =	sne.s32 s9, $0x7FC0  }
0x1b: {  	[tilespmem:s11+$0x4000] =	vst v0;
	s10 =	sadd.s32 $0x10, s10;
	s11 =	smov.u32 s9;
	s9 =	sadd.s32 $0x40, s9  }
.Ltmp0:
0x1c: {  	(pc) =	sbr.rel @p0 .LBB2_2-.Ltmp0, $4  }
0x1d: {  	_ = 	snop  }
0x1e: {  	s11 =	sand.u32 $0x7E00, s11  }
0x1f: {  	s13 =	sand.u32 $0x70, s10;
	s11 =	sshrl.u32 s11, $0x2  }
0x20: {  	s11 =	sor.u32 s13, s11  }
0x21: {  	[tilespmem:s11+$0x4000] =	vst v0  }
0x22: {  	[spmem:s6] =	stream.linear.scatter [tilespmem:s15], [sflag:$0x9], $0x2000, $0x38;
	[tilespmem:$0x1C000] =	vst v63  }
0x23: {  	_ =	swait.ge [sflag:s16], $0x2000  }
0x24: {  	[sflag:s16] =	ssyncset.done $0x0  }
0x25: {  	s9 =	rddreg [dreg:$0x5];
	[sflag:s16] =	ssyncadd.s32 $0xFFFFE000  }
0x26: {  	[spmem:s9] =	stream.linear.scatter [tilespmem:s15], [sflag:$0x9], $0x2000, $0x38;
	[tilespmem:$0x1C000] =	vst v63  }
0x27: {  	_ =	swait.ge [sflag:s16], $0x2000  }
0x28: {  	[sflag:s16] =	ssyncset.done $0x0  }
0x29: {  	s11 =	rddreg [dreg:$0x6];
	[sflag:s16] =	ssyncadd.s32 $0xFFFFE000  }
0x2a: {  	[spmem:s11] =	stream.linear.scatter [tilespmem:s15], [sflag:$0x9], $0x2000, $0x38;
	[tilespmem:$0x1C000] =	vst v63  }
0x2b: {  	_ =	swait.ge [sflag:s16], $0x2000  }
0x2c: {  	[sflag:s16] =	ssyncset.done $0x0  }
0x2d: {  	s13 =	rddreg [dreg:$0x7];
	[sflag:s16] =	ssyncadd.s32 $0xFFFFE000  }
0x2e: {  	[spmem:s13] =	stream.linear.scatter [tilespmem:s15], [sflag:$0x9], $0x2000, $0x38;
	[tilespmem:$0x1C000] =	vst v63  }
0x2f: {  	_ =	swait.ge [sflag:s16], $0x2000  }
0x30: {  	[sflag:s16] =	ssyncset.done $0x0  }
0x31: {  	s9 =	simm.s32 $0x0;
	s10 =	rddreg [dreg:$0x8];
	[sflag:s16] =	ssyncadd.s32 $0xFFFFE000  }
0x32: {  	[tilespmem:s9], [sflag:$0x9] =	stream.linear.gather [hbm4b:s10+s9], $0x2000, $0x38;
	[tilespmem:$0x1C000] =	vst v63  }
0x33: {  	_ =	swait.ge [sflag:s16], $0x2000  }
0x34: {  	[sflag:s16] =	ssyncset.done $0x0  }
0x35: {  	s17 =	simm.s32 $0x2000;
	s14 =	rddreg [dreg:$0x9];
	[sflag:s16] =	ssyncadd.s32 $0xFFFFE000  }
0x36: {  	[tilespmem:s17], [sflag:$0x9] =	stream.linear.gather [hbm4b:s14+s9], $0x2000, $0x38;
	[tilespmem:$0x1C000] =	vst v63  }
0x37: {  	_ =	swait.ge [sflag:s16], $0x2000  }
0x38: {  	[sflag:s16] =	ssyncset.done $0x0  }
0x39: {  	[sflag:s16] =	ssyncadd.s32 $0xFFFFE000  }
0x3a: {  	[bflag:$0x0] =	sbarrier.arrive $0xFFFF  }
0x3b: {  	[tilespmem:s15], [sflag:$0x1] =	stream.indirect.gather [hbm4b:s0+s18], $0x80, s9, s18, $0xb8;
	[tilespmem:$0x1C000] =	vst v63  }
0x3c: {  	_ = 	snop  }
0x3d: {  	[tilespmem:s19], [sflag:$0x3] =	stream.indirect.gather [hbm4b:s5+s18], $0x80, s17, s18, $0xb8;
	[tilespmem:$0x1C000] =	vst v63  }
0x3e: {  	_ = 	snop  }
0x3f: {  	[tilespmem:s20], [sflag:$0x5] =	stream.linear.gather [hbm4b:s12+s9], $0x2000, $0x38;
	[tilespmem:$0x1C000] =	vst v63  }
.LBB2_4:
0x40: {  	_ =	swait.ge [sflag:s21], $0x2000  }
0x41: {  	[sflag:s21] =	ssyncset.done $0x0  }
0x42: {  	[sflag:s21] =	ssyncadd.s32 $0xFFFFE000  }
0x43: {  	_ =	swait.ge [sflag:s22], $0x2000  }
0x44: {  	[sflag:s22] =	ssyncset.done $0x0  }
0x45: {  	[sflag:s22] =	ssyncadd.s32 $0xFFFFE000  }
0x46: {  	_ =	swait.ge [sflag:s23], $0x2000  }
0x47: {  	s10 =	sshllo.u32 s9, $0x1;
	[sflag:s23] =	ssyncset.done $0x0  }
0x48: {  	s17 =	sshll.u32 s10, $0x7;
	[sflag:s23] =	ssyncadd.s32 $0xFFFFE000  }
0x49: {  	[tilespmem:s24], [sflag:$0x2] =	stream.indirect.gather [hbm4b:s0+s18], $0x80, s17, s18, $0xb8;
	[tilespmem:$0x1C000] =	vst v63  }
0x4a: {  	s10 =	sshll.u32 s10, $0xA;
	s11 =	sadd.s32 $0x2000, s17  }
0x4b: {  	[tilespmem:s25], [sflag:$0x4] =	stream.indirect.gather [hbm4b:s5+s18], $0x80, s11, s18, $0xb8;
	[tilespmem:$0x1C000] =	vst v63  }
0x4c: {  	p0 =	seq.s32 s9, $0x0;
	s10 =	sadd.s32 s10, s12  }
0x4d: {  	[tilespmem:s26], [sflag:$0x6] =	stream.linear.gather [hbm4b:s10+s4], $0x2000, $0x38;
	[tilespmem:$0x1C000] =	vst v63  }
0x4e: {  	s10 =	simm.s32 @!p0 $0x7  }
0x4f: {  	_ =	swait.ge @!p0 [sflag:s10], $0x2000  }
0x50: {  	[sflag:s10] =	ssyncset.done @!p0 $0x0  }
0x51: {  	s11 =	simm.s32 $0x0;
	[sflag:s10] =	ssyncadd.s32 @!p0 $0xFFFFE000  }
0x52: {  	v1 =	vld [tilespmem:s11+$0x4070]  }
0x53: {  	v2 =	vld [tilespmem:s11+$0x8070]  }
0x54: {  	v3 =	vld [tilespmem:s11+$0x4000]  }
0x55: {  	v4 =	vld [tilespmem:s11+$0xC070]  }
0x56: {  	v5 =	vld [tilespmem:s11+$0x8000]  }
0x57: {  	v6 =	vld [tilespmem:s11+$0x4010]  }
0x58: {  	v7 =	vld [tilespmem:s11+$0x8010]  }
0x59: {  	v8 =	vld [tilespmem:s11+$0x8020]  }
0x5a: {  	v10 =	vld [tilespmem:s11+$0x8030]  }
0x5b: {  	v11 =	vld [tilespmem:s11+$0x4040]  }
0x5c: {  	v12 =	vld [tilespmem:s11+$0x4050]  }
0x5d: {  	v13 =	vld [tilespmem:s11+$0x8050]  }
0x5e: {  	v14 =	vld [tilespmem:s11+$0x4060];
	v1 =	vadd.f32 v2, v1  }
0x5f: {  	v15 =	vld [tilespmem:s11+$0x8060]  }
0x60: {  	v16 =	vld [tilespmem:s11+$0xC000];
	v1 =	vadd.f32 v4, v1  }
0x61: {  	v2 =	vld [tilespmem:s11+$0x4020]  }
0x62: {  	v4 =	vld [tilespmem:s11+$0x4030];
	v1 =	vmax.f32 v1, $0.0e+00  }
0x63: {  	[tilespmem:s11+$0x10070] =	vst v1;
	v1 =	vld [tilespmem:s11+$0x8040]  }
0x64: {  	v17 =	vld [tilespmem:s11+$0xC010]  }
0x65: {  	v18 =	vld [tilespmem:s11+$0xC020]  }
0x66: {  	v9 =	vld [tilespmem:s11+$0xC030];
	v3 =	vadd.f32 v5, v3;
	v19 =	vadd.f32 v7, v6  }
0x67: {  	v20 =	vadd.f32 v8, v2;
	v8 =	vld [tilespmem:s11+$0xC040];
	v5 =	vadd.f32 v10, v4  }
0x68: {  	v7 =	vld [tilespmem:s11+$0xC050];
	v4 =	vadd.f32 v1, v11;
	v11 =	vadd.f32 v16, v3  }
0x69: {  	s13 =	simm.s32 $0x80;
	v6 =	vld [tilespmem:s11+$0xC060];
	v10 =	vadd.f32 v17, v19;
	v3 =	vadd.f32 v13, v12  }
0x6a: {  	s14 =	simm.s32 $0x400;
	s10 =	sshll.u32 s9, $0x1;
	v2 =	vld [tilespmem:s13+$0x4070];
	v1 =	vadd.f32 v15, v14;
	v12 =	vmax.f32 v11, $0.0e+00;
	v11 =	vadd.f32 v18, v20  }
.LBB2_5:
0x6b: {  	p1 =	sne.s32 s14, $0x7E00;
	v13 =	vld [tilespmem:s13+$0x8070];
	[tilespmem:s11+$0x10000] =	vst v12;
	v10 =	vmax.f32 v10, $0.0e+00;
	v5 =	vadd.f32 v9, v5  }
0x6c: {  	v9 =	vld [tilespmem:s13+$0x4000];
	[tilespmem:s11+$0x10010] =	vst v10;
	v10 =	vmax.f32 v11, $0.0e+00;
	v4 =	vadd.f32 v8, v4  }
0x6d: {  	v8 =	vld [tilespmem:s13+$0xC070];
	[tilespmem:s11+$0x10020] =	vst v10;
	v5 =	vmax.f32 v5, $0.0e+00;
	v3 =	vadd.f32 v7, v3  }
0x6e: {  	v7 =	vld [tilespmem:s13+$0x8000];
	[tilespmem:s11+$0x10030] =	vst v5;
	v4 =	vmax.f32 v4, $0.0e+00;
	v1 =	vadd.f32 v6, v1  }
0x6f: {  	v5 =	vld [tilespmem:s13+$0x4010];
	[tilespmem:s11+$0x10040] =	vst v4;
	v3 =	vmax.f32 v3, $0.0e+00  }
0x70: {  	v4 =	vld [tilespmem:s13+$0x8010];
	v2 =	vadd.f32 v13, v2;
	[tilespmem:s11+$0x10050] =	vst v3;
	v1 =	vmax.f32 v1, $0.0e+00  }
0x71: {  	v3 =	vld [tilespmem:s13+$0x4020];
	[tilespmem:s11+$0x10060] =	vst v1;
	s11 =	smov.u32 s13  }
0x72: {  	v1 =	vld [tilespmem:s11+$0x8020];
	v2 =	vadd.f32 v8, v2  }
0x73: {  	v6 =	vadd.f32 v7, v9;
	v7 =	vld [tilespmem:s11+$0x4030]  }
0x74: {  	v8 =	vld [tilespmem:s11+$0x8030];
	v2 =	vmax.f32 v2, $0.0e+00  }
0x75: {  	v10 =	vadd.f32 v4, v5;
	v4 =	vld [tilespmem:s11+$0x4040];
	[tilespmem:s11+$0x10070] =	vst v2  }
0x76: {  	v2 =	vld [tilespmem:s11+$0x8040]  }
0x77: {  	v11 =	vadd.f32 v1, v3;
	v1 =	vld [tilespmem:s11+$0x4050]  }
0x78: {  	v3 =	vld [tilespmem:s11+$0x8050]  }
0x79: {  	v5 =	vadd.f32 v8, v7;
	v7 =	vld [tilespmem:s11+$0x4060]  }
0x7a: {  	v12 =	vld [tilespmem:s11+$0x8060]  }
0x7b: {  	v13 =	vld [tilespmem:s11+$0xC000];
	v4 =	vadd.f32 v2, v4  }
0x7c: {  	v2 =	vld [tilespmem:s11+$0xC010]  }
0x7d: {  	v14 =	vld [tilespmem:s11+$0xC020];
	v3 =	vadd.f32 v3, v1  }
.Ltmp1:
0x7e: {  	v9 =	vld [tilespmem:s11+$0xC030];
	(pc) =	sbr.rel @p1 .LBB2_5-.Ltmp1, $4  }
0x7f: {  	v8 =	vld [tilespmem:s11+$0xC040];
	v1 =	vadd.f32 v12, v7  }
0x80: {  	v12 =	vadd.f32 v13, v6;
	v7 =	vld [tilespmem:s11+$0xC050]  }
0x81: {  	s13 =	sshra.s32 s14, $0x2;
	v10 =	vadd.f32 v2, v10;
	v6 =	vld [tilespmem:s11+$0xC060]  }
0x82: {  	s14 =	sadd.s32 $0x200, s14;
	v2 =	vld [tilespmem:s13+$0x4070];
	v12 =	vmax.f32 v12, $0.0e+00;
	v11 =	vadd.f32 v14, v11  }
0x83: {  	v13 =	vld [tilespmem:s13+$0x8070];
	[tilespmem:s11+$0x10000] =	vst v12;
	v10 =	vmax.f32 v10, $0.0e+00;
	v5 =	vadd.f32 v9, v5  }
0x84: {  	v12 =	vld [tilespmem:s13+$0x4000];
	[tilespmem:s11+$0x10010] =	vst v10;
	v9 =	vmax.f32 v11, $0.0e+00;
	v4 =	vadd.f32 v8, v4  }
0x85: {  	v10 =	vld [tilespmem:s13+$0xC070];
	[tilespmem:s11+$0x10020] =	vst v9;
	v5 =	vmax.f32 v5, $0.0e+00;
	v3 =	vadd.f32 v7, v3  }
0x86: {  	v8 =	vld [tilespmem:s13+$0x8000];
	[tilespmem:s11+$0x10030] =	vst v5;
	v4 =	vmax.f32 v4, $0.0e+00;
	v1 =	vadd.f32 v6, v1  }
0x87: {  	v5 =	vld [tilespmem:s13+$0x4010];
	[tilespmem:s11+$0x10040] =	vst v4;
	v3 =	vmax.f32 v3, $0.0e+00  }
0x88: {  	v4 =	vld [tilespmem:s13+$0x8010];
	[tilespmem:s11+$0x10050] =	vst v3;
	v1 =	vmax.f32 v1, $0.0e+00  }
0x89: {  	v3 =	vld [tilespmem:s13+$0x4020];
	[tilespmem:s11+$0x10060] =	vst v1  }
0x8a: {  	v1 =	vld [tilespmem:s13+$0x8020]  }
0x8b: {  	v6 =	vld [tilespmem:s13+$0x4030]  }
0x8c: {  	v2 =	vadd.f32 v13, v2;
	v7 =	vld [tilespmem:s13+$0x8030]  }
0x8d: {  	v9 =	vld [tilespmem:s13+$0x4040]  }
0x8e: {  	v2 =	vadd.f32 v10, v2;
	v10 =	vld [tilespmem:s13+$0x4050]  }
0x8f: {  	v11 =	vld [tilespmem:s13+$0x8050]  }
0x90: {  	v13 =	vld [tilespmem:s13+$0x4060]  }
0x91: {  	v14 =	vld [tilespmem:s13+$0x8060]  }
0x92: {  	v15 =	vld [tilespmem:s13+$0xC000]  }
0x93: {  	v16 =	vld [tilespmem:s13+$0xC010]  }
0x94: {  	v17 =	vld [tilespmem:s13+$0xC020];
	v2 =	vmax.f32 v2, $0.0e+00  }
0x95: {  	[tilespmem:s13+$0x10070] =	vst v2;
	v2 =	vld [tilespmem:s13+$0x8040]  }
0x96: {  	v8 =	vadd.f32 v8, v12;
	v12 =	vld [tilespmem:s13+$0xC030]  }
0x97: {  	v4 =	vadd.f32 v4, v5;
	v5 =	vld [tilespmem:s13+$0xC040]  }
0x98: {  	v1 =	vadd.f32 v1, v3;
	v3 =	vadd.f32 v15, v8;
	v8 =	vld [tilespmem:s13+$0xC050]  }
0x99: {  	v6 =	vadd.f32 v7, v6;
	v4 =	vadd.f32 v16, v4;
	v7 =	vld [tilespmem:s13+$0xC060]  }
0x9a: {  	v3 =	vmax.f32 v3, $0.0e+00;
	v1 =	vadd.f32 v17, v1;
	v2 =	vadd.f32 v2, v9  }
0x9b: {  	v9 =	vadd.f32 v11, v10;
	[tilespmem:s13+$0x10000] =	vst v3;
	v3 =	vmax.f32 v4, $0.0e+00;
	v4 =	vadd.f32 v12, v6  }
0x9c: {  	v6 =	vadd.f32 v14, v13;
	[tilespmem:s13+$0x10010] =	vst v3;
	v1 =	vmax.f32 v1, $0.0e+00;
	v2 =	vadd.f32 v5, v2  }
0x9d: {  	[tilespmem:s13+$0x10020] =	vst v1;
	v1 =	vmax.f32 v4, $0.0e+00;
	v3 =	vadd.f32 v8, v9  }
0x9e: {  	[tilespmem:s13+$0x10030] =	vst v1;
	v1 =	vmax.f32 v2, $0.0e+00;
	v2 =	vadd.f32 v7, v6  }
0x9f: {  	s14 =	sshll.u32 s9, $0x8;
	[tilespmem:s13+$0x10040] =	vst v1;
	v1 =	vmax.f32 v3, $0.0e+00  }
0xa0: {  	s11 =	sand.u32 $0x3FFFFF00, s14;
	[tilespmem:s13+$0x10050] =	vst v1;
	v1 =	vmax.f32 v2, $0.0e+00  }
0xa1: {  	s11 =	sadd.s32 $0x2000, s11;
	[tilespmem:s13+$0x10060] =	vst v1  }
0xa2: {  	[spmem:s3] =	stream.indirect.scatter.add.f32 [tilespmem:s28], [sflag:$0x7], $0x80, s11, s18, $0xb8;
	[tilespmem:$0x1C000] =	vst v63  }
0xa3: {  	_ =	swait.ge [sflag:s29], $0x2000  }
0xa4: {  	[sflag:s29] =	ssyncset.done $0x0  }
0xa5: {  	[sflag:s29] =	ssyncadd.s32 $0xFFFFE000  }
0xa6: {  	_ =	swait.ge [sflag:s30], $0x2000  }
0xa7: {  	[sflag:s30] =	ssyncset.done $0x0  }
0xa8: {  	[sflag:s30] =	ssyncadd.s32 $0xFFFFE000  }
0xa9: {  	s10 =	sadd.s32 $0x2, s10;
	_ =	swait.ge [sflag:s31], $0x2000  }
0xaa: {  	s10 =	sand.u32 $0x3E, s10;
	[sflag:s31] =	ssyncset.done $0x0  }
0xab: {  	s14 =	sshll.u32 s10, $0x7;
	[sflag:s31] =	ssyncadd.s32 $0xFFFFE000  }
0xac: {  	[tilespmem:s15], [sflag:$0x1] =	stream.indirect.gather [hbm4b:s0+s18], $0x80, s14, s18, $0xb8;
	[tilespmem:$0x1C000] =	vst v63  }
0xad: {  	s10 =	sshll.u32 s10, $0xA;
	s11 =	sor.u32 $0x2000, s14  }
0xae: {  	[tilespmem:s19], [sflag:$0x3] =	stream.indirect.gather [hbm4b:s5+s18], $0x80, s11, s18, $0xb8;
	[tilespmem:$0x1C000] =	vst v63  }
0xaf: {  	s10 =	sadd.s32 s10, s12  }
0xb0: {  	[tilespmem:s20], [sflag:$0x5] =	stream.linear.gather [hbm4b:s10+s4], $0x2000, $0x38;
	[tilespmem:$0x1C000] =	vst v63  }
0xb1: {  	s10 =	simm.s32 @!p0 $0x8  }
0xb2: {  	_ =	swait.ge @!p0 [sflag:s10], $0x2000  }
0xb3: {  	[sflag:s10] =	ssyncset.done @!p0 $0x0  }
0xb4: {  	[sflag:s10] =	ssyncadd.s32 @!p0 $0xFFFFE000;
	s10 =	simm.s32 $0x0  }
0xb5: {  	v1 =	vld [tilespmem:s10+$0x6070]  }
0xb6: {  	v2 =	vld [tilespmem:s10+$0xA070]  }
0xb7: {  	v3 =	vld [tilespmem:s10+$0x6000]  }
0xb8: {  	v4 =	vld [tilespmem:s10+$0xE070]  }
0xb9: {  	v5 =	vld [tilespmem:s10+$0xA000]  }
0xba: {  	v6 =	vld [tilespmem:s10+$0x6010]  }
0xbb: {  	v7 =	vld [tilespmem:s10+$0xA010]  }
0xbc: {  	v8 =	vld [tilespmem:s10+$0xA020]  }
0xbd: {  	v10 =	vld [tilespmem:s10+$0xA030]  }
0xbe: {  	v11 =	vld [tilespmem:s10+$0x6040]  }
0xbf: {  	v12 =	vld [tilespmem:s10+$0x6050]  }
0xc0: {  	v13 =	vld [tilespmem:s10+$0xA050]  }
0xc1: {  	v14 =	vld [tilespmem:s10+$0x6060];
	v1 =	vadd.f32 v2, v1  }
0xc2: {  	v15 =	vld [tilespmem:s10+$0xA060]  }
0xc3: {  	v62 =	vld [tilespmem:s10+$0xE000];
	v1 =	vadd.f32 v4, v1  }
0xc4: {  	v2 =	vld [tilespmem:s10+$0x6020]  }
0xc5: {  	v4 =	vld [tilespmem:s10+$0x6030];
	v1 =	vmax.f32 v1, $0.0e+00  }
0xc6: {  	[tilespmem:s10+$0x12070] =	vst v1;
	v1 =	vld [tilespmem:s10+$0xA040]  }
0xc7: {  	v63 =	vld [tilespmem:s10+$0xE010]  }
0xc8: {  	v18 =	vld [tilespmem:s10+$0xE020]  }
0xc9: {  	v9 =	vld [tilespmem:s10+$0xE030];
	v3 =	vadd.f32 v5, v3;
	v19 =	vadd.f32 v7, v6  }
0xca: {  	v20 =	vadd.f32 v8, v2;
	v8 =	vld [tilespmem:s10+$0xE040];
	v5 =	vadd.f32 v10, v4  }
0xcb: {  	v7 =	vld [tilespmem:s10+$0xE050];
	v4 =	vadd.f32 v1, v11;
	v11 =	vadd.f32 v62, v3  }
0xcc: {  	s11 =	simm.s32 $0x80;
	v6 =	vld [tilespmem:s10+$0xE060];
	v10 =	vadd.f32 v63, v19;
	v3 =	vadd.f32 v13, v12  }
0xcd: {  	s13 =	simm.s32 $0x400;
	v2 =	vld [tilespmem:s11+$0x6070];
	v1 =	vadd.f32 v15, v14;
	v12 =	vmax.f32 v11, $0.0e+00;
	v11 =	vadd.f32 v18, v20  }
.LBB2_7:
0xce: {  	p0 =	sne.s32 s13, $0x7E00;
	v13 =	vld [tilespmem:s11+$0xA070];
	[tilespmem:s10+$0x12000] =	vst v12;
	v10 =	vmax.f32 v10, $0.0e+00;
	v5 =	vadd.f32 v9, v5  }
0xcf: {  	v9 =	vld [tilespmem:s11+$0x6000];
	[tilespmem:s10+$0x12010] =	vst v10;
	v10 =	vmax.f32 v11, $0.0e+00;
	v4 =	vadd.f32 v8, v4  }
0xd0: {  	v8 =	vld [tilespmem:s11+$0xE070];
	[tilespmem:s10+$0x12020] =	vst v10;
	v5 =	vmax.f32 v5, $0.0e+00;
	v3 =	vadd.f32 v7, v3  }
0xd1: {  	v7 =	vld [tilespmem:s11+$0xA000];
	[tilespmem:s10+$0x12030] =	vst v5;
	v4 =	vmax.f32 v4, $0.0e+00;
	v1 =	vadd.f32 v6, v1  }
0xd2: {  	v5 =	vld [tilespmem:s11+$0x6010];
	[tilespmem:s10+$0x12040] =	vst v4;
	v3 =	vmax.f32 v3, $0.0e+00  }
0xd3: {  	v4 =	vld [tilespmem:s11+$0xA010];
	v2 =	vadd.f32 v13, v2;
	[tilespmem:s10+$0x12050] =	vst v3;
	v1 =	vmax.f32 v1, $0.0e+00  }
0xd4: {  	v3 =	vld [tilespmem:s11+$0x6020];
	[tilespmem:s10+$0x12060] =	vst v1;
	s10 =	smov.u32 s11  }
0xd5: {  	v1 =	vld [tilespmem:s10+$0xA020];
	v2 =	vadd.f32 v8, v2  }
0xd6: {  	v6 =	vadd.f32 v7, v9;
	v7 =	vld [tilespmem:s10+$0x6030]  }
0xd7: {  	v8 =	vld [tilespmem:s10+$0xA030];
	v2 =	vmax.f32 v2, $0.0e+00  }
0xd8: {  	v10 =	vadd.f32 v4, v5;
	v4 =	vld [tilespmem:s10+$0x6040];
	[tilespmem:s10+$0x12070] =	vst v2  }
0xd9: {  	v2 =	vld [tilespmem:s10+$0xA040]  }
0xda: {  	v11 =	vadd.f32 v1, v3;
	v1 =	vld [tilespmem:s10+$0x6050]  }
0xdb: {  	v3 =	vld [tilespmem:s10+$0xA050]  }
0xdc: {  	v5 =	vadd.f32 v8, v7;
	v7 =	vld [tilespmem:s10+$0x6060]  }
0xdd: {  	v12 =	vld [tilespmem:s10+$0xA060]  }
0xde: {  	v13 =	vld [tilespmem:s10+$0xE000];
	v4 =	vadd.f32 v2, v4  }
0xdf: {  	v2 =	vld [tilespmem:s10+$0xE010]  }
0xe0: {  	v14 =	vld [tilespmem:s10+$0xE020];
	v3 =	vadd.f32 v3, v1  }
.Ltmp2:
0xe1: {  	v9 =	vld [tilespmem:s10+$0xE030];
	(pc) =	sbr.rel @p0 .LBB2_7-.Ltmp2, $4  }
0xe2: {  	v8 =	vld [tilespmem:s10+$0xE040];
	v1 =	vadd.f32 v12, v7  }
0xe3: {  	v12 =	vadd.f32 v13, v6;
	v7 =	vld [tilespmem:s10+$0xE050]  }
0xe4: {  	s11 =	sshra.s32 s13, $0x2;
	v10 =	vadd.f32 v2, v10;
	v6 =	vld [tilespmem:s10+$0xE060]  }
0xe5: {  	s13 =	sadd.s32 $0x200, s13;
	v2 =	vld [tilespmem:s11+$0x6070];
	v12 =	vmax.f32 v12, $0.0e+00;
	v11 =	vadd.f32 v14, v11  }
0xe6: {  	v13 =	vld [tilespmem:s11+$0xA070];
	[tilespmem:s10+$0x12000] =	vst v12;
	v10 =	vmax.f32 v10, $0.0e+00;
	v5 =	vadd.f32 v9, v5  }
0xe7: {  	v12 =	vld [tilespmem:s11+$0x6000];
	[tilespmem:s10+$0x12010] =	vst v10;
	v50 =	vmax.f32 v11, $0.0e+00;
	v4 =	vadd.f32 v8, v4  }
0xe8: {  	v10 =	vld [tilespmem:s11+$0xE070];
	[tilespmem:s10+$0x12020] =	vst v50;
	v5 =	vmax.f32 v5, $0.0e+00;
	v3 =	vadd.f32 v7, v3  }
0xe9: {  	v51 =	vld [tilespmem:s11+$0xA000];
	[tilespmem:s10+$0x12030] =	vst v5;
	v4 =	vmax.f32 v4, $0.0e+00;
	v1 =	vadd.f32 v6, v1  }
0xea: {  	v5 =	vld [tilespmem:s11+$0x6010];
	[tilespmem:s10+$0x12040] =	vst v4;
	v3 =	vmax.f32 v3, $0.0e+00  }
0xeb: {  	v4 =	vld [tilespmem:s11+$0xA010];
	[tilespmem:s10+$0x12050] =	vst v3;
	v1 =	vmax.f32 v1, $0.0e+00  }
0xec: {  	v3 =	vld [tilespmem:s11+$0x6020];
	[tilespmem:s10+$0x12060] =	vst v1  }
0xed: {  	v1 =	vld [tilespmem:s11+$0xA020]  }
0xee: {  	v52 =	vld [tilespmem:s11+$0x6030]  }
0xef: {  	v53 =	vld [tilespmem:s11+$0xA030]  }
0xf0: {  	v9 =	vld [tilespmem:s11+$0x6040]  }
0xf1: {  	v54 =	vld [tilespmem:s11+$0x6050]  }
0xf2: {  	v55 =	vld [tilespmem:s11+$0xA050]  }
0xf3: {  	v2 =	vadd.f32 v13, v2;
	v56 =	vld [tilespmem:s11+$0x6060]  }
0xf4: {  	v14 =	vld [tilespmem:s11+$0xA060]  }
0xf5: {  	v2 =	vadd.f32 v10, v2;
	v15 =	vld [tilespmem:s11+$0xE000]  }
0xf6: {  	v16 =	vld [tilespmem:s11+$0xE010]  }
0xf7: {  	v17 =	vld [tilespmem:s11+$0xE020];
	v2 =	vmax.f32 v2, $0.0e+00  }
0xf8: {  	[tilespmem:s11+$0x12070] =	vst v2;
	v2 =	vld [tilespmem:s11+$0xA040]  }
0xf9: {  	v57 =	vld [tilespmem:s11+$0xE030];
	v8 =	vadd.f32 v51, v12  }
0xfa: {  	v58 =	vld [tilespmem:s11+$0xE040];
	v4 =	vadd.f32 v4, v5  }
0xfb: {  	v59 =	vld [tilespmem:s11+$0xE050];
	v1 =	vadd.f32 v1, v3;
	v3 =	vadd.f32 v15, v8  }
0xfc: {  	v60 =	vld [tilespmem:s11+$0xE060];
	v6 =	vadd.f32 v53, v52;
	v4 =	vadd.f32 v16, v4  }
0xfd: {  	v1 =	vadd.f32 v17, v1;
	v3 =	vmax.f32 v3, $0.0e+00;
	v2 =	vadd.f32 v2, v9  }
0xfe: {  	v61 =	vadd.f32 v55, v54;
	v62 =	vadd.f32 v57, v6;
	[tilespmem:s11+$0x12000] =	vst v3;
	v3 =	vmax.f32 v4, $0.0e+00  }
0xff: {  	s9 =	sadd.s32 $0x1, s9;
	v63 =	vadd.f32 v14, v56;
	[tilespmem:s11+$0x12010] =	vst v3;
	v1 =	vmax.f32 v1, $0.0e+00;
	v2 =	vadd.f32 v58, v2  }
0x100: {  	p0 =	sne.s32 s9, $0x20;
	v3 =	vadd.f32 v59, v61;
	[tilespmem:s11+$0x12020] =	vst v1;
	v1 =	vmax.f32 v62, $0.0e+00  }
.Ltmp3:
0x101: {  	[tilespmem:s11+$0x12030] =	vst v1;
	v1 =	vmax.f32 v2, $0.0e+00;
	v2 =	vadd.f32 v60, v63;
	(pc) =	sbr.rel @p0 .LBB2_4-.Ltmp3, $4  }
0x102: {  	[tilespmem:s11+$0x12040] =	vst v1;
	v1 =	vmax.f32 v3, $0.0e+00  }
0x103: {  	s17 =	sand.u32 $0x3FFFFF80, s17;
	[tilespmem:s11+$0x12050] =	vst v1;
	v1 =	vmax.f32 v2, $0.0e+00  }
0x104: {  	s10 =	sadd.s32 $0x2000, s17;
	[tilespmem:s11+$0x12060] =	vst v1  }
0x105: {  	[spmem:s3] =	stream.indirect.scatter.add.f32 [tilespmem:s1], [sflag:$0x8], $0x80, s10, s18, $0xb8;
	[tilespmem:$0x1C000] =	vst v63  }
0x106: {  	_ =	swait.ge [sflag:s21], $0x2000  }
0x107: {  	[sflag:s21] =	ssyncset.done $0x0  }
0x108: {  	[sflag:s21] =	ssyncadd.s32 $0xFFFFE000  }
0x109: {  	_ =	swait.ge [sflag:s22], $0x2000  }
0x10a: {  	[sflag:s22] =	ssyncset.done $0x0  }
0x10b: {  	[sflag:s22] =	ssyncadd.s32 $0xFFFFE000  }
0x10c: {  	_ =	swait.ge [sflag:s23], $0x2000  }
0x10d: {  	[sflag:s23] =	ssyncset.done $0x0  }
0x10e: {  	[sflag:s23] =	ssyncadd.s32 $0xFFFFE000  }
0x10f: {  	_ =	swait.ge [sflag:s2], $0x2000  }
0x110: {  	[sflag:s2] =	ssyncset.done $0x0  }
0x111: {  	[sflag:s2] =	ssyncadd.s32 $0xFFFFE000  }
0x112: {  	_ =	swait.ge [sflag:s7], $0x2000  }
0x113: {  	[sflag:s7] =	ssyncset.done $0x0  }
0x114: {  	s9 =	stileid.u32;
	[sflag:s7] =	ssyncadd.s32 $0xFFFFE000  }
0x115: {  	s9 =	sshll.u32 s9, $0x6;
	[bflag:$0x0] =	sbarrier.arrive $0xFFFF  }
0x116: {  	s10 =	sshrl.u32 s6, $0x3;
	s9 =	sor.u32 $0x1C09, s9;
	s11 =	rddreg [dreg:$0xa]  }
0x117: {  	[hbm:s11], [sflag:s9] =	dma.local [spmem:s10], $0x1000  }
0x118: {  	_ =	swait.ge [sflag:s16], $0x1000  }
0x119: {  	s8 =	sadd.s32 $0x1, s8;
	s17 =	rddreg [dreg:$0xb]  }
0x11a: {  	p0 =	sne.s32 s8, s17  }
.Ltmp4:
0x11b: {  	_ = 	snop;
	(pc) =	sbr.rel @p0 .LBB2_1-.Ltmp4, $3  }
0x11c: {  	_ =	sdelay $0x1  }
0x11d: {  	[sflag:s16] =	ssyncset.done $0x0  }
0x11e: {  	[sflag:s16] =	ssyncadd.s32 $0xFFFFF000  }
0x11f: {  	_ =	sfence.sel $0x180000  }
0x120: {  	[bflag:$0x0] =	sbarrier.arrive $0xFFFF  }
0x121: {  	_ =	strace $0x9000004D  }
0x122: {  	s0 =	stileid.u32;
	[bflag:$0x2] =	sbarrier.arrive $0xFFFF  }
0x123: {  	p0 =	sne.s32 s0, $0x0;
	s0 =	rddreg [dreg:$0x4]  }
0x124: {  	s0 =	sadd.s32 @!p0 $0x100000, s0  }
0x125: {  	[sflag:s0] =	ssyncadd.tile.s32 @!p0 $0x1;
	_ =	shalt  }
.Lfunc_end2:
_tile_overlayer_lowered:
.L_overlay_start_2:
0x126: {  	(tag) =	ssettag $0x2  }
0x127: {  	s0 =	rddreg [dreg:$0x0];
	s2 =	stileid.u32  }
0x128: {  	s1 =	rddreg [dreg:$0x1];
	p0 =	sne.s32 s2, $0x0  }
0x129: {  	s3 =	rddreg [dreg:$0x2];
	[bflag:$0x3] =	sbarrier.arrive $0xFFFF;
	s2 =	simm.s32 @!p0 $0x1C09  }
0x12a: {  	[timem:s3], [sflag:s2] =	dma.local @!p0 [hbm:s0], s1  }
0x12b: {  	s0 =	simm.s32 @!p0 $0x9  }
0x12c: {  	_ =	swait.ge @!p0 [sflag:s0], s1  }
0x12d: {  	s1 =	ssub.s32 @!p0 $0x0, s1;
	[sflag:s0] =	ssyncset.done @!p0 $0x0  }
0x12e: {  	[sflag:s0] =	ssyncadd.s32 @!p0 s1  }
0x12f: {  	[bflag:$0x3] =	sbarrier.arrive $0xFFFF  }
0x130: {  	_ =	shalt  }

// kernel: kernel.22.cloned.1.call-start
scs
__scs_entry_jumppad:
0x0: {  	(pc) =	sbr.rel $0x88, $3  }
0x1: {  	(tag) =	ssettag $0x0;
	lr =	simm.s32 $0x1  }
0x2: {  	[smem:$0x3F80] =	sst lr;
	_ =	strace $0xD0000000  }
0x3: {  	_ = 	snop  }
0x4: {  	_ = 	snop  }
0x5: {  	_ = 	snop  }
0x6: {  	_ = 	snop  }
0x7: {  	_ = 	snop  }
__scs_overlays_trampoline_lowered:
0x8: {  	[smem:$0x3F8F] =	sst s0  }
0x9: {  	[smem:$0x3F90] =	sst s1  }
0xa: {  	[smem:$0x3F91] =	sst s2  }
0xb: {  	[smem:$0x3F92] =	sst s3  }
0xc: {  	[smem:$0x3F93] =	sst s4  }
0xd: {  	[smem:$0x3F94] =	sst s5  }
0xe: {  	[smem:$0x3F95] =	sst s6  }
0xf: {  	[smem:$0x3F96] =	sst s7  }
0x10: {  	[smem:$0x3F97] =	sst s8  }
0x11: {  	[smem:$0x3F98] =	sst s9;
	s0 =	simm.s32 @!p0 $0x0  }
0x12: {  	s1 =	sld [smem:$0x3F7E];
	s0 =	simm.s32 @p0 $0x1  }
0x13: {  	[smem:$0x3F99] =	sst s0;
	s0 =	simm.s32 @!p1 $0x0  }
0x14: {  	s2 =	sld [smem:$0x3F7D];
	s0 =	simm.s32 @p1 $0x1  }
0x15: {  	[smem:$0x3F9A] =	sst s0;
	s0 =	simm.s32 @!p2 $0x0  }
0x16: {  	s3 =	sld [smem:$0x3FDB];
	s0 =	simm.s32 @p2 $0x1  }
0x17: {  	s4 =	simm.s32 $0x1BF5;
	[smem:$0x3F9C] =	sst s0  }
0x18: {  	s0 =	sld [smem:$0x3F7F];
	_ =	swait.ge [sflag:s4], $0x0  }
0x19: {  	s7 =	sld [smem:$0x3F80]  }
0x1a: {  	s8 =	sadd.s32 $0xFFFFE003, lr  }
0x1b: {  	s9 =	sadd.s32 $0xFFFFFEF7, lr;
	s5 =	simm.s32 $0xFFFFFFFF;
	p2 =	slt.u32 s8, $0xFFFFF086  }
0x1c: {  	p1 =	slt.u32 s9, $0xF7A;
	s5 =	simm.s32 @!p2 $0x0  }
0x1d: {  	s5 =	simm.s32 @p1 $0x1;
	p0 =	seq.s32 s7, s2  }
0x1e: {  	s7 =	smul.u32 @!p0 $0xF7A, s2;
	p2 =	seq.s32 @!p0 s5, $0x0  }
0x1f: {  	s9 =	smul.u32 $0xF7A, s1;
	s8 =	simm.s32 @!p0 $0x1BF5;
	p2 =	por !p2, p0  }
0x20: {  	[sflag:s8] =	ssyncset.s32 @!p0 $0xFFFFF086;
	s6 =	sadd.s32 @!p0 s3, s7;
	s7 =	simm.s32 @!p0 $0x108  }
0x21: {  	s3 =	sadd.s32 s3, s9;
	s6 =	sadd.s32 @!p0 $0x88, s6;
	s7 =	simm.s32 @p2 $0x1082  }
0x22: {  	[simem:s7], [sflag:s8] =	dma.local @!p0 [hbm:s6], $0xF7A  }
0x23: {  	s9 =	sor.u32 $0xD0000000, s2;
	s6 =	simm.s32 $0x108;
	_ =	swait.ge @!p0 [sflag:s8], $0x0  }
0x24: {  	s3 =	sadd.s32 $0x88, s3;
	s6 =	simm.s32 @!p1 $0x1082;
	[sflag:s4] =	ssyncset.s32 $0xFFFFF086  }
0x25: {  	[simem:s6], [sflag:s4] =	dma.local [hbm:s3], $0xF7A  }
0x26: {  	[smem:$0x3F80] =	sst s1;
	(tag) =	ssettag s2;
	_ =	strace s9  }
0x27: {  	s1 =	sld [smem:$0x3F90]  }
0x28: {  	s2 =	sld [smem:$0x3F91]  }
0x29: {  	s4 =	sld [smem:$0x3F93]  }
0x2a: {  	p0 =	seq.s32 s5, $0x0;
	s5 =	sld [smem:$0x3F94]  }
0x2b: {  	s6 =	sld [smem:$0x3F95]  }
0x2c: {  	s7 =	sld [smem:$0x3F96]  }
0x2d: {  	s3 =	simm.s32 $0x108;
	s8 =	sld [smem:$0x3F97]  }
0x2e: {  	s3 =	simm.s32 @!p0 $0x1082;
	s9 =	sld [smem:$0x3F98]  }
0x2f: {  	lr =	sadd.s32 s0, s3;
	s0 =	sld [smem:$0x3F8F]  }
0x30: {  	s3 =	sld [smem:$0x3F92]  }
0x31: {  	[smem:$0x3F9B] =	sst s10  }
0x32: {  	s10 =	sld [smem:$0x3F99];
	_ =	sdelay $0x3  }
0x33: {  	p0 =	seq.s32 s10, $0x1;
	s10 =	sld [smem:$0x3F9B];
	_ =	sdelay $0x3  }
0x34: {  	[smem:$0x3F9B] =	sst s10  }
0x35: {  	s10 =	sld [smem:$0x3F9A];
	_ =	sdelay $0x3  }
0x36: {  	p1 =	seq.s32 s10, $0x1;
	s10 =	sld [smem:$0x3F9B];
	_ =	sdelay $0x3  }
0x37: {  	[smem:$0x3F9B] =	sst s10  }
0x38: {  	s10 =	sld [smem:$0x3F9C]  }
0x39: {  	_ = 	snop;
	(pc) =	sbr.ind lr, $3  }
0x3a: {  	_ = 	snop  }
0x3b: {  	_ = 	snop  }
0x3c: {  	p2 =	seq.s32 s10, $0x1;
	s10 =	sld [smem:$0x3F9B]  }
0x3d: {  	_ =	shalt  }
0x3e: {  	_ =	shalt  }
0x3f: {  	_ =	shalt  }
0x40: {  	_ =	shalt  }
0x41: {  	_ =	shalt  }
0x42: {  	_ =	shalt  }
0x43: {  	_ =	shalt  }
0x44: {  	_ =	shalt  }
0x45: {  	_ =	shalt  }
0x46: {  	_ =	shalt  }
0x47: {  	_ =	shalt  }
0x48: {  	_ =	shalt  }
0x49: {  	_ =	shalt  }
0x4a: {  	_ =	shalt  }
0x4b: {  	_ =	shalt  }
0x4c: {  	_ =	shalt  }
0x4d: {  	_ =	shalt  }
0x4e: {  	_ =	shalt  }
0x4f: {  	_ =	shalt  }
0x50: {  	_ =	shalt  }
0x51: {  	_ =	shalt  }
0x52: {  	_ =	shalt  }
0x53: {  	_ =	shalt  }
0x54: {  	_ =	shalt  }
0x55: {  	_ =	shalt  }
0x56: {  	_ =	shalt  }
0x57: {  	_ =	shalt  }
0x58: {  	_ =	shalt  }
0x59: {  	_ =	shalt  }
0x5a: {  	_ =	shalt  }
0x5b: {  	_ =	shalt  }
0x5c: {  	_ =	shalt  }
0x5d: {  	_ =	shalt  }
0x5e: {  	_ =	shalt  }
0x5f: {  	_ =	shalt  }
0x60: {  	_ =	shalt  }
0x61: {  	_ =	shalt  }
0x62: {  	_ =	shalt  }
0x63: {  	_ =	shalt  }
0x64: {  	_ =	shalt  }
0x65: {  	_ =	shalt  }
0x66: {  	_ =	shalt  }
0x67: {  	_ =	shalt  }
0x68: {  	_ =	shalt  }
0x69: {  	_ =	shalt  }
0x6a: {  	_ =	shalt  }
0x6b: {  	_ =	shalt  }
0x6c: {  	_ =	shalt  }
0x6d: {  	_ =	shalt  }
0x6e: {  	_ =	shalt  }
0x6f: {  	_ =	shalt  }
0x70: {  	_ =	shalt  }
0x71: {  	_ =	shalt  }
0x72: {  	_ =	shalt  }
0x73: {  	_ =	shalt  }
0x74: {  	_ =	shalt  }
0x75: {  	_ =	shalt  }
0x76: {  	_ =	shalt  }
0x77: {  	_ =	shalt  }
0x78: {  	_ =	shalt  }
0x79: {  	_ =	shalt  }
0x7a: {  	_ =	shalt  }
0x7b: {  	_ =	shalt  }
0x7c: {  	_ =	shalt  }
0x7d: {  	_ =	shalt  }
0x7e: {  	_ =	shalt  }
0x7f: {  	_ =	shalt  }
0x80: {  	_ =	shalt  }
0x81: {  	_ =	shalt  }
0x82: {  	_ =	shalt  }
0x83: {  	_ =	shalt  }
0x84: {  	_ =	shalt  }
0x85: {  	_ =	shalt  }
0x86: {  	_ =	shalt  }
0x87: {  	_ =	shalt  }
.Lfunc_end0:
.L_simem_size_0:
called_computation.3_lowered:
.L_overlay_start_0:
0x88: {  	s2 =	sld [smem:$0x3FD9]  }
0x89: {  	s3 =	sld [smem:$0x3FFE];
	_ =	sdelay $0x1  }
0x8a: {  	s1 =	srdreg.scid  }
0x8b: {  	s0 =	sand.u32 $0x1, s1  }
0x8c: {  	s14 =	sshll.u32 s0, $0xA;
	s2 =	sadd.s32 s3, s2  }
0x8d: {  	s2 =	sadd.s32 s2, s14  }
0x8e: {  	[smem:$0x3FA7] =	sst s2  }
0x8f: {  	_ = 	snop  }
0x90: {  	s2 =	sld [smem:$0x3FD0];
	_ =	sdelay $0x2  }
0x91: {  	s15 =	simm.s32 $0xB;
	s4 =	simm.s32 $0x10  }
0x92: {  	[smem:s4], [sflag:s15] =	dma.local [hbm:s2], $0x1  }
0x93: {  	_ =	swait.eq [sflag:s15], $0x1  }
0x94: {  	[sflag:s15] =	ssyncset.done $0x0  }
0x95: {  	s16 =	sld [smem:$0x10];
	[sflag:s15] =	ssyncadd.s32 $0xFFFFFFFF  }
0x96: {  	s17 =	sld [smem:$0x14];
	(tm) =	ssettm $0x1  }
0x97: {  	s18 =	sld [smem:$0x3FFB];
	_ =	sdelay $0x3  }
0x98: {  	_ =	strace s18  }
0x99: {  	s4 =	sld [smem:$0x3FFC];
	_ =	sdelay $0x3  }
0x9a: {  	_ =	strace s4  }
0x9b: {  	s4 =	sld [smem:$0x3FFD];
	_ =	sdelay $0x3  }
0x9c: {  	_ =	strace s4  }
0x9d: {  	_ =	strace $0x8FFFFFFF  }
0x9e: {  	s19 =	sld [smem:$0x3FDB];
	_ =	sdelay $0x1  }
0x9f: {  	s5 =	simm.s32 $_scs_section_size  }
0xa0: {  	s6 =	simm.s32 $_size__tile_overlayer_lowered;
	s7 =	simm.s32 $_tile_overlayer_lowered  }
0xa1: {  	s22 =	simm.s32 $0x1BFF;
	s21 =	sshll.u32 s7, $0x1;
	s4 =	sadd.s32 s5, s19  }
0xa2: {  	s8 =	simm.s32 $0x0;
	s20 =	sshll.u32 s6, $0x1;
	s6 =	sadd.s32 s21, s4  }
0xa3: {  	[timem:s8], [sflag:s22] =	dma.local [hbm:s6], s20  }
0xa4: {  	_ =	swait.ge [sflag:s22], s20  }
0xa5: {  	s5 =	ssub.s32 $0x0, s20;
	[sflag:s22] =	ssyncset.done $0x0  }
0xa6: {  	[sflag:s22] =	ssyncadd.s32 s5;
	_ =	sdelay $0x1  }
0xa7: {  	s23 =	simm.s32 $0x1B8B  }
0xa8: {  	_ =	swait.ge [sflag:s23], $0x1  }
0xa9: {  	[sflag:s23] =	ssyncset.done $0x0  }
0xaa: {  	s25 =	simm.s32 $0x1B8E;
	s24 =	sld [smem:$0x3FFE];
	[sflag:s23] =	ssyncadd.s32 $0xFFFFFFFF  }
0xab: {  	s26 =	simm.s32 $execute0_lowered;
	[smem:$0x3FD2] =	sst s25  }
0xac: {  	s6 =	sshll.u32 s26, $0x1;
	_ =	strace $0x8000004F;
	[dreg:$0x1] =	wrdreg $0xFFFFFFFF  }
0xad: {  	s28 =	simm.s32 $_size_execute0_lowered;
	s4 =	sadd.s32 s4, s6;
	[dreg:$0x0] =	wrdreg $0x0  }
0xae: {  	s6 =	sshll.u32 s28, $0x1;
	[dreg:$0x2] =	wrdreg s4  }
0xaf: {  	[dreg:$0x3] =	wrdreg s6  }
0xb0: {  	[dreg:$0x4] =	wrdreg $0xC0  }
0xb1: {  	_ =	task [dreg:s8], $0x5FFFF  }
0xb2: {  	[dreg:$0x1] =	wrdreg $0xFFFFFFFF  }
0xb3: {  	[dreg:$0x0] =	wrdreg $0x60  }
0xb4: {  	[dreg:$0x2] =	wrdreg s24  }
0xb5: {  	[dreg:$0x3] =	wrdreg s16  }
0xb6: {  	[dreg:$0x4] =	wrdreg s17  }
0xb7: {  	[dreg:$0x5] =	wrdreg $0x140000  }
0xb8: {  	[dreg:$0x6] =	wrdreg $0x9  }
0xb9: {  	_ =	task.clear_ibuf [dreg:s8], $0x7FFFF;
	_ =	strace $0x9000004F  }
0xba: {  	s29 =	simm.s32 $0x9;
	_ =	strace $0x80000051  }
0xbb: {  	_ =	swait.ge [sflag:s29], $0x1  }
0xbc: {  	[sflag:s29] =	ssyncadd.s32 $0xFFFFFFFF  }
0xbd: {  	_ =	strace $0x90000051  }
0xbe: {  	_ =	sfence  }
0xbf: {  	s30 =	sld [smem:$0x0];
	_ =	sdelay $0x2  }
0xc0: {  	s31 =	sshll.u32 s1, $0xD;
	s1 =	sshrl.u32 s1, $0x2  }
0xc1: {  	s3 =	sand.u32 $0x4000, s31;
	s1 =	sadd.s32 s1, s30  }
0xc2: {  	s0 =	sor.u32 s3, s0;
	s1 =	sshll.u32 s1, $0x11  }
0xc3: {  	s0 =	sor.u32 s1, s0  }
0xc4: {  	s0 =	sadd.s32 $0x8F2B, s0  }
0xc5: {  	[sflag:s0] =	ssyncadd.remote.s32 $0x1  }
0xc6: {  	_ =	sfence.sel $0xFFFF  }
0xc7: {  	[dreg:$0x0] =	wrdreg $0xFFFFFFFF;
	(pc) =	sbr.abs _section_cstart, $3  }
0xc8: {  	[dreg:$0x1] =	wrdreg $0xFFFFFFFF  }
0xc9: {  	_ =	task.clear_ibuf [dreg:s8], $0x2FFFF;
	_ =	strace $0x9FFFFFFF  }
0xca: {  	(tm) =	ssettm $0x7FFFFFFF  }
0xcb: {  	_ =	shalt  }
tec
execute0_lowered:
.L_overlay_start_1:
0x0: {  	(tag) =	ssettag $0x1  }
0x1: {  	s1 =	rddreg [dreg:$0x0]  }
0x2: {  	s0 =	rddreg [dreg:$0x1]  }
0x3: {  	s7 =	rddreg [dreg:$0x2]  }
0x4: {  	s2 =	srdreg.scid;
	s3 =	rddreg [dreg:$0x3]  }
0x5: {  	s13 =	stileid.u32;
	s4 =	simm.s32 $0x0;
	s15 =	simm.s32 $0x4000  }
0x6: {  	s16 =	simm.s32 $0x9;
	s18 =	simm.s32 $0x40;
	s19 =	simm.s32 $0x8000  }
0x7: {  	s20 =	simm.s32 $0xC000;
	s28 =	simm.s32 $0x10000;
	s29 =	simm.s32 $0x2  }
0x8: {  	s30 =	simm.s32 $0x4;
	s31 =	simm.s32 $0x6;
	s2 =	sand.u32 $0x1, s2  }
0x9: {  	[smem:$0x7FF] =	sst s4;
	s10 =	sshll.u32 s13, $0xF;
	s23 =	sshll.u32 s13, $0xC  }
0xa: {  	s5 =	sshll.u32 s2, $0x4;
	_ =	strace $0x80000050;
	s9 =	ssub.s32 $0x2, s2  }
0xb: {  	s2 =	sshll.u32 s2, $0x10;
	s7 =	sadd.s32 s7, s23;
	s23 =	simm.s32 $0x5  }
0xc: {  	s6 =	sor.u32 s13, s5;
	s12 =	sshrl.u32 s9, $0x1;
	s25 =	sadd.s32 s2, s7  }
0xd: {  	s2 =	simm.s32 $0x7;
	s7 =	simm.s32 $0x8;
	s5 =	sshll.u32 s6, $0xA  }
0xe: {  	s11 =	sshll.u32 s6, $0x10;
	s6 =	sadd.s32 s10, s3;
	s9 =	ssub.s32 s9, s12  }
0xf: {  	[dreg:$0xa] =	wrdreg s25;
	s25 =	simm.s32 $0xA000;
	s10 =	sadd.s32 $0x2000, s6  }
0x10: {  	s8 =	sadd.s32 s5, s1;
	s21 =	sadd.s32 $0x4000, s6;
	[dreg:$0x5] =	wrdreg s10  }
0x11: {  	s5 =	sadd.s32 $0x1E800, s1;
	s22 =	sadd.s32 $0x6000, s6;
	[dreg:$0x6] =	wrdreg s21  }
0x12: {  	s1 =	sadd.s32 s11, s1;
	s26 =	smax.u32 s9, $0x1;
	[dreg:$0x7] =	wrdreg s22  }
0x13: {  	s24 =	sadd.s32 $0xE800, s8;
	s8 =	sadd.s32 $0x16800, s8;
	s12 =	sadd.s32 $0x41F000, s1  }
0x14: {  	[dreg:$0xb] =	wrdreg s26;
	s21 =	simm.s32 $0x1;
	s22 =	simm.s32 $0x3  }
0x15: {  	s26 =	simm.s32 $0xE000;
	s1 =	simm.s32 $0x12000;
	[dreg:$0x8] =	wrdreg s24  }
0x16: {  	v0 =	vimm.f32 $0.0e+00;
	[dreg:$0x9] =	wrdreg s8;
	s24 =	simm.s32 $0x6000;
	s8 =	simm.s32 $0x0  }
.LBB2_1:
0x17: {  	s9 =	sand.u32 $0x7E00, s4  }
0x18: {  	s10 =	sand.u32 $0x70, s4;
	s11 =	sshrl.u32 s9, $0x2  }
0x19: {  	s9 =	simm.s32 $0x40;
	s11 =	sor.u32 s10, s11;
	s10 =	simm.s32 $0x0  }
.LBB2_2:
0x1a: {  	p0 =	sne.s32 s9, $0x7FC0  }
0x1b: {  	[tilespmem:s11+$0x4000] =	vst v0;
	s10 =	sadd.s32 $0x10, s10;
	s11 =	smov.u32 s9;
	s9 =	sadd.s32 $0x40, s9  }
.Ltmp0:
0x1c: {  	(pc) =	sbr.rel @p0 .LBB2_2-.Ltmp0, $4  }
0x1d: {  	_ = 	snop  }
0x1e: {  	s11 =	sand.u32 $0x7E00, s11  }
0x1f: {  	s13 =	sand.u32 $0x70, s10;
	s11 =	sshrl.u32 s11, $0x2  }
0x20: {  	s11 =	sor.u32 s13, s11  }
0x21: {  	[tilespmem:s11+$0x4000] =	vst v0  }
0x22: {  	[spmem:s6] =	stream.linear.scatter [tilespmem:s15], [sflag:$0x9], $0x2000, $0x38;
	[tilespmem:$0x1C000] =	vst v63  }
0x23: {  	_ =	swait.ge [sflag:s16], $0x2000  }
0x24: {  	[sflag:s16] =	ssyncset.done $0x0  }
0x25: {  	s9 =	rddreg [dreg:$0x5];
	[sflag:s16] =	ssyncadd.s32 $0xFFFFE000  }
0x26: {  	[spmem:s9] =	stream.linear.scatter [tilespmem:s15], [sflag:$0x9], $0x2000, $0x38;
	[tilespmem:$0x1C000] =	vst v63  }
0x27: {  	_ =	swait.ge [sflag:s16], $0x2000  }
0x28: {  	[sflag:s16] =	ssyncset.done $0x0  }
0x29: {  	s11 =	rddreg [dreg:$0x6];
	[sflag:s16] =	ssyncadd.s32 $0xFFFFE000  }
0x2a: {  	[spmem:s11] =	stream.linear.scatter [tilespmem:s15], [sflag:$0x9], $0x2000, $0x38;
	[tilespmem:$0x1C000] =	vst v63  }
0x2b: {  	_ =	swait.ge [sflag:s16], $0x2000  }
0x2c: {  	[sflag:s16] =	ssyncset.done $0x0  }
0x2d: {  	s13 =	rddreg [dreg:$0x7];
	[sflag:s16] =	ssyncadd.s32 $0xFFFFE000  }
0x2e: {  	[spmem:s13] =	stream.linear.scatter [tilespmem:s15], [sflag:$0x9], $0x2000, $0x38;
	[tilespmem:$0x1C000] =	vst v63  }
0x2f: {  	_ =	swait.ge [sflag:s16], $0x2000  }
0x30: {  	[sflag:s16] =	ssyncset.done $0x0  }
0x31: {  	s9 =	simm.s32 $0x0;
	s10 =	rddreg [dreg:$0x8];
	[sflag:s16] =	ssyncadd.s32 $0xFFFFE000  }
0x32: {  	[tilespmem:s9], [sflag:$0x9] =	stream.linear.gather [hbm4b:s10+s9], $0x2000, $0x38;
	[tilespmem:$0x1C000] =	vst v63  }
0x33: {  	_ =	swait.ge [sflag:s16], $0x2000  }
0x34: {  	[sflag:s16] =	ssyncset.done $0x0  }
0x35: {  	s17 =	simm.s32 $0x2000;
	s14 =	rddreg [dreg:$0x9];
	[sflag:s16] =	ssyncadd.s32 $0xFFFFE000  }
0x36: {  	[tilespmem:s17], [sflag:$0x9] =	stream.linear.gather [hbm4b:s14+s9], $0x2000, $0x38;
	[tilespmem:$0x1C000] =	vst v63  }
0x37: {  	_ =	swait.ge [sflag:s16], $0x2000  }
0x38: {  	[sflag:s16] =	ssyncset.done $0x0  }
0x39: {  	[sflag:s16] =	ssyncadd.s32 $0xFFFFE000  }
0x3a: {  	[bflag:$0x0] =	sbarrier.arrive $0xFFFF  }
0x3b: {  	[tilespmem:s15], [sflag:$0x1] =	stream.indirect.gather [hbm4b:s0+s18], $0x80, s9, s18, $0xb8;
	[tilespmem:$0x1C000] =	vst v63  }
0x3c: {  	_ = 	snop  }
0x3d: {  	[tilespmem:s19], [sflag:$0x3] =	stream.indirect.gather [hbm4b:s5+s18], $0x80, s17, s18, $0xb8;
	[tilespmem:$0x1C000] =	vst v63  }
0x3e: {  	_ = 	snop  }
0x3f: {  	[tilespmem:s20], [sflag:$0x5] =	stream.linear.gather [hbm4b:s12+s9], $0x2000, $0x38;
	[tilespmem:$0x1C000] =	vst v63  }
.LBB2_4:
0x40: {  	_ =	swait.ge [sflag:s21], $0x2000  }
0x41: {  	[sflag:s21] =	ssyncset.done $0x0  }
0x42: {  	[sflag:s21] =	ssyncadd.s32 $0xFFFFE000  }
0x43: {  	_ =	swait.ge [sflag:s22], $0x2000  }
0x44: {  	[sflag:s22] =	ssyncset.done $0x0  }
0x45: {  	[sflag:s22] =	ssyncadd.s32 $0xFFFFE000  }
0x46: {  	_ =	swait.ge [sflag:s23], $0x2000  }
0x47: {  	s10 =	sshllo.u32 s9, $0x1;
	[sflag:s23] =	ssyncset.done $0x0  }
0x48: {  	s17 =	sshll.u32 s10, $0x7;
	[sflag:s23] =	ssyncadd.s32 $0xFFFFE000  }
0x49: {  	[tilespmem:s24], [sflag:$0x2] =	stream.indirect.gather [hbm4b:s0+s18], $0x80, s17, s18, $0xb8;
	[tilespmem:$0x1C000] =	vst v63  }
0x4a: {  	s10 =	sshll.u32 s10, $0xA;
	s11 =	sadd.s32 $0x2000, s17  }
0x4b: {  	[tilespmem:s25], [sflag:$0x4] =	stream.indirect.gather [hbm4b:s5+s18], $0x80, s11, s18, $0xb8;
	[tilespmem:$0x1C000] =	vst v63  }
0x4c: {  	p0 =	seq.s32 s9, $0x0;
	s10 =	sadd.s32 s10, s12  }
0x4d: {  	[tilespmem:s26], [sflag:$0x6] =	stream.linear.gather [hbm4b:s10+s4], $0x2000, $0x38;
	[tilespmem:$0x1C000] =	vst v63  }
0x4e: {  	s10 =	simm.s32 @!p0 $0x7  }
0x4f: {  	_ =	swait.ge @!p0 [sflag:s10], $0x2000  }
0x50: {  	[sflag:s10] =	ssyncset.done @!p0 $0x0  }
0x51: {  	s11 =	simm.s32 $0x0;
	[sflag:s10] =	ssyncadd.s32 @!p0 $0xFFFFE000  }
0x52: {  	v1 =	vld [tilespmem:s11+$0x4070]  }
0x53: {  	v2 =	vld [tilespmem:s11+$0x8070]  }
0x54: {  	v3 =	vld [tilespmem:s11+$0x4000]  }
0x55: {  	v4 =	vld [tilespmem:s11+$0xC070]  }
0x56: {  	v5 =	vld [tilespmem:s11+$0x8000]  }
0x57: {  	v6 =	vld [tilespmem:s11+$0x4010]  }
0x58: {  	v7 =	vld [tilespmem:s11+$0x8010]  }
0x59: {  	v8 =	vld [tilespmem:s11+$0x8020]  }
0x5a: {  	v10 =	vld [tilespmem:s11+$0x8030]  }
0x5b: {  	v11 =	vld [tilespmem:s11+$0x4040]  }
0x5c: {  	v12 =	vld [tilespmem:s11+$0x4050]  }
0x5d: {  	v13 =	vld [tilespmem:s11+$0x8050]  }
0x5e: {  	v14 =	vld [tilespmem:s11+$0x4060];
	v1 =	vadd.f32 v2, v1  }
0x5f: {  	v15 =	vld [tilespmem:s11+$0x8060]  }
0x60: {  	v16 =	vld [tilespmem:s11+$0xC000];
	v1 =	vadd.f32 v4, v1  }
0x61: {  	v2 =	vld [tilespmem:s11+$0x4020]  }
0x62: {  	v4 =	vld [tilespmem:s11+$0x4030];
	v1 =	vmax.f32 v1, $0.0e+00  }
0x63: {  	[tilespmem:s11+$0x10070] =	vst v1;
	v1 =	vld [tilespmem:s11+$0x8040]  }
0x64: {  	v17 =	vld [tilespmem:s11+$0xC010]  }
0x65: {  	v18 =	vld [tilespmem:s11+$0xC020]  }
0x66: {  	v9 =	vld [tilespmem:s11+$0xC030];
	v3 =	vadd.f32 v5, v3;
	v19 =	vadd.f32 v7, v6  }
0x67: {  	v20 =	vadd.f32 v8, v2;
	v8 =	vld [tilespmem:s11+$0xC040];
	v5 =	vadd.f32 v10, v4  }
0x68: {  	v7 =	vld [tilespmem:s11+$0xC050];
	v4 =	vadd.f32 v1, v11;
	v11 =	vadd.f32 v16, v3  }
0x69: {  	s13 =	simm.s32 $0x80;
	v6 =	vld [tilespmem:s11+$0xC060];
	v10 =	vadd.f32 v17, v19;
	v3 =	vadd.f32 v13, v12  }
0x6a: {  	s14 =	simm.s32 $0x400;
	s10 =	sshll.u32 s9, $0x1;
	v2 =	vld [tilespmem:s13+$0x4070];
	v1 =	vadd.f32 v15, v14;
	v12 =	vmax.f32 v11, $0.0e+00;
	v11 =	vadd.f32 v18, v20  }
.LBB2_5:
0x6b: {  	p1 =	sne.s32 s14, $0x7E00;
	v13 =	vld [tilespmem:s13+$0x8070];
	[tilespmem:s11+$0x10000] =	vst v12;
	v10 =	vmax.f32 v10, $0.0e+00;
	v5 =	vadd.f32 v9, v5  }
0x6c: {  	v9 =	vld [tilespmem:s13+$0x4000];
	[tilespmem:s11+$0x10010] =	vst v10;
	v10 =	vmax.f32 v11, $0.0e+00;
	v4 =	vadd.f32 v8, v4  }
0x6d: {  	v8 =	vld [tilespmem:s13+$0xC070];
	[tilespmem:s11+$0x10020] =	vst v10;
	v5 =	vmax.f32 v5, $0.0e+00;
	v3 =	vadd.f32 v7, v3  }
0x6e: {  	v7 =	vld [tilespmem:s13+$0x8000];
	[tilespmem:s11+$0x10030] =	vst v5;
	v4 =	vmax.f32 v4, $0.0e+00;
	v1 =	vadd.f32 v6, v1  }
0x6f: {  	v5 =	vld [tilespmem:s13+$0x4010];
	[tilespmem:s11+$0x10040] =	vst v4;
	v3 =	vmax.f32 v3, $0.0e+00  }
0x70: {  	v4 =	vld [tilespmem:s13+$0x8010];
	v2 =	vadd.f32 v13, v2;
	[tilespmem:s11+$0x10050] =	vst v3;
	v1 =	vmax.f32 v1, $0.0e+00  }
0x71: {  	v3 =	vld [tilespmem:s13+$0x4020];
	[tilespmem:s11+$0x10060] =	vst v1;
	s11 =	smov.u32 s13  }
0x72: {  	v1 =	vld [tilespmem:s11+$0x8020];
	v2 =	vadd.f32 v8, v2  }
0x73: {  	v6 =	vadd.f32 v7, v9;
	v7 =	vld [tilespmem:s11+$0x4030]  }
0x74: {  	v8 =	vld [tilespmem:s11+$0x8030];
	v2 =	vmax.f32 v2, $0.0e+00  }
0x75: {  	v10 =	vadd.f32 v4, v5;
	v4 =	vld [tilespmem:s11+$0x4040];
	[tilespmem:s11+$0x10070] =	vst v2  }
0x76: {  	v2 =	vld [tilespmem:s11+$0x8040]  }
0x77: {  	v11 =	vadd.f32 v1, v3;
	v1 =	vld [tilespmem:s11+$0x4050]  }
0x78: {  	v3 =	vld [tilespmem:s11+$0x8050]  }
0x79: {  	v5 =	vadd.f32 v8, v7;
	v7 =	vld [tilespmem:s11+$0x4060]  }
0x7a: {  	v12 =	vld [tilespmem:s11+$0x8060]  }
0x7b: {  	v13 =	vld [tilespmem:s11+$0xC000];
	v4 =	vadd.f32 v2, v4  }
0x7c: {  	v2 =	vld [tilespmem:s11+$0xC010]  }
0x7d: {  	v14 =	vld [tilespmem:s11+$0xC020];
	v3 =	vadd.f32 v3, v1  }
.Ltmp1:
0x7e: {  	v9 =	vld [tilespmem:s11+$0xC030];
	(pc) =	sbr.rel @p1 .LBB2_5-.Ltmp1, $4  }
0x7f: {  	v8 =	vld [tilespmem:s11+$0xC040];
	v1 =	vadd.f32 v12, v7  }
0x80: {  	v12 =	vadd.f32 v13, v6;
	v7 =	vld [tilespmem:s11+$0xC050]  }
0x81: {  	s13 =	sshra.s32 s14, $0x2;
	v10 =	vadd.f32 v2, v10;
	v6 =	vld [tilespmem:s11+$0xC060]  }
0x82: {  	s14 =	sadd.s32 $0x200, s14;
	v2 =	vld [tilespmem:s13+$0x4070];
	v12 =	vmax.f32 v12, $0.0e+00;
	v11 =	vadd.f32 v14, v11  }
0x83: {  	v13 =	vld [tilespmem:s13+$0x8070];
	[tilespmem:s11+$0x10000] =	vst v12;
	v10 =	vmax.f32 v10, $0.0e+00;
	v5 =	vadd.f32 v9, v5  }
0x84: {  	v12 =	vld [tilespmem:s13+$0x4000];
	[tilespmem:s11+$0x10010] =	vst v10;
	v9 =	vmax.f32 v11, $0.0e+00;
	v4 =	vadd.f32 v8, v4  }
0x85: {  	v10 =	vld [tilespmem:s13+$0xC070];
	[tilespmem:s11+$0x10020] =	vst v9;
	v5 =	vmax.f32 v5, $0.0e+00;
	v3 =	vadd.f32 v7, v3  }
0x86: {  	v8 =	vld [tilespmem:s13+$0x8000];
	[tilespmem:s11+$0x10030] =	vst v5;
	v4 =	vmax.f32 v4, $0.0e+00;
	v1 =	vadd.f32 v6, v1  }
0x87: {  	v5 =	vld [tilespmem:s13+$0x4010];
	[tilespmem:s11+$0x10040] =	vst v4;
	v3 =	vmax.f32 v3, $0.0e+00  }
0x88: {  	v4 =	vld [tilespmem:s13+$0x8010];
	[tilespmem:s11+$0x10050] =	vst v3;
	v1 =	vmax.f32 v1, $0.0e+00  }
0x89: {  	v3 =	vld [tilespmem:s13+$0x4020];
	[tilespmem:s11+$0x10060] =	vst v1  }
0x8a: {  	v1 =	vld [tilespmem:s13+$0x8020]  }
0x8b: {  	v6 =	vld [tilespmem:s13+$0x4030]  }
0x8c: {  	v2 =	vadd.f32 v13, v2;
	v7 =	vld [tilespmem:s13+$0x8030]  }
0x8d: {  	v9 =	vld [tilespmem:s13+$0x4040]  }
0x8e: {  	v2 =	vadd.f32 v10, v2;
	v10 =	vld [tilespmem:s13+$0x4050]  }
0x8f: {  	v11 =	vld [tilespmem:s13+$0x8050]  }
0x90: {  	v13 =	vld [tilespmem:s13+$0x4060]  }
0x91: {  	v14 =	vld [tilespmem:s13+$0x8060]  }
0x92: {  	v15 =	vld [tilespmem:s13+$0xC000]  }
0x93: {  	v16 =	vld [tilespmem:s13+$0xC010]  }
0x94: {  	v17 =	vld [tilespmem:s13+$0xC020];
	v2 =	vmax.f32 v2, $0.0e+00  }
0x95: {  	[tilespmem:s13+$0x10070] =	vst v2;
	v2 =	vld [tilespmem:s13+$0x8040]  }
0x96: {  	v8 =	vadd.f32 v8, v12;
	v12 =	vld [tilespmem:s13+$0xC030]  }
0x97: {  	v4 =	vadd.f32 v4, v5;
	v5 =	vld [tilespmem:s13+$0xC040]  }
0x98: {  	v1 =	vadd.f32 v1, v3;
	v3 =	vadd.f32 v15, v8;
	v8 =	vld [tilespmem:s13+$0xC050]  }
0x99: {  	v6 =	vadd.f32 v7, v6;
	v4 =	vadd.f32 v16, v4;
	v7 =	vld [tilespmem:s13+$0xC060]  }
0x9a: {  	v3 =	vmax.f32 v3, $0.0e+00;
	v1 =	vadd.f32 v17, v1;
	v2 =	vadd.f32 v2, v9  }
0x9b: {  	v9 =	vadd.f32 v11, v10;
	[tilespmem:s13+$0x10000] =	vst v3;
	v3 =	vmax.f32 v4, $0.0e+00;
	v4 =	vadd.f32 v12, v6  }
0x9c: {  	v6 =	vadd.f32 v14, v13;
	[tilespmem:s13+$0x10010] =	vst v3;
	v1 =	vmax.f32 v1, $0.0e+00;
	v2 =	vadd.f32 v5, v2  }
0x9d: {  	[tilespmem:s13+$0x10020] =	vst v1;
	v1 =	vmax.f32 v4, $0.0e+00;
	v3 =	vadd.f32 v8, v9  }
0x9e: {  	[tilespmem:s13+$0x10030] =	vst v1;
	v1 =	vmax.f32 v2, $0.0e+00;
	v2 =	vadd.f32 v7, v6  }
0x9f: {  	s14 =	sshll.u32 s9, $0x8;
	[tilespmem:s13+$0x10040] =	vst v1;
	v1 =	vmax.f32 v3, $0.0e+00  }
0xa0: {  	s11 =	sand.u32 $0x3FFFFF00, s14;
	[tilespmem:s13+$0x10050] =	vst v1;
	v1 =	vmax.f32 v2, $0.0e+00  }
0xa1: {  	s11 =	sadd.s32 $0x2000, s11;
	[tilespmem:s13+$0x10060] =	vst v1  }
0xa2: {  	[spmem:s3] =	stream.indirect.scatter.add.f32 [tilespmem:s28], [sflag:$0x7], $0x80, s11, s18, $0xb8;
	[tilespmem:$0x1C000] =	vst v63  }
0xa3: {  	_ =	swait.ge [sflag:s29], $0x2000  }
0xa4: {  	[sflag:s29] =	ssyncset.done $0x0  }
0xa5: {  	[sflag:s29] =	ssyncadd.s32 $0xFFFFE000  }
0xa6: {  	_ =	swait.ge [sflag:s30], $0x2000  }
0xa7: {  	[sflag:s30] =	ssyncset.done $0x0  }
0xa8: {  	[sflag:s30] =	ssyncadd.s32 $0xFFFFE000  }
0xa9: {  	s10 =	sadd.s32 $0x2, s10;
	_ =	swait.ge [sflag:s31], $0x2000  }
0xaa: {  	s10 =	sand.u32 $0x3E, s10;
	[sflag:s31] =	ssyncset.done $0x0  }
0xab: {  	s14 =	sshll.u32 s10, $0x7;
	[sflag:s31] =	ssyncadd.s32 $0xFFFFE000  }
0xac: {  	[tilespmem:s15], [sflag:$0x1] =	stream.indirect.gather [hbm4b:s0+s18], $0x80, s14, s18, $0xb8;
	[tilespmem:$0x1C000] =	vst v63  }
0xad: {  	s10 =	sshll.u32 s10, $0xA;
	s11 =	sor.u32 $0x2000, s14  }
0xae: {  	[tilespmem:s19], [sflag:$0x3] =	stream.indirect.gather [hbm4b:s5+s18], $0x80, s11, s18, $0xb8;
	[tilespmem:$0x1C000] =	vst v63  }
0xaf: {  	s10 =	sadd.s32 s10, s12  }
0xb0: {  	[tilespmem:s20], [sflag:$0x5] =	stream.linear.gather [hbm4b:s10+s4], $0x2000, $0x38;
	[tilespmem:$0x1C000] =	vst v63  }
0xb1: {  	s10 =	simm.s32 @!p0 $0x8  }
0xb2: {  	_ =	swait.ge @!p0 [sflag:s10], $0x2000  }
0xb3: {  	[sflag:s10] =	ssyncset.done @!p0 $0x0  }
0xb4: {  	[sflag:s10] =	ssyncadd.s32 @!p0 $0xFFFFE000;
	s10 =	simm.s32 $0x0  }
0xb5: {  	v1 =	vld [tilespmem:s10+$0x6070]  }
0xb6: {  	v2 =	vld [tilespmem:s10+$0xA070]  }
0xb7: {  	v3 =	vld [tilespmem:s10+$0x6000]  }
0xb8: {  	v4 =	vld [tilespmem:s10+$0xE070]  }
0xb9: {  	v5 =	vld [tilespmem:s10+$0xA000]  }
0xba: {  	v6 =	vld [tilespmem:s10+$0x6010]  }
0xbb: {  	v7 =	vld [tilespmem:s10+$0xA010]  }
0xbc: {  	v8 =	vld [tilespmem:s10+$0xA020]  }
0xbd: {  	v10 =	vld [tilespmem:s10+$0xA030]  }
0xbe: {  	v11 =	vld [tilespmem:s10+$0x6040]  }
0xbf: {  	v12 =	vld [tilespmem:s10+$0x6050]  }
0xc0: {  	v13 =	vld [tilespmem:s10+$0xA050]  }
0xc1: {  	v14 =	vld [tilespmem:s10+$0x6060];
	v1 =	vadd.f32 v2, v1  }
0xc2: {  	v15 =	vld [tilespmem:s10+$0xA060]  }
0xc3: {  	v62 =	vld [tilespmem:s10+$0xE000];
	v1 =	vadd.f32 v4, v1  }
0xc4: {  	v2 =	vld [tilespmem:s10+$0x6020]  }
0xc5: {  	v4 =	vld [tilespmem:s10+$0x6030];
	v1 =	vmax.f32 v1, $0.0e+00  }
0xc6: {  	[tilespmem:s10+$0x12070] =	vst v1;
	v1 =	vld [tilespmem:s10+$0xA040]  }
0xc7: {  	v63 =	vld [tilespmem:s10+$0xE010]  }
0xc8: {  	v18 =	vld [tilespmem:s10+$0xE020]  }
0xc9: {  	v9 =	vld [tilespmem:s10+$0xE030];
	v3 =	vadd.f32 v5, v3;
	v19 =	vadd.f32 v7, v6  }
0xca: {  	v20 =	vadd.f32 v8, v2;
	v8 =	vld [tilespmem:s10+$0xE040];
	v5 =	vadd.f32 v10, v4  }
0xcb: {  	v7 =	vld [tilespmem:s10+$0xE050];
	v4 =	vadd.f32 v1, v11;
	v11 =	vadd.f32 v62, v3  }
0xcc: {  	s11 =	simm.s32 $0x80;
	v6 =	vld [tilespmem:s10+$0xE060];
	v10 =	vadd.f32 v63, v19;
	v3 =	vadd.f32 v13, v12  }
0xcd: {  	s13 =	simm.s32 $0x400;
	v2 =	vld [tilespmem:s11+$0x6070];
	v1 =	vadd.f32 v15, v14;
	v12 =	vmax.f32 v11, $0.0e+00;
	v11 =	vadd.f32 v18, v20  }
.LBB2_7:
0xce: {  	p0 =	sne.s32 s13, $0x7E00;
	v13 =	vld [tilespmem:s11+$0xA070];
	[tilespmem:s10+$0x12000] =	vst v12;
	v10 =	vmax.f32 v10, $0.0e+00;
	v5 =	vadd.f32 v9, v5  }
0xcf: {  	v9 =	vld [tilespmem:s11+$0x6000];
	[tilespmem:s10+$0x12010] =	vst v10;
	v10 =	vmax.f32 v11, $0.0e+00;
	v4 =	vadd.f32 v8, v4  }
0xd0: {  	v8 =	vld [tilespmem:s11+$0xE070];
	[tilespmem:s10+$0x12020] =	vst v10;
	v5 =	vmax.f32 v5, $0.0e+00;
	v3 =	vadd.f32 v7, v3  }
0xd1: {  	v7 =	vld [tilespmem:s11+$0xA000];
	[tilespmem:s10+$0x12030] =	vst v5;
	v4 =	vmax.f32 v4, $0.0e+00;
	v1 =	vadd.f32 v6, v1  }
0xd2: {  	v5 =	vld [tilespmem:s11+$0x6010];
	[tilespmem:s10+$0x12040] =	vst v4;
	v3 =	vmax.f32 v3, $0.0e+00  }
0xd3: {  	v4 =	vld [tilespmem:s11+$0xA010];
	v2 =	vadd.f32 v13, v2;
	[tilespmem:s10+$0x12050] =	vst v3;
	v1 =	vmax.f32 v1, $0.0e+00  }
0xd4: {  	v3 =	vld [tilespmem:s11+$0x6020];
	[tilespmem:s10+$0x12060] =	vst v1;
	s10 =	smov.u32 s11  }
0xd5: {  	v1 =	vld [tilespmem:s10+$0xA020];
	v2 =	vadd.f32 v8, v2  }
0xd6: {  	v6 =	vadd.f32 v7, v9;
	v7 =	vld [tilespmem:s10+$0x6030]  }
0xd7: {  	v8 =	vld [tilespmem:s10+$0xA030];
	v2 =	vmax.f32 v2, $0.0e+00  }
0xd8: {  	v10 =	vadd.f32 v4, v5;
	v4 =	vld [tilespmem:s10+$0x6040];
	[tilespmem:s10+$0x12070] =	vst v2  }
0xd9: {  	v2 =	vld [tilespmem:s10+$0xA040]  }
0xda: {  	v11 =	vadd.f32 v1, v3;
	v1 =	vld [tilespmem:s10+$0x6050]  }
0xdb: {  	v3 =	vld [tilespmem:s10+$0xA050]  }
0xdc: {  	v5 =	vadd.f32 v8, v7;
	v7 =	vld [tilespmem:s10+$0x6060]  }
0xdd: {  	v12 =	vld [tilespmem:s10+$0xA060]  }
0xde: {  	v13 =	vld [tilespmem:s10+$0xE000];
	v4 =	vadd.f32 v2, v4  }
0xdf: {  	v2 =	vld [tilespmem:s10+$0xE010]  }
0xe0: {  	v14 =	vld [tilespmem:s10+$0xE020];
	v3 =	vadd.f32 v3, v1  }
.Ltmp2:
0xe1: {  	v9 =	vld [tilespmem:s10+$0xE030];
	(pc) =	sbr.rel @p0 .LBB2_7-.Ltmp2, $4  }
0xe2: {  	v8 =	vld [tilespmem:s10+$0xE040];
	v1 =	vadd.f32 v12, v7  }
0xe3: {  	v12 =	vadd.f32 v13, v6;
	v7 =	vld [tilespmem:s10+$0xE050]  }
0xe4: {  	s11 =	sshra.s32 s13, $0x2;
	v10 =	vadd.f32 v2, v10;
	v6 =	vld [tilespmem:s10+$0xE060]  }
0xe5: {  	s13 =	sadd.s32 $0x200, s13;
	v2 =	vld [tilespmem:s11+$0x6070];
	v12 =	vmax.f32 v12, $0.0e+00;
	v11 =	vadd.f32 v14, v11  }
0xe6: {  	v13 =	vld [tilespmem:s11+$0xA070];
	[tilespmem:s10+$0x12000] =	vst v12;
	v10 =	vmax.f32 v10, $0.0e+00;
	v5 =	vadd.f32 v9, v5  }
0xe7: {  	v12 =	vld [tilespmem:s11+$0x6000];
	[tilespmem:s10+$0x12010] =	vst v10;
	v50 =	vmax.f32 v11, $0.0e+00;
	v4 =	vadd.f32 v8, v4  }
0xe8: {  	v10 =	vld [tilespmem:s11+$0xE070];
	[tilespmem:s10+$0x12020] =	vst v50;
	v5 =	vmax.f32 v5, $0.0e+00;
	v3 =	vadd.f32 v7, v3  }
0xe9: {  	v51 =	vld [tilespmem:s11+$0xA000];
	[tilespmem:s10+$0x12030] =	vst v5;
	v4 =	vmax.f32 v4, $0.0e+00;
	v1 =	vadd.f32 v6, v1  }
0xea: {  	v5 =	vld [tilespmem:s11+$0x6010];
	[tilespmem:s10+$0x12040] =	vst v4;
	v3 =	vmax.f32 v3, $0.0e+00  }
0xeb: {  	v4 =	vld [tilespmem:s11+$0xA010];
	[tilespmem:s10+$0x12050] =	vst v3;
	v1 =	vmax.f32 v1, $0.0e+00  }
0xec: {  	v3 =	vld [tilespmem:s11+$0x6020];
	[tilespmem:s10+$0x12060] =	vst v1  }
0xed: {  	v1 =	vld [tilespmem:s11+$0xA020]  }
0xee: {  	v52 =	vld [tilespmem:s11+$0x6030]  }
0xef: {  	v53 =	vld [tilespmem:s11+$0xA030]  }
0xf0: {  	v9 =	vld [tilespmem:s11+$0x6040]  }
0xf1: {  	v54 =	vld [tilespmem:s11+$0x6050]  }
0xf2: {  	v55 =	vld [tilespmem:s11+$0xA050]  }
0xf3: {  	v2 =	vadd.f32 v13, v2;
	v56 =	vld [tilespmem:s11+$0x6060]  }
0xf4: {  	v14 =	vld [tilespmem:s11+$0xA060]  }
0xf5: {  	v2 =	vadd.f32 v10, v2;
	v15 =	vld [tilespmem:s11+$0xE000]  }
0xf6: {  	v16 =	vld [tilespmem:s11+$0xE010]  }
0xf7: {  	v17 =	vld [tilespmem:s11+$0xE020];
	v2 =	vmax.f32 v2, $0.0e+00  }
0xf8: {  	[tilespmem:s11+$0x12070] =	vst v2;
	v2 =	vld [tilespmem:s11+$0xA040]  }
0xf9: {  	v57 =	vld [tilespmem:s11+$0xE030];
	v8 =	vadd.f32 v51, v12  }
0xfa: {  	v58 =	vld [tilespmem:s11+$0xE040];
	v4 =	vadd.f32 v4, v5  }
0xfb: {  	v59 =	vld [tilespmem:s11+$0xE050];
	v1 =	vadd.f32 v1, v3;
	v3 =	vadd.f32 v15, v8  }
0xfc: {  	v60 =	vld [tilespmem:s11+$0xE060];
	v6 =	vadd.f32 v53, v52;
	v4 =	vadd.f32 v16, v4  }
0xfd: {  	v1 =	vadd.f32 v17, v1;
	v3 =	vmax.f32 v3, $0.0e+00;
	v2 =	vadd.f32 v2, v9  }
0xfe: {  	v61 =	vadd.f32 v55, v54;
	v62 =	vadd.f32 v57, v6;
	[tilespmem:s11+$0x12000] =	vst v3;
	v3 =	vmax.f32 v4, $0.0e+00  }
0xff: {  	s9 =	sadd.s32 $0x1, s9;
	v63 =	vadd.f32 v14, v56;
	[tilespmem:s11+$0x12010] =	vst v3;
	v1 =	vmax.f32 v1, $0.0e+00;
	v2 =	vadd.f32 v58, v2  }
0x100: {  	p0 =	sne.s32 s9, $0x20;
	v3 =	vadd.f32 v59, v61;
	[tilespmem:s11+$0x12020] =	vst v1;
	v1 =	vmax.f32 v62, $0.0e+00  }
.Ltmp3:
0x101: {  	[tilespmem:s11+$0x12030] =	vst v1;
	v1 =	vmax.f32 v2, $0.0e+00;
	v2 =	vadd.f32 v60, v63;
	(pc) =	sbr.rel @p0 .LBB2_4-.Ltmp3, $4  }
0x102: {  	[tilespmem:s11+$0x12040] =	vst v1;
	v1 =	vmax.f32 v3, $0.0e+00  }
0x103: {  	s17 =	sand.u32 $0x3FFFFF80, s17;
	[tilespmem:s11+$0x12050] =	vst v1;
	v1 =	vmax.f32 v2, $0.0e+00  }
0x104: {  	s10 =	sadd.s32 $0x2000, s17;
	[tilespmem:s11+$0x12060] =	vst v1  }
0x105: {  	[spmem:s3] =	stream.indirect.scatter.add.f32 [tilespmem:s1], [sflag:$0x8], $0x80, s10, s18, $0xb8;
	[tilespmem:$0x1C000] =	vst v63  }
0x106: {  	_ =	swait.ge [sflag:s21], $0x2000  }
0x107: {  	[sflag:s21] =	ssyncset.done $0x0  }
0x108: {  	[sflag:s21] =	ssyncadd.s32 $0xFFFFE000  }
0x109: {  	_ =	swait.ge [sflag:s22], $0x2000  }
0x10a: {  	[sflag:s22] =	ssyncset.done $0x0  }
0x10b: {  	[sflag:s22] =	ssyncadd.s32 $0xFFFFE000  }
0x10c: {  	_ =	swait.ge [sflag:s23], $0x2000  }
0x10d: {  	[sflag:s23] =	ssyncset.done $0x0  }
0x10e: {  	[sflag:s23] =	ssyncadd.s32 $0xFFFFE000  }
0x10f: {  	_ =	swait.ge [sflag:s2], $0x2000  }
0x110: {  	[sflag:s2] =	ssyncset.done $0x0  }
0x111: {  	[sflag:s2] =	ssyncadd.s32 $0xFFFFE000  }
0x112: {  	_ =	swait.ge [sflag:s7], $0x2000  }
0x113: {  	[sflag:s7] =	ssyncset.done $0x0  }
0x114: {  	s9 =	stileid.u32;
	[sflag:s7] =	ssyncadd.s32 $0xFFFFE000  }
0x115: {  	s9 =	sshll.u32 s9, $0x6;
	[bflag:$0x0] =	sbarrier.arrive $0xFFFF  }
0x116: {  	s10 =	sshrl.u32 s6, $0x3;
	s9 =	sor.u32 $0x1C09, s9;
	s11 =	rddreg [dreg:$0xa]  }
0x117: {  	[hbm:s11], [sflag:s9] =	dma.local [spmem:s10], $0x1000  }
0x118: {  	_ =	swait.ge [sflag:s16], $0x1000  }
0x119: {  	s8 =	sadd.s32 $0x1, s8;
	s17 =	rddreg [dreg:$0xb]  }
0x11a: {  	p0 =	sne.s32 s8, s17  }
.Ltmp4:
0x11b: {  	_ = 	snop;
	(pc) =	sbr.rel @p0 .LBB2_1-.Ltmp4, $3  }
0x11c: {  	_ =	sdelay $0x1  }
0x11d: {  	[sflag:s16] =	ssyncset.done $0x0  }
0x11e: {  	[sflag:s16] =	ssyncadd.s32 $0xFFFFF000  }
0x11f: {  	_ =	sfence.sel $0x180000  }
0x120: {  	[bflag:$0x0] =	sbarrier.arrive $0xFFFF  }
0x121: {  	_ =	strace $0x90000050  }
0x122: {  	s0 =	stileid.u32;
	[bflag:$0x2] =	sbarrier.arrive $0xFFFF  }
0x123: {  	p0 =	sne.s32 s0, $0x0;
	s0 =	rddreg [dreg:$0x4]  }
0x124: {  	s0 =	sadd.s32 @!p0 $0x100000, s0  }
0x125: {  	[sflag:s0] =	ssyncadd.tile.s32 @!p0 $0x1;
	_ =	shalt  }
.Lfunc_end2:
_tile_overlayer_lowered:
.L_overlay_start_2:
0x126: {  	(tag) =	ssettag $0x2  }
0x127: {  	s0 =	rddreg [dreg:$0x0];
	s2 =	stileid.u32  }
0x128: {  	s1 =	rddreg [dreg:$0x1];
	p0 =	sne.s32 s2, $0x0  }
0x129: {  	s3 =	rddreg [dreg:$0x2];
	[bflag:$0x3] =	sbarrier.arrive $0xFFFF;
	s2 =	simm.s32 @!p0 $0x1C09  }
0x12a: {  	[timem:s3], [sflag:s2] =	dma.local @!p0 [hbm:s0], s1  }
0x12b: {  	s0 =	simm.s32 @!p0 $0x9  }
0x12c: {  	_ =	swait.ge @!p0 [sflag:s0], s1  }
0x12d: {  	s1 =	ssub.s32 @!p0 $0x0, s1;
	[sflag:s0] =	ssyncset.done @!p0 $0x0  }
0x12e: {  	[sflag:s0] =	ssyncadd.s32 @!p0 s1  }
0x12f: {  	[bflag:$0x3] =	sbarrier.arrive $0xFFFF  }
0x130: {  	_ =	shalt  }

// kernel: kernel.25.cloned.1.call-start
scs
__scs_entry_jumppad:
0x0: {  	(pc) =	sbr.rel $0x88, $3  }
0x1: {  	(tag) =	ssettag $0x0;
	lr =	simm.s32 $0x1  }
0x2: {  	[smem:$0x3F80] =	sst lr;
	_ =	strace $0xD0000000  }
0x3: {  	_ = 	snop  }
0x4: {  	_ = 	snop  }
0x5: {  	_ = 	snop  }
0x6: {  	_ = 	snop  }
0x7: {  	_ = 	snop  }
__scs_overlays_trampoline_lowered:
0x8: {  	[smem:$0x3F8F] =	sst s0  }
0x9: {  	[smem:$0x3F90] =	sst s1  }
0xa: {  	[smem:$0x3F91] =	sst s2  }
0xb: {  	[smem:$0x3F92] =	sst s3  }
0xc: {  	[smem:$0x3F93] =	sst s4  }
0xd: {  	[smem:$0x3F94] =	sst s5  }
0xe: {  	[smem:$0x3F95] =	sst s6  }
0xf: {  	[smem:$0x3F96] =	sst s7  }
0x10: {  	[smem:$0x3F97] =	sst s8  }
0x11: {  	[smem:$0x3F98] =	sst s9;
	s0 =	simm.s32 @!p0 $0x0  }
0x12: {  	s1 =	sld [smem:$0x3F7E];
	s0 =	simm.s32 @p0 $0x1  }
0x13: {  	[smem:$0x3F99] =	sst s0;
	s0 =	simm.s32 @!p1 $0x0  }
0x14: {  	s2 =	sld [smem:$0x3F7D];
	s0 =	simm.s32 @p1 $0x1  }
0x15: {  	[smem:$0x3F9A] =	sst s0;
	s0 =	simm.s32 @!p2 $0x0  }
0x16: {  	s3 =	sld [smem:$0x3FDB];
	s0 =	simm.s32 @p2 $0x1  }
0x17: {  	s4 =	simm.s32 $0x1BF5;
	[smem:$0x3F9C] =	sst s0  }
0x18: {  	s0 =	sld [smem:$0x3F7F];
	_ =	swait.ge [sflag:s4], $0x0  }
0x19: {  	s7 =	sld [smem:$0x3F80]  }
0x1a: {  	s8 =	sadd.s32 $0xFFFFE003, lr  }
0x1b: {  	s9 =	sadd.s32 $0xFFFFFEF7, lr;
	s5 =	simm.s32 $0xFFFFFFFF;
	p2 =	slt.u32 s8, $0xFFFFF086  }
0x1c: {  	p1 =	slt.u32 s9, $0xF7A;
	s5 =	simm.s32 @!p2 $0x0  }
0x1d: {  	s5 =	simm.s32 @p1 $0x1;
	p0 =	seq.s32 s7, s2  }
0x1e: {  	s7 =	smul.u32 @!p0 $0xF7A, s2;
	p2 =	seq.s32 @!p0 s5, $0x0  }
0x1f: {  	s9 =	smul.u32 $0xF7A, s1;
	s8 =	simm.s32 @!p0 $0x1BF5;
	p2 =	por !p2, p0  }
0x20: {  	[sflag:s8] =	ssyncset.s32 @!p0 $0xFFFFF086;
	s6 =	sadd.s32 @!p0 s3, s7;
	s7 =	simm.s32 @!p0 $0x108  }
0x21: {  	s3 =	sadd.s32 s3, s9;
	s6 =	sadd.s32 @!p0 $0x88, s6;
	s7 =	simm.s32 @p2 $0x1082  }
0x22: {  	[simem:s7], [sflag:s8] =	dma.local @!p0 [hbm:s6], $0xF7A  }
0x23: {  	s9 =	sor.u32 $0xD0000000, s2;
	s6 =	simm.s32 $0x108;
	_ =	swait.ge @!p0 [sflag:s8], $0x0  }
0x24: {  	s3 =	sadd.s32 $0x88, s3;
	s6 =	simm.s32 @!p1 $0x1082;
	[sflag:s4] =	ssyncset.s32 $0xFFFFF086  }
0x25: {  	[simem:s6], [sflag:s4] =	dma.local [hbm:s3], $0xF7A  }
0x26: {  	[smem:$0x3F80] =	sst s1;
	(tag) =	ssettag s2;
	_ =	strace s9  }
0x27: {  	s1 =	sld [smem:$0x3F90]  }
0x28: {  	s2 =	sld [smem:$0x3F91]  }
0x29: {  	s4 =	sld [smem:$0x3F93]  }
0x2a: {  	p0 =	seq.s32 s5, $0x0;
	s5 =	sld [smem:$0x3F94]  }
0x2b: {  	s6 =	sld [smem:$0x3F95]  }
0x2c: {  	s7 =	sld [smem:$0x3F96]  }
0x2d: {  	s3 =	simm.s32 $0x108;
	s8 =	sld [smem:$0x3F97]  }
0x2e: {  	s3 =	simm.s32 @!p0 $0x1082;
	s9 =	sld [smem:$0x3F98]  }
0x2f: {  	lr =	sadd.s32 s0, s3;
	s0 =	sld [smem:$0x3F8F]  }
0x30: {  	s3 =	sld [smem:$0x3F92]  }
0x31: {  	[smem:$0x3F9B] =	sst s10  }
0x32: {  	s10 =	sld [smem:$0x3F99];
	_ =	sdelay $0x3  }
0x33: {  	p0 =	seq.s32 s10, $0x1;
	s10 =	sld [smem:$0x3F9B];
	_ =	sdelay $0x3  }
0x34: {  	[smem:$0x3F9B] =	sst s10  }
0x35: {  	s10 =	sld [smem:$0x3F9A];
	_ =	sdelay $0x3  }
0x36: {  	p1 =	seq.s32 s10, $0x1;
	s10 =	sld [smem:$0x3F9B];
	_ =	sdelay $0x3  }
0x37: {  	[smem:$0x3F9B] =	sst s10  }
0x38: {  	s10 =	sld [smem:$0x3F9C]  }
0x39: {  	_ = 	snop;
	(pc) =	sbr.ind lr, $3  }
0x3a: {  	_ = 	snop  }
0x3b: {  	_ = 	snop  }
0x3c: {  	p2 =	seq.s32 s10, $0x1;
	s10 =	sld [smem:$0x3F9B]  }
0x3d: {  	_ =	shalt  }
0x3e: {  	_ =	shalt  }
0x3f: {  	_ =	shalt  }
0x40: {  	_ =	shalt  }
0x41: {  	_ =	shalt  }
0x42: {  	_ =	shalt  }
0x43: {  	_ =	shalt  }
0x44: {  	_ =	shalt  }
0x45: {  	_ =	shalt  }
0x46: {  	_ =	shalt  }
0x47: {  	_ =	shalt  }
0x48: {  	_ =	shalt  }
0x49: {  	_ =	shalt  }
0x4a: {  	_ =	shalt  }
0x4b: {  	_ =	shalt  }
0x4c: {  	_ =	shalt  }
0x4d: {  	_ =	shalt  }
0x4e: {  	_ =	shalt  }
0x4f: {  	_ =	shalt  }
0x50: {  	_ =	shalt  }
0x51: {  	_ =	shalt  }
0x52: {  	_ =	shalt  }
0x53: {  	_ =	shalt  }
0x54: {  	_ =	shalt  }
0x55: {  	_ =	shalt  }
0x56: {  	_ =	shalt  }
0x57: {  	_ =	shalt  }
0x58: {  	_ =	shalt  }
0x59: {  	_ =	shalt  }
0x5a: {  	_ =	shalt  }
0x5b: {  	_ =	shalt  }
0x5c: {  	_ =	shalt  }
0x5d: {  	_ =	shalt  }
0x5e: {  	_ =	shalt  }
0x5f: {  	_ =	shalt  }
0x60: {  	_ =	shalt  }
0x61: {  	_ =	shalt  }
0x62: {  	_ =	shalt  }
0x63: {  	_ =	shalt  }
0x64: {  	_ =	shalt  }
0x65: {  	_ =	shalt  }
0x66: {  	_ =	shalt  }
0x67: {  	_ =	shalt  }
0x68: {  	_ =	shalt  }
0x69: {  	_ =	shalt  }
0x6a: {  	_ =	shalt  }
0x6b: {  	_ =	shalt  }
0x6c: {  	_ =	shalt  }
0x6d: {  	_ =	shalt  }
0x6e: {  	_ =	shalt  }
0x6f: {  	_ =	shalt  }
0x70: {  	_ =	shalt  }
0x71: {  	_ =	shalt  }
0x72: {  	_ =	shalt  }
0x73: {  	_ =	shalt  }
0x74: {  	_ =	shalt  }
0x75: {  	_ =	shalt  }
0x76: {  	_ =	shalt  }
0x77: {  	_ =	shalt  }
0x78: {  	_ =	shalt  }
0x79: {  	_ =	shalt  }
0x7a: {  	_ =	shalt  }
0x7b: {  	_ =	shalt  }
0x7c: {  	_ =	shalt  }
0x7d: {  	_ =	shalt  }
0x7e: {  	_ =	shalt  }
0x7f: {  	_ =	shalt  }
0x80: {  	_ =	shalt  }
0x81: {  	_ =	shalt  }
0x82: {  	_ =	shalt  }
0x83: {  	_ =	shalt  }
0x84: {  	_ =	shalt  }
0x85: {  	_ =	shalt  }
0x86: {  	_ =	shalt  }
0x87: {  	_ =	shalt  }
.Lfunc_end0:
.L_simem_size_0:
called_computation.4_lowered:
.L_overlay_start_0:
0x88: {  	s2 =	sld [smem:$0x3FD9]  }
0x89: {  	s3 =	sld [smem:$0x3FFE];
	_ =	sdelay $0x1  }
0x8a: {  	s1 =	srdreg.scid  }
0x8b: {  	s0 =	sand.u32 $0x1, s1  }
0x8c: {  	s14 =	sshll.u32 s0, $0xA;
	s2 =	sadd.s32 s3, s2  }
0x8d: {  	s2 =	sadd.s32 s2, s14  }
0x8e: {  	[smem:$0x3FA7] =	sst s2  }
0x8f: {  	_ = 	snop  }
0x90: {  	s2 =	sld [smem:$0x3FD0];
	_ =	sdelay $0x2  }
0x91: {  	s15 =	simm.s32 $0xB;
	s4 =	simm.s32 $0x10  }
0x92: {  	[smem:s4], [sflag:s15] =	dma.local [hbm:s2], $0x1  }
0x93: {  	_ =	swait.eq [sflag:s15], $0x1  }
0x94: {  	[sflag:s15] =	ssyncset.done $0x0  }
0x95: {  	[sflag:s15] =	ssyncadd.s32 $0xFFFFFFFF  }
0x96: {  	s16 =	sld [smem:$0x13];
	(tm) =	ssettm $0x1  }
0x97: {  	s17 =	sld [smem:$0x3FFB];
	_ =	sdelay $0x3  }
0x98: {  	_ =	strace s17  }
0x99: {  	s3 =	sld [smem:$0x3FFC];
	_ =	sdelay $0x3  }
0x9a: {  	_ =	strace s3  }
0x9b: {  	s3 =	sld [smem:$0x3FFD];
	_ =	sdelay $0x3  }
0x9c: {  	_ =	strace s3  }
0x9d: {  	_ =	strace $0x8FFFFFFF  }
0x9e: {  	s18 =	sld [smem:$0x3FDB];
	_ =	sdelay $0x1  }
0x9f: {  	s19 =	simm.s32 $_scs_section_size  }
0xa0: {  	s5 =	simm.s32 $_size__tile_overlayer_lowered;
	s6 =	simm.s32 $_tile_overlayer_lowered  }
0xa1: {  	s22 =	simm.s32 $0x1BFF;
	s21 =	sshll.u32 s6, $0x1;
	s3 =	sadd.s32 s19, s18  }
0xa2: {  	s7 =	simm.s32 $0x0;
	s20 =	sshll.u32 s5, $0x1;
	s5 =	sadd.s32 s21, s3  }
0xa3: {  	[timem:s7], [sflag:s22] =	dma.local [hbm:s5], s20  }
0xa4: {  	_ =	swait.ge [sflag:s22], s20  }
0xa5: {  	s4 =	ssub.s32 $0x0, s20;
	[sflag:s22] =	ssyncset.done $0x0  }
0xa6: {  	[sflag:s22] =	ssyncadd.s32 s4;
	_ =	sdelay $0x1  }
0xa7: {  	s23 =	simm.s32 $0x1B8B  }
0xa8: {  	_ =	swait.ge [sflag:s23], $0x1  }
0xa9: {  	[sflag:s23] =	ssyncset.done $0x0  }
0xaa: {  	s25 =	simm.s32 $0x1B8E;
	s24 =	sld [smem:$0x3FFE];
	[sflag:s23] =	ssyncadd.s32 $0xFFFFFFFF  }
0xab: {  	s26 =	simm.s32 $execute0_lowered;
	[smem:$0x3FD2] =	sst s25  }
0xac: {  	s5 =	sshll.u32 s26, $0x1;
	_ =	strace $0x80000052;
	[dreg:$0x1] =	wrdreg $0xFFFFFFFF  }
0xad: {  	s28 =	simm.s32 $_size_execute0_lowered;
	s3 =	sadd.s32 s3, s5;
	[dreg:$0x0] =	wrdreg $0x0  }
0xae: {  	s5 =	sshll.u32 s28, $0x1;
	[dreg:$0x2] =	wrdreg s3  }
0xaf: {  	[dreg:$0x3] =	wrdreg s5  }
0xb0: {  	[dreg:$0x4] =	wrdreg $0xC0  }
0xb1: {  	_ =	task [dreg:s7], $0x5FFFF  }
0xb2: {  	[dreg:$0x1] =	wrdreg $0xFFFFFFFF  }
0xb3: {  	[dreg:$0x0] =	wrdreg $0x60  }
0xb4: {  	[dreg:$0x2] =	wrdreg s24  }
0xb5: {  	[dreg:$0x3] =	wrdreg s16  }
0xb6: {  	[dreg:$0x4] =	wrdreg $0x9  }
0xb7: {  	_ =	task.clear_ibuf [dreg:s7], $0x5FFFF;
	_ =	strace $0x90000052  }
0xb8: {  	s29 =	simm.s32 $0x9;
	_ =	strace $0x80000054  }
0xb9: {  	_ =	swait.ge [sflag:s29], $0x1  }
0xba: {  	[sflag:s29] =	ssyncadd.s32 $0xFFFFFFFF  }
0xbb: {  	_ =	strace $0x90000054  }
0xbc: {  	_ =	sfence  }
0xbd: {  	s30 =	sld [smem:$0x0];
	_ =	sdelay $0x2  }
0xbe: {  	s31 =	sshll.u32 s1, $0xD;
	s1 =	sshrl.u32 s1, $0x2  }
0xbf: {  	s3 =	sand.u32 $0x4000, s31;
	s1 =	sadd.s32 s1, s30  }
0xc0: {  	s0 =	sor.u32 s3, s0;
	s1 =	sshll.u32 s1, $0x11  }
0xc1: {  	s0 =	sor.u32 s1, s0  }
0xc2: {  	s0 =	sadd.s32 $0x8F2B, s0  }
0xc3: {  	[sflag:s0] =	ssyncadd.remote.s32 $0x1  }
0xc4: {  	_ =	sfence.sel $0xFFFF  }
0xc5: {  	[dreg:$0x0] =	wrdreg $0xFFFFFFFF;
	(pc) =	sbr.abs _section_cstart, $3  }
0xc6: {  	[dreg:$0x1] =	wrdreg $0xFFFFFFFF  }
0xc7: {  	_ =	task.clear_ibuf [dreg:s7], $0x2FFFF;
	_ =	strace $0x9FFFFFFF  }
0xc8: {  	(tm) =	ssettm $0x7FFFFFFF  }
0xc9: {  	_ =	shalt  }
tec
execute0_lowered:
.L_overlay_start_1:
0x0: {  	(tag) =	ssettag $0x1  }
0x1: {  	s4 =	rddreg [dreg:$0x0]  }
0x2: {  	s7 =	rddreg [dreg:$0x1]  }
0x3: {  	s0 =	rddreg [dreg:$0x2];
	s3 =	srdreg.scid  }
0x4: {  	s2 =	simm.s32 $0x0;
	s1 =	stileid.u32;
	s10 =	simm.s32 $0x1000  }
0x5: {  	s11 =	simm.s32 $0x2000;
	s12 =	simm.s32 $0x3000;
	s13 =	simm.s32 $0x4000  }
0x6: {  	s14 =	simm.s32 $0x0;
	s3 =	sand.u32 $0x1, s3;
	[smem:$0x7FF] =	sst s2  }
0x7: {  	s6 =	sshll.u32 s1, $0x9;
	s5 =	sshll.u32 s3, $0xD;
	_ =	strace $0x80000053  }
0x8: {  	s31 =	ssub.s32 $0x2, s3;
	s3 =	sadd.s32 $0xEA00, s4;
	s8 =	sor.u32 s6, s5  }
0x9: {  	s9 =	sshrl.u32 s31, $0x1;
	s6 =	sadd.s32 s8, s4;
	s4 =	sadd.s32 $0xE800, s4  }
0xa: {  	s9 =	ssub.s32 s31, s9;
	s7 =	sadd.s32 s7, s8;
	s5 =	sadd.s32 $0x6800, s6  }
0xb: {  	s6 =	sadd.s32 $0xA800, s6;
	s8 =	smax.u32 s9, $0x1;
	s9 =	simm.s32 $0x1  }
.LBB2_1:
0xc: {  	[tilespmem:s2], [sflag:$0x1] =	stream.linear.gather [hbm4b:s3+s2], $0x1000, $0x38;
	[tilespmem:$0x5000] =	vst v63  }
0xd: {  	_ =	swait.ge [sflag:s9], $0x1000  }
0xe: {  	[sflag:s9] =	ssyncset.done $0x0  }
0xf: {  	[sflag:s9] =	ssyncadd.s32 $0xFFFFF000  }
0x10: {  	[tilespmem:s10], [sflag:$0x1] =	stream.linear.gather [hbm4b:s4+s2], $0x1000, $0x38;
	[tilespmem:$0x5000] =	vst v63  }
0x11: {  	_ =	swait.ge [sflag:s9], $0x1000  }
0x12: {  	[sflag:s9] =	ssyncset.done $0x0  }
0x13: {  	[sflag:s9] =	ssyncadd.s32 $0xFFFFF000  }
0x14: {  	[tilespmem:s11], [sflag:$0x1] =	stream.linear.gather [hbm4b:s5+s2], $0x1000, $0x38;
	[tilespmem:$0x5000] =	vst v63  }
0x15: {  	_ =	swait.ge [sflag:s9], $0x1000  }
0x16: {  	[sflag:s9] =	ssyncset.done $0x0  }
0x17: {  	[sflag:s9] =	ssyncadd.s32 $0xFFFFF000  }
0x18: {  	[tilespmem:s12], [sflag:$0x1] =	stream.linear.gather [hbm4b:s6+s2], $0x1000, $0x38;
	[tilespmem:$0x5000] =	vst v63  }
0x19: {  	_ =	swait.ge [sflag:s9], $0x1000  }
0x1a: {  	[sflag:s9] =	ssyncset.done $0x0  }
0x1b: {  	s15 =	simm.s32 $0x0;
	[sflag:s9] =	ssyncadd.s32 $0xFFFFF000  }
0x1c: {  	v0 =	vld [tilespmem:s15+$0x3000]  }
0x1d: {  	v1 =	vld [tilespmem:s15+$0x2000];
	_ =	sdelay $0x6  }
0x1e: {  	v0 =	vld.idx.msk [tilespmem:v0+s10+$0x0], $0xffff  }
0x1f: {  	v1 =	vld.idx.msk [tilespmem:v1+s2+$0x0], $0xffff;
	_ =	sdelay $0x4  }
0x20: {  	v0 =	vadd.f32 v0, v1;
	_ =	sdelay $0x1  }
0x21: {  	v0 =	vsub.f32 $0.0e+00, v0;
	_ =	sdelay $0x1  }
0x22: {  	v0 =	vmul.f32 $1.442695020e+00, v0;
	_ =	sdelay $0x1  }
0x23: {  	(erf) = vpow2.f32 v0;
	_ =	sdelay $0x8  }
0x24: {  	v0 =	vpop (erf)  }
0x25: {  	v0 =	vadd.f32 $1.000000000e+00, v0;
	_ =	sdelay $0x1  }
0x26: {  	(erf) = vrcp.f32 v0;
	_ =	sdelay $0x1  }
0x27: {  	s17 =	simm.s32 $0x10  }
0x28: {  	s16 =	simm.s32 $0x80;
	v0 =	vld [tilespmem:s17+$0x3000]  }
.LBB2_2:
0x29: {  	p0 =	sne.s32 s16, $0x3FC0;
	v1 =	vld [tilespmem:s17+$0x2000];
	_ =	sdelay $0x4  }
0x2a: {  	v2 =	vpop (erf)  }
0x2b: {  	[tilespmem:s15+$0x4000] =	vst v2;
	s15 =	smov.u32 s17  }
0x2c: {  	v0 =	vld.idx.msk [tilespmem:v0+s10+$0x0], $0xffff  }
0x2d: {  	v1 =	vld.idx.msk [tilespmem:v1+s2+$0x0], $0xffff;
	_ =	sdelay $0x5  }
0x2e: {  	v0 =	vadd.f32 v0, v1;
	_ =	sdelay $0x1  }
0x2f: {  	v0 =	vsub.f32 $0.0e+00, v0;
	_ =	sdelay $0x1  }
0x30: {  	v0 =	vmul.f32 $1.442695020e+00, v0;
	_ =	sdelay $0x1  }
0x31: {  	(erf) = vpow2.f32 v0;
	_ =	sdelay $0x8  }
0x32: {  	v0 =	vpop (erf)  }
0x33: {  	v0 =	vadd.f32 $1.000000000e+00, v0  }
.Ltmp0:
0x34: {  	(pc) =	sbr.rel @p0 .LBB2_2-.Ltmp0, $3  }
0x35: {  	(erf) = vrcp.f32 v0;
	_ =	sdelay $0x1  }
0x36: {  	s17 =	sshra.s32 s16, $0x2  }
0x37: {  	s16 =	sadd.s32 $0x40, s16;
	v0 =	vld [tilespmem:s17+$0x3000]  }
0x38: {  	_ = 	snop  }
0x39: {  	v1 =	vld [tilespmem:s17+$0x2000];
	_ =	sdelay $0x4  }
0x3a: {  	v2 =	vpop (erf)  }
0x3b: {  	[tilespmem:s15+$0x4000] =	vst v2  }
0x3c: {  	v0 =	vld.idx.msk [tilespmem:v0+s10+$0x0], $0xffff  }
0x3d: {  	v1 =	vld.idx.msk [tilespmem:v1+s2+$0x0], $0xffff;
	_ =	sdelay $0x4  }
0x3e: {  	v0 =	vadd.f32 v0, v1;
	_ =	sdelay $0x1  }
0x3f: {  	v0 =	vsub.f32 $0.0e+00, v0;
	_ =	sdelay $0x1  }
0x40: {  	v0 =	vmul.f32 $1.442695020e+00, v0;
	_ =	sdelay $0x1  }
0x41: {  	(erf) = vpow2.f32 v0;
	_ =	sdelay $0x8  }
0x42: {  	v0 =	vpop (erf)  }
0x43: {  	v0 =	vadd.f32 $1.000000000e+00, v0;
	_ =	sdelay $0x1  }
0x44: {  	(erf) = vrcp.f32 v0;
	_ =	sdelay $0x7  }
0x45: {  	s14 =	sadd.s32 $0x1, s14  }
0x46: {  	p0 =	sne.s32 s14, s8;
	v0 =	vpop (erf)  }
.Ltmp1:
0x47: {  	[tilespmem:s17+$0x4000] =	vst v0;
	(pc) =	sbr.rel @p0 .LBB2_1-.Ltmp1, $4  }
0x48: {  	[hbm4b:s7+s2] =	stream.linear.scatter [tilespmem:s13], [sflag:$0x1], $0x1000, $0x38;
	[tilespmem:$0x5000] =	vst v63  }
0x49: {  	_ =	swait.ge [sflag:s9], $0x1000  }
0x4a: {  	[sflag:s9] =	ssyncset.done $0x0  }
0x4b: {  	[sflag:s9] =	ssyncadd.s32 $0xFFFFF000  }
0x4c: {  	_ =	sfence.sel $0x180000  }
0x4d: {  	[bflag:$0x0] =	sbarrier.arrive $0xFFFF  }
0x4e: {  	p0 =	sne.s32 s1, $0x0;
	_ =	strace $0x90000053  }
0x4f: {  	s0 =	sadd.s32 @!p0 $0x100000, s0;
	[bflag:$0x2] =	sbarrier.arrive $0xFFFF  }
0x50: {  	[sflag:s0] =	ssyncadd.tile.s32 @!p0 $0x1;
	_ =	shalt  }
.Lfunc_end2:
_tile_overlayer_lowered:
.L_overlay_start_2:
0x51: {  	(tag) =	ssettag $0x2  }
0x52: {  	s0 =	rddreg [dreg:$0x0];
	s2 =	stileid.u32  }
0x53: {  	s1 =	rddreg [dreg:$0x1];
	p0 =	sne.s32 s2, $0x0  }
0x54: {  	s3 =	rddreg [dreg:$0x2];
	[bflag:$0x3] =	sbarrier.arrive $0xFFFF;
	s2 =	simm.s32 @!p0 $0x1C01  }
0x55: {  	[timem:s3], [sflag:s2] =	dma.local @!p0 [hbm:s0], s1  }
0x56: {  	s0 =	simm.s32 @!p0 $0x1  }
0x57: {  	_ =	swait.ge @!p0 [sflag:s0], s1  }
0x58: {  	s1 =	ssub.s32 @!p0 $0x0, s1;
	[sflag:s0] =	ssyncset.done @!p0 $0x0  }
0x59: {  	[sflag:s0] =	ssyncadd.s32 @!p0 s1  }
0x5a: {  	[bflag:$0x3] =	sbarrier.arrive $0xFFFF  }
0x5b: {  	_ =	shalt  }

</sc_bundles>
